<compile_context>
chip_gen: v7x
topology: tpu7x:2x2x1
jax: 0.10.2.dev20260603
libtpu: 0.0.44.dev20260713+nightly
codegen_flags: <defaults>
</compile_context>

<pallas_src>
import jax
import jax.numpy as jnp
from jax import lax
from jax.experimental import pallas as pl
from jax.experimental.pallas import tpu as pltpu
from jax.experimental.pallas import tpu_sc as plsc

VOCAB = 1000000
NC, NS = 2, 16
NW = NC * NS
BATCH, SEQ, EMBED = 4096, 200, 64
BPW = BATCH // NW
C0, C1 = 104, 96
L = 16


def _sc_body(idx_hbm, par_hbm, table_hbm, wb_hbm, out_hbm,
             idx_v, par_v, rows00, rows01, rows10, rows11, wb_v, out_v,
             sem00, sem01, sem10, sem11):
    wid = lax.axis_index("s") * NC + lax.axis_index("c")
    base = pl.multiple_of(wid * (BPW * SEQ), 8)
    pltpu.sync_copy(idx_hbm.at[pl.ds(base, BPW * SEQ)], idx_v)
    pltpu.sync_copy(par_hbm.at[pl.ds(base, BPW * SEQ)], par_v)
    pltpu.sync_copy(wb_hbm, wb_v)
    w0 = wb_v[pl.ds(0, L)]
    w1 = wb_v[pl.ds(L, L)]
    w2 = wb_v[pl.ds(2 * L, L)]
    w3 = wb_v[pl.ds(3 * L, L)]
    bias = wb_v[pl.ds(4 * L, L)][0]
    lane = lax.iota(jnp.int32, L)
    lane0 = lane == 0
    ninf = jnp.full((L,), -jnp.inf, jnp.float32)

    bufs = ((rows00, rows01, sem00, sem01),
            (rows10, rows11, sem10, sem11))

    def idx_slice(b, off, n):
        return idx_v.at[pl.ds(pl.multiple_of(b * SEQ + off, 8), n)]

    def issue(b, slot):
        r0, r1, s0, s1 = bufs[slot]
        pltpu.async_copy(table_hbm.at[idx_slice(b, 0, C0)], r0, s0)
        pltpu.async_copy(table_hbm.at[idx_slice(b, C0, C1)], r1, s1)

    def reduce_chunk(rref, b, coff, nrows, acc):
        def body(i, acc):
            a0, a1, a2, a3 = acc
            view = rref.at[pl.ds(pl.multiple_of(i * 8, 8), 8)]
            pvec = par_v[pl.ds(
                pl.multiple_of(b * SEQ + coff + i * 8, 8), L)]
            for j in range(8):
                off = pl.multiple_of(pvec[j], 8)
                a0 = jnp.maximum(a0, view[j, pl.ds(off, L)])
                a1 = jnp.maximum(a1, view[j, pl.ds(off + L, L)])
                a2 = jnp.maximum(a2, view[j, pl.ds(off + 2 * L, L)])
                a3 = jnp.maximum(a3, view[j, pl.ds(off + 3 * L, L)])
            return (a0, a1, a2, a3)
        return lax.fori_loop(0, nrows // 8, body, acc)

    def rbf16(a):
        u = plsc.bitcast(a, jnp.int32)
        r = (u + 0x7FFF + (lax.shift_right_logical(u, 16) & 1)) & -65536
        return plsc.bitcast(r, jnp.float32)

    def consume(b, slot):
        r0, r1, s0, s1 = bufs[slot]
        pltpu.make_async_copy(
            table_hbm.at[idx_slice(b, 0, C0)], r0, s0).wait()
        pltpu.make_async_copy(
            table_hbm.at[idx_slice(b, C0, C1)], r1, s1).wait()
        acc = reduce_chunk(r0, b, 0, C0, (ninf, ninf, ninf, ninf))
        a0, a1, a2, a3 = reduce_chunk(r1, b, C0, C1, acc)
        a0, a1, a2, a3 = rbf16(a0), rbf16(a1), rbf16(a2), rbf16(a3)
        t = a0 * w0 + a1 * w1 + a2 * w2 + a3 * w3
        s = jnp.sum(t) + bias
        plsc.store_scatter(out_v, [jnp.full((L,), b, jnp.int32)],
                           jnp.broadcast_to(s, (L,)), mask=lane0)

    issue(0, 0)
    issue(1, 1)

    def pipe(g, carry):
        b = 2 * g
        consume(b, 0)
        issue(b + 2, 0)
        consume(b + 1, 1)
        issue(b + 3, 1)
        return carry

    lax.fori_loop(0, BPW // 2 - 1, pipe, 0)
    consume(BPW - 2, 0)
    consume(BPW - 1, 1)
    pltpu.sync_copy(out_v, out_hbm.at[pl.ds(pl.multiple_of(wid * BPW, 8), BPW)])


@jax.jit
def _sc_call(idx, par, table, wb):
    mesh = plsc.VectorSubcoreMesh(core_axis_name="c", subcore_axis_name="s")
    return pl.kernel(
        _sc_body,
        out_type=jax.ShapeDtypeStruct((BATCH,), jnp.float32),
        mesh=mesh,
        scratch_types=[
            pltpu.VMEM((BPW * SEQ,), jnp.int32),
            pltpu.VMEM((BPW * SEQ,), jnp.int32),
            pltpu.VMEM((C0, 2 * EMBED), jnp.float32),
            pltpu.VMEM((C1, 2 * EMBED), jnp.float32),
            pltpu.VMEM((C0, 2 * EMBED), jnp.float32),
            pltpu.VMEM((C1, 2 * EMBED), jnp.float32),
            pltpu.VMEM((5 * L,), jnp.float32),
            pltpu.VMEM((BPW,), jnp.float32),
            pltpu.SemaphoreType.DMA,
            pltpu.SemaphoreType.DMA,
            pltpu.SemaphoreType.DMA,
            pltpu.SemaphoreType.DMA,
        ],
        compiler_params=pltpu.CompilerParams(needs_layout_passes=False),
    )(idx, par, table, wb)


def kernel(context, endings, embed_table, fc_w, fc_b):
    w = fc_w.reshape(EMBED).astype(jnp.bfloat16).astype(jnp.float32)
    wb = jnp.concatenate([w, jnp.broadcast_to(fc_b, (L,))])
    ids = endings[0].T.reshape(-1)
    idx = ids >> 1
    par = (ids & 1) * EMBED
    table = embed_table.reshape(VOCAB // 2, 2 * EMBED)
    return _sc_call(idx, par, table, wb)

# --- scband reference (transcript-rebuilt; emitter-appended) ---
"""Pipeline reference for scband-pool-ending-classifier-51694226375299 (READ-ONLY COPY).

The authoritative reference and input builder live on the scoring server;
editing this copy changes nothing except your own understanding.
"""

import jax, jax.numpy as jnp
import numpy as np

VOCAB = 1000000
EMBED = 64
SEQ = 200
BATCH = 4096

def setup_inputs(seed: int = 0) -> dict:
    key = jax.random.key(seed)
    k1, k2, k3, k4, k5 = jax.random.split(key, 5)
    context = jax.random.randint(k1, (BATCH, SEQ), 0, VOCAB, dtype=jnp.int32)
    # endings packs (ends, ends_ls) as a single int tensor; forward only uses endings[0]
    endings = jax.random.randint(k2, (2, SEQ, BATCH), 0, VOCAB, dtype=jnp.int32)
    embed_table = jax.random.normal(k3, (VOCAB, EMBED), dtype=jnp.float32)
    fc_w = jax.random.normal(k4, (1, EMBED), dtype=jnp.float32) * (1.0 / np.sqrt(EMBED))
    fc_b = jax.random.normal(k5, (1,), dtype=jnp.float32) * 0.01
    return {"context": context, "endings": endings, "embed_table": embed_table, "fc_w": fc_w, "fc_b": fc_b}

def reference(context, endings, embed_table, fc_w, fc_b):
    # context is unused in the original forward
    ends = endings[0]                      # [seq_len, batch]
    seq_len = ends.shape[0]
    end = ends.reshape(seq_len, -1)        # [seq_len, batch]
    # embed_seq: transpose(0,1) -> [batch, seq_len], embedding lookup -> [batch, seq_len, embed]
    emb = jnp.take(embed_table, end.T, axis=0)       # [batch, seq_len, embed]
    emb_tr = jnp.transpose(emb, (0, 2, 1))           # [batch, embed, seq_len]
    # MaxPool1d over full seq_len == max over last axis
    pooled = jnp.max(emb_tr, axis=2)                 # [batch, embed]
    final = (pooled @ fc_w.T + fc_b).reshape(-1)     # [batch]
    return final

if __name__ == "__main__":
    import jax
    _d = setup_inputs()
    print(jax.jit(kernel)(*tuple(_d.values())))

</pallas_src>

<mosaic_0001>
#map = affine_map<(d0, d1) -> (0)>
#map1 = affine_map<(d0, d1) -> (0, 0)>
module attributes {stable_mosaic.version = 14 : i64} {
  func.func @_sc_body(%arg0: i32, %arg1: i32, %arg2: memref<819200xi32, #tpu.memory_space<hbm>>, %arg3: memref<819200xi32, #tpu.memory_space<hbm>>, %arg4: memref<500000x128xf32, #tpu.memory_space<hbm>>, %arg5: memref<80xf32, #tpu.memory_space<hbm>>, %arg6: memref<4096xf32, #tpu.memory_space<hbm>>, %arg7: memref<25600xi32, #tpu.memory_space<vmem>>, %arg8: memref<25600xi32, #tpu.memory_space<vmem>>, %arg9: memref<104x128xf32, #tpu.memory_space<vmem>>, %arg10: memref<96x128xf32, #tpu.memory_space<vmem>>, %arg11: memref<104x128xf32, #tpu.memory_space<vmem>>, %arg12: memref<96x128xf32, #tpu.memory_space<vmem>>, %arg13: memref<80xf32, #tpu.memory_space<vmem>>, %arg14: memref<128xf32, #tpu.memory_space<vmem>>, %arg15: memref<!tpu.dma_semaphore, #tpu.memory_space<semaphore_mem>>, %arg16: memref<!tpu.dma_semaphore, #tpu.memory_space<semaphore_mem>>, %arg17: memref<!tpu.dma_semaphore, #tpu.memory_space<semaphore_mem>>, %arg18: memref<!tpu.dma_semaphore, #tpu.memory_space<semaphore_mem>>) attributes {dimension_semantics = [#tpu.dimension_semantics<core_parallel>, #tpu.dimension_semantics<subcore_parallel>], iteration_bounds = array<i64: 2, 16>, scalar_prefetch = 0 : i64, scratch_operands = 12 : i64, tpu.core_type = #tpu.core_type<sc_vector_subcore>, window_params = [{transform_indices = #map}, {transform_indices = #map}, {transform_indices = #map1}, {transform_indices = #map}, {transform_indices = #map}]} {
    %mul3A = arith.constant 2 : i32
    %mul3A_0 = arith.muli %arg1, %mul3A : i32
    %add3A = arith.addi %mul3A_0, %arg0 : i32
    %mul3A_1 = arith.constant 25600 : i32
    %mul3A_2 = arith.muli %add3A, %mul3A_1 : i32
    %multiple_of3A = tpu.assume_multiple %mul3A_2, 8 : i32
    "tpu.region"() ({
      %run_scoped3A = tpu.sem_alloc : memref<!tpu.dma_semaphore, #tpu.memory_space<semaphore_mem>>
      %dma_start3A_239 = tpu.memref_slice %arg2[%multiple_of3A] : memref<819200xi32, #tpu.memory_space<hbm>> -> memref<25600xi32, #tpu.memory_space<hbm>>
      %dma_start3A_240 = tpu.memref_slice %arg2[%multiple_of3A] : memref<819200xi32, #tpu.memory_space<hbm>> -> memref<25600xi32, #tpu.memory_space<hbm>>
      tpu.enqueue_dma source(%dma_start3A_240 : memref<25600xi32, #tpu.memory_space<hbm>>) target(%arg7 : memref<25600xi32, #tpu.memory_space<vmem>>) target_semaphore(%run_scoped3A : memref<!tpu.dma_semaphore, #tpu.memory_space<semaphore_mem>>)
      %dma_wait3A_241 = tpu.memref_slice %arg2[%multiple_of3A] : memref<819200xi32, #tpu.memory_space<hbm>> -> memref<25600xi32, #tpu.memory_space<hbm>>
      %dma_wait3A_242 = tpu.memref_slice %arg2[%multiple_of3A] : memref<819200xi32, #tpu.memory_space<hbm>> -> memref<25600xi32, #tpu.memory_space<hbm>>
      tpu.wait_dma2 semaphore(%run_scoped3A : memref<!tpu.dma_semaphore, #tpu.memory_space<semaphore_mem>>) src(%dma_wait3A_242 : memref<25600xi32, #tpu.memory_space<hbm>>) dst(%arg7 : memref<25600xi32, #tpu.memory_space<vmem>>)
      tpu.yield
    }) : () -> ()
    "tpu.region"() ({
      %run_scoped3A = tpu.sem_alloc : memref<!tpu.dma_semaphore, #tpu.memory_space<semaphore_mem>>
      %dma_start3A_239 = tpu.memref_slice %arg3[%multiple_of3A] : memref<819200xi32, #tpu.memory_space<hbm>> -> memref<25600xi32, #tpu.memory_space<hbm>>
      %dma_start3A_240 = tpu.memref_slice %arg3[%multiple_of3A] : memref<819200xi32, #tpu.memory_space<hbm>> -> memref<25600xi32, #tpu.memory_space<hbm>>
      tpu.enqueue_dma source(%dma_start3A_240 : memref<25600xi32, #tpu.memory_space<hbm>>) target(%arg8 : memref<25600xi32, #tpu.memory_space<vmem>>) target_semaphore(%run_scoped3A : memref<!tpu.dma_semaphore, #tpu.memory_space<semaphore_mem>>)
      %dma_wait3A_241 = tpu.memref_slice %arg3[%multiple_of3A] : memref<819200xi32, #tpu.memory_space<hbm>> -> memref<25600xi32, #tpu.memory_space<hbm>>
      %dma_wait3A_242 = tpu.memref_slice %arg3[%multiple_of3A] : memref<819200xi32, #tpu.memory_space<hbm>> -> memref<25600xi32, #tpu.memory_space<hbm>>
      tpu.wait_dma2 semaphore(%run_scoped3A : memref<!tpu.dma_semaphore, #tpu.memory_space<semaphore_mem>>) src(%dma_wait3A_242 : memref<25600xi32, #tpu.memory_space<hbm>>) dst(%arg8 : memref<25600xi32, #tpu.memory_space<vmem>>)
      tpu.yield
    }) : () -> ()
    "tpu.region"() ({
      %run_scoped3A = tpu.sem_alloc : memref<!tpu.dma_semaphore, #tpu.memory_space<semaphore_mem>>
      tpu.enqueue_dma source(%arg5 : memref<80xf32, #tpu.memory_space<hbm>>) target(%arg13 : memref<80xf32, #tpu.memory_space<vmem>>) target_semaphore(%run_scoped3A : memref<!tpu.dma_semaphore, #tpu.memory_space<semaphore_mem>>)
      tpu.wait_dma2 semaphore(%run_scoped3A : memref<!tpu.dma_semaphore, #tpu.memory_space<semaphore_mem>>) src(%arg5 : memref<80xf32, #tpu.memory_space<hbm>>) dst(%arg13 : memref<80xf32, #tpu.memory_space<vmem>>)
      tpu.yield
    }) : () -> ()
    %get3A = arith.constant 0 : index
    %get3A_3 = tpu.vector_load %arg13[%get3A] {strides = array<i32>} : memref<80xf32, #tpu.memory_space<vmem>>, vector<16xf32>,
    %get3A_4 = arith.constant 16 : index
    %get3A_5 = tpu.vector_load %arg13[%get3A_4] {strides = array<i32>} : memref<80xf32, #tpu.memory_space<vmem>>, vector<16xf32>,
    %get3A_6 = arith.constant 32 : index
    %get3A_7 = tpu.vector_load %arg13[%get3A_6] {strides = array<i32>} : memref<80xf32, #tpu.memory_space<vmem>>, vector<16xf32>,
    %get3A_8 = arith.constant 48 : index
    %get3A_9 = tpu.vector_load %arg13[%get3A_8] {strides = array<i32>} : memref<80xf32, #tpu.memory_space<vmem>>, vector<16xf32>,
    %get3A_10 = arith.constant 64 : index
    %get3A_11 = tpu.vector_load %arg13[%get3A_10] {strides = array<i32>} : memref<80xf32, #tpu.memory_space<vmem>>, vector<16xf32>,
    %slice3A = vector.extract_strided_slice %get3A_11 {offsets = [0], sizes = [1], strides = [1]} : vector<16xf32> to vector<1xf32>
    %squeeze3A = vector.extract %slice3A[0] : f32 from vector<1xf32>
    %iota3A = tpu.iota {dimensions = array<i32: 0>} : vector<16xi32>
    %eq3A = arith.constant 0 : i32
    %eq3A_12 = vector.broadcast %eq3A : i32 to vector<16xi32>
    %eq3A_13 = arith.cmpi eq, %iota3A, %eq3A_12 : vector<16xi32>
    %broadcast_in_dim3A = arith.constant 0xFF800000 : f32
    %broadcast_in_dim3A_14 = vector.broadcast %broadcast_in_dim3A : f32 to vector<16xf32>
    %multiple_of3A_15 = arith.constant 0 : i32
    %multiple_of3A_16 = tpu.assume_multiple %multiple_of3A_15, 8 : i32
    %dma_start3A = tpu.memref_slice %arg7[%multiple_of3A_16] : memref<25600xi32, #tpu.memory_space<vmem>> -> memref<104xi32, #tpu.memory_space<vmem>>
    %dma_start3A_17 = arith.constant 0 : i32
    %dma_start3A_18 = arith.constant 0 : i32
    %dma_start3A_19 = tpu.memref_slice %arg4[%dma_start3A_17, %dma_start3A_18] : memref<500000x128xf32, #tpu.memory_space<hbm>> -> memref<500000x128xf32, #tpu.memory_space<hbm>>
    tpu.enqueue_indirect_dma source(%dma_start3A_19 : memref<500000x128xf32, #tpu.memory_space<hbm>>) target(%arg9 : memref<104x128xf32, #tpu.memory_space<vmem>>) offsets(%dma_start3A : memref<104xi32, #tpu.memory_space<vmem>>) semaphore(%arg15 : memref<!tpu.dma_semaphore, #tpu.memory_space<semaphore_mem>>)
    %multiple_of3A_20 = arith.constant 104 : i32
    %multiple_of3A_21 = tpu.assume_multiple %multiple_of3A_20, 8 : i32
    %dma_start3A_22 = tpu.memref_slice %arg7[%multiple_of3A_21] : memref<25600xi32, #tpu.memory_space<vmem>> -> memref<96xi32, #tpu.memory_space<vmem>>
    %dma_start3A_23 = arith.constant 0 : i32
    %dma_start3A_24 = arith.constant 0 : i32
    %dma_start3A_25 = tpu.memref_slice %arg4[%dma_start3A_23, %dma_start3A_24] : memref<500000x128xf32, #tpu.memory_space<hbm>> -> memref<500000x128xf32, #tpu.memory_space<hbm>>
    tpu.enqueue_indirect_dma source(%dma_start3A_25 : memref<500000x128xf32, #tpu.memory_space<hbm>>) target(%arg10 : memref<96x128xf32, #tpu.memory_space<vmem>>) offsets(%dma_start3A_22 : memref<96xi32, #tpu.memory_space<vmem>>) semaphore(%arg16 : memref<!tpu.dma_semaphore, #tpu.memory_space<semaphore_mem>>)
    %multiple_of3A_26 = arith.constant 200 : i32
    %multiple_of3A_27 = tpu.assume_multiple %multiple_of3A_26, 8 : i32
    %dma_start3A_28 = tpu.memref_slice %arg7[%multiple_of3A_27] : memref<25600xi32, #tpu.memory_space<vmem>> -> memref<104xi32, #tpu.memory_space<vmem>>
    %dma_start3A_29 = arith.constant 0 : i32
    %dma_start3A_30 = arith.constant 0 : i32
    %dma_start3A_31 = tpu.memref_slice %arg4[%dma_start3A_29, %dma_start3A_30] : memref<500000x128xf32, #tpu.memory_space<hbm>> -> memref<500000x128xf32, #tpu.memory_space<hbm>>
    tpu.enqueue_indirect_dma source(%dma_start3A_31 : memref<500000x128xf32, #tpu.memory_space<hbm>>) target(%arg11 : memref<104x128xf32, #tpu.memory_space<vmem>>) offsets(%dma_start3A_28 : memref<104xi32, #tpu.memory_space<vmem>>) semaphore(%arg17 : memref<!tpu.dma_semaphore, #tpu.memory_space<semaphore_mem>>)
    %multiple_of3A_32 = arith.constant 304 : i32
    %multiple_of3A_33 = tpu.assume_multiple %multiple_of3A_32, 8 : i32
    %dma_start3A_34 = tpu.memref_slice %arg7[%multiple_of3A_33] : memref<25600xi32, #tpu.memory_space<vmem>> -> memref<96xi32, #tpu.memory_space<vmem>>
    %dma_start3A_35 = arith.constant 0 : i32
    %dma_start3A_36 = arith.constant 0 : i32
    %dma_start3A_37 = tpu.memref_slice %arg4[%dma_start3A_35, %dma_start3A_36] : memref<500000x128xf32, #tpu.memory_space<hbm>> -> memref<500000x128xf32, #tpu.memory_space<hbm>>
    tpu.enqueue_indirect_dma source(%dma_start3A_37 : memref<500000x128xf32, #tpu.memory_space<hbm>>) target(%arg12 : memref<96x128xf32, #tpu.memory_space<vmem>>) offsets(%dma_start3A_34 : memref<96xi32, #tpu.memory_space<vmem>>) semaphore(%arg18 : memref<!tpu.dma_semaphore, #tpu.memory_space<semaphore_mem>>)
    %scan3A = arith.constant 0 : i32
    %scan3A_38 = arith.constant 0 : i32
    %scan3A_39 = arith.constant 63 : i32
    %scan3A_40 = arith.addi %scan3A_38, %scan3A_39 : i32
    %scan3A_41 = arith.constant 1 : i32
    scf.for %scan3A_239 = %scan3A_38 to %scan3A_40 step %scan3A_41  : i32 {
      %mul3A_240 = arith.constant 2 : i32
      %mul3A_241 = arith.muli %mul3A_240, %scan3A_239 : i32
      %mul3A_242 = arith.constant 200 : i32
      %mul3A_243 = arith.muli %mul3A_241, %mul3A_242 : i32
      %add3A_244 = arith.constant 0 : i32
      %add3A_245 = arith.addi %mul3A_243, %add3A_244 : i32
      %multiple_of3A_246 = tpu.assume_multiple %add3A_245, 8 : i32
      %dma_wait3A_247 = tpu.memref_slice %arg7[%multiple_of3A_246] : memref<25600xi32, #tpu.memory_space<vmem>> -> memref<104xi32, #tpu.memory_space<vmem>>
      %dma_wait3A_248 = arith.constant 0 : i32
      %dma_wait3A_249 = arith.constant 0 : i32
      %dma_wait3A_250 = tpu.memref_slice %arg4[%dma_wait3A_248, %dma_wait3A_249] : memref<500000x128xf32, #tpu.memory_space<hbm>> -> memref<500000x128xf32, #tpu.memory_space<hbm>>
      tpu.wait_indirect_dma semaphore(%arg15 : memref<!tpu.dma_semaphore, #tpu.memory_space<semaphore_mem>>) src(%dma_wait3A_250 : memref<500000x128xf32, #tpu.memory_space<hbm>>) dst(%arg9 : memref<104x128xf32, #tpu.memory_space<vmem>>)
      %mul3A_251 = arith.constant 200 : i32
      %mul3A_252 = arith.muli %mul3A_241, %mul3A_251 : i32
      %add3A_253 = arith.constant 104 : i32
      %add3A_254 = arith.addi %mul3A_252, %add3A_253 : i32
      %multiple_of3A_255 = tpu.assume_multiple %add3A_254, 8 : i32
      %dma_wait3A_256 = tpu.memref_slice %arg7[%multiple_of3A_255] : memref<25600xi32, #tpu.memory_space<vmem>> -> memref<96xi32, #tpu.memory_space<vmem>>
      %dma_wait3A_257 = arith.constant 0 : i32
      %dma_wait3A_258 = arith.constant 0 : i32
      %dma_wait3A_259 = tpu.memref_slice %arg4[%dma_wait3A_257, %dma_wait3A_258] : memref<500000x128xf32, #tpu.memory_space<hbm>> -> memref<500000x128xf32, #tpu.memory_space<hbm>>
      tpu.wait_indirect_dma semaphore(%arg16 : memref<!tpu.dma_semaphore, #tpu.memory_space<semaphore_mem>>) src(%dma_wait3A_259 : memref<500000x128xf32, #tpu.memory_space<hbm>>) dst(%arg10 : memref<96x128xf32, #tpu.memory_space<vmem>>)
      %scan3A_260 = arith.constant 0 : i32
      %scan3A_261 = arith.constant 13 : i32
      %scan3A_262 = arith.addi %scan3A_260, %scan3A_261 : i32
      %scan3A_263 = arith.constant 1 : i32
      %scan3A_264:4 = scf.for %scan3A_492 = %scan3A_260 to %scan3A_262 step %scan3A_263 iter_args(%scan3A_493 = %broadcast_in_dim3A_14, %scan3A_494 = %broadcast_in_dim3A_14, %scan3A_495 = %broadcast_in_dim3A_14, %scan3A_496 = %broadcast_in_dim3A_14) -> (vector<16xf32>, vector<16xf32>, vector<16xf32>, vector<16xf32>)  : i32 {
        %mul3A_497 = arith.constant 8 : i32
        %mul3A_498 = arith.muli %scan3A_492, %mul3A_497 : i32
        %multiple_of3A_499 = tpu.assume_multiple %mul3A_498, 8 : i32
        %mul3A_500 = arith.constant 200 : i32
        %mul3A_501 = arith.muli %mul3A_241, %mul3A_500 : i32
        %add3A_502 = arith.constant 0 : i32
        %add3A_503 = arith.addi %mul3A_501, %add3A_502 : i32
        %mul3A_504 = arith.constant 8 : i32
        %mul3A_505 = arith.muli %scan3A_492, %mul3A_504 : i32
        %add3A_506 = arith.addi %add3A_503, %mul3A_505 : i32
        %multiple_of3A_507 = tpu.assume_multiple %add3A_506, 8 : i32
        %get3A_508 = arith.index_cast %multiple_of3A_507 : i32 to index
        %get3A_509 = tpu.vector_load %arg8[%get3A_508] {strides = array<i32>} : memref<25600xi32, #tpu.memory_space<vmem>>, vector<16xi32>,
        %slice3A_510 = vector.extract_strided_slice %get3A_509 {offsets = [0], sizes = [1], strides = [1]} : vector<16xi32> to vector<1xi32>
        %squeeze3A_511 = vector.extract %slice3A_510[0] : i32 from vector<1xi32>
        %multiple_of3A_512 = tpu.assume_multiple %squeeze3A_511, 8 : i32
        %get3A_513 = arith.constant 0 : i32
        %get3A_514 = arith.constant 0 : i32
        %get3A_515 = tpu.memref_slice %arg9[%multiple_of3A_499, %get3A_514] : memref<104x128xf32, #tpu.memory_space<vmem>> -> memref<8x128xf32, #tpu.memory_space<vmem>>
        %get3A_516 = arith.index_cast %get3A_513 : i32 to index
        %get3A_517 = arith.index_cast %multiple_of3A_512 : i32 to index
        %get3A_518 = tpu.vector_load %get3A_515[%get3A_516, %get3A_517] {strides = array<i32>} : memref<8x128xf32, #tpu.memory_space<vmem>>, vector<16xf32>,
        %max3A = arith.maximumf %scan3A_493, %get3A_518 : vector<16xf32>
        %add3A_519 = arith.constant 16 : i32
        %add3A_520 = arith.addi %multiple_of3A_512, %add3A_519 : i32
        %get3A_521 = arith.constant 0 : i32
        %get3A_522 = arith.constant 0 : i32
        %get3A_523 = tpu.memref_slice %arg9[%multiple_of3A_499, %get3A_522] : memref<104x128xf32, #tpu.memory_space<vmem>> -> memref<8x128xf32, #tpu.memory_space<vmem>>
        %get3A_524 = arith.index_cast %get3A_521 : i32 to index
        %get3A_525 = arith.index_cast %add3A_520 : i32 to index
        %get3A_526 = tpu.vector_load %get3A_523[%get3A_524, %get3A_525] {strides = array<i32>} : memref<8x128xf32, #tpu.memory_space<vmem>>, vector<16xf32>,
        %max3A_527 = arith.maximumf %scan3A_494, %get3A_526 : vector<16xf32>
        %add3A_528 = arith.constant 32 : i32
        %add3A_529 = arith.addi %multiple_of3A_512, %add3A_528 : i32
        %get3A_530 = arith.constant 0 : i32
        %get3A_531 = arith.constant 0 : i32
        %get3A_532 = tpu.memref_slice %arg9[%multiple_of3A_499, %get3A_531] : memref<104x128xf32, #tpu.memory_space<vmem>> -> memref<8x128xf32, #tpu.memory_space<vmem>>
        %get3A_533 = arith.index_cast %get3A_530 : i32 to index
        %get3A_534 = arith.index_cast %add3A_529 : i32 to index
        %get3A_535 = tpu.vector_load %get3A_532[%get3A_533, %get3A_534] {strides = array<i32>} : memref<8x128xf32, #tpu.memory_space<vmem>>, vector<16xf32>,
        %max3A_536 = arith.maximumf %scan3A_495, %get3A_535 : vector<16xf32>
        %add3A_537 = arith.constant 48 : i32
        %add3A_538 = arith.addi %multiple_of3A_512, %add3A_537 : i32
        %get3A_539 = arith.constant 0 : i32
        %get3A_540 = arith.constant 0 : i32
        %get3A_541 = tpu.memref_slice %arg9[%multiple_of3A_499, %get3A_540] : memref<104x128xf32, #tpu.memory_space<vmem>> -> memref<8x128xf32, #tpu.memory_space<vmem>>
        %get3A_542 = arith.index_cast %get3A_539 : i32 to index
        %get3A_543 = arith.index_cast %add3A_538 : i32 to index
        %get3A_544 = tpu.vector_load %get3A_541[%get3A_542, %get3A_543] {strides = array<i32>} : memref<8x128xf32, #tpu.memory_space<vmem>>, vector<16xf32>,
        %max3A_545 = arith.maximumf %scan3A_496, %get3A_544 : vector<16xf32>
        %slice3A_546 = vector.extract_strided_slice %get3A_509 {offsets = [1], sizes = [1], strides = [1]} : vector<16xi32> to vector<1xi32>
        %squeeze3A_547 = vector.extract %slice3A_546[0] : i32 from vector<1xi32>
        %multiple_of3A_548 = tpu.assume_multiple %squeeze3A_547, 8 : i32
        %get3A_549 = arith.constant 1 : i32
        %get3A_550 = arith.constant 0 : i32
        %get3A_551 = tpu.memref_slice %arg9[%multiple_of3A_499, %get3A_550] : memref<104x128xf32, #tpu.memory_space<vmem>> -> memref<8x128xf32, #tpu.memory_space<vmem>>
        %get3A_552 = arith.index_cast %get3A_549 : i32 to index
        %get3A_553 = arith.index_cast %multiple_of3A_548 : i32 to index
        %get3A_554 = tpu.vector_load %get3A_551[%get3A_552, %get3A_553] {strides = array<i32>} : memref<8x128xf32, #tpu.memory_space<vmem>>, vector<16xf32>,
        %max3A_555 = arith.maximumf %max3A, %get3A_554 : vector<16xf32>
        %add3A_556 = arith.constant 16 : i32
        %add3A_557 = arith.addi %multiple_of3A_548, %add3A_556 : i32
        %get3A_558 = arith.constant 1 : i32
        %get3A_559 = arith.constant 0 : i32
        %get3A_560 = tpu.memref_slice %arg9[%multiple_of3A_499, %get3A_559] : memref<104x128xf32, #tpu.memory_space<vmem>> -> memref<8x128xf32, #tpu.memory_space<vmem>>
        %get3A_561 = arith.index_cast %get3A_558 : i32 to index
        %get3A_562 = arith.index_cast %add3A_557 : i32 to index
        %get3A_563 = tpu.vector_load %get3A_560[%get3A_561, %get3A_562] {strides = array<i32>} : memref<8x128xf32, #tpu.memory_space<vmem>>, vector<16xf32>,
        %max3A_564 = arith.maximumf %max3A_527, %get3A_563 : vector<16xf32>
        %add3A_565 = arith.constant 32 : i32
        %add3A_566 = arith.addi %multiple_of3A_548, %add3A_565 : i32
        %get3A_567 = arith.constant 1 : i32
        %get3A_568 = arith.constant 0 : i32
        %get3A_569 = tpu.memref_slice %arg9[%multiple_of3A_499, %get3A_568] : memref<104x128xf32, #tpu.memory_space<vmem>> -> memref<8x128xf32, #tpu.memory_space<vmem>>
        %get3A_570 = arith.index_cast %get3A_567 : i32 to index
        %get3A_571 = arith.index_cast %add3A_566 : i32 to index
        %get3A_572 = tpu.vector_load %get3A_569[%get3A_570, %get3A_571] {strides = array<i32>} : memref<8x128xf32, #tpu.memory_space<vmem>>, vector<16xf32>,
        %max3A_573 = arith.maximumf %max3A_536, %get3A_572 : vector<16xf32>
        %add3A_574 = arith.constant 48 : i32
        %add3A_575 = arith.addi %multiple_of3A_548, %add3A_574 : i32
        %get3A_576 = arith.constant 1 : i32
        %get3A_577 = arith.constant 0 : i32
        %get3A_578 = tpu.memref_slice %arg9[%multiple_of3A_499, %get3A_577] : memref<104x128xf32, #tpu.memory_space<vmem>> -> memref<8x128xf32, #tpu.memory_space<vmem>>
        %get3A_579 = arith.index_cast %get3A_576 : i32 to index
        %get3A_580 = arith.index_cast %add3A_575 : i32 to index
        %get3A_581 = tpu.vector_load %get3A_578[%get3A_579, %get3A_580] {strides = array<i32>} : memref<8x128xf32, #tpu.memory_space<vmem>>, vector<16xf32>,
        %max3A_582 = arith.maximumf %max3A_545, %get3A_581 : vector<16xf32>
        %slice3A_583 = vector.extract_strided_slice %get3A_509 {offsets = [2], sizes = [1], strides = [1]} : vector<16xi32> to vector<1xi32>
        %squeeze3A_584 = vector.extract %slice3A_583[0] : i32 from vector<1xi32>
        %multiple_of3A_585 = tpu.assume_multiple %squeeze3A_584, 8 : i32
        %get3A_586 = arith.constant 2 : i32
        %get3A_587 = arith.constant 0 : i32
        %get3A_588 = tpu.memref_slice %arg9[%multiple_of3A_499, %get3A_587] : memref<104x128xf32, #tpu.memory_space<vmem>> -> memref<8x128xf32, #tpu.memory_space<vmem>>
        %get3A_589 = arith.index_cast %get3A_586 : i32 to index
        %get3A_590 = arith.index_cast %multiple_of3A_585 : i32 to index
        %get3A_591 = tpu.vector_load %get3A_588[%get3A_589, %get3A_590] {strides = array<i32>} : memref<8x128xf32, #tpu.memory_space<vmem>>, vector<16xf32>,
        %max3A_592 = arith.maximumf %max3A_555, %get3A_591 : vector<16xf32>
        %add3A_593 = arith.constant 16 : i32
        %add3A_594 = arith.addi %multiple_of3A_585, %add3A_593 : i32
        %get3A_595 = arith.constant 2 : i32
        %get3A_596 = arith.constant 0 : i32
        %get3A_597 = tpu.memref_slice %arg9[%multiple_of3A_499, %get3A_596] : memref<104x128xf32, #tpu.memory_space<vmem>> -> memref<8x128xf32, #tpu.memory_space<vmem>>
        %get3A_598 = arith.index_cast %get3A_595 : i32 to index
        %get3A_599 = arith.index_cast %add3A_594 : i32 to index
        %get3A_600 = tpu.vector_load %get3A_597[%get3A_598, %get3A_599] {strides = array<i32>} : memref<8x128xf32, #tpu.memory_space<vmem>>, vector<16xf32>,
        %max3A_601 = arith.maximumf %max3A_564, %get3A_600 : vector<16xf32>
        %add3A_602 = arith.constant 32 : i32
        %add3A_603 = arith.addi %multiple_of3A_585, %add3A_602 : i32
        %get3A_604 = arith.constant 2 : i32
        %get3A_605 = arith.constant 0 : i32
        %get3A_606 = tpu.memref_slice %arg9[%multiple_of3A_499, %get3A_605] : memref<104x128xf32, #tpu.memory_space<vmem>> -> memref<8x128xf32, #tpu.memory_space<vmem>>
        %get3A_607 = arith.index_cast %get3A_604 : i32 to index
        %get3A_608 = arith.index_cast %add3A_603 : i32 to index
        %get3A_609 = tpu.vector_load %get3A_606[%get3A_607, %get3A_608] {strides = array<i32>} : memref<8x128xf32, #tpu.memory_space<vmem>>, vector<16xf32>,
        %max3A_610 = arith.maximumf %max3A_573, %get3A_609 : vector<16xf32>
        %add3A_611 = arith.constant 48 : i32
        %add3A_612 = arith.addi %multiple_of3A_585, %add3A_611 : i32
        %get3A_613 = arith.constant 2 : i32
        %get3A_614 = arith.constant 0 : i32
        %get3A_615 = tpu.memref_slice %arg9[%multiple_of3A_499, %get3A_614] : memref<104x128xf32, #tpu.memory_space<vmem>> -> memref<8x128xf32, #tpu.memory_space<vmem>>
        %get3A_616 = arith.index_cast %get3A_613 : i32 to index
        %get3A_617 = arith.index_cast %add3A_612 : i32 to index
        %get3A_618 = tpu.vector_load %get3A_615[%get3A_616, %get3A_617] {strides = array<i32>} : memref<8x128xf32, #tpu.memory_space<vmem>>, vector<16xf32>,
        %max3A_619 = arith.maximumf %max3A_582, %get3A_618 : vector<16xf32>
        %slice3A_620 = vector.extract_strided_slice %get3A_509 {offsets = [3], sizes = [1], strides = [1]} : vector<16xi32> to vector<1xi32>
        %squeeze3A_621 = vector.extract %slice3A_620[0] : i32 from vector<1xi32>
        %multiple_of3A_622 = tpu.assume_multiple %squeeze3A_621, 8 : i32
        %get3A_623 = arith.constant 3 : i32
        %get3A_624 = arith.constant 0 : i32
        %get3A_625 = tpu.memref_slice %arg9[%multiple_of3A_499, %get3A_624] : memref<104x128xf32, #tpu.memory_space<vmem>> -> memref<8x128xf32, #tpu.memory_space<vmem>>
        %get3A_626 = arith.index_cast %get3A_623 : i32 to index
        %get3A_627 = arith.index_cast %multiple_of3A_622 : i32 to index
        %get3A_628 = tpu.vector_load %get3A_625[%get3A_626, %get3A_627] {strides = array<i32>} : memref<8x128xf32, #tpu.memory_space<vmem>>, vector<16xf32>,
        %max3A_629 = arith.maximumf %max3A_592, %get3A_628 : vector<16xf32>
        %add3A_630 = arith.constant 16 : i32
        %add3A_631 = arith.addi %multiple_of3A_622, %add3A_630 : i32
        %get3A_632 = arith.constant 3 : i32
        %get3A_633 = arith.constant 0 : i32
        %get3A_634 = tpu.memref_slice %arg9[%multiple_of3A_499, %get3A_633] : memref<104x128xf32, #tpu.memory_space<vmem>> -> memref<8x128xf32, #tpu.memory_space<vmem>>
        %get3A_635 = arith.index_cast %get3A_632 : i32 to index
        %get3A_636 = arith.index_cast %add3A_631 : i32 to index
        %get3A_637 = tpu.vector_load %get3A_634[%get3A_635, %get3A_636] {strides = array<i32>} : memref<8x128xf32, #tpu.memory_space<vmem>>, vector<16xf32>,
        %max3A_638 = arith.maximumf %max3A_601, %get3A_637 : vector<16xf32>
        %add3A_639 = arith.constant 32 : i32
        %add3A_640 = arith.addi %multiple_of3A_622, %add3A_639 : i32
        %get3A_641 = arith.constant 3 : i32
        %get3A_642 = arith.constant 0 : i32
        %get3A_643 = tpu.memref_slice %arg9[%multiple_of3A_499, %get3A_642] : memref<104x128xf32, #tpu.memory_space<vmem>> -> memref<8x128xf32, #tpu.memory_space<vmem>>
        %get3A_644 = arith.index_cast %get3A_641 : i32 to index
        %get3A_645 = arith.index_cast %add3A_640 : i32 to index
        %get3A_646 = tpu.vector_load %get3A_643[%get3A_644, %get3A_645] {strides = array<i32>} : memref<8x128xf32, #tpu.memory_space<vmem>>, vector<16xf32>,
        %max3A_647 = arith.maximumf %max3A_610, %get3A_646 : vector<16xf32>
        %add3A_648 = arith.constant 48 : i32
        %add3A_649 = arith.addi %multiple_of3A_622, %add3A_648 : i32
        %get3A_650 = arith.constant 3 : i32
        %get3A_651 = arith.constant 0 : i32
        %get3A_652 = tpu.memref_slice %arg9[%multiple_of3A_499, %get3A_651] : memref<104x128xf32, #tpu.memory_space<vmem>> -> memref<8x128xf32, #tpu.memory_space<vmem>>
        %get3A_653 = arith.index_cast %get3A_650 : i32 to index
        %get3A_654 = arith.index_cast %add3A_649 : i32 to index
        %get3A_655 = tpu.vector_load %get3A_652[%get3A_653, %get3A_654] {strides = array<i32>} : memref<8x128xf32, #tpu.memory_space<vmem>>, vector<16xf32>,
        %max3A_656 = arith.maximumf %max3A_619, %get3A_655 : vector<16xf32>
        %slice3A_657 = vector.extract_strided_slice %get3A_509 {offsets = [4], sizes = [1], strides = [1]} : vector<16xi32> to vector<1xi32>
        %squeeze3A_658 = vector.extract %slice3A_657[0] : i32 from vector<1xi32>
        %multiple_of3A_659 = tpu.assume_multiple %squeeze3A_658, 8 : i32
        %get3A_660 = arith.constant 4 : i32
        %get3A_661 = arith.constant 0 : i32
        %get3A_662 = tpu.memref_slice %arg9[%multiple_of3A_499, %get3A_661] : memref<104x128xf32, #tpu.memory_space<vmem>> -> memref<8x128xf32, #tpu.memory_space<vmem>>
        %get3A_663 = arith.index_cast %get3A_660 : i32 to index
        %get3A_664 = arith.index_cast %multiple_of3A_659 : i32 to index
        %get3A_665 = tpu.vector_load %get3A_662[%get3A_663, %get3A_664] {strides = array<i32>} : memref<8x128xf32, #tpu.memory_space<vmem>>, vector<16xf32>,
        %max3A_666 = arith.maximumf %max3A_629, %get3A_665 : vector<16xf32>
        %add3A_667 = arith.constant 16 : i32
        %add3A_668 = arith.addi %multiple_of3A_659, %add3A_667 : i32
        %get3A_669 = arith.constant 4 : i32
        %get3A_670 = arith.constant 0 : i32
        %get3A_671 = tpu.memref_slice %arg9[%multiple_of3A_499, %get3A_670] : memref<104x128xf32, #tpu.memory_space<vmem>> -> memref<8x128xf32, #tpu.memory_space<vmem>>
        %get3A_672 = arith.index_cast %get3A_669 : i32 to index
        %get3A_673 = arith.index_cast %add3A_668 : i32 to index
        %get3A_674 = tpu.vector_load %get3A_671[%get3A_672, %get3A_673] {strides = array<i32>} : memref<8x128xf32, #tpu.memory_space<vmem>>, vector<16xf32>,
        %max3A_675 = arith.maximumf %max3A_638, %get3A_674 : vector<16xf32>
        %add3A_676 = arith.constant 32 : i32
        %add3A_677 = arith.addi %multiple_of3A_659, %add3A_676 : i32
        %get3A_678 = arith.constant 4 : i32
        %get3A_679 = arith.constant 0 : i32
        %get3A_680 = tpu.memref_slice %arg9[%multiple_of3A_499, %get3A_679] : memref<104x128xf32, #tpu.memory_space<vmem>> -> memref<8x128xf32, #tpu.memory_space<vmem>>
        %get3A_681 = arith.index_cast %get3A_678 : i32 to index
        %get3A_682 = arith.index_cast %add3A_677 : i32 to index
        %get3A_683 = tpu.vector_load %get3A_680[%get3A_681, %get3A_682] {strides = array<i32>} : memref<8x128xf32, #tpu.memory_space<vmem>>, vector<16xf32>,
        %max3A_684 = arith.maximumf %max3A_647, %get3A_683 : vector<16xf32>
        %add3A_685 = arith.constant 48 : i32
        %add3A_686 = arith.addi %multiple_of3A_659, %add3A_685 : i32
        %get3A_687 = arith.constant 4 : i32
        %get3A_688 = arith.constant 0 : i32
        %get3A_689 = tpu.memref_slice %arg9[%multiple_of3A_499, %get3A_688] : memref<104x128xf32, #tpu.memory_space<vmem>> -> memref<8x128xf32, #tpu.memory_space<vmem>>
        %get3A_690 = arith.index_cast %get3A_687 : i32 to index
        %get3A_691 = arith.index_cast %add3A_686 : i32 to index
        %get3A_692 = tpu.vector_load %get3A_689[%get3A_690, %get3A_691] {strides = array<i32>} : memref<8x128xf32, #tpu.memory_space<vmem>>, vector<16xf32>,
        %max3A_693 = arith.maximumf %max3A_656, %get3A_692 : vector<16xf32>
        %slice3A_694 = vector.extract_strided_slice %get3A_509 {offsets = [5], sizes = [1], strides = [1]} : vector<16xi32> to vector<1xi32>
        %squeeze3A_695 = vector.extract %slice3A_694[0] : i32 from vector<1xi32>
        %multiple_of3A_696 = tpu.assume_multiple %squeeze3A_695, 8 : i32
        %get3A_697 = arith.constant 5 : i32
        %get3A_698 = arith.constant 0 : i32
        %get3A_699 = tpu.memref_slice %arg9[%multiple_of3A_499, %get3A_698] : memref<104x128xf32, #tpu.memory_space<vmem>> -> memref<8x128xf32, #tpu.memory_space<vmem>>
        %get3A_700 = arith.index_cast %get3A_697 : i32 to index
        %get3A_701 = arith.index_cast %multiple_of3A_696 : i32 to index
        %get3A_702 = tpu.vector_load %get3A_699[%get3A_700, %get3A_701] {strides = array<i32>} : memref<8x128xf32, #tpu.memory_space<vmem>>, vector<16xf32>,
        %max3A_703 = arith.maximumf %max3A_666, %get3A_702 : vector<16xf32>
        %add3A_704 = arith.constant 16 : i32
        %add3A_705 = arith.addi %multiple_of3A_696, %add3A_704 : i32
        %get3A_706 = arith.constant 5 : i32
        %get3A_707 = arith.constant 0 : i32
        %get3A_708 = tpu.memref_slice %arg9[%multiple_of3A_499, %get3A_707] : memref<104x128xf32, #tpu.memory_space<vmem>> -> memref<8x128xf32, #tpu.memory_space<vmem>>
        %get3A_709 = arith.index_cast %get3A_706 : i32 to index
        %get3A_710 = arith.index_cast %add3A_705 : i32 to index
        %get3A_711 = tpu.vector_load %get3A_708[%get3A_709, %get3A_710] {strides = array<i32>} : memref<8x128xf32, #tpu.memory_space<vmem>>, vector<16xf32>,
        %max3A_712 = arith.maximumf %max3A_675, %get3A_711 : vector<16xf32>
        %add3A_713 = arith.constant 32 : i32
        %add3A_714 = arith.addi %multiple_of3A_696, %add3A_713 : i32
        %get3A_715 = arith.constant 5 : i32
        %get3A_716 = arith.constant 0 : i32
        %get3A_717 = tpu.memref_slice %arg9[%multiple_of3A_499, %get3A_716] : memref<104x128xf32, #tpu.memory_space<vmem>> -> memref<8x128xf32, #tpu.memory_space<vmem>>
        %get3A_718 = arith.index_cast %get3A_715 : i32 to index
        %get3A_719 = arith.index_cast %add3A_714 : i32 to index
        %get3A_720 = tpu.vector_load %get3A_717[%get3A_718, %get3A_719] {strides = array<i32>} : memref<8x128xf32, #tpu.memory_space<vmem>>, vector<16xf32>,
        %max3A_721 = arith.maximumf %max3A_684, %get3A_720 : vector<16xf32>
        %add3A_722 = arith.constant 48 : i32
        %add3A_723 = arith.addi %multiple_of3A_696, %add3A_722 : i32
        %get3A_724 = arith.constant 5 : i32
        %get3A_725 = arith.constant 0 : i32
        %get3A_726 = tpu.memref_slice %arg9[%multiple_of3A_499, %get3A_725] : memref<104x128xf32, #tpu.memory_space<vmem>> -> memref<8x128xf32, #tpu.memory_space<vmem>>
        %get3A_727 = arith.index_cast %get3A_724 : i32 to index
        %get3A_728 = arith.index_cast %add3A_723 : i32 to index
        %get3A_729 = tpu.vector_load %get3A_726[%get3A_727, %get3A_728] {strides = array<i32>} : memref<8x128xf32, #tpu.memory_space<vmem>>, vector<16xf32>,
        %max3A_730 = arith.maximumf %max3A_693, %get3A_729 : vector<16xf32>
        %slice3A_731 = vector.extract_strided_slice %get3A_509 {offsets = [6], sizes = [1], strides = [1]} : vector<16xi32> to vector<1xi32>
        %squeeze3A_732 = vector.extract %slice3A_731[0] : i32 from vector<1xi32>
        %multiple_of3A_733 = tpu.assume_multiple %squeeze3A_732, 8 : i32
        %get3A_734 = arith.constant 6 : i32
        %get3A_735 = arith.constant 0 : i32
        %get3A_736 = tpu.memref_slice %arg9[%multiple_of3A_499, %get3A_735] : memref<104x128xf32, #tpu.memory_space<vmem>> -> memref<8x128xf32, #tpu.memory_space<vmem>>
        %get3A_737 = arith.index_cast %get3A_734 : i32 to index
        %get3A_738 = arith.index_cast %multiple_of3A_733 : i32 to index
        %get3A_739 = tpu.vector_load %get3A_736[%get3A_737, %get3A_738] {strides = array<i32>} : memref<8x128xf32, #tpu.memory_space<vmem>>, vector<16xf32>,
        %max3A_740 = arith.maximumf %max3A_703, %get3A_739 : vector<16xf32>
        %add3A_741 = arith.constant 16 : i32
        %add3A_742 = arith.addi %multiple_of3A_733, %add3A_741 : i32
        %get3A_743 = arith.constant 6 : i32
        %get3A_744 = arith.constant 0 : i32
        %get3A_745 = tpu.memref_slice %arg9[%multiple_of3A_499, %get3A_744] : memref<104x128xf32, #tpu.memory_space<vmem>> -> memref<8x128xf32, #tpu.memory_space<vmem>>
        %get3A_746 = arith.index_cast %get3A_743 : i32 to index
        %get3A_747 = arith.index_cast %add3A_742 : i32 to index
        %get3A_748 = tpu.vector_load %get3A_745[%get3A_746, %get3A_747] {strides = array<i32>} : memref<8x128xf32, #tpu.memory_space<vmem>>, vector<16xf32>,
        %max3A_749 = arith.maximumf %max3A_712, %get3A_748 : vector<16xf32>
        %add3A_750 = arith.constant 32 : i32
        %add3A_751 = arith.addi %multiple_of3A_733, %add3A_750 : i32
        %get3A_752 = arith.constant 6 : i32
        %get3A_753 = arith.constant 0 : i32
        %get3A_754 = tpu.memref_slice %arg9[%multiple_of3A_499, %get3A_753] : memref<104x128xf32, #tpu.memory_space<vmem>> -> memref<8x128xf32, #tpu.memory_space<vmem>>
        %get3A_755 = arith.index_cast %get3A_752 : i32 to index
        %get3A_756 = arith.index_cast %add3A_751 : i32 to index
        %get3A_757 = tpu.vector_load %get3A_754[%get3A_755, %get3A_756] {strides = array<i32>} : memref<8x128xf32, #tpu.memory_space<vmem>>, vector<16xf32>,
        %max3A_758 = arith.maximumf %max3A_721, %get3A_757 : vector<16xf32>
        %add3A_759 = arith.constant 48 : i32
        %add3A_760 = arith.addi %multiple_of3A_733, %add3A_759 : i32
        %get3A_761 = arith.constant 6 : i32
        %get3A_762 = arith.constant 0 : i32
        %get3A_763 = tpu.memref_slice %arg9[%multiple_of3A_499, %get3A_762] : memref<104x128xf32, #tpu.memory_space<vmem>> -> memref<8x128xf32, #tpu.memory_space<vmem>>
        %get3A_764 = arith.index_cast %get3A_761 : i32 to index
        %get3A_765 = arith.index_cast %add3A_760 : i32 to index
        %get3A_766 = tpu.vector_load %get3A_763[%get3A_764, %get3A_765] {strides = array<i32>} : memref<8x128xf32, #tpu.memory_space<vmem>>, vector<16xf32>,
        %max3A_767 = arith.maximumf %max3A_730, %get3A_766 : vector<16xf32>
        %slice3A_768 = vector.extract_strided_slice %get3A_509 {offsets = [7], sizes = [1], strides = [1]} : vector<16xi32> to vector<1xi32>
        %squeeze3A_769 = vector.extract %slice3A_768[0] : i32 from vector<1xi32>
        %multiple_of3A_770 = tpu.assume_multiple %squeeze3A_769, 8 : i32
        %get3A_771 = arith.constant 7 : i32
        %get3A_772 = arith.constant 0 : i32
        %get3A_773 = tpu.memref_slice %arg9[%multiple_of3A_499, %get3A_772] : memref<104x128xf32, #tpu.memory_space<vmem>> -> memref<8x128xf32, #tpu.memory_space<vmem>>
        %get3A_774 = arith.index_cast %get3A_771 : i32 to index
        %get3A_775 = arith.index_cast %multiple_of3A_770 : i32 to index
        %get3A_776 = tpu.vector_load %get3A_773[%get3A_774, %get3A_775] {strides = array<i32>} : memref<8x128xf32, #tpu.memory_space<vmem>>, vector<16xf32>,
        %max3A_777 = arith.maximumf %max3A_740, %get3A_776 : vector<16xf32>
        %add3A_778 = arith.constant 16 : i32
        %add3A_779 = arith.addi %multiple_of3A_770, %add3A_778 : i32
        %get3A_780 = arith.constant 7 : i32
        %get3A_781 = arith.constant 0 : i32
        %get3A_782 = tpu.memref_slice %arg9[%multiple_of3A_499, %get3A_781] : memref<104x128xf32, #tpu.memory_space<vmem>> -> memref<8x128xf32, #tpu.memory_space<vmem>>
        %get3A_783 = arith.index_cast %get3A_780 : i32 to index
        %get3A_784 = arith.index_cast %add3A_779 : i32 to index
        %get3A_785 = tpu.vector_load %get3A_782[%get3A_783, %get3A_784] {strides = array<i32>} : memref<8x128xf32, #tpu.memory_space<vmem>>, vector<16xf32>,
        %max3A_786 = arith.maximumf %max3A_749, %get3A_785 : vector<16xf32>
        %add3A_787 = arith.constant 32 : i32
        %add3A_788 = arith.addi %multiple_of3A_770, %add3A_787 : i32
        %get3A_789 = arith.constant 7 : i32
        %get3A_790 = arith.constant 0 : i32
        %get3A_791 = tpu.memref_slice %arg9[%multiple_of3A_499, %get3A_790] : memref<104x128xf32, #tpu.memory_space<vmem>> -> memref<8x128xf32, #tpu.memory_space<vmem>>
        %get3A_792 = arith.index_cast %get3A_789 : i32 to index
        %get3A_793 = arith.index_cast %add3A_788 : i32 to index
        %get3A_794 = tpu.vector_load %get3A_791[%get3A_792, %get3A_793] {strides = array<i32>} : memref<8x128xf32, #tpu.memory_space<vmem>>, vector<16xf32>,
        %max3A_795 = arith.maximumf %max3A_758, %get3A_794 : vector<16xf32>
        %add3A_796 = arith.constant 48 : i32
        %add3A_797 = arith.addi %multiple_of3A_770, %add3A_796 : i32
        %get3A_798 = arith.constant 7 : i32
        %get3A_799 = arith.constant 0 : i32
        %get3A_800 = tpu.memref_slice %arg9[%multiple_of3A_499, %get3A_799] : memref<104x128xf32, #tpu.memory_space<vmem>> -> memref<8x128xf32, #tpu.memory_space<vmem>>
        %get3A_801 = arith.index_cast %get3A_798 : i32 to index
        %get3A_802 = arith.index_cast %add3A_797 : i32 to index
        %get3A_803 = tpu.vector_load %get3A_800[%get3A_801, %get3A_802] {strides = array<i32>} : memref<8x128xf32, #tpu.memory_space<vmem>>, vector<16xf32>,
        %max3A_804 = arith.maximumf %max3A_767, %get3A_803 : vector<16xf32>
        scf.yield %max3A_777, %max3A_786, %max3A_795, %max3A_804 : vector<16xf32>, vector<16xf32>, vector<16xf32>, vector<16xf32>
      }
      %scan3A_265 = arith.constant 13 : i32
      %scan3A_266 = arith.constant 0 : i32
      %scan3A_267 = arith.constant 12 : i32
      %scan3A_268 = arith.addi %scan3A_266, %scan3A_267 : i32
      %scan3A_269 = arith.constant 1 : i32
      %scan3A_270:4 = scf.for %scan3A_492 = %scan3A_266 to %scan3A_268 step %scan3A_269 iter_args(%scan3A_493 = %scan3A_264#0, %scan3A_494 = %scan3A_264#1, %scan3A_495 = %scan3A_264#2, %scan3A_496 = %scan3A_264#3) -> (vector<16xf32>, vector<16xf32>, vector<16xf32>, vector<16xf32>)  : i32 {
        %mul3A_497 = arith.constant 8 : i32
        %mul3A_498 = arith.muli %scan3A_492, %mul3A_497 : i32
        %multiple_of3A_499 = tpu.assume_multiple %mul3A_498, 8 : i32
        %mul3A_500 = arith.constant 200 : i32
        %mul3A_501 = arith.muli %mul3A_241, %mul3A_500 : i32
        %add3A_502 = arith.constant 104 : i32
        %add3A_503 = arith.addi %mul3A_501, %add3A_502 : i32
        %mul3A_504 = arith.constant 8 : i32
        %mul3A_505 = arith.muli %scan3A_492, %mul3A_504 : i32
        %add3A_506 = arith.addi %add3A_503, %mul3A_505 : i32
        %multiple_of3A_507 = tpu.assume_multiple %add3A_506, 8 : i32
        %get3A_508 = arith.index_cast %multiple_of3A_507 : i32 to index
        %get3A_509 = tpu.vector_load %arg8[%get3A_508] {strides = array<i32>} : memref<25600xi32, #tpu.memory_space<vmem>>, vector<16xi32>,
        %slice3A_510 = vector.extract_strided_slice %get3A_509 {offsets = [0], sizes = [1], strides = [1]} : vector<16xi32> to vector<1xi32>
        %squeeze3A_511 = vector.extract %slice3A_510[0] : i32 from vector<1xi32>
        %multiple_of3A_512 = tpu.assume_multiple %squeeze3A_511, 8 : i32
        %get3A_513 = arith.constant 0 : i32
        %get3A_514 = arith.constant 0 : i32
        %get3A_515 = tpu.memref_slice %arg10[%multiple_of3A_499, %get3A_514] : memref<96x128xf32, #tpu.memory_space<vmem>> -> memref<8x128xf32, #tpu.memory_space<vmem>>
        %get3A_516 = arith.index_cast %get3A_513 : i32 to index
        %get3A_517 = arith.index_cast %multiple_of3A_512 : i32 to index
        %get3A_518 = tpu.vector_load %get3A_515[%get3A_516, %get3A_517] {strides = array<i32>} : memref<8x128xf32, #tpu.memory_space<vmem>>, vector<16xf32>,
        %max3A = arith.maximumf %scan3A_493, %get3A_518 : vector<16xf32>
        %add3A_519 = arith.constant 16 : i32
        %add3A_520 = arith.addi %multiple_of3A_512, %add3A_519 : i32
        %get3A_521 = arith.constant 0 : i32
        %get3A_522 = arith.constant 0 : i32
        %get3A_523 = tpu.memref_slice %arg10[%multiple_of3A_499, %get3A_522] : memref<96x128xf32, #tpu.memory_space<vmem>> -> memref<8x128xf32, #tpu.memory_space<vmem>>
        %get3A_524 = arith.index_cast %get3A_521 : i32 to index
        %get3A_525 = arith.index_cast %add3A_520 : i32 to index
        %get3A_526 = tpu.vector_load %get3A_523[%get3A_524, %get3A_525] {strides = array<i32>} : memref<8x128xf32, #tpu.memory_space<vmem>>, vector<16xf32>,
        %max3A_527 = arith.maximumf %scan3A_494, %get3A_526 : vector<16xf32>
        %add3A_528 = arith.constant 32 : i32
        %add3A_529 = arith.addi %multiple_of3A_512, %add3A_528 : i32
        %get3A_530 = arith.constant 0 : i32
        %get3A_531 = arith.constant 0 : i32
        %get3A_532 = tpu.memref_slice %arg10[%multiple_of3A_499, %get3A_531] : memref<96x128xf32, #tpu.memory_space<vmem>> -> memref<8x128xf32, #tpu.memory_space<vmem>>
        %get3A_533 = arith.index_cast %get3A_530 : i32 to index
        %get3A_534 = arith.index_cast %add3A_529 : i32 to index
        %get3A_535 = tpu.vector_load %get3A_532[%get3A_533, %get3A_534] {strides = array<i32>} : memref<8x128xf32, #tpu.memory_space<vmem>>, vector<16xf32>,
        %max3A_536 = arith.maximumf %scan3A_495, %get3A_535 : vector<16xf32>
        %add3A_537 = arith.constant 48 : i32
        %add3A_538 = arith.addi %multiple_of3A_512, %add3A_537 : i32
        %get3A_539 = arith.constant 0 : i32
        %get3A_540 = arith.constant 0 : i32
        %get3A_541 = tpu.memref_slice %arg10[%multiple_of3A_499, %get3A_540] : memref<96x128xf32, #tpu.memory_space<vmem>> -> memref<8x128xf32, #tpu.memory_space<vmem>>
        %get3A_542 = arith.index_cast %get3A_539 : i32 to index
        %get3A_543 = arith.index_cast %add3A_538 : i32 to index
        %get3A_544 = tpu.vector_load %get3A_541[%get3A_542, %get3A_543] {strides = array<i32>} : memref<8x128xf32, #tpu.memory_space<vmem>>, vector<16xf32>,
        %max3A_545 = arith.maximumf %scan3A_496, %get3A_544 : vector<16xf32>
        %slice3A_546 = vector.extract_strided_slice %get3A_509 {offsets = [1], sizes = [1], strides = [1]} : vector<16xi32> to vector<1xi32>
        %squeeze3A_547 = vector.extract %slice3A_546[0] : i32 from vector<1xi32>
        %multiple_of3A_548 = tpu.assume_multiple %squeeze3A_547, 8 : i32
        %get3A_549 = arith.constant 1 : i32
        %get3A_550 = arith.constant 0 : i32
        %get3A_551 = tpu.memref_slice %arg10[%multiple_of3A_499, %get3A_550] : memref<96x128xf32, #tpu.memory_space<vmem>> -> memref<8x128xf32, #tpu.memory_space<vmem>>
        %get3A_552 = arith.index_cast %get3A_549 : i32 to index
        %get3A_553 = arith.index_cast %multiple_of3A_548 : i32 to index
        %get3A_554 = tpu.vector_load %get3A_551[%get3A_552, %get3A_553] {strides = array<i32>} : memref<8x128xf32, #tpu.memory_space<vmem>>, vector<16xf32>,
        %max3A_555 = arith.maximumf %max3A, %get3A_554 : vector<16xf32>
        %add3A_556 = arith.constant 16 : i32
        %add3A_557 = arith.addi %multiple_of3A_548, %add3A_556 : i32
        %get3A_558 = arith.constant 1 : i32
        %get3A_559 = arith.constant 0 : i32
        %get3A_560 = tpu.memref_slice %arg10[%multiple_of3A_499, %get3A_559] : memref<96x128xf32, #tpu.memory_space<vmem>> -> memref<8x128xf32, #tpu.memory_space<vmem>>
        %get3A_561 = arith.index_cast %get3A_558 : i32 to index
        %get3A_562 = arith.index_cast %add3A_557 : i32 to index
        %get3A_563 = tpu.vector_load %get3A_560[%get3A_561, %get3A_562] {strides = array<i32>} : memref<8x128xf32, #tpu.memory_space<vmem>>, vector<16xf32>,
        %max3A_564 = arith.maximumf %max3A_527, %get3A_563 : vector<16xf32>
        %add3A_565 = arith.constant 32 : i32
        %add3A_566 = arith.addi %multiple_of3A_548, %add3A_565 : i32
        %get3A_567 = arith.constant 1 : i32
        %get3A_568 = arith.constant 0 : i32
        %get3A_569 = tpu.memref_slice %arg10[%multiple_of3A_499, %get3A_568] : memref<96x128xf32, #tpu.memory_space<vmem>> -> memref<8x128xf32, #tpu.memory_space<vmem>>
        %get3A_570 = arith.index_cast %get3A_567 : i32 to index
        %get3A_571 = arith.index_cast %add3A_566 : i32 to index
        %get3A_572 = tpu.vector_load %get3A_569[%get3A_570, %get3A_571] {strides = array<i32>} : memref<8x128xf32, #tpu.memory_space<vmem>>, vector<16xf32>,
        %max3A_573 = arith.maximumf %max3A_536, %get3A_572 : vector<16xf32>
        %add3A_574 = arith.constant 48 : i32
        %add3A_575 = arith.addi %multiple_of3A_548, %add3A_574 : i32
        %get3A_576 = arith.constant 1 : i32
        %get3A_577 = arith.constant 0 : i32
        %get3A_578 = tpu.memref_slice %arg10[%multiple_of3A_499, %get3A_577] : memref<96x128xf32, #tpu.memory_space<vmem>> -> memref<8x128xf32, #tpu.memory_space<vmem>>
        %get3A_579 = arith.index_cast %get3A_576 : i32 to index
        %get3A_580 = arith.index_cast %add3A_575 : i32 to index
        %get3A_581 = tpu.vector_load %get3A_578[%get3A_579, %get3A_580] {strides = array<i32>} : memref<8x128xf32, #tpu.memory_space<vmem>>, vector<16xf32>,
        %max3A_582 = arith.maximumf %max3A_545, %get3A_581 : vector<16xf32>
        %slice3A_583 = vector.extract_strided_slice %get3A_509 {offsets = [2], sizes = [1], strides = [1]} : vector<16xi32> to vector<1xi32>
        %squeeze3A_584 = vector.extract %slice3A_583[0] : i32 from vector<1xi32>
        %multiple_of3A_585 = tpu.assume_multiple %squeeze3A_584, 8 : i32
        %get3A_586 = arith.constant 2 : i32
        %get3A_587 = arith.constant 0 : i32
        %get3A_588 = tpu.memref_slice %arg10[%multiple_of3A_499, %get3A_587] : memref<96x128xf32, #tpu.memory_space<vmem>> -> memref<8x128xf32, #tpu.memory_space<vmem>>
        %get3A_589 = arith.index_cast %get3A_586 : i32 to index
        %get3A_590 = arith.index_cast %multiple_of3A_585 : i32 to index
        %get3A_591 = tpu.vector_load %get3A_588[%get3A_589, %get3A_590] {strides = array<i32>} : memref<8x128xf32, #tpu.memory_space<vmem>>, vector<16xf32>,
        %max3A_592 = arith.maximumf %max3A_555, %get3A_591 : vector<16xf32>
        %add3A_593 = arith.constant 16 : i32
        %add3A_594 = arith.addi %multiple_of3A_585, %add3A_593 : i32
        %get3A_595 = arith.constant 2 : i32
        %get3A_596 = arith.constant 0 : i32
        %get3A_597 = tpu.memref_slice %arg10[%multiple_of3A_499, %get3A_596] : memref<96x128xf32, #tpu.memory_space<vmem>> -> memref<8x128xf32, #tpu.memory_space<vmem>>
        %get3A_598 = arith.index_cast %get3A_595 : i32 to index
        %get3A_599 = arith.index_cast %add3A_594 : i32 to index
        %get3A_600 = tpu.vector_load %get3A_597[%get3A_598, %get3A_599] {strides = array<i32>} : memref<8x128xf32, #tpu.memory_space<vmem>>, vector<16xf32>,
        %max3A_601 = arith.maximumf %max3A_564, %get3A_600 : vector<16xf32>
        %add3A_602 = arith.constant 32 : i32
        %add3A_603 = arith.addi %multiple_of3A_585, %add3A_602 : i32
        %get3A_604 = arith.constant 2 : i32
        %get3A_605 = arith.constant 0 : i32
        %get3A_606 = tpu.memref_slice %arg10[%multiple_of3A_499, %get3A_605] : memref<96x128xf32, #tpu.memory_space<vmem>> -> memref<8x128xf32, #tpu.memory_space<vmem>>
        %get3A_607 = arith.index_cast %get3A_604 : i32 to index
        %get3A_608 = arith.index_cast %add3A_603 : i32 to index
        %get3A_609 = tpu.vector_load %get3A_606[%get3A_607, %get3A_608] {strides = array<i32>} : memref<8x128xf32, #tpu.memory_space<vmem>>, vector<16xf32>,
        %max3A_610 = arith.maximumf %max3A_573, %get3A_609 : vector<16xf32>
        %add3A_611 = arith.constant 48 : i32
        %add3A_612 = arith.addi %multiple_of3A_585, %add3A_611 : i32
        %get3A_613 = arith.constant 2 : i32
        %get3A_614 = arith.constant 0 : i32
        %get3A_615 = tpu.memref_slice %arg10[%multiple_of3A_499, %get3A_614] : memref<96x128xf32, #tpu.memory_space<vmem>> -> memref<8x128xf32, #tpu.memory_space<vmem>>
        %get3A_616 = arith.index_cast %get3A_613 : i32 to index
        %get3A_617 = arith.index_cast %add3A_612 : i32 to index
        %get3A_618 = tpu.vector_load %get3A_615[%get3A_616, %get3A_617] {strides = array<i32>} : memref<8x128xf32, #tpu.memory_space<vmem>>, vector<16xf32>,
        %max3A_619 = arith.maximumf %max3A_582, %get3A_618 : vector<16xf32>
        %slice3A_620 = vector.extract_strided_slice %get3A_509 {offsets = [3], sizes = [1], strides = [1]} : vector<16xi32> to vector<1xi32>
        %squeeze3A_621 = vector.extract %slice3A_620[0] : i32 from vector<1xi32>
        %multiple_of3A_622 = tpu.assume_multiple %squeeze3A_621, 8 : i32
        %get3A_623 = arith.constant 3 : i32
        %get3A_624 = arith.constant 0 : i32
        %get3A_625 = tpu.memref_slice %arg10[%multiple_of3A_499, %get3A_624] : memref<96x128xf32, #tpu.memory_space<vmem>> -> memref<8x128xf32, #tpu.memory_space<vmem>>
        %get3A_626 = arith.index_cast %get3A_623 : i32 to index
        %get3A_627 = arith.index_cast %multiple_of3A_622 : i32 to index
        %get3A_628 = tpu.vector_load %get3A_625[%get3A_626, %get3A_627] {strides = array<i32>} : memref<8x128xf32, #tpu.memory_space<vmem>>, vector<16xf32>,
        %max3A_629 = arith.maximumf %max3A_592, %get3A_628 : vector<16xf32>
        %add3A_630 = arith.constant 16 : i32
        %add3A_631 = arith.addi %multiple_of3A_622, %add3A_630 : i32
        %get3A_632 = arith.constant 3 : i32
        %get3A_633 = arith.constant 0 : i32
        %get3A_634 = tpu.memref_slice %arg10[%multiple_of3A_499, %get3A_633] : memref<96x128xf32, #tpu.memory_space<vmem>> -> memref<8x128xf32, #tpu.memory_space<vmem>>
        %get3A_635 = arith.index_cast %get3A_632 : i32 to index
        %get3A_636 = arith.index_cast %add3A_631 : i32 to index
        %get3A_637 = tpu.vector_load %get3A_634[%get3A_635, %get3A_636] {strides = array<i32>} : memref<8x128xf32, #tpu.memory_space<vmem>>, vector<16xf32>,
        %max3A_638 = arith.maximumf %max3A_601, %get3A_637 : vector<16xf32>
        %add3A_639 = arith.constant 32 : i32
        %add3A_640 = arith.addi %multiple_of3A_622, %add3A_639 : i32
        %get3A_641 = arith.constant 3 : i32
        %get3A_642 = arith.constant 0 : i32
        %get3A_643 = tpu.memref_slice %arg10[%multiple_of3A_499, %get3A_642] : memref<96x128xf32, #tpu.memory_space<vmem>> -> memref<8x128xf32, #tpu.memory_space<vmem>>
        %get3A_644 = arith.index_cast %get3A_641 : i32 to index
        %get3A_645 = arith.index_cast %add3A_640 : i32 to index
        %get3A_646 = tpu.vector_load %get3A_643[%get3A_644, %get3A_645] {strides = array<i32>} : memref<8x128xf32, #tpu.memory_space<vmem>>, vector<16xf32>,
        %max3A_647 = arith.maximumf %max3A_610, %get3A_646 : vector<16xf32>
        %add3A_648 = arith.constant 48 : i32
        %add3A_649 = arith.addi %multiple_of3A_622, %add3A_648 : i32
        %get3A_650 = arith.constant 3 : i32
        %get3A_651 = arith.constant 0 : i32
        %get3A_652 = tpu.memref_slice %arg10[%multiple_of3A_499, %get3A_651] : memref<96x128xf32, #tpu.memory_space<vmem>> -> memref<8x128xf32, #tpu.memory_space<vmem>>
        %get3A_653 = arith.index_cast %get3A_650 : i32 to index
        %get3A_654 = arith.index_cast %add3A_649 : i32 to index
        %get3A_655 = tpu.vector_load %get3A_652[%get3A_653, %get3A_654] {strides = array<i32>} : memref<8x128xf32, #tpu.memory_space<vmem>>, vector<16xf32>,
        %max3A_656 = arith.maximumf %max3A_619, %get3A_655 : vector<16xf32>
        %slice3A_657 = vector.extract_strided_slice %get3A_509 {offsets = [4], sizes = [1], strides = [1]} : vector<16xi32> to vector<1xi32>
        %squeeze3A_658 = vector.extract %slice3A_657[0] : i32 from vector<1xi32>
        %multiple_of3A_659 = tpu.assume_multiple %squeeze3A_658, 8 : i32
        %get3A_660 = arith.constant 4 : i32
        %get3A_661 = arith.constant 0 : i32
        %get3A_662 = tpu.memref_slice %arg10[%multiple_of3A_499, %get3A_661] : memref<96x128xf32, #tpu.memory_space<vmem>> -> memref<8x128xf32, #tpu.memory_space<vmem>>
        %get3A_663 = arith.index_cast %get3A_660 : i32 to index
        %get3A_664 = arith.index_cast %multiple_of3A_659 : i32 to index
        %get3A_665 = tpu.vector_load %get3A_662[%get3A_663, %get3A_664] {strides = array<i32>} : memref<8x128xf32, #tpu.memory_space<vmem>>, vector<16xf32>,
        %max3A_666 = arith.maximumf %max3A_629, %get3A_665 : vector<16xf32>
        %add3A_667 = arith.constant 16 : i32
        %add3A_668 = arith.addi %multiple_of3A_659, %add3A_667 : i32
        %get3A_669 = arith.constant 4 : i32
        %get3A_670 = arith.constant 0 : i32
        %get3A_671 = tpu.memref_slice %arg10[%multiple_of3A_499, %get3A_670] : memref<96x128xf32, #tpu.memory_space<vmem>> -> memref<8x128xf32, #tpu.memory_space<vmem>>
        %get3A_672 = arith.index_cast %get3A_669 : i32 to index
        %get3A_673 = arith.index_cast %add3A_668 : i32 to index
        %get3A_674 = tpu.vector_load %get3A_671[%get3A_672, %get3A_673] {strides = array<i32>} : memref<8x128xf32, #tpu.memory_space<vmem>>, vector<16xf32>,
        %max3A_675 = arith.maximumf %max3A_638, %get3A_674 : vector<16xf32>
        %add3A_676 = arith.constant 32 : i32
        %add3A_677 = arith.addi %multiple_of3A_659, %add3A_676 : i32
        %get3A_678 = arith.constant 4 : i32
        %get3A_679 = arith.constant 0 : i32
        %get3A_680 = tpu.memref_slice %arg10[%multiple_of3A_499, %get3A_679] : memref<96x128xf32, #tpu.memory_space<vmem>> -> memref<8x128xf32, #tpu.memory_space<vmem>>
        %get3A_681 = arith.index_cast %get3A_678 : i32 to index
        %get3A_682 = arith.index_cast %add3A_677 : i32 to index
        %get3A_683 = tpu.vector_load %get3A_680[%get3A_681, %get3A_682] {strides = array<i32>} : memref<8x128xf32, #tpu.memory_space<vmem>>, vector<16xf32>,
        %max3A_684 = arith.maximumf %max3A_647, %get3A_683 : vector<16xf32>
        %add3A_685 = arith.constant 48 : i32
        %add3A_686 = arith.addi %multiple_of3A_659, %add3A_685 : i32
        %get3A_687 = arith.constant 4 : i32
        %get3A_688 = arith.constant 0 : i32
        %get3A_689 = tpu.memref_slice %arg10[%multiple_of3A_499, %get3A_688] : memref<96x128xf32, #tpu.memory_space<vmem>> -> memref<8x128xf32, #tpu.memory_space<vmem>>
        %get3A_690 = arith.index_cast %get3A_687 : i32 to index
        %get3A_691 = arith.index_cast %add3A_686 : i32 to index
        %get3A_692 = tpu.vector_load %get3A_689[%get3A_690, %get3A_691] {strides = array<i32>} : memref<8x128xf32, #tpu.memory_space<vmem>>, vector<16xf32>,
        %max3A_693 = arith.maximumf %max3A_656, %get3A_692 : vector<16xf32>
        %slice3A_694 = vector.extract_strided_slice %get3A_509 {offsets = [5], sizes = [1], strides = [1]} : vector<16xi32> to vector<1xi32>
        %squeeze3A_695 = vector.extract %slice3A_694[0] : i32 from vector<1xi32>
        %multiple_of3A_696 = tpu.assume_multiple %squeeze3A_695, 8 : i32
        %get3A_697 = arith.constant 5 : i32
        %get3A_698 = arith.constant 0 : i32
        %get3A_699 = tpu.memref_slice %arg10[%multiple_of3A_499, %get3A_698] : memref<96x128xf32, #tpu.memory_space<vmem>> -> memref<8x128xf32, #tpu.memory_space<vmem>>
        %get3A_700 = arith.index_cast %get3A_697 : i32 to index
        %get3A_701 = arith.index_cast %multiple_of3A_696 : i32 to index
        %get3A_702 = tpu.vector_load %get3A_699[%get3A_700, %get3A_701] {strides = array<i32>} : memref<8x128xf32, #tpu.memory_space<vmem>>, vector<16xf32>,
        %max3A_703 = arith.maximumf %max3A_666, %get3A_702 : vector<16xf32>
        %add3A_704 = arith.constant 16 : i32
        %add3A_705 = arith.addi %multiple_of3A_696, %add3A_704 : i32
        %get3A_706 = arith.constant 5 : i32
        %get3A_707 = arith.constant 0 : i32
        %get3A_708 = tpu.memref_slice %arg10[%multiple_of3A_499, %get3A_707] : memref<96x128xf32, #tpu.memory_space<vmem>> -> memref<8x128xf32, #tpu.memory_space<vmem>>
        %get3A_709 = arith.index_cast %get3A_706 : i32 to index
        %get3A_710 = arith.index_cast %add3A_705 : i32 to index
        %get3A_711 = tpu.vector_load %get3A_708[%get3A_709, %get3A_710] {strides = array<i32>} : memref<8x128xf32, #tpu.memory_space<vmem>>, vector<16xf32>,
        %max3A_712 = arith.maximumf %max3A_675, %get3A_711 : vector<16xf32>
        %add3A_713 = arith.constant 32 : i32
        %add3A_714 = arith.addi %multiple_of3A_696, %add3A_713 : i32
        %get3A_715 = arith.constant 5 : i32
        %get3A_716 = arith.constant 0 : i32
        %get3A_717 = tpu.memref_slice %arg10[%multiple_of3A_499, %get3A_716] : memref<96x128xf32, #tpu.memory_space<vmem>> -> memref<8x128xf32, #tpu.memory_space<vmem>>
        %get3A_718 = arith.index_cast %get3A_715 : i32 to index
        %get3A_719 = arith.index_cast %add3A_714 : i32 to index
        %get3A_720 = tpu.vector_load %get3A_717[%get3A_718, %get3A_719] {strides = array<i32>} : memref<8x128xf32, #tpu.memory_space<vmem>>, vector<16xf32>,
        %max3A_721 = arith.maximumf %max3A_684, %get3A_720 : vector<16xf32>
        %add3A_722 = arith.constant 48 : i32
        %add3A_723 = arith.addi %multiple_of3A_696, %add3A_722 : i32
        %get3A_724 = arith.constant 5 : i32
        %get3A_725 = arith.constant 0 : i32
        %get3A_726 = tpu.memref_slice %arg10[%multiple_of3A_499, %get3A_725] : memref<96x128xf32, #tpu.memory_space<vmem>> -> memref<8x128xf32, #tpu.memory_space<vmem>>
        %get3A_727 = arith.index_cast %get3A_724 : i32 to index
        %get3A_728 = arith.index_cast %add3A_723 : i32 to index
        %get3A_729 = tpu.vector_load %get3A_726[%get3A_727, %get3A_728] {strides = array<i32>} : memref<8x128xf32, #tpu.memory_space<vmem>>, vector<16xf32>,
        %max3A_730 = arith.maximumf %max3A_693, %get3A_729 : vector<16xf32>
        %slice3A_731 = vector.extract_strided_slice %get3A_509 {offsets = [6], sizes = [1], strides = [1]} : vector<16xi32> to vector<1xi32>
        %squeeze3A_732 = vector.extract %slice3A_731[0] : i32 from vector<1xi32>
        %multiple_of3A_733 = tpu.assume_multiple %squeeze3A_732, 8 : i32
        %get3A_734 = arith.constant 6 : i32
        %get3A_735 = arith.constant 0 : i32
        %get3A_736 = tpu.memref_slice %arg10[%multiple_of3A_499, %get3A_735] : memref<96x128xf32, #tpu.memory_space<vmem>> -> memref<8x128xf32, #tpu.memory_space<vmem>>
        %get3A_737 = arith.index_cast %get3A_734 : i32 to index
        %get3A_738 = arith.index_cast %multiple_of3A_733 : i32 to index
        %get3A_739 = tpu.vector_load %get3A_736[%get3A_737, %get3A_738] {strides = array<i32>} : memref<8x128xf32, #tpu.memory_space<vmem>>, vector<16xf32>,
        %max3A_740 = arith.maximumf %max3A_703, %get3A_739 : vector<16xf32>
        %add3A_741 = arith.constant 16 : i32
        %add3A_742 = arith.addi %multiple_of3A_733, %add3A_741 : i32
        %get3A_743 = arith.constant 6 : i32
        %get3A_744 = arith.constant 0 : i32
        %get3A_745 = tpu.memref_slice %arg10[%multiple_of3A_499, %get3A_744] : memref<96x128xf32, #tpu.memory_space<vmem>> -> memref<8x128xf32, #tpu.memory_space<vmem>>
        %get3A_746 = arith.index_cast %get3A_743 : i32 to index
        %get3A_747 = arith.index_cast %add3A_742 : i32 to index
        %get3A_748 = tpu.vector_load %get3A_745[%get3A_746, %get3A_747] {strides = array<i32>} : memref<8x128xf32, #tpu.memory_space<vmem>>, vector<16xf32>,
        %max3A_749 = arith.maximumf %max3A_712, %get3A_748 : vector<16xf32>
        %add3A_750 = arith.constant 32 : i32
        %add3A_751 = arith.addi %multiple_of3A_733, %add3A_750 : i32
        %get3A_752 = arith.constant 6 : i32
        %get3A_753 = arith.constant 0 : i32
        %get3A_754 = tpu.memref_slice %arg10[%multiple_of3A_499, %get3A_753] : memref<96x128xf32, #tpu.memory_space<vmem>> -> memref<8x128xf32, #tpu.memory_space<vmem>>
        %get3A_755 = arith.index_cast %get3A_752 : i32 to index
        %get3A_756 = arith.index_cast %add3A_751 : i32 to index
        %get3A_757 = tpu.vector_load %get3A_754[%get3A_755, %get3A_756] {strides = array<i32>} : memref<8x128xf32, #tpu.memory_space<vmem>>, vector<16xf32>,
        %max3A_758 = arith.maximumf %max3A_721, %get3A_757 : vector<16xf32>
        %add3A_759 = arith.constant 48 : i32
        %add3A_760 = arith.addi %multiple_of3A_733, %add3A_759 : i32
        %get3A_761 = arith.constant 6 : i32
        %get3A_762 = arith.constant 0 : i32
        %get3A_763 = tpu.memref_slice %arg10[%multiple_of3A_499, %get3A_762] : memref<96x128xf32, #tpu.memory_space<vmem>> -> memref<8x128xf32, #tpu.memory_space<vmem>>
        %get3A_764 = arith.index_cast %get3A_761 : i32 to index
        %get3A_765 = arith.index_cast %add3A_760 : i32 to index
        %get3A_766 = tpu.vector_load %get3A_763[%get3A_764, %get3A_765] {strides = array<i32>} : memref<8x128xf32, #tpu.memory_space<vmem>>, vector<16xf32>,
        %max3A_767 = arith.maximumf %max3A_730, %get3A_766 : vector<16xf32>
        %slice3A_768 = vector.extract_strided_slice %get3A_509 {offsets = [7], sizes = [1], strides = [1]} : vector<16xi32> to vector<1xi32>
        %squeeze3A_769 = vector.extract %slice3A_768[0] : i32 from vector<1xi32>
        %multiple_of3A_770 = tpu.assume_multiple %squeeze3A_769, 8 : i32
        %get3A_771 = arith.constant 7 : i32
        %get3A_772 = arith.constant 0 : i32
        %get3A_773 = tpu.memref_slice %arg10[%multiple_of3A_499, %get3A_772] : memref<96x128xf32, #tpu.memory_space<vmem>> -> memref<8x128xf32, #tpu.memory_space<vmem>>
        %get3A_774 = arith.index_cast %get3A_771 : i32 to index
        %get3A_775 = arith.index_cast %multiple_of3A_770 : i32 to index
        %get3A_776 = tpu.vector_load %get3A_773[%get3A_774, %get3A_775] {strides = array<i32>} : memref<8x128xf32, #tpu.memory_space<vmem>>, vector<16xf32>,
        %max3A_777 = arith.maximumf %max3A_740, %get3A_776 : vector<16xf32>
        %add3A_778 = arith.constant 16 : i32
        %add3A_779 = arith.addi %multiple_of3A_770, %add3A_778 : i32
        %get3A_780 = arith.constant 7 : i32
        %get3A_781 = arith.constant 0 : i32
        %get3A_782 = tpu.memref_slice %arg10[%multiple_of3A_499, %get3A_781] : memref<96x128xf32, #tpu.memory_space<vmem>> -> memref<8x128xf32, #tpu.memory_space<vmem>>
        %get3A_783 = arith.index_cast %get3A_780 : i32 to index
        %get3A_784 = arith.index_cast %add3A_779 : i32 to index
        %get3A_785 = tpu.vector_load %get3A_782[%get3A_783, %get3A_784] {strides = array<i32>} : memref<8x128xf32, #tpu.memory_space<vmem>>, vector<16xf32>,
        %max3A_786 = arith.maximumf %max3A_749, %get3A_785 : vector<16xf32>
        %add3A_787 = arith.constant 32 : i32
        %add3A_788 = arith.addi %multiple_of3A_770, %add3A_787 : i32
        %get3A_789 = arith.constant 7 : i32
        %get3A_790 = arith.constant 0 : i32
        %get3A_791 = tpu.memref_slice %arg10[%multiple_of3A_499, %get3A_790] : memref<96x128xf32, #tpu.memory_space<vmem>> -> memref<8x128xf32, #tpu.memory_space<vmem>>
        %get3A_792 = arith.index_cast %get3A_789 : i32 to index
        %get3A_793 = arith.index_cast %add3A_788 : i32 to index
        %get3A_794 = tpu.vector_load %get3A_791[%get3A_792, %get3A_793] {strides = array<i32>} : memref<8x128xf32, #tpu.memory_space<vmem>>, vector<16xf32>,
        %max3A_795 = arith.maximumf %max3A_758, %get3A_794 : vector<16xf32>
        %add3A_796 = arith.constant 48 : i32
        %add3A_797 = arith.addi %multiple_of3A_770, %add3A_796 : i32
        %get3A_798 = arith.constant 7 : i32
        %get3A_799 = arith.constant 0 : i32
        %get3A_800 = tpu.memref_slice %arg10[%multiple_of3A_499, %get3A_799] : memref<96x128xf32, #tpu.memory_space<vmem>> -> memref<8x128xf32, #tpu.memory_space<vmem>>
        %get3A_801 = arith.index_cast %get3A_798 : i32 to index
        %get3A_802 = arith.index_cast %add3A_797 : i32 to index
        %get3A_803 = tpu.vector_load %get3A_800[%get3A_801, %get3A_802] {strides = array<i32>} : memref<8x128xf32, #tpu.memory_space<vmem>>, vector<16xf32>,
        %max3A_804 = arith.maximumf %max3A_767, %get3A_803 : vector<16xf32>
        scf.yield %max3A_777, %max3A_786, %max3A_795, %max3A_804 : vector<16xf32>, vector<16xf32>, vector<16xf32>, vector<16xf32>
      }
      %scan3A_271 = arith.constant 12 : i32
      %bitcast3A_272 = vector.bitcast %scan3A_270#0 : vector<16xf32> to vector<16xi32>
      %add3A_273 = arith.constant 32767 : i32
      %add3A_274 = vector.broadcast %add3A_273 : i32 to vector<16xi32>
      %add3A_275 = arith.addi %bitcast3A_272, %add3A_274 : vector<16xi32>
      %shift_right_logical3A_276 = arith.constant 16 : i32
      %shift_right_logical3A_277 = vector.broadcast %shift_right_logical3A_276 : i32 to vector<16xi32>
      %shift_right_logical3A_278 = arith.shrui %bitcast3A_272, %shift_right_logical3A_277 : vector<16xi32>
      %and3A_279 = arith.constant 1 : i32
      %and3A_280 = vector.broadcast %and3A_279 : i32 to vector<16xi32>
      %and3A_281 = arith.andi %shift_right_logical3A_278, %and3A_280 : vector<16xi32>
      %add3A_282 = arith.addi %add3A_275, %and3A_281 : vector<16xi32>
      %and3A_283 = arith.constant -65536 : i32
      %and3A_284 = vector.broadcast %and3A_283 : i32 to vector<16xi32>
      %and3A_285 = arith.andi %add3A_282, %and3A_284 : vector<16xi32>
      %bitcast3A_286 = vector.bitcast %and3A_285 : vector<16xi32> to vector<16xf32>
      %bitcast3A_287 = vector.bitcast %scan3A_270#1 : vector<16xf32> to vector<16xi32>
      %add3A_288 = arith.constant 32767 : i32
      %add3A_289 = vector.broadcast %add3A_288 : i32 to vector<16xi32>
      %add3A_290 = arith.addi %bitcast3A_287, %add3A_289 : vector<16xi32>
      %shift_right_logical3A_291 = arith.constant 16 : i32
      %shift_right_logical3A_292 = vector.broadcast %shift_right_logical3A_291 : i32 to vector<16xi32>
      %shift_right_logical3A_293 = arith.shrui %bitcast3A_287, %shift_right_logical3A_292 : vector<16xi32>
      %and3A_294 = arith.constant 1 : i32
      %and3A_295 = vector.broadcast %and3A_294 : i32 to vector<16xi32>
      %and3A_296 = arith.andi %shift_right_logical3A_293, %and3A_295 : vector<16xi32>
      %add3A_297 = arith.addi %add3A_290, %and3A_296 : vector<16xi32>
      %and3A_298 = arith.constant -65536 : i32
      %and3A_299 = vector.broadcast %and3A_298 : i32 to vector<16xi32>
      %and3A_300 = arith.andi %add3A_297, %and3A_299 : vector<16xi32>
      %bitcast3A_301 = vector.bitcast %and3A_300 : vector<16xi32> to vector<16xf32>
      %bitcast3A_302 = vector.bitcast %scan3A_270#2 : vector<16xf32> to vector<16xi32>
      %add3A_303 = arith.constant 32767 : i32
      %add3A_304 = vector.broadcast %add3A_303 : i32 to vector<16xi32>
      %add3A_305 = arith.addi %bitcast3A_302, %add3A_304 : vector<16xi32>
      %shift_right_logical3A_306 = arith.constant 16 : i32
      %shift_right_logical3A_307 = vector.broadcast %shift_right_logical3A_306 : i32 to vector<16xi32>
      %shift_right_logical3A_308 = arith.shrui %bitcast3A_302, %shift_right_logical3A_307 : vector<16xi32>
      %and3A_309 = arith.constant 1 : i32
      %and3A_310 = vector.broadcast %and3A_309 : i32 to vector<16xi32>
      %and3A_311 = arith.andi %shift_right_logical3A_308, %and3A_310 : vector<16xi32>
      %add3A_312 = arith.addi %add3A_305, %and3A_311 : vector<16xi32>
      %and3A_313 = arith.constant -65536 : i32
      %and3A_314 = vector.broadcast %and3A_313 : i32 to vector<16xi32>
      %and3A_315 = arith.andi %add3A_312, %and3A_314 : vector<16xi32>
      %bitcast3A_316 = vector.bitcast %and3A_315 : vector<16xi32> to vector<16xf32>
      %bitcast3A_317 = vector.bitcast %scan3A_270#3 : vector<16xf32> to vector<16xi32>
      %add3A_318 = arith.constant 32767 : i32
      %add3A_319 = vector.broadcast %add3A_318 : i32 to vector<16xi32>
      %add3A_320 = arith.addi %bitcast3A_317, %add3A_319 : vector<16xi32>
      %shift_right_logical3A_321 = arith.constant 16 : i32
      %shift_right_logical3A_322 = vector.broadcast %shift_right_logical3A_321 : i32 to vector<16xi32>
      %shift_right_logical3A_323 = arith.shrui %bitcast3A_317, %shift_right_logical3A_322 : vector<16xi32>
      %and3A_324 = arith.constant 1 : i32
      %and3A_325 = vector.broadcast %and3A_324 : i32 to vector<16xi32>
      %and3A_326 = arith.andi %shift_right_logical3A_323, %and3A_325 : vector<16xi32>
      %add3A_327 = arith.addi %add3A_320, %and3A_326 : vector<16xi32>
      %and3A_328 = arith.constant -65536 : i32
      %and3A_329 = vector.broadcast %and3A_328 : i32 to vector<16xi32>
      %and3A_330 = arith.andi %add3A_327, %and3A_329 : vector<16xi32>
      %bitcast3A_331 = vector.bitcast %and3A_330 : vector<16xi32> to vector<16xf32>
      %mul3A_332 = arith.mulf %bitcast3A_286, %get3A_3 : vector<16xf32>
      %mul3A_333 = arith.mulf %bitcast3A_301, %get3A_5 : vector<16xf32>
      %add3A_334 = arith.addf %mul3A_332, %mul3A_333 : vector<16xf32>
      %mul3A_335 = arith.mulf %bitcast3A_316, %get3A_7 : vector<16xf32>
      %add3A_336 = arith.addf %add3A_334, %mul3A_335 : vector<16xf32>
      %mul3A_337 = arith.mulf %bitcast3A_331, %get3A_9 : vector<16xf32>
      %add3A_338 = arith.addf %add3A_336, %mul3A_337 : vector<16xf32>
      %reduce_sum3A_339 = arith.constant true
      %reduce_sum3A_340 = vector.broadcast %reduce_sum3A_339 : i1 to vector<16xi1>
      %reduce_sum3A_341 = tpu.scan <sum>, %add3A_338 masked %reduce_sum3A_340 : vector<16xf32>, vector<16xi1> -> vector<16xf32>
      %reduce_sum3A_342 = vector.extract %reduce_sum3A_341[15] : f32 from vector<16xf32>
      %add3A_343 = arith.addf %reduce_sum3A_342, %squeeze3A : f32
      %broadcast_in_dim3A_344 = vector.broadcast %mul3A_241 : i32 to vector<16xi32>
      %broadcast_in_dim3A_345 = vector.broadcast %add3A_343 : f32 to vector<16xf32>
      tpu.vector_store_idx %arg14[%broadcast_in_dim3A_344], %broadcast_in_dim3A_345 masked %eq3A_13 : memref<128xf32, #tpu.memory_space<vmem>>[vector<16xi32>], vector<16xf32>, vector<16xi1>
      %add3A_346 = arith.constant 2 : i32
      %add3A_347 = arith.addi %mul3A_241, %add3A_346 : i32
      %mul3A_348 = arith.constant 200 : i32
      %mul3A_349 = arith.muli %add3A_347, %mul3A_348 : i32
      %add3A_350 = arith.constant 0 : i32
      %add3A_351 = arith.addi %mul3A_349, %add3A_350 : i32
      %multiple_of3A_352 = tpu.assume_multiple %add3A_351, 8 : i32
      %dma_start3A_353 = tpu.memref_slice %arg7[%multiple_of3A_352] : memref<25600xi32, #tpu.memory_space<vmem>> -> memref<104xi32, #tpu.memory_space<vmem>>
      %dma_start3A_354 = arith.constant 0 : i32
      %dma_start3A_355 = arith.constant 0 : i32
      %dma_start3A_356 = tpu.memref_slice %arg4[%dma_start3A_354, %dma_start3A_355] : memref<500000x128xf32, #tpu.memory_space<hbm>> -> memref<500000x128xf32, #tpu.memory_space<hbm>>
      tpu.enqueue_indirect_dma source(%dma_start3A_356 : memref<500000x128xf32, #tpu.memory_space<hbm>>) target(%arg9 : memref<104x128xf32, #tpu.memory_space<vmem>>) offsets(%dma_start3A_353 : memref<104xi32, #tpu.memory_space<vmem>>) semaphore(%arg15 : memref<!tpu.dma_semaphore, #tpu.memory_space<semaphore_mem>>)
      %mul3A_357 = arith.constant 200 : i32
      %mul3A_358 = arith.muli %add3A_347, %mul3A_357 : i32
      %add3A_359 = arith.constant 104 : i32
      %add3A_360 = arith.addi %mul3A_358, %add3A_359 : i32
      %multiple_of3A_361 = tpu.assume_multiple %add3A_360, 8 : i32
      %dma_start3A_362 = tpu.memref_slice %arg7[%multiple_of3A_361] : memref<25600xi32, #tpu.memory_space<vmem>> -> memref<96xi32, #tpu.memory_space<vmem>>
      %dma_start3A_363 = arith.constant 0 : i32
      %dma_start3A_364 = arith.constant 0 : i32
      %dma_start3A_365 = tpu.memref_slice %arg4[%dma_start3A_363, %dma_start3A_364] : memref<500000x128xf32, #tpu.memory_space<hbm>> -> memref<500000x128xf32, #tpu.memory_space<hbm>>
      tpu.enqueue_indirect_dma source(%dma_start3A_365 : memref<500000x128xf32, #tpu.memory_space<hbm>>) target(%arg10 : memref<96x128xf32, #tpu.memory_space<vmem>>) offsets(%dma_start3A_362 : memref<96xi32, #tpu.memory_space<vmem>>) semaphore(%arg16 : memref<!tpu.dma_semaphore, #tpu.memory_space<semaphore_mem>>)
      %add3A_366 = arith.constant 1 : i32
      %add3A_367 = arith.addi %mul3A_241, %add3A_366 : i32
      %mul3A_368 = arith.constant 200 : i32
      %mul3A_369 = arith.muli %add3A_367, %mul3A_368 : i32
      %add3A_370 = arith.constant 0 : i32
      %add3A_371 = arith.addi %mul3A_369, %add3A_370 : i32
      %multiple_of3A_372 = tpu.assume_multiple %add3A_371, 8 : i32
      %dma_wait3A_373 = tpu.memref_slice %arg7[%multiple_of3A_372] : memref<25600xi32, #tpu.memory_space<vmem>> -> memref<104xi32, #tpu.memory_space<vmem>>
      %dma_wait3A_374 = arith.constant 0 : i32
      %dma_wait3A_375 = arith.constant 0 : i32
      %dma_wait3A_376 = tpu.memref_slice %arg4[%dma_wait3A_374, %dma_wait3A_375] : memref<500000x128xf32, #tpu.memory_space<hbm>> -> memref<500000x128xf32, #tpu.memory_space<hbm>>
      tpu.wait_indirect_dma semaphore(%arg17 : memref<!tpu.dma_semaphore, #tpu.memory_space<semaphore_mem>>) src(%dma_wait3A_376 : memref<500000x128xf32, #tpu.memory_space<hbm>>) dst(%arg11 : memref<104x128xf32, #tpu.memory_space<vmem>>)
      %mul3A_377 = arith.constant 200 : i32
      %mul3A_378 = arith.muli %add3A_367, %mul3A_377 : i32
      %add3A_379 = arith.constant 104 : i32
      %add3A_380 = arith.addi %mul3A_378, %add3A_379 : i32
      %multiple_of3A_381 = tpu.assume_multiple %add3A_380, 8 : i32
      %dma_wait3A_382 = tpu.memref_slice %arg7[%multiple_of3A_381] : memref<25600xi32, #tpu.memory_space<vmem>> -> memref<96xi32, #tpu.memory_space<vmem>>
      %dma_wait3A_383 = arith.constant 0 : i32
      %dma_wait3A_384 = arith.constant 0 : i32
      %dma_wait3A_385 = tpu.memref_slice %arg4[%dma_wait3A_383, %dma_wait3A_384] : memref<500000x128xf32, #tpu.memory_space<hbm>> -> memref<500000x128xf32, #tpu.memory_space<hbm>>
      tpu.wait_indirect_dma semaphore(%arg18 : memref<!tpu.dma_semaphore, #tpu.memory_space<semaphore_mem>>) src(%dma_wait3A_385 : memref<500000x128xf32, #tpu.memory_space<hbm>>) dst(%arg12 : memref<96x128xf32, #tpu.memory_space<vmem>>)
      %scan3A_386 = arith.constant 0 : i32
      %scan3A_387 = arith.constant 13 : i32
      %scan3A_388 = arith.addi %scan3A_386, %scan3A_387 : i32
      %scan3A_389 = arith.constant 1 : i32
      %scan3A_390:4 = scf.for %scan3A_492 = %scan3A_386 to %scan3A_388 step %scan3A_389 iter_args(%scan3A_493 = %broadcast_in_dim3A_14, %scan3A_494 = %broadcast_in_dim3A_14, %scan3A_495 = %broadcast_in_dim3A_14, %scan3A_496 = %broadcast_in_dim3A_14) -> (vector<16xf32>, vector<16xf32>, vector<16xf32>, vector<16xf32>)  : i32 {
        %mul3A_497 = arith.constant 8 : i32
        %mul3A_498 = arith.muli %scan3A_492, %mul3A_497 : i32
        %multiple_of3A_499 = tpu.assume_multiple %mul3A_498, 8 : i32
        %mul3A_500 = arith.constant 200 : i32
        %mul3A_501 = arith.muli %add3A_367, %mul3A_500 : i32
        %add3A_502 = arith.constant 0 : i32
        %add3A_503 = arith.addi %mul3A_501, %add3A_502 : i32
        %mul3A_504 = arith.constant 8 : i32
        %mul3A_505 = arith.muli %scan3A_492, %mul3A_504 : i32
        %add3A_506 = arith.addi %add3A_503, %mul3A_505 : i32
        %multiple_of3A_507 = tpu.assume_multiple %add3A_506, 8 : i32
        %get3A_508 = arith.index_cast %multiple_of3A_507 : i32 to index
        %get3A_509 = tpu.vector_load %arg8[%get3A_508] {strides = array<i32>} : memref<25600xi32, #tpu.memory_space<vmem>>, vector<16xi32>,
        %slice3A_510 = vector.extract_strided_slice %get3A_509 {offsets = [0], sizes = [1], strides = [1]} : vector<16xi32> to vector<1xi32>
        %squeeze3A_511 = vector.extract %slice3A_510[0] : i32 from vector<1xi32>
        %multiple_of3A_512 = tpu.assume_multiple %squeeze3A_511, 8 : i32
        %get3A_513 = arith.constant 0 : i32
        %get3A_514 = arith.constant 0 : i32
        %get3A_515 = tpu.memref_slice %arg11[%multiple_of3A_499, %get3A_514] : memref<104x128xf32, #tpu.memory_space<vmem>> -> memref<8x128xf32, #tpu.memory_space<vmem>>
        %get3A_516 = arith.index_cast %get3A_513 : i32 to index
        %get3A_517 = arith.index_cast %multiple_of3A_512 : i32 to index
        %get3A_518 = tpu.vector_load %get3A_515[%get3A_516, %get3A_517] {strides = array<i32>} : memref<8x128xf32, #tpu.memory_space<vmem>>, vector<16xf32>,
        %max3A = arith.maximumf %scan3A_493, %get3A_518 : vector<16xf32>
        %add3A_519 = arith.constant 16 : i32
        %add3A_520 = arith.addi %multiple_of3A_512, %add3A_519 : i32
        %get3A_521 = arith.constant 0 : i32
        %get3A_522 = arith.constant 0 : i32
        %get3A_523 = tpu.memref_slice %arg11[%multiple_of3A_499, %get3A_522] : memref<104x128xf32, #tpu.memory_space<vmem>> -> memref<8x128xf32, #tpu.memory_space<vmem>>
        %get3A_524 = arith.index_cast %get3A_521 : i32 to index
        %get3A_525 = arith.index_cast %add3A_520 : i32 to index
        %get3A_526 = tpu.vector_load %get3A_523[%get3A_524, %get3A_525] {strides = array<i32>} : memref<8x128xf32, #tpu.memory_space<vmem>>, vector<16xf32>,
        %max3A_527 = arith.maximumf %scan3A_494, %get3A_526 : vector<16xf32>
        %add3A_528 = arith.constant 32 : i32
        %add3A_529 = arith.addi %multiple_of3A_512, %add3A_528 : i32
        %get3A_530 = arith.constant 0 : i32
        %get3A_531 = arith.constant 0 : i32
        %get3A_532 = tpu.memref_slice %arg11[%multiple_of3A_499, %get3A_531] : memref<104x128xf32, #tpu.memory_space<vmem>> -> memref<8x128xf32, #tpu.memory_space<vmem>>
        %get3A_533 = arith.index_cast %get3A_530 : i32 to index
        %get3A_534 = arith.index_cast %add3A_529 : i32 to index
        %get3A_535 = tpu.vector_load %get3A_532[%get3A_533, %get3A_534] {strides = array<i32>} : memref<8x128xf32, #tpu.memory_space<vmem>>, vector<16xf32>,
        %max3A_536 = arith.maximumf %scan3A_495, %get3A_535 : vector<16xf32>
        %add3A_537 = arith.constant 48 : i32
        %add3A_538 = arith.addi %multiple_of3A_512, %add3A_537 : i32
        %get3A_539 = arith.constant 0 : i32
        %get3A_540 = arith.constant 0 : i32
        %get3A_541 = tpu.memref_slice %arg11[%multiple_of3A_499, %get3A_540] : memref<104x128xf32, #tpu.memory_space<vmem>> -> memref<8x128xf32, #tpu.memory_space<vmem>>
        %get3A_542 = arith.index_cast %get3A_539 : i32 to index
        %get3A_543 = arith.index_cast %add3A_538 : i32 to index
        %get3A_544 = tpu.vector_load %get3A_541[%get3A_542, %get3A_543] {strides = array<i32>} : memref<8x128xf32, #tpu.memory_space<vmem>>, vector<16xf32>,
        %max3A_545 = arith.maximumf %scan3A_496, %get3A_544 : vector<16xf32>
        %slice3A_546 = vector.extract_strided_slice %get3A_509 {offsets = [1], sizes = [1], strides = [1]} : vector<16xi32> to vector<1xi32>
        %squeeze3A_547 = vector.extract %slice3A_546[0] : i32 from vector<1xi32>
        %multiple_of3A_548 = tpu.assume_multiple %squeeze3A_547, 8 : i32
        %get3A_549 = arith.constant 1 : i32
        %get3A_550 = arith.constant 0 : i32
        %get3A_551 = tpu.memref_slice %arg11[%multiple_of3A_499, %get3A_550] : memref<104x128xf32, #tpu.memory_space<vmem>> -> memref<8x128xf32, #tpu.memory_space<vmem>>
        %get3A_552 = arith.index_cast %get3A_549 : i32 to index
        %get3A_553 = arith.index_cast %multiple_of3A_548 : i32 to index
        %get3A_554 = tpu.vector_load %get3A_551[%get3A_552, %get3A_553] {strides = array<i32>} : memref<8x128xf32, #tpu.memory_space<vmem>>, vector<16xf32>,
        %max3A_555 = arith.maximumf %max3A, %get3A_554 : vector<16xf32>
        %add3A_556 = arith.constant 16 : i32
        %add3A_557 = arith.addi %multiple_of3A_548, %add3A_556 : i32
        %get3A_558 = arith.constant 1 : i32
        %get3A_559 = arith.constant 0 : i32
        %get3A_560 = tpu.memref_slice %arg11[%multiple_of3A_499, %get3A_559] : memref<104x128xf32, #tpu.memory_space<vmem>> -> memref<8x128xf32, #tpu.memory_space<vmem>>
        %get3A_561 = arith.index_cast %get3A_558 : i32 to index
        %get3A_562 = arith.index_cast %add3A_557 : i32 to index
        %get3A_563 = tpu.vector_load %get3A_560[%get3A_561, %get3A_562] {strides = array<i32>} : memref<8x128xf32, #tpu.memory_space<vmem>>, vector<16xf32>,
        %max3A_564 = arith.maximumf %max3A_527, %get3A_563 : vector<16xf32>
        %add3A_565 = arith.constant 32 : i32
        %add3A_566 = arith.addi %multiple_of3A_548, %add3A_565 : i32
        %get3A_567 = arith.constant 1 : i32
        %get3A_568 = arith.constant 0 : i32
        %get3A_569 = tpu.memref_slice %arg11[%multiple_of3A_499, %get3A_568] : memref<104x128xf32, #tpu.memory_space<vmem>> -> memref<8x128xf32, #tpu.memory_space<vmem>>
        %get3A_570 = arith.index_cast %get3A_567 : i32 to index
        %get3A_571 = arith.index_cast %add3A_566 : i32 to index
        %get3A_572 = tpu.vector_load %get3A_569[%get3A_570, %get3A_571] {strides = array<i32>} : memref<8x128xf32, #tpu.memory_space<vmem>>, vector<16xf32>,
        %max3A_573 = arith.maximumf %max3A_536, %get3A_572 : vector<16xf32>
        %add3A_574 = arith.constant 48 : i32
        %add3A_575 = arith.addi %multiple_of3A_548, %add3A_574 : i32
        %get3A_576 = arith.constant 1 : i32
        %get3A_577 = arith.constant 0 : i32
        %get3A_578 = tpu.memref_slice %arg11[%multiple_of3A_499, %get3A_577] : memref<104x128xf32, #tpu.memory_space<vmem>> -> memref<8x128xf32, #tpu.memory_space<vmem>>
        %get3A_579 = arith.index_cast %get3A_576 : i32 to index
        %get3A_580 = arith.index_cast %add3A_575 : i32 to index
        %get3A_581 = tpu.vector_load %get3A_578[%get3A_579, %get3A_580] {strides = array<i32>} : memref<8x128xf32, #tpu.memory_space<vmem>>, vector<16xf32>,
        %max3A_582 = arith.maximumf %max3A_545, %get3A_581 : vector<16xf32>
        %slice3A_583 = vector.extract_strided_slice %get3A_509 {offsets = [2], sizes = [1], strides = [1]} : vector<16xi32> to vector<1xi32>
        %squeeze3A_584 = vector.extract %slice3A_583[0] : i32 from vector<1xi32>
        %multiple_of3A_585 = tpu.assume_multiple %squeeze3A_584, 8 : i32
        %get3A_586 = arith.constant 2 : i32
        %get3A_587 = arith.constant 0 : i32
        %get3A_588 = tpu.memref_slice %arg11[%multiple_of3A_499, %get3A_587] : memref<104x128xf32, #tpu.memory_space<vmem>> -> memref<8x128xf32, #tpu.memory_space<vmem>>
        %get3A_589 = arith.index_cast %get3A_586 : i32 to index
        %get3A_590 = arith.index_cast %multiple_of3A_585 : i32 to index
        %get3A_591 = tpu.vector_load %get3A_588[%get3A_589, %get3A_590] {strides = array<i32>} : memref<8x128xf32, #tpu.memory_space<vmem>>, vector<16xf32>,
        %max3A_592 = arith.maximumf %max3A_555, %get3A_591 : vector<16xf32>
        %add3A_593 = arith.constant 16 : i32
        %add3A_594 = arith.addi %multiple_of3A_585, %add3A_593 : i32
        %get3A_595 = arith.constant 2 : i32
        %get3A_596 = arith.constant 0 : i32
        %get3A_597 = tpu.memref_slice %arg11[%multiple_of3A_499, %get3A_596] : memref<104x128xf32, #tpu.memory_space<vmem>> -> memref<8x128xf32, #tpu.memory_space<vmem>>
        %get3A_598 = arith.index_cast %get3A_595 : i32 to index
        %get3A_599 = arith.index_cast %add3A_594 : i32 to index
        %get3A_600 = tpu.vector_load %get3A_597[%get3A_598, %get3A_599] {strides = array<i32>} : memref<8x128xf32, #tpu.memory_space<vmem>>, vector<16xf32>,
        %max3A_601 = arith.maximumf %max3A_564, %get3A_600 : vector<16xf32>
        %add3A_602 = arith.constant 32 : i32
        %add3A_603 = arith.addi %multiple_of3A_585, %add3A_602 : i32
        %get3A_604 = arith.constant 2 : i32
        %get3A_605 = arith.constant 0 : i32
        %get3A_606 = tpu.memref_slice %arg11[%multiple_of3A_499, %get3A_605] : memref<104x128xf32, #tpu.memory_space<vmem>> -> memref<8x128xf32, #tpu.memory_space<vmem>>
        %get3A_607 = arith.index_cast %get3A_604 : i32 to index
        %get3A_608 = arith.index_cast %add3A_603 : i32 to index
        %get3A_609 = tpu.vector_load %get3A_606[%get3A_607, %get3A_608] {strides = array<i32>} : memref<8x128xf32, #tpu.memory_space<vmem>>, vector<16xf32>,
        %max3A_610 = arith.maximumf %max3A_573, %get3A_609 : vector<16xf32>
        %add3A_611 = arith.constant 48 : i32
        %add3A_612 = arith.addi %multiple_of3A_585, %add3A_611 : i32
        %get3A_613 = arith.constant 2 : i32
        %get3A_614 = arith.constant 0 : i32
        %get3A_615 = tpu.memref_slice %arg11[%multiple_of3A_499, %get3A_614] : memref<104x128xf32, #tpu.memory_space<vmem>> -> memref<8x128xf32, #tpu.memory_space<vmem>>
        %get3A_616 = arith.index_cast %get3A_613 : i32 to index
        %get3A_617 = arith.index_cast %add3A_612 : i32 to index
        %get3A_618 = tpu.vector_load %get3A_615[%get3A_616, %get3A_617] {strides = array<i32>} : memref<8x128xf32, #tpu.memory_space<vmem>>, vector<16xf32>,
        %max3A_619 = arith.maximumf %max3A_582, %get3A_618 : vector<16xf32>
        %slice3A_620 = vector.extract_strided_slice %get3A_509 {offsets = [3], sizes = [1], strides = [1]} : vector<16xi32> to vector<1xi32>
        %squeeze3A_621 = vector.extract %slice3A_620[0] : i32 from vector<1xi32>
        %multiple_of3A_622 = tpu.assume_multiple %squeeze3A_621, 8 : i32
        %get3A_623 = arith.constant 3 : i32
        %get3A_624 = arith.constant 0 : i32
        %get3A_625 = tpu.memref_slice %arg11[%multiple_of3A_499, %get3A_624] : memref<104x128xf32, #tpu.memory_space<vmem>> -> memref<8x128xf32, #tpu.memory_space<vmem>>
        %get3A_626 = arith.index_cast %get3A_623 : i32 to index
        %get3A_627 = arith.index_cast %multiple_of3A_622 : i32 to index
        %get3A_628 = tpu.vector_load %get3A_625[%get3A_626, %get3A_627] {strides = array<i32>} : memref<8x128xf32, #tpu.memory_space<vmem>>, vector<16xf32>,
        %max3A_629 = arith.maximumf %max3A_592, %get3A_628 : vector<16xf32>
        %add3A_630 = arith.constant 16 : i32
        %add3A_631 = arith.addi %multiple_of3A_622, %add3A_630 : i32
        %get3A_632 = arith.constant 3 : i32
        %get3A_633 = arith.constant 0 : i32
        %get3A_634 = tpu.memref_slice %arg11[%multiple_of3A_499, %get3A_633] : memref<104x128xf32, #tpu.memory_space<vmem>> -> memref<8x128xf32, #tpu.memory_space<vmem>>
        %get3A_635 = arith.index_cast %get3A_632 : i32 to index
        %get3A_636 = arith.index_cast %add3A_631 : i32 to index
        %get3A_637 = tpu.vector_load %get3A_634[%get3A_635, %get3A_636] {strides = array<i32>} : memref<8x128xf32, #tpu.memory_space<vmem>>, vector<16xf32>,
        %max3A_638 = arith.maximumf %max3A_601, %get3A_637 : vector<16xf32>
        %add3A_639 = arith.constant 32 : i32
        %add3A_640 = arith.addi %multiple_of3A_622, %add3A_639 : i32
        %get3A_641 = arith.constant 3 : i32
        %get3A_642 = arith.constant 0 : i32
        %get3A_643 = tpu.memref_slice %arg11[%multiple_of3A_499, %get3A_642] : memref<104x128xf32, #tpu.memory_space<vmem>> -> memref<8x128xf32, #tpu.memory_space<vmem>>
        %get3A_644 = arith.index_cast %get3A_641 : i32 to index
        %get3A_645 = arith.index_cast %add3A_640 : i32 to index
        %get3A_646 = tpu.vector_load %get3A_643[%get3A_644, %get3A_645] {strides = array<i32>} : memref<8x128xf32, #tpu.memory_space<vmem>>, vector<16xf32>,
        %max3A_647 = arith.maximumf %max3A_610, %get3A_646 : vector<16xf32>
        %add3A_648 = arith.constant 48 : i32
        %add3A_649 = arith.addi %multiple_of3A_622, %add3A_648 : i32
        %get3A_650 = arith.constant 3 : i32
        %get3A_651 = arith.constant 0 : i32
        %get3A_652 = tpu.memref_slice %arg11[%multiple_of3A_499, %get3A_651] : memref<104x128xf32, #tpu.memory_space<vmem>> -> memref<8x128xf32, #tpu.memory_space<vmem>>
        %get3A_653 = arith.index_cast %get3A_650 : i32 to index
        %get3A_654 = arith.index_cast %add3A_649 : i32 to index
        %get3A_655 = tpu.vector_load %get3A_652[%get3A_653, %get3A_654] {strides = array<i32>} : memref<8x128xf32, #tpu.memory_space<vmem>>, vector<16xf32>,
        %max3A_656 = arith.maximumf %max3A_619, %get3A_655 : vector<16xf32>
        %slice3A_657 = vector.extract_strided_slice %get3A_509 {offsets = [4], sizes = [1], strides = [1]} : vector<16xi32> to vector<1xi32>
        %squeeze3A_658 = vector.extract %slice3A_657[0] : i32 from vector<1xi32>
        %multiple_of3A_659 = tpu.assume_multiple %squeeze3A_658, 8 : i32
        %get3A_660 = arith.constant 4 : i32
        %get3A_661 = arith.constant 0 : i32
        %get3A_662 = tpu.memref_slice %arg11[%multiple_of3A_499, %get3A_661] : memref<104x128xf32, #tpu.memory_space<vmem>> -> memref<8x128xf32, #tpu.memory_space<vmem>>
        %get3A_663 = arith.index_cast %get3A_660 : i32 to index
        %get3A_664 = arith.index_cast %multiple_of3A_659 : i32 to index
        %get3A_665 = tpu.vector_load %get3A_662[%get3A_663, %get3A_664] {strides = array<i32>} : memref<8x128xf32, #tpu.memory_space<vmem>>, vector<16xf32>,
        %max3A_666 = arith.maximumf %max3A_629, %get3A_665 : vector<16xf32>
        %add3A_667 = arith.constant 16 : i32
        %add3A_668 = arith.addi %multiple_of3A_659, %add3A_667 : i32
        %get3A_669 = arith.constant 4 : i32
        %get3A_670 = arith.constant 0 : i32
        %get3A_671 = tpu.memref_slice %arg11[%multiple_of3A_499, %get3A_670] : memref<104x128xf32, #tpu.memory_space<vmem>> -> memref<8x128xf32, #tpu.memory_space<vmem>>
        %get3A_672 = arith.index_cast %get3A_669 : i32 to index
        %get3A_673 = arith.index_cast %add3A_668 : i32 to index
        %get3A_674 = tpu.vector_load %get3A_671[%get3A_672, %get3A_673] {strides = array<i32>} : memref<8x128xf32, #tpu.memory_space<vmem>>, vector<16xf32>,
        %max3A_675 = arith.maximumf %max3A_638, %get3A_674 : vector<16xf32>
        %add3A_676 = arith.constant 32 : i32
        %add3A_677 = arith.addi %multiple_of3A_659, %add3A_676 : i32
        %get3A_678 = arith.constant 4 : i32
        %get3A_679 = arith.constant 0 : i32
        %get3A_680 = tpu.memref_slice %arg11[%multiple_of3A_499, %get3A_679] : memref<104x128xf32, #tpu.memory_space<vmem>> -> memref<8x128xf32, #tpu.memory_space<vmem>>
        %get3A_681 = arith.index_cast %get3A_678 : i32 to index
        %get3A_682 = arith.index_cast %add3A_677 : i32 to index
        %get3A_683 = tpu.vector_load %get3A_680[%get3A_681, %get3A_682] {strides = array<i32>} : memref<8x128xf32, #tpu.memory_space<vmem>>, vector<16xf32>,
        %max3A_684 = arith.maximumf %max3A_647, %get3A_683 : vector<16xf32>
        %add3A_685 = arith.constant 48 : i32
        %add3A_686 = arith.addi %multiple_of3A_659, %add3A_685 : i32
        %get3A_687 = arith.constant 4 : i32
        %get3A_688 = arith.constant 0 : i32
        %get3A_689 = tpu.memref_slice %arg11[%multiple_of3A_499, %get3A_688] : memref<104x128xf32, #tpu.memory_space<vmem>> -> memref<8x128xf32, #tpu.memory_space<vmem>>
        %get3A_690 = arith.index_cast %get3A_687 : i32 to index
        %get3A_691 = arith.index_cast %add3A_686 : i32 to index
        %get3A_692 = tpu.vector_load %get3A_689[%get3A_690, %get3A_691] {strides = array<i32>} : memref<8x128xf32, #tpu.memory_space<vmem>>, vector<16xf32>,
        %max3A_693 = arith.maximumf %max3A_656, %get3A_692 : vector<16xf32>
        %slice3A_694 = vector.extract_strided_slice %get3A_509 {offsets = [5], sizes = [1], strides = [1]} : vector<16xi32> to vector<1xi32>
        %squeeze3A_695 = vector.extract %slice3A_694[0] : i32 from vector<1xi32>
        %multiple_of3A_696 = tpu.assume_multiple %squeeze3A_695, 8 : i32
        %get3A_697 = arith.constant 5 : i32
        %get3A_698 = arith.constant 0 : i32
        %get3A_699 = tpu.memref_slice %arg11[%multiple_of3A_499, %get3A_698] : memref<104x128xf32, #tpu.memory_space<vmem>> -> memref<8x128xf32, #tpu.memory_space<vmem>>
        %get3A_700 = arith.index_cast %get3A_697 : i32 to index
        %get3A_701 = arith.index_cast %multiple_of3A_696 : i32 to index
        %get3A_702 = tpu.vector_load %get3A_699[%get3A_700, %get3A_701] {strides = array<i32>} : memref<8x128xf32, #tpu.memory_space<vmem>>, vector<16xf32>,
        %max3A_703 = arith.maximumf %max3A_666, %get3A_702 : vector<16xf32>
        %add3A_704 = arith.constant 16 : i32
        %add3A_705 = arith.addi %multiple_of3A_696, %add3A_704 : i32
        %get3A_706 = arith.constant 5 : i32
        %get3A_707 = arith.constant 0 : i32
        %get3A_708 = tpu.memref_slice %arg11[%multiple_of3A_499, %get3A_707] : memref<104x128xf32, #tpu.memory_space<vmem>> -> memref<8x128xf32, #tpu.memory_space<vmem>>
        %get3A_709 = arith.index_cast %get3A_706 : i32 to index
        %get3A_710 = arith.index_cast %add3A_705 : i32 to index
        %get3A_711 = tpu.vector_load %get3A_708[%get3A_709, %get3A_710] {strides = array<i32>} : memref<8x128xf32, #tpu.memory_space<vmem>>, vector<16xf32>,
        %max3A_712 = arith.maximumf %max3A_675, %get3A_711 : vector<16xf32>
        %add3A_713 = arith.constant 32 : i32
        %add3A_714 = arith.addi %multiple_of3A_696, %add3A_713 : i32
        %get3A_715 = arith.constant 5 : i32
        %get3A_716 = arith.constant 0 : i32
        %get3A_717 = tpu.memref_slice %arg11[%multiple_of3A_499, %get3A_716] : memref<104x128xf32, #tpu.memory_space<vmem>> -> memref<8x128xf32, #tpu.memory_space<vmem>>
        %get3A_718 = arith.index_cast %get3A_715 : i32 to index
        %get3A_719 = arith.index_cast %add3A_714 : i32 to index
        %get3A_720 = tpu.vector_load %get3A_717[%get3A_718, %get3A_719] {strides = array<i32>} : memref<8x128xf32, #tpu.memory_space<vmem>>, vector<16xf32>,
        %max3A_721 = arith.maximumf %max3A_684, %get3A_720 : vector<16xf32>
        %add3A_722 = arith.constant 48 : i32
        %add3A_723 = arith.addi %multiple_of3A_696, %add3A_722 : i32
        %get3A_724 = arith.constant 5 : i32
        %get3A_725 = arith.constant 0 : i32
        %get3A_726 = tpu.memref_slice %arg11[%multiple_of3A_499, %get3A_725] : memref<104x128xf32, #tpu.memory_space<vmem>> -> memref<8x128xf32, #tpu.memory_space<vmem>>
        %get3A_727 = arith.index_cast %get3A_724 : i32 to index
        %get3A_728 = arith.index_cast %add3A_723 : i32 to index
        %get3A_729 = tpu.vector_load %get3A_726[%get3A_727, %get3A_728] {strides = array<i32>} : memref<8x128xf32, #tpu.memory_space<vmem>>, vector<16xf32>,
        %max3A_730 = arith.maximumf %max3A_693, %get3A_729 : vector<16xf32>
        %slice3A_731 = vector.extract_strided_slice %get3A_509 {offsets = [6], sizes = [1], strides = [1]} : vector<16xi32> to vector<1xi32>
        %squeeze3A_732 = vector.extract %slice3A_731[0] : i32 from vector<1xi32>
        %multiple_of3A_733 = tpu.assume_multiple %squeeze3A_732, 8 : i32
        %get3A_734 = arith.constant 6 : i32
        %get3A_735 = arith.constant 0 : i32
        %get3A_736 = tpu.memref_slice %arg11[%multiple_of3A_499, %get3A_735] : memref<104x128xf32, #tpu.memory_space<vmem>> -> memref<8x128xf32, #tpu.memory_space<vmem>>
        %get3A_737 = arith.index_cast %get3A_734 : i32 to index
        %get3A_738 = arith.index_cast %multiple_of3A_733 : i32 to index
        %get3A_739 = tpu.vector_load %get3A_736[%get3A_737, %get3A_738] {strides = array<i32>} : memref<8x128xf32, #tpu.memory_space<vmem>>, vector<16xf32>,
        %max3A_740 = arith.maximumf %max3A_703, %get3A_739 : vector<16xf32>
        %add3A_741 = arith.constant 16 : i32
        %add3A_742 = arith.addi %multiple_of3A_733, %add3A_741 : i32
        %get3A_743 = arith.constant 6 : i32
        %get3A_744 = arith.constant 0 : i32
        %get3A_745 = tpu.memref_slice %arg11[%multiple_of3A_499, %get3A_744] : memref<104x128xf32, #tpu.memory_space<vmem>> -> memref<8x128xf32, #tpu.memory_space<vmem>>
        %get3A_746 = arith.index_cast %get3A_743 : i32 to index
        %get3A_747 = arith.index_cast %add3A_742 : i32 to index
        %get3A_748 = tpu.vector_load %get3A_745[%get3A_746, %get3A_747] {strides = array<i32>} : memref<8x128xf32, #tpu.memory_space<vmem>>, vector<16xf32>,
        %max3A_749 = arith.maximumf %max3A_712, %get3A_748 : vector<16xf32>
        %add3A_750 = arith.constant 32 : i32
        %add3A_751 = arith.addi %multiple_of3A_733, %add3A_750 : i32
        %get3A_752 = arith.constant 6 : i32
        %get3A_753 = arith.constant 0 : i32
        %get3A_754 = tpu.memref_slice %arg11[%multiple_of3A_499, %get3A_753] : memref<104x128xf32, #tpu.memory_space<vmem>> -> memref<8x128xf32, #tpu.memory_space<vmem>>
        %get3A_755 = arith.index_cast %get3A_752 : i32 to index
        %get3A_756 = arith.index_cast %add3A_751 : i32 to index
        %get3A_757 = tpu.vector_load %get3A_754[%get3A_755, %get3A_756] {strides = array<i32>} : memref<8x128xf32, #tpu.memory_space<vmem>>, vector<16xf32>,
        %max3A_758 = arith.maximumf %max3A_721, %get3A_757 : vector<16xf32>
        %add3A_759 = arith.constant 48 : i32
        %add3A_760 = arith.addi %multiple_of3A_733, %add3A_759 : i32
        %get3A_761 = arith.constant 6 : i32
        %get3A_762 = arith.constant 0 : i32
        %get3A_763 = tpu.memref_slice %arg11[%multiple_of3A_499, %get3A_762] : memref<104x128xf32, #tpu.memory_space<vmem>> -> memref<8x128xf32, #tpu.memory_space<vmem>>
        %get3A_764 = arith.index_cast %get3A_761 : i32 to index
        %get3A_765 = arith.index_cast %add3A_760 : i32 to index
        %get3A_766 = tpu.vector_load %get3A_763[%get3A_764, %get3A_765] {strides = array<i32>} : memref<8x128xf32, #tpu.memory_space<vmem>>, vector<16xf32>,
        %max3A_767 = arith.maximumf %max3A_730, %get3A_766 : vector<16xf32>
        %slice3A_768 = vector.extract_strided_slice %get3A_509 {offsets = [7], sizes = [1], strides = [1]} : vector<16xi32> to vector<1xi32>
        %squeeze3A_769 = vector.extract %slice3A_768[0] : i32 from vector<1xi32>
        %multiple_of3A_770 = tpu.assume_multiple %squeeze3A_769, 8 : i32
        %get3A_771 = arith.constant 7 : i32
        %get3A_772 = arith.constant 0 : i32
        %get3A_773 = tpu.memref_slice %arg11[%multiple_of3A_499, %get3A_772] : memref<104x128xf32, #tpu.memory_space<vmem>> -> memref<8x128xf32, #tpu.memory_space<vmem>>
        %get3A_774 = arith.index_cast %get3A_771 : i32 to index
        %get3A_775 = arith.index_cast %multiple_of3A_770 : i32 to index
        %get3A_776 = tpu.vector_load %get3A_773[%get3A_774, %get3A_775] {strides = array<i32>} : memref<8x128xf32, #tpu.memory_space<vmem>>, vector<16xf32>,
        %max3A_777 = arith.maximumf %max3A_740, %get3A_776 : vector<16xf32>
        %add3A_778 = arith.constant 16 : i32
        %add3A_779 = arith.addi %multiple_of3A_770, %add3A_778 : i32
        %get3A_780 = arith.constant 7 : i32
        %get3A_781 = arith.constant 0 : i32
        %get3A_782 = tpu.memref_slice %arg11[%multiple_of3A_499, %get3A_781] : memref<104x128xf32, #tpu.memory_space<vmem>> -> memref<8x128xf32, #tpu.memory_space<vmem>>
        %get3A_783 = arith.index_cast %get3A_780 : i32 to index
        %get3A_784 = arith.index_cast %add3A_779 : i32 to index
        %get3A_785 = tpu.vector_load %get3A_782[%get3A_783, %get3A_784] {strides = array<i32>} : memref<8x128xf32, #tpu.memory_space<vmem>>, vector<16xf32>,
        %max3A_786 = arith.maximumf %max3A_749, %get3A_785 : vector<16xf32>
        %add3A_787 = arith.constant 32 : i32
        %add3A_788 = arith.addi %multiple_of3A_770, %add3A_787 : i32
        %get3A_789 = arith.constant 7 : i32
        %get3A_790 = arith.constant 0 : i32
        %get3A_791 = tpu.memref_slice %arg11[%multiple_of3A_499, %get3A_790] : memref<104x128xf32, #tpu.memory_space<vmem>> -> memref<8x128xf32, #tpu.memory_space<vmem>>
        %get3A_792 = arith.index_cast %get3A_789 : i32 to index
        %get3A_793 = arith.index_cast %add3A_788 : i32 to index
        %get3A_794 = tpu.vector_load %get3A_791[%get3A_792, %get3A_793] {strides = array<i32>} : memref<8x128xf32, #tpu.memory_space<vmem>>, vector<16xf32>,
        %max3A_795 = arith.maximumf %max3A_758, %get3A_794 : vector<16xf32>
        %add3A_796 = arith.constant 48 : i32
        %add3A_797 = arith.addi %multiple_of3A_770, %add3A_796 : i32
        %get3A_798 = arith.constant 7 : i32
        %get3A_799 = arith.constant 0 : i32
        %get3A_800 = tpu.memref_slice %arg11[%multiple_of3A_499, %get3A_799] : memref<104x128xf32, #tpu.memory_space<vmem>> -> memref<8x128xf32, #tpu.memory_space<vmem>>
        %get3A_801 = arith.index_cast %get3A_798 : i32 to index
        %get3A_802 = arith.index_cast %add3A_797 : i32 to index
        %get3A_803 = tpu.vector_load %get3A_800[%get3A_801, %get3A_802] {strides = array<i32>} : memref<8x128xf32, #tpu.memory_space<vmem>>, vector<16xf32>,
        %max3A_804 = arith.maximumf %max3A_767, %get3A_803 : vector<16xf32>
        scf.yield %max3A_777, %max3A_786, %max3A_795, %max3A_804 : vector<16xf32>, vector<16xf32>, vector<16xf32>, vector<16xf32>
      }
      %scan3A_391 = arith.constant 13 : i32
      %scan3A_392 = arith.constant 0 : i32
      %scan3A_393 = arith.constant 12 : i32
      %scan3A_394 = arith.addi %scan3A_392, %scan3A_393 : i32
      %scan3A_395 = arith.constant 1 : i32
      %scan3A_396:4 = scf.for %scan3A_492 = %scan3A_392 to %scan3A_394 step %scan3A_395 iter_args(%scan3A_493 = %scan3A_390#0, %scan3A_494 = %scan3A_390#1, %scan3A_495 = %scan3A_390#2, %scan3A_496 = %scan3A_390#3) -> (vector<16xf32>, vector<16xf32>, vector<16xf32>, vector<16xf32>)  : i32 {
        %mul3A_497 = arith.constant 8 : i32
        %mul3A_498 = arith.muli %scan3A_492, %mul3A_497 : i32
        %multiple_of3A_499 = tpu.assume_multiple %mul3A_498, 8 : i32
        %mul3A_500 = arith.constant 200 : i32
        %mul3A_501 = arith.muli %add3A_367, %mul3A_500 : i32
        %add3A_502 = arith.constant 104 : i32
        %add3A_503 = arith.addi %mul3A_501, %add3A_502 : i32
        %mul3A_504 = arith.constant 8 : i32
        %mul3A_505 = arith.muli %scan3A_492, %mul3A_504 : i32
        %add3A_506 = arith.addi %add3A_503, %mul3A_505 : i32
        %multiple_of3A_507 = tpu.assume_multiple %add3A_506, 8 : i32
        %get3A_508 = arith.index_cast %multiple_of3A_507 : i32 to index
        %get3A_509 = tpu.vector_load %arg8[%get3A_508] {strides = array<i32>} : memref<25600xi32, #tpu.memory_space<vmem>>, vector<16xi32>,
        %slice3A_510 = vector.extract_strided_slice %get3A_509 {offsets = [0], sizes = [1], strides = [1]} : vector<16xi32> to vector<1xi32>
        %squeeze3A_511 = vector.extract %slice3A_510[0] : i32 from vector<1xi32>
        %multiple_of3A_512 = tpu.assume_multiple %squeeze3A_511, 8 : i32
        %get3A_513 = arith.constant 0 : i32
        %get3A_514 = arith.constant 0 : i32
        %get3A_515 = tpu.memref_slice %arg12[%multiple_of3A_499, %get3A_514] : memref<96x128xf32, #tpu.memory_space<vmem>> -> memref<8x128xf32, #tpu.memory_space<vmem>>
        %get3A_516 = arith.index_cast %get3A_513 : i32 to index
        %get3A_517 = arith.index_cast %multiple_of3A_512 : i32 to index
        %get3A_518 = tpu.vector_load %get3A_515[%get3A_516, %get3A_517] {strides = array<i32>} : memref<8x128xf32, #tpu.memory_space<vmem>>, vector<16xf32>,
        %max3A = arith.maximumf %scan3A_493, %get3A_518 : vector<16xf32>
        %add3A_519 = arith.constant 16 : i32
        %add3A_520 = arith.addi %multiple_of3A_512, %add3A_519 : i32
        %get3A_521 = arith.constant 0 : i32
        %get3A_522 = arith.constant 0 : i32
        %get3A_523 = tpu.memref_slice %arg12[%multiple_of3A_499, %get3A_522] : memref<96x128xf32, #tpu.memory_space<vmem>> -> memref<8x128xf32, #tpu.memory_space<vmem>>
        %get3A_524 = arith.index_cast %get3A_521 : i32 to index
        %get3A_525 = arith.index_cast %add3A_520 : i32 to index
        %get3A_526 = tpu.vector_load %get3A_523[%get3A_524, %get3A_525] {strides = array<i32>} : memref<8x128xf32, #tpu.memory_space<vmem>>, vector<16xf32>,
        %max3A_527 = arith.maximumf %scan3A_494, %get3A_526 : vector<16xf32>
        %add3A_528 = arith.constant 32 : i32
        %add3A_529 = arith.addi %multiple_of3A_512, %add3A_528 : i32
        %get3A_530 = arith.constant 0 : i32
        %get3A_531 = arith.constant 0 : i32
        %get3A_532 = tpu.memref_slice %arg12[%multiple_of3A_499, %get3A_531] : memref<96x128xf32, #tpu.memory_space<vmem>> -> memref<8x128xf32, #tpu.memory_space<vmem>>
        %get3A_533 = arith.index_cast %get3A_530 : i32 to index
        %get3A_534 = arith.index_cast %add3A_529 : i32 to index
        %get3A_535 = tpu.vector_load %get3A_532[%get3A_533, %get3A_534] {strides = array<i32>} : memref<8x128xf32, #tpu.memory_space<vmem>>, vector<16xf32>,
        %max3A_536 = arith.maximumf %scan3A_495, %get3A_535 : vector<16xf32>
        %add3A_537 = arith.constant 48 : i32
        %add3A_538 = arith.addi %multiple_of3A_512, %add3A_537 : i32
        %get3A_539 = arith.constant 0 : i32
        %get3A_540 = arith.constant 0 : i32
        %get3A_541 = tpu.memref_slice %arg12[%multiple_of3A_499, %get3A_540] : memref<96x128xf32, #tpu.memory_space<vmem>> -> memref<8x128xf32, #tpu.memory_space<vmem>>
        %get3A_542 = arith.index_cast %get3A_539 : i32 to index
        %get3A_543 = arith.index_cast %add3A_538 : i32 to index
        %get3A_544 = tpu.vector_load %get3A_541[%get3A_542, %get3A_543] {strides = array<i32>} : memref<8x128xf32, #tpu.memory_space<vmem>>, vector<16xf32>,
        %max3A_545 = arith.maximumf %scan3A_496, %get3A_544 : vector<16xf32>
        %slice3A_546 = vector.extract_strided_slice %get3A_509 {offsets = [1], sizes = [1], strides = [1]} : vector<16xi32> to vector<1xi32>
        %squeeze3A_547 = vector.extract %slice3A_546[0] : i32 from vector<1xi32>
        %multiple_of3A_548 = tpu.assume_multiple %squeeze3A_547, 8 : i32
        %get3A_549 = arith.constant 1 : i32
        %get3A_550 = arith.constant 0 : i32
        %get3A_551 = tpu.memref_slice %arg12[%multiple_of3A_499, %get3A_550] : memref<96x128xf32, #tpu.memory_space<vmem>> -> memref<8x128xf32, #tpu.memory_space<vmem>>
        %get3A_552 = arith.index_cast %get3A_549 : i32 to index
        %get3A_553 = arith.index_cast %multiple_of3A_548 : i32 to index
        %get3A_554 = tpu.vector_load %get3A_551[%get3A_552, %get3A_553] {strides = array<i32>} : memref<8x128xf32, #tpu.memory_space<vmem>>, vector<16xf32>,
        %max3A_555 = arith.maximumf %max3A, %get3A_554 : vector<16xf32>
        %add3A_556 = arith.constant 16 : i32
        %add3A_557 = arith.addi %multiple_of3A_548, %add3A_556 : i32
        %get3A_558 = arith.constant 1 : i32
        %get3A_559 = arith.constant 0 : i32
        %get3A_560 = tpu.memref_slice %arg12[%multiple_of3A_499, %get3A_559] : memref<96x128xf32, #tpu.memory_space<vmem>> -> memref<8x128xf32, #tpu.memory_space<vmem>>
        %get3A_561 = arith.index_cast %get3A_558 : i32 to index
        %get3A_562 = arith.index_cast %add3A_557 : i32 to index
        %get3A_563 = tpu.vector_load %get3A_560[%get3A_561, %get3A_562] {strides = array<i32>} : memref<8x128xf32, #tpu.memory_space<vmem>>, vector<16xf32>,
        %max3A_564 = arith.maximumf %max3A_527, %get3A_563 : vector<16xf32>
        %add3A_565 = arith.constant 32 : i32
        %add3A_566 = arith.addi %multiple_of3A_548, %add3A_565 : i32
        %get3A_567 = arith.constant 1 : i32
        %get3A_568 = arith.constant 0 : i32
        %get3A_569 = tpu.memref_slice %arg12[%multiple_of3A_499, %get3A_568] : memref<96x128xf32, #tpu.memory_space<vmem>> -> memref<8x128xf32, #tpu.memory_space<vmem>>
        %get3A_570 = arith.index_cast %get3A_567 : i32 to index
        %get3A_571 = arith.index_cast %add3A_566 : i32 to index
        %get3A_572 = tpu.vector_load %get3A_569[%get3A_570, %get3A_571] {strides = array<i32>} : memref<8x128xf32, #tpu.memory_space<vmem>>, vector<16xf32>,
        %max3A_573 = arith.maximumf %max3A_536, %get3A_572 : vector<16xf32>
        %add3A_574 = arith.constant 48 : i32
        %add3A_575 = arith.addi %multiple_of3A_548, %add3A_574 : i32
        %get3A_576 = arith.constant 1 : i32
        %get3A_577 = arith.constant 0 : i32
        %get3A_578 = tpu.memref_slice %arg12[%multiple_of3A_499, %get3A_577] : memref<96x128xf32, #tpu.memory_space<vmem>> -> memref<8x128xf32, #tpu.memory_space<vmem>>
        %get3A_579 = arith.index_cast %get3A_576 : i32 to index
        %get3A_580 = arith.index_cast %add3A_575 : i32 to index
        %get3A_581 = tpu.vector_load %get3A_578[%get3A_579, %get3A_580] {strides = array<i32>} : memref<8x128xf32, #tpu.memory_space<vmem>>, vector<16xf32>,
        %max3A_582 = arith.maximumf %max3A_545, %get3A_581 : vector<16xf32>
        %slice3A_583 = vector.extract_strided_slice %get3A_509 {offsets = [2], sizes = [1], strides = [1]} : vector<16xi32> to vector<1xi32>
        %squeeze3A_584 = vector.extract %slice3A_583[0] : i32 from vector<1xi32>
        %multiple_of3A_585 = tpu.assume_multiple %squeeze3A_584, 8 : i32
        %get3A_586 = arith.constant 2 : i32
        %get3A_587 = arith.constant 0 : i32
        %get3A_588 = tpu.memref_slice %arg12[%multiple_of3A_499, %get3A_587] : memref<96x128xf32, #tpu.memory_space<vmem>> -> memref<8x128xf32, #tpu.memory_space<vmem>>
        %get3A_589 = arith.index_cast %get3A_586 : i32 to index
        %get3A_590 = arith.index_cast %multiple_of3A_585 : i32 to index
        %get3A_591 = tpu.vector_load %get3A_588[%get3A_589, %get3A_590] {strides = array<i32>} : memref<8x128xf32, #tpu.memory_space<vmem>>, vector<16xf32>,
        %max3A_592 = arith.maximumf %max3A_555, %get3A_591 : vector<16xf32>
        %add3A_593 = arith.constant 16 : i32
        %add3A_594 = arith.addi %multiple_of3A_585, %add3A_593 : i32
        %get3A_595 = arith.constant 2 : i32
        %get3A_596 = arith.constant 0 : i32
        %get3A_597 = tpu.memref_slice %arg12[%multiple_of3A_499, %get3A_596] : memref<96x128xf32, #tpu.memory_space<vmem>> -> memref<8x128xf32, #tpu.memory_space<vmem>>
        %get3A_598 = arith.index_cast %get3A_595 : i32 to index
        %get3A_599 = arith.index_cast %add3A_594 : i32 to index
        %get3A_600 = tpu.vector_load %get3A_597[%get3A_598, %get3A_599] {strides = array<i32>} : memref<8x128xf32, #tpu.memory_space<vmem>>, vector<16xf32>,
        %max3A_601 = arith.maximumf %max3A_564, %get3A_600 : vector<16xf32>
        %add3A_602 = arith.constant 32 : i32
        %add3A_603 = arith.addi %multiple_of3A_585, %add3A_602 : i32
        %get3A_604 = arith.constant 2 : i32
        %get3A_605 = arith.constant 0 : i32
        %get3A_606 = tpu.memref_slice %arg12[%multiple_of3A_499, %get3A_605] : memref<96x128xf32, #tpu.memory_space<vmem>> -> memref<8x128xf32, #tpu.memory_space<vmem>>
        %get3A_607 = arith.index_cast %get3A_604 : i32 to index
        %get3A_608 = arith.index_cast %add3A_603 : i32 to index
        %get3A_609 = tpu.vector_load %get3A_606[%get3A_607, %get3A_608] {strides = array<i32>} : memref<8x128xf32, #tpu.memory_space<vmem>>, vector<16xf32>,
        %max3A_610 = arith.maximumf %max3A_573, %get3A_609 : vector<16xf32>
        %add3A_611 = arith.constant 48 : i32
        %add3A_612 = arith.addi %multiple_of3A_585, %add3A_611 : i32
        %get3A_613 = arith.constant 2 : i32
        %get3A_614 = arith.constant 0 : i32
        %get3A_615 = tpu.memref_slice %arg12[%multiple_of3A_499, %get3A_614] : memref<96x128xf32, #tpu.memory_space<vmem>> -> memref<8x128xf32, #tpu.memory_space<vmem>>
        %get3A_616 = arith.index_cast %get3A_613 : i32 to index
        %get3A_617 = arith.index_cast %add3A_612 : i32 to index
        %get3A_618 = tpu.vector_load %get3A_615[%get3A_616, %get3A_617] {strides = array<i32>} : memref<8x128xf32, #tpu.memory_space<vmem>>, vector<16xf32>,
        %max3A_619 = arith.maximumf %max3A_582, %get3A_618 : vector<16xf32>
        %slice3A_620 = vector.extract_strided_slice %get3A_509 {offsets = [3], sizes = [1], strides = [1]} : vector<16xi32> to vector<1xi32>
        %squeeze3A_621 = vector.extract %slice3A_620[0] : i32 from vector<1xi32>
        %multiple_of3A_622 = tpu.assume_multiple %squeeze3A_621, 8 : i32
        %get3A_623 = arith.constant 3 : i32
        %get3A_624 = arith.constant 0 : i32
        %get3A_625 = tpu.memref_slice %arg12[%multiple_of3A_499, %get3A_624] : memref<96x128xf32, #tpu.memory_space<vmem>> -> memref<8x128xf32, #tpu.memory_space<vmem>>
        %get3A_626 = arith.index_cast %get3A_623 : i32 to index
        %get3A_627 = arith.index_cast %multiple_of3A_622 : i32 to index
        %get3A_628 = tpu.vector_load %get3A_625[%get3A_626, %get3A_627] {strides = array<i32>} : memref<8x128xf32, #tpu.memory_space<vmem>>, vector<16xf32>,
        %max3A_629 = arith.maximumf %max3A_592, %get3A_628 : vector<16xf32>
        %add3A_630 = arith.constant 16 : i32
        %add3A_631 = arith.addi %multiple_of3A_622, %add3A_630 : i32
        %get3A_632 = arith.constant 3 : i32
        %get3A_633 = arith.constant 0 : i32
        %get3A_634 = tpu.memref_slice %arg12[%multiple_of3A_499, %get3A_633] : memref<96x128xf32, #tpu.memory_space<vmem>> -> memref<8x128xf32, #tpu.memory_space<vmem>>
        %get3A_635 = arith.index_cast %get3A_632 : i32 to index
        %get3A_636 = arith.index_cast %add3A_631 : i32 to index
        %get3A_637 = tpu.vector_load %get3A_634[%get3A_635, %get3A_636] {strides = array<i32>} : memref<8x128xf32, #tpu.memory_space<vmem>>, vector<16xf32>,
        %max3A_638 = arith.maximumf %max3A_601, %get3A_637 : vector<16xf32>
        %add3A_639 = arith.constant 32 : i32
        %add3A_640 = arith.addi %multiple_of3A_622, %add3A_639 : i32
        %get3A_641 = arith.constant 3 : i32
        %get3A_642 = arith.constant 0 : i32
        %get3A_643 = tpu.memref_slice %arg12[%multiple_of3A_499, %get3A_642] : memref<96x128xf32, #tpu.memory_space<vmem>> -> memref<8x128xf32, #tpu.memory_space<vmem>>
        %get3A_644 = arith.index_cast %get3A_641 : i32 to index
        %get3A_645 = arith.index_cast %add3A_640 : i32 to index
        %get3A_646 = tpu.vector_load %get3A_643[%get3A_644, %get3A_645] {strides = array<i32>} : memref<8x128xf32, #tpu.memory_space<vmem>>, vector<16xf32>,
        %max3A_647 = arith.maximumf %max3A_610, %get3A_646 : vector<16xf32>
        %add3A_648 = arith.constant 48 : i32
        %add3A_649 = arith.addi %multiple_of3A_622, %add3A_648 : i32
        %get3A_650 = arith.constant 3 : i32
        %get3A_651 = arith.constant 0 : i32
        %get3A_652 = tpu.memref_slice %arg12[%multiple_of3A_499, %get3A_651] : memref<96x128xf32, #tpu.memory_space<vmem>> -> memref<8x128xf32, #tpu.memory_space<vmem>>
        %get3A_653 = arith.index_cast %get3A_650 : i32 to index
        %get3A_654 = arith.index_cast %add3A_649 : i32 to index
        %get3A_655 = tpu.vector_load %get3A_652[%get3A_653, %get3A_654] {strides = array<i32>} : memref<8x128xf32, #tpu.memory_space<vmem>>, vector<16xf32>,
        %max3A_656 = arith.maximumf %max3A_619, %get3A_655 : vector<16xf32>
        %slice3A_657 = vector.extract_strided_slice %get3A_509 {offsets = [4], sizes = [1], strides = [1]} : vector<16xi32> to vector<1xi32>
        %squeeze3A_658 = vector.extract %slice3A_657[0] : i32 from vector<1xi32>
        %multiple_of3A_659 = tpu.assume_multiple %squeeze3A_658, 8 : i32
        %get3A_660 = arith.constant 4 : i32
        %get3A_661 = arith.constant 0 : i32
        %get3A_662 = tpu.memref_slice %arg12[%multiple_of3A_499, %get3A_661] : memref<96x128xf32, #tpu.memory_space<vmem>> -> memref<8x128xf32, #tpu.memory_space<vmem>>
        %get3A_663 = arith.index_cast %get3A_660 : i32 to index
        %get3A_664 = arith.index_cast %multiple_of3A_659 : i32 to index
        %get3A_665 = tpu.vector_load %get3A_662[%get3A_663, %get3A_664] {strides = array<i32>} : memref<8x128xf32, #tpu.memory_space<vmem>>, vector<16xf32>,
        %max3A_666 = arith.maximumf %max3A_629, %get3A_665 : vector<16xf32>
        %add3A_667 = arith.constant 16 : i32
        %add3A_668 = arith.addi %multiple_of3A_659, %add3A_667 : i32
        %get3A_669 = arith.constant 4 : i32
        %get3A_670 = arith.constant 0 : i32
        %get3A_671 = tpu.memref_slice %arg12[%multiple_of3A_499, %get3A_670] : memref<96x128xf32, #tpu.memory_space<vmem>> -> memref<8x128xf32, #tpu.memory_space<vmem>>
        %get3A_672 = arith.index_cast %get3A_669 : i32 to index
        %get3A_673 = arith.index_cast %add3A_668 : i32 to index
        %get3A_674 = tpu.vector_load %get3A_671[%get3A_672, %get3A_673] {strides = array<i32>} : memref<8x128xf32, #tpu.memory_space<vmem>>, vector<16xf32>,
        %max3A_675 = arith.maximumf %max3A_638, %get3A_674 : vector<16xf32>
        %add3A_676 = arith.constant 32 : i32
        %add3A_677 = arith.addi %multiple_of3A_659, %add3A_676 : i32
        %get3A_678 = arith.constant 4 : i32
        %get3A_679 = arith.constant 0 : i32
        %get3A_680 = tpu.memref_slice %arg12[%multiple_of3A_499, %get3A_679] : memref<96x128xf32, #tpu.memory_space<vmem>> -> memref<8x128xf32, #tpu.memory_space<vmem>>
        %get3A_681 = arith.index_cast %get3A_678 : i32 to index
        %get3A_682 = arith.index_cast %add3A_677 : i32 to index
        %get3A_683 = tpu.vector_load %get3A_680[%get3A_681, %get3A_682] {strides = array<i32>} : memref<8x128xf32, #tpu.memory_space<vmem>>, vector<16xf32>,
        %max3A_684 = arith.maximumf %max3A_647, %get3A_683 : vector<16xf32>
        %add3A_685 = arith.constant 48 : i32
        %add3A_686 = arith.addi %multiple_of3A_659, %add3A_685 : i32
        %get3A_687 = arith.constant 4 : i32
        %get3A_688 = arith.constant 0 : i32
        %get3A_689 = tpu.memref_slice %arg12[%multiple_of3A_499, %get3A_688] : memref<96x128xf32, #tpu.memory_space<vmem>> -> memref<8x128xf32, #tpu.memory_space<vmem>>
        %get3A_690 = arith.index_cast %get3A_687 : i32 to index
        %get3A_691 = arith.index_cast %add3A_686 : i32 to index
        %get3A_692 = tpu.vector_load %get3A_689[%get3A_690, %get3A_691] {strides = array<i32>} : memref<8x128xf32, #tpu.memory_space<vmem>>, vector<16xf32>,
        %max3A_693 = arith.maximumf %max3A_656, %get3A_692 : vector<16xf32>
        %slice3A_694 = vector.extract_strided_slice %get3A_509 {offsets = [5], sizes = [1], strides = [1]} : vector<16xi32> to vector<1xi32>
        %squeeze3A_695 = vector.extract %slice3A_694[0] : i32 from vector<1xi32>
        %multiple_of3A_696 = tpu.assume_multiple %squeeze3A_695, 8 : i32
        %get3A_697 = arith.constant 5 : i32
        %get3A_698 = arith.constant 0 : i32
        %get3A_699 = tpu.memref_slice %arg12[%multiple_of3A_499, %get3A_698] : memref<96x128xf32, #tpu.memory_space<vmem>> -> memref<8x128xf32, #tpu.memory_space<vmem>>
        %get3A_700 = arith.index_cast %get3A_697 : i32 to index
        %get3A_701 = arith.index_cast %multiple_of3A_696 : i32 to index
        %get3A_702 = tpu.vector_load %get3A_699[%get3A_700, %get3A_701] {strides = array<i32>} : memref<8x128xf32, #tpu.memory_space<vmem>>, vector<16xf32>,
        %max3A_703 = arith.maximumf %max3A_666, %get3A_702 : vector<16xf32>
        %add3A_704 = arith.constant 16 : i32
        %add3A_705 = arith.addi %multiple_of3A_696, %add3A_704 : i32
        %get3A_706 = arith.constant 5 : i32
        %get3A_707 = arith.constant 0 : i32
        %get3A_708 = tpu.memref_slice %arg12[%multiple_of3A_499, %get3A_707] : memref<96x128xf32, #tpu.memory_space<vmem>> -> memref<8x128xf32, #tpu.memory_space<vmem>>
        %get3A_709 = arith.index_cast %get3A_706 : i32 to index
        %get3A_710 = arith.index_cast %add3A_705 : i32 to index
        %get3A_711 = tpu.vector_load %get3A_708[%get3A_709, %get3A_710] {strides = array<i32>} : memref<8x128xf32, #tpu.memory_space<vmem>>, vector<16xf32>,
        %max3A_712 = arith.maximumf %max3A_675, %get3A_711 : vector<16xf32>
        %add3A_713 = arith.constant 32 : i32
        %add3A_714 = arith.addi %multiple_of3A_696, %add3A_713 : i32
        %get3A_715 = arith.constant 5 : i32
        %get3A_716 = arith.constant 0 : i32
        %get3A_717 = tpu.memref_slice %arg12[%multiple_of3A_499, %get3A_716] : memref<96x128xf32, #tpu.memory_space<vmem>> -> memref<8x128xf32, #tpu.memory_space<vmem>>
        %get3A_718 = arith.index_cast %get3A_715 : i32 to index
        %get3A_719 = arith.index_cast %add3A_714 : i32 to index
        %get3A_720 = tpu.vector_load %get3A_717[%get3A_718, %get3A_719] {strides = array<i32>} : memref<8x128xf32, #tpu.memory_space<vmem>>, vector<16xf32>,
        %max3A_721 = arith.maximumf %max3A_684, %get3A_720 : vector<16xf32>
        %add3A_722 = arith.constant 48 : i32
        %add3A_723 = arith.addi %multiple_of3A_696, %add3A_722 : i32
        %get3A_724 = arith.constant 5 : i32
        %get3A_725 = arith.constant 0 : i32
        %get3A_726 = tpu.memref_slice %arg12[%multiple_of3A_499, %get3A_725] : memref<96x128xf32, #tpu.memory_space<vmem>> -> memref<8x128xf32, #tpu.memory_space<vmem>>
        %get3A_727 = arith.index_cast %get3A_724 : i32 to index
        %get3A_728 = arith.index_cast %add3A_723 : i32 to index
        %get3A_729 = tpu.vector_load %get3A_726[%get3A_727, %get3A_728] {strides = array<i32>} : memref<8x128xf32, #tpu.memory_space<vmem>>, vector<16xf32>,
        %max3A_730 = arith.maximumf %max3A_693, %get3A_729 : vector<16xf32>
        %slice3A_731 = vector.extract_strided_slice %get3A_509 {offsets = [6], sizes = [1], strides = [1]} : vector<16xi32> to vector<1xi32>
        %squeeze3A_732 = vector.extract %slice3A_731[0] : i32 from vector<1xi32>
        %multiple_of3A_733 = tpu.assume_multiple %squeeze3A_732, 8 : i32
        %get3A_734 = arith.constant 6 : i32
        %get3A_735 = arith.constant 0 : i32
        %get3A_736 = tpu.memref_slice %arg12[%multiple_of3A_499, %get3A_735] : memref<96x128xf32, #tpu.memory_space<vmem>> -> memref<8x128xf32, #tpu.memory_space<vmem>>
        %get3A_737 = arith.index_cast %get3A_734 : i32 to index
        %get3A_738 = arith.index_cast %multiple_of3A_733 : i32 to index
        %get3A_739 = tpu.vector_load %get3A_736[%get3A_737, %get3A_738] {strides = array<i32>} : memref<8x128xf32, #tpu.memory_space<vmem>>, vector<16xf32>,
        %max3A_740 = arith.maximumf %max3A_703, %get3A_739 : vector<16xf32>
        %add3A_741 = arith.constant 16 : i32
        %add3A_742 = arith.addi %multiple_of3A_733, %add3A_741 : i32
        %get3A_743 = arith.constant 6 : i32
        %get3A_744 = arith.constant 0 : i32
        %get3A_745 = tpu.memref_slice %arg12[%multiple_of3A_499, %get3A_744] : memref<96x128xf32, #tpu.memory_space<vmem>> -> memref<8x128xf32, #tpu.memory_space<vmem>>
        %get3A_746 = arith.index_cast %get3A_743 : i32 to index
        %get3A_747 = arith.index_cast %add3A_742 : i32 to index
        %get3A_748 = tpu.vector_load %get3A_745[%get3A_746, %get3A_747] {strides = array<i32>} : memref<8x128xf32, #tpu.memory_space<vmem>>, vector<16xf32>,
        %max3A_749 = arith.maximumf %max3A_712, %get3A_748 : vector<16xf32>
        %add3A_750 = arith.constant 32 : i32
        %add3A_751 = arith.addi %multiple_of3A_733, %add3A_750 : i32
        %get3A_752 = arith.constant 6 : i32
        %get3A_753 = arith.constant 0 : i32
        %get3A_754 = tpu.memref_slice %arg12[%multiple_of3A_499, %get3A_753] : memref<96x128xf32, #tpu.memory_space<vmem>> -> memref<8x128xf32, #tpu.memory_space<vmem>>
        %get3A_755 = arith.index_cast %get3A_752 : i32 to index
        %get3A_756 = arith.index_cast %add3A_751 : i32 to index
        %get3A_757 = tpu.vector_load %get3A_754[%get3A_755, %get3A_756] {strides = array<i32>} : memref<8x128xf32, #tpu.memory_space<vmem>>, vector<16xf32>,
        %max3A_758 = arith.maximumf %max3A_721, %get3A_757 : vector<16xf32>
        %add3A_759 = arith.constant 48 : i32
        %add3A_760 = arith.addi %multiple_of3A_733, %add3A_759 : i32
        %get3A_761 = arith.constant 6 : i32
        %get3A_762 = arith.constant 0 : i32
        %get3A_763 = tpu.memref_slice %arg12[%multiple_of3A_499, %get3A_762] : memref<96x128xf32, #tpu.memory_space<vmem>> -> memref<8x128xf32, #tpu.memory_space<vmem>>
        %get3A_764 = arith.index_cast %get3A_761 : i32 to index
        %get3A_765 = arith.index_cast %add3A_760 : i32 to index
        %get3A_766 = tpu.vector_load %get3A_763[%get3A_764, %get3A_765] {strides = array<i32>} : memref<8x128xf32, #tpu.memory_space<vmem>>, vector<16xf32>,
        %max3A_767 = arith.maximumf %max3A_730, %get3A_766 : vector<16xf32>
        %slice3A_768 = vector.extract_strided_slice %get3A_509 {offsets = [7], sizes = [1], strides = [1]} : vector<16xi32> to vector<1xi32>
        %squeeze3A_769 = vector.extract %slice3A_768[0] : i32 from vector<1xi32>
        %multiple_of3A_770 = tpu.assume_multiple %squeeze3A_769, 8 : i32
        %get3A_771 = arith.constant 7 : i32
        %get3A_772 = arith.constant 0 : i32
        %get3A_773 = tpu.memref_slice %arg12[%multiple_of3A_499, %get3A_772] : memref<96x128xf32, #tpu.memory_space<vmem>> -> memref<8x128xf32, #tpu.memory_space<vmem>>
        %get3A_774 = arith.index_cast %get3A_771 : i32 to index
        %get3A_775 = arith.index_cast %multiple_of3A_770 : i32 to index
        %get3A_776 = tpu.vector_load %get3A_773[%get3A_774, %get3A_775] {strides = array<i32>} : memref<8x128xf32, #tpu.memory_space<vmem>>, vector<16xf32>,
        %max3A_777 = arith.maximumf %max3A_740, %get3A_776 : vector<16xf32>
        %add3A_778 = arith.constant 16 : i32
        %add3A_779 = arith.addi %multiple_of3A_770, %add3A_778 : i32
        %get3A_780 = arith.constant 7 : i32
        %get3A_781 = arith.constant 0 : i32
        %get3A_782 = tpu.memref_slice %arg12[%multiple_of3A_499, %get3A_781] : memref<96x128xf32, #tpu.memory_space<vmem>> -> memref<8x128xf32, #tpu.memory_space<vmem>>
        %get3A_783 = arith.index_cast %get3A_780 : i32 to index
        %get3A_784 = arith.index_cast %add3A_779 : i32 to index
        %get3A_785 = tpu.vector_load %get3A_782[%get3A_783, %get3A_784] {strides = array<i32>} : memref<8x128xf32, #tpu.memory_space<vmem>>, vector<16xf32>,
        %max3A_786 = arith.maximumf %max3A_749, %get3A_785 : vector<16xf32>
        %add3A_787 = arith.constant 32 : i32
        %add3A_788 = arith.addi %multiple_of3A_770, %add3A_787 : i32
        %get3A_789 = arith.constant 7 : i32
        %get3A_790 = arith.constant 0 : i32
        %get3A_791 = tpu.memref_slice %arg12[%multiple_of3A_499, %get3A_790] : memref<96x128xf32, #tpu.memory_space<vmem>> -> memref<8x128xf32, #tpu.memory_space<vmem>>
        %get3A_792 = arith.index_cast %get3A_789 : i32 to index
        %get3A_793 = arith.index_cast %add3A_788 : i32 to index
        %get3A_794 = tpu.vector_load %get3A_791[%get3A_792, %get3A_793] {strides = array<i32>} : memref<8x128xf32, #tpu.memory_space<vmem>>, vector<16xf32>,
        %max3A_795 = arith.maximumf %max3A_758, %get3A_794 : vector<16xf32>
        %add3A_796 = arith.constant 48 : i32
        %add3A_797 = arith.addi %multiple_of3A_770, %add3A_796 : i32
        %get3A_798 = arith.constant 7 : i32
        %get3A_799 = arith.constant 0 : i32
        %get3A_800 = tpu.memref_slice %arg12[%multiple_of3A_499, %get3A_799] : memref<96x128xf32, #tpu.memory_space<vmem>> -> memref<8x128xf32, #tpu.memory_space<vmem>>
        %get3A_801 = arith.index_cast %get3A_798 : i32 to index
        %get3A_802 = arith.index_cast %add3A_797 : i32 to index
        %get3A_803 = tpu.vector_load %get3A_800[%get3A_801, %get3A_802] {strides = array<i32>} : memref<8x128xf32, #tpu.memory_space<vmem>>, vector<16xf32>,
        %max3A_804 = arith.maximumf %max3A_767, %get3A_803 : vector<16xf32>
        scf.yield %max3A_777, %max3A_786, %max3A_795, %max3A_804 : vector<16xf32>, vector<16xf32>, vector<16xf32>, vector<16xf32>
      }
      %scan3A_397 = arith.constant 12 : i32
      %bitcast3A_398 = vector.bitcast %scan3A_396#0 : vector<16xf32> to vector<16xi32>
      %add3A_399 = arith.constant 32767 : i32
      %add3A_400 = vector.broadcast %add3A_399 : i32 to vector<16xi32>
      %add3A_401 = arith.addi %bitcast3A_398, %add3A_400 : vector<16xi32>
      %shift_right_logical3A_402 = arith.constant 16 : i32
      %shift_right_logical3A_403 = vector.broadcast %shift_right_logical3A_402 : i32 to vector<16xi32>
      %shift_right_logical3A_404 = arith.shrui %bitcast3A_398, %shift_right_logical3A_403 : vector<16xi32>
      %and3A_405 = arith.constant 1 : i32
      %and3A_406 = vector.broadcast %and3A_405 : i32 to vector<16xi32>
      %and3A_407 = arith.andi %shift_right_logical3A_404, %and3A_406 : vector<16xi32>
      %add3A_408 = arith.addi %add3A_401, %and3A_407 : vector<16xi32>
      %and3A_409 = arith.constant -65536 : i32
      %and3A_410 = vector.broadcast %and3A_409 : i32 to vector<16xi32>
      %and3A_411 = arith.andi %add3A_408, %and3A_410 : vector<16xi32>
      %bitcast3A_412 = vector.bitcast %and3A_411 : vector<16xi32> to vector<16xf32>
      %bitcast3A_413 = vector.bitcast %scan3A_396#1 : vector<16xf32> to vector<16xi32>
      %add3A_414 = arith.constant 32767 : i32
      %add3A_415 = vector.broadcast %add3A_414 : i32 to vector<16xi32>
      %add3A_416 = arith.addi %bitcast3A_413, %add3A_415 : vector<16xi32>
      %shift_right_logical3A_417 = arith.constant 16 : i32
      %shift_right_logical3A_418 = vector.broadcast %shift_right_logical3A_417 : i32 to vector<16xi32>
      %shift_right_logical3A_419 = arith.shrui %bitcast3A_413, %shift_right_logical3A_418 : vector<16xi32>
      %and3A_420 = arith.constant 1 : i32
      %and3A_421 = vector.broadcast %and3A_420 : i32 to vector<16xi32>
      %and3A_422 = arith.andi %shift_right_logical3A_419, %and3A_421 : vector<16xi32>
      %add3A_423 = arith.addi %add3A_416, %and3A_422 : vector<16xi32>
      %and3A_424 = arith.constant -65536 : i32
      %and3A_425 = vector.broadcast %and3A_424 : i32 to vector<16xi32>
      %and3A_426 = arith.andi %add3A_423, %and3A_425 : vector<16xi32>
      %bitcast3A_427 = vector.bitcast %and3A_426 : vector<16xi32> to vector<16xf32>
      %bitcast3A_428 = vector.bitcast %scan3A_396#2 : vector<16xf32> to vector<16xi32>
      %add3A_429 = arith.constant 32767 : i32
      %add3A_430 = vector.broadcast %add3A_429 : i32 to vector<16xi32>
      %add3A_431 = arith.addi %bitcast3A_428, %add3A_430 : vector<16xi32>
      %shift_right_logical3A_432 = arith.constant 16 : i32
      %shift_right_logical3A_433 = vector.broadcast %shift_right_logical3A_432 : i32 to vector<16xi32>
      %shift_right_logical3A_434 = arith.shrui %bitcast3A_428, %shift_right_logical3A_433 : vector<16xi32>
      %and3A_435 = arith.constant 1 : i32
      %and3A_436 = vector.broadcast %and3A_435 : i32 to vector<16xi32>
      %and3A_437 = arith.andi %shift_right_logical3A_434, %and3A_436 : vector<16xi32>
      %add3A_438 = arith.addi %add3A_431, %and3A_437 : vector<16xi32>
      %and3A_439 = arith.constant -65536 : i32
      %and3A_440 = vector.broadcast %and3A_439 : i32 to vector<16xi32>
      %and3A_441 = arith.andi %add3A_438, %and3A_440 : vector<16xi32>
      %bitcast3A_442 = vector.bitcast %and3A_441 : vector<16xi32> to vector<16xf32>
      %bitcast3A_443 = vector.bitcast %scan3A_396#3 : vector<16xf32> to vector<16xi32>
      %add3A_444 = arith.constant 32767 : i32
      %add3A_445 = vector.broadcast %add3A_444 : i32 to vector<16xi32>
      %add3A_446 = arith.addi %bitcast3A_443, %add3A_445 : vector<16xi32>
      %shift_right_logical3A_447 = arith.constant 16 : i32
      %shift_right_logical3A_448 = vector.broadcast %shift_right_logical3A_447 : i32 to vector<16xi32>
      %shift_right_logical3A_449 = arith.shrui %bitcast3A_443, %shift_right_logical3A_448 : vector<16xi32>
      %and3A_450 = arith.constant 1 : i32
      %and3A_451 = vector.broadcast %and3A_450 : i32 to vector<16xi32>
      %and3A_452 = arith.andi %shift_right_logical3A_449, %and3A_451 : vector<16xi32>
      %add3A_453 = arith.addi %add3A_446, %and3A_452 : vector<16xi32>
      %and3A_454 = arith.constant -65536 : i32
      %and3A_455 = vector.broadcast %and3A_454 : i32 to vector<16xi32>
      %and3A_456 = arith.andi %add3A_453, %and3A_455 : vector<16xi32>
      %bitcast3A_457 = vector.bitcast %and3A_456 : vector<16xi32> to vector<16xf32>
      %mul3A_458 = arith.mulf %bitcast3A_412, %get3A_3 : vector<16xf32>
      %mul3A_459 = arith.mulf %bitcast3A_427, %get3A_5 : vector<16xf32>
      %add3A_460 = arith.addf %mul3A_458, %mul3A_459 : vector<16xf32>
      %mul3A_461 = arith.mulf %bitcast3A_442, %get3A_7 : vector<16xf32>
      %add3A_462 = arith.addf %add3A_460, %mul3A_461 : vector<16xf32>
      %mul3A_463 = arith.mulf %bitcast3A_457, %get3A_9 : vector<16xf32>
      %add3A_464 = arith.addf %add3A_462, %mul3A_463 : vector<16xf32>
      %reduce_sum3A_465 = arith.constant true
      %reduce_sum3A_466 = vector.broadcast %reduce_sum3A_465 : i1 to vector<16xi1>
      %reduce_sum3A_467 = tpu.scan <sum>, %add3A_464 masked %reduce_sum3A_466 : vector<16xf32>, vector<16xi1> -> vector<16xf32>
      %reduce_sum3A_468 = vector.extract %reduce_sum3A_467[15] : f32 from vector<16xf32>
      %add3A_469 = arith.addf %reduce_sum3A_468, %squeeze3A : f32
      %broadcast_in_dim3A_470 = vector.broadcast %add3A_367 : i32 to vector<16xi32>
      %broadcast_in_dim3A_471 = vector.broadcast %add3A_469 : f32 to vector<16xf32>
      tpu.vector_store_idx %arg14[%broadcast_in_dim3A_470], %broadcast_in_dim3A_471 masked %eq3A_13 : memref<128xf32, #tpu.memory_space<vmem>>[vector<16xi32>], vector<16xf32>, vector<16xi1>
      %add3A_472 = arith.constant 3 : i32
      %add3A_473 = arith.addi %mul3A_241, %add3A_472 : i32
      %mul3A_474 = arith.constant 200 : i32
      %mul3A_475 = arith.muli %add3A_473, %mul3A_474 : i32
      %add3A_476 = arith.constant 0 : i32
      %add3A_477 = arith.addi %mul3A_475, %add3A_476 : i32
      %multiple_of3A_478 = tpu.assume_multiple %add3A_477, 8 : i32
      %dma_start3A_479 = tpu.memref_slice %arg7[%multiple_of3A_478] : memref<25600xi32, #tpu.memory_space<vmem>> -> memref<104xi32, #tpu.memory_space<vmem>>
      %dma_start3A_480 = arith.constant 0 : i32
      %dma_start3A_481 = arith.constant 0 : i32
      %dma_start3A_482 = tpu.memref_slice %arg4[%dma_start3A_480, %dma_start3A_481] : memref<500000x128xf32, #tpu.memory_space<hbm>> -> memref<500000x128xf32, #tpu.memory_space<hbm>>
      tpu.enqueue_indirect_dma source(%dma_start3A_482 : memref<500000x128xf32, #tpu.memory_space<hbm>>) target(%arg11 : memref<104x128xf32, #tpu.memory_space<vmem>>) offsets(%dma_start3A_479 : memref<104xi32, #tpu.memory_space<vmem>>) semaphore(%arg17 : memref<!tpu.dma_semaphore, #tpu.memory_space<semaphore_mem>>)
      %mul3A_483 = arith.constant 200 : i32
      %mul3A_484 = arith.muli %add3A_473, %mul3A_483 : i32
      %add3A_485 = arith.constant 104 : i32
      %add3A_486 = arith.addi %mul3A_484, %add3A_485 : i32
      %multiple_of3A_487 = tpu.assume_multiple %add3A_486, 8 : i32
      %dma_start3A_488 = tpu.memref_slice %arg7[%multiple_of3A_487] : memref<25600xi32, #tpu.memory_space<vmem>> -> memref<96xi32, #tpu.memory_space<vmem>>
      %dma_start3A_489 = arith.constant 0 : i32
      %dma_start3A_490 = arith.constant 0 : i32
      %dma_start3A_491 = tpu.memref_slice %arg4[%dma_start3A_489, %dma_start3A_490] : memref<500000x128xf32, #tpu.memory_space<hbm>> -> memref<500000x128xf32, #tpu.memory_space<hbm>>
      tpu.enqueue_indirect_dma source(%dma_start3A_491 : memref<500000x128xf32, #tpu.memory_space<hbm>>) target(%arg12 : memref<96x128xf32, #tpu.memory_space<vmem>>) offsets(%dma_start3A_488 : memref<96xi32, #tpu.memory_space<vmem>>) semaphore(%arg18 : memref<!tpu.dma_semaphore, #tpu.memory_space<semaphore_mem>>)
    }
    %scan3A_42 = arith.constant 63 : i32
    %multiple_of3A_43 = arith.constant 25200 : i32
    %multiple_of3A_44 = tpu.assume_multiple %multiple_of3A_43, 8 : i32
    %dma_wait3A = tpu.memref_slice %arg7[%multiple_of3A_44] : memref<25600xi32, #tpu.memory_space<vmem>> -> memref<104xi32, #tpu.memory_space<vmem>>
    %dma_wait3A_45 = arith.constant 0 : i32
    %dma_wait3A_46 = arith.constant 0 : i32
    %dma_wait3A_47 = tpu.memref_slice %arg4[%dma_wait3A_45, %dma_wait3A_46] : memref<500000x128xf32, #tpu.memory_space<hbm>> -> memref<500000x128xf32, #tpu.memory_space<hbm>>
    tpu.wait_indirect_dma semaphore(%arg15 : memref<!tpu.dma_semaphore, #tpu.memory_space<semaphore_mem>>) src(%dma_wait3A_47 : memref<500000x128xf32, #tpu.memory_space<hbm>>) dst(%arg9 : memref<104x128xf32, #tpu.memory_space<vmem>>)
    %multiple_of3A_48 = arith.constant 25304 : i32
    %multiple_of3A_49 = tpu.assume_multiple %multiple_of3A_48, 8 : i32
    %dma_wait3A_50 = tpu.memref_slice %arg7[%multiple_of3A_49] : memref<25600xi32, #tpu.memory_space<vmem>> -> memref<96xi32, #tpu.memory_space<vmem>>
    %dma_wait3A_51 = arith.constant 0 : i32
    %dma_wait3A_52 = arith.constant 0 : i32
    %dma_wait3A_53 = tpu.memref_slice %arg4[%dma_wait3A_51, %dma_wait3A_52] : memref<500000x128xf32, #tpu.memory_space<hbm>> -> memref<500000x128xf32, #tpu.memory_space<hbm>>
    tpu.wait_indirect_dma semaphore(%arg16 : memref<!tpu.dma_semaphore, #tpu.memory_space<semaphore_mem>>) src(%dma_wait3A_53 : memref<500000x128xf32, #tpu.memory_space<hbm>>) dst(%arg10 : memref<96x128xf32, #tpu.memory_space<vmem>>)
    %scan3A_54 = arith.constant 0 : i32
    %scan3A_55 = arith.constant 13 : i32
    %scan3A_56 = arith.addi %scan3A_54, %scan3A_55 : i32
    %scan3A_57 = arith.constant 1 : i32
    %scan3A_58:4 = scf.for %scan3A_239 = %scan3A_54 to %scan3A_56 step %scan3A_57 iter_args(%scan3A_240 = %broadcast_in_dim3A_14, %scan3A_241 = %broadcast_in_dim3A_14, %scan3A_242 = %broadcast_in_dim3A_14, %scan3A_243 = %broadcast_in_dim3A_14) -> (vector<16xf32>, vector<16xf32>, vector<16xf32>, vector<16xf32>)  : i32 {
      %mul3A_244 = arith.constant 8 : i32
      %mul3A_245 = arith.muli %scan3A_239, %mul3A_244 : i32
      %multiple_of3A_246 = tpu.assume_multiple %mul3A_245, 8 : i32
      %mul3A_247 = arith.constant 8 : i32
      %mul3A_248 = arith.muli %scan3A_239, %mul3A_247 : i32
      %add3A_249 = arith.constant 25200 : i32
      %add3A_250 = arith.addi %add3A_249, %mul3A_248 : i32
      %multiple_of3A_251 = tpu.assume_multiple %add3A_250, 8 : i32
      %get3A_252 = arith.index_cast %multiple_of3A_251 : i32 to index
      %get3A_253 = tpu.vector_load %arg8[%get3A_252] {strides = array<i32>} : memref<25600xi32, #tpu.memory_space<vmem>>, vector<16xi32>,
      %slice3A_254 = vector.extract_strided_slice %get3A_253 {offsets = [0], sizes = [1], strides = [1]} : vector<16xi32> to vector<1xi32>
      %squeeze3A_255 = vector.extract %slice3A_254[0] : i32 from vector<1xi32>
      %multiple_of3A_256 = tpu.assume_multiple %squeeze3A_255, 8 : i32
      %get3A_257 = arith.constant 0 : i32
      %get3A_258 = arith.constant 0 : i32
      %get3A_259 = tpu.memref_slice %arg9[%multiple_of3A_246, %get3A_258] : memref<104x128xf32, #tpu.memory_space<vmem>> -> memref<8x128xf32, #tpu.memory_space<vmem>>
      %get3A_260 = arith.index_cast %get3A_257 : i32 to index
      %get3A_261 = arith.index_cast %multiple_of3A_256 : i32 to index
      %get3A_262 = tpu.vector_load %get3A_259[%get3A_260, %get3A_261] {strides = array<i32>} : memref<8x128xf32, #tpu.memory_space<vmem>>, vector<16xf32>,
      %max3A = arith.maximumf %scan3A_240, %get3A_262 : vector<16xf32>
      %add3A_263 = arith.constant 16 : i32
      %add3A_264 = arith.addi %multiple_of3A_256, %add3A_263 : i32
      %get3A_265 = arith.constant 0 : i32
      %get3A_266 = arith.constant 0 : i32
      %get3A_267 = tpu.memref_slice %arg9[%multiple_of3A_246, %get3A_266] : memref<104x128xf32, #tpu.memory_space<vmem>> -> memref<8x128xf32, #tpu.memory_space<vmem>>
      %get3A_268 = arith.index_cast %get3A_265 : i32 to index
      %get3A_269 = arith.index_cast %add3A_264 : i32 to index
      %get3A_270 = tpu.vector_load %get3A_267[%get3A_268, %get3A_269] {strides = array<i32>} : memref<8x128xf32, #tpu.memory_space<vmem>>, vector<16xf32>,
      %max3A_271 = arith.maximumf %scan3A_241, %get3A_270 : vector<16xf32>
      %add3A_272 = arith.constant 32 : i32
      %add3A_273 = arith.addi %multiple_of3A_256, %add3A_272 : i32
      %get3A_274 = arith.constant 0 : i32
      %get3A_275 = arith.constant 0 : i32
      %get3A_276 = tpu.memref_slice %arg9[%multiple_of3A_246, %get3A_275] : memref<104x128xf32, #tpu.memory_space<vmem>> -> memref<8x128xf32, #tpu.memory_space<vmem>>
      %get3A_277 = arith.index_cast %get3A_274 : i32 to index
      %get3A_278 = arith.index_cast %add3A_273 : i32 to index
      %get3A_279 = tpu.vector_load %get3A_276[%get3A_277, %get3A_278] {strides = array<i32>} : memref<8x128xf32, #tpu.memory_space<vmem>>, vector<16xf32>,
      %max3A_280 = arith.maximumf %scan3A_242, %get3A_279 : vector<16xf32>
      %add3A_281 = arith.constant 48 : i32
      %add3A_282 = arith.addi %multiple_of3A_256, %add3A_281 : i32
      %get3A_283 = arith.constant 0 : i32
      %get3A_284 = arith.constant 0 : i32
      %get3A_285 = tpu.memref_slice %arg9[%multiple_of3A_246, %get3A_284] : memref<104x128xf32, #tpu.memory_space<vmem>> -> memref<8x128xf32, #tpu.memory_space<vmem>>
      %get3A_286 = arith.index_cast %get3A_283 : i32 to index
      %get3A_287 = arith.index_cast %add3A_282 : i32 to index
      %get3A_288 = tpu.vector_load %get3A_285[%get3A_286, %get3A_287] {strides = array<i32>} : memref<8x128xf32, #tpu.memory_space<vmem>>, vector<16xf32>,
      %max3A_289 = arith.maximumf %scan3A_243, %get3A_288 : vector<16xf32>
      %slice3A_290 = vector.extract_strided_slice %get3A_253 {offsets = [1], sizes = [1], strides = [1]} : vector<16xi32> to vector<1xi32>
      %squeeze3A_291 = vector.extract %slice3A_290[0] : i32 from vector<1xi32>
      %multiple_of3A_292 = tpu.assume_multiple %squeeze3A_291, 8 : i32
      %get3A_293 = arith.constant 1 : i32
      %get3A_294 = arith.constant 0 : i32
      %get3A_295 = tpu.memref_slice %arg9[%multiple_of3A_246, %get3A_294] : memref<104x128xf32, #tpu.memory_space<vmem>> -> memref<8x128xf32, #tpu.memory_space<vmem>>
      %get3A_296 = arith.index_cast %get3A_293 : i32 to index
      %get3A_297 = arith.index_cast %multiple_of3A_292 : i32 to index
      %get3A_298 = tpu.vector_load %get3A_295[%get3A_296, %get3A_297] {strides = array<i32>} : memref<8x128xf32, #tpu.memory_space<vmem>>, vector<16xf32>,
      %max3A_299 = arith.maximumf %max3A, %get3A_298 : vector<16xf32>
      %add3A_300 = arith.constant 16 : i32
      %add3A_301 = arith.addi %multiple_of3A_292, %add3A_300 : i32
      %get3A_302 = arith.constant 1 : i32
      %get3A_303 = arith.constant 0 : i32
      %get3A_304 = tpu.memref_slice %arg9[%multiple_of3A_246, %get3A_303] : memref<104x128xf32, #tpu.memory_space<vmem>> -> memref<8x128xf32, #tpu.memory_space<vmem>>
      %get3A_305 = arith.index_cast %get3A_302 : i32 to index
      %get3A_306 = arith.index_cast %add3A_301 : i32 to index
      %get3A_307 = tpu.vector_load %get3A_304[%get3A_305, %get3A_306] {strides = array<i32>} : memref<8x128xf32, #tpu.memory_space<vmem>>, vector<16xf32>,
      %max3A_308 = arith.maximumf %max3A_271, %get3A_307 : vector<16xf32>
      %add3A_309 = arith.constant 32 : i32
      %add3A_310 = arith.addi %multiple_of3A_292, %add3A_309 : i32
      %get3A_311 = arith.constant 1 : i32
      %get3A_312 = arith.constant 0 : i32
      %get3A_313 = tpu.memref_slice %arg9[%multiple_of3A_246, %get3A_312] : memref<104x128xf32, #tpu.memory_space<vmem>> -> memref<8x128xf32, #tpu.memory_space<vmem>>
      %get3A_314 = arith.index_cast %get3A_311 : i32 to index
      %get3A_315 = arith.index_cast %add3A_310 : i32 to index
      %get3A_316 = tpu.vector_load %get3A_313[%get3A_314, %get3A_315] {strides = array<i32>} : memref<8x128xf32, #tpu.memory_space<vmem>>, vector<16xf32>,
      %max3A_317 = arith.maximumf %max3A_280, %get3A_316 : vector<16xf32>
      %add3A_318 = arith.constant 48 : i32
      %add3A_319 = arith.addi %multiple_of3A_292, %add3A_318 : i32
      %get3A_320 = arith.constant 1 : i32
      %get3A_321 = arith.constant 0 : i32
      %get3A_322 = tpu.memref_slice %arg9[%multiple_of3A_246, %get3A_321] : memref<104x128xf32, #tpu.memory_space<vmem>> -> memref<8x128xf32, #tpu.memory_space<vmem>>
      %get3A_323 = arith.index_cast %get3A_320 : i32 to index
      %get3A_324 = arith.index_cast %add3A_319 : i32 to index
      %get3A_325 = tpu.vector_load %get3A_322[%get3A_323, %get3A_324] {strides = array<i32>} : memref<8x128xf32, #tpu.memory_space<vmem>>, vector<16xf32>,
      %max3A_326 = arith.maximumf %max3A_289, %get3A_325 : vector<16xf32>
      %slice3A_327 = vector.extract_strided_slice %get3A_253 {offsets = [2], sizes = [1], strides = [1]} : vector<16xi32> to vector<1xi32>
      %squeeze3A_328 = vector.extract %slice3A_327[0] : i32 from vector<1xi32>
      %multiple_of3A_329 = tpu.assume_multiple %squeeze3A_328, 8 : i32
      %get3A_330 = arith.constant 2 : i32
      %get3A_331 = arith.constant 0 : i32
      %get3A_332 = tpu.memref_slice %arg9[%multiple_of3A_246, %get3A_331] : memref<104x128xf32, #tpu.memory_space<vmem>> -> memref<8x128xf32, #tpu.memory_space<vmem>>
      %get3A_333 = arith.index_cast %get3A_330 : i32 to index
      %get3A_334 = arith.index_cast %multiple_of3A_329 : i32 to index
      %get3A_335 = tpu.vector_load %get3A_332[%get3A_333, %get3A_334] {strides = array<i32>} : memref<8x128xf32, #tpu.memory_space<vmem>>, vector<16xf32>,
      %max3A_336 = arith.maximumf %max3A_299, %get3A_335 : vector<16xf32>
      %add3A_337 = arith.constant 16 : i32
      %add3A_338 = arith.addi %multiple_of3A_329, %add3A_337 : i32
      %get3A_339 = arith.constant 2 : i32
      %get3A_340 = arith.constant 0 : i32
      %get3A_341 = tpu.memref_slice %arg9[%multiple_of3A_246, %get3A_340] : memref<104x128xf32, #tpu.memory_space<vmem>> -> memref<8x128xf32, #tpu.memory_space<vmem>>
      %get3A_342 = arith.index_cast %get3A_339 : i32 to index
      %get3A_343 = arith.index_cast %add3A_338 : i32 to index
      %get3A_344 = tpu.vector_load %get3A_341[%get3A_342, %get3A_343] {strides = array<i32>} : memref<8x128xf32, #tpu.memory_space<vmem>>, vector<16xf32>,
      %max3A_345 = arith.maximumf %max3A_308, %get3A_344 : vector<16xf32>
      %add3A_346 = arith.constant 32 : i32
      %add3A_347 = arith.addi %multiple_of3A_329, %add3A_346 : i32
      %get3A_348 = arith.constant 2 : i32
      %get3A_349 = arith.constant 0 : i32
      %get3A_350 = tpu.memref_slice %arg9[%multiple_of3A_246, %get3A_349] : memref<104x128xf32, #tpu.memory_space<vmem>> -> memref<8x128xf32, #tpu.memory_space<vmem>>
      %get3A_351 = arith.index_cast %get3A_348 : i32 to index
      %get3A_352 = arith.index_cast %add3A_347 : i32 to index
      %get3A_353 = tpu.vector_load %get3A_350[%get3A_351, %get3A_352] {strides = array<i32>} : memref<8x128xf32, #tpu.memory_space<vmem>>, vector<16xf32>,
      %max3A_354 = arith.maximumf %max3A_317, %get3A_353 : vector<16xf32>
      %add3A_355 = arith.constant 48 : i32
      %add3A_356 = arith.addi %multiple_of3A_329, %add3A_355 : i32
      %get3A_357 = arith.constant 2 : i32
      %get3A_358 = arith.constant 0 : i32
      %get3A_359 = tpu.memref_slice %arg9[%multiple_of3A_246, %get3A_358] : memref<104x128xf32, #tpu.memory_space<vmem>> -> memref<8x128xf32, #tpu.memory_space<vmem>>
      %get3A_360 = arith.index_cast %get3A_357 : i32 to index
      %get3A_361 = arith.index_cast %add3A_356 : i32 to index
      %get3A_362 = tpu.vector_load %get3A_359[%get3A_360, %get3A_361] {strides = array<i32>} : memref<8x128xf32, #tpu.memory_space<vmem>>, vector<16xf32>,
      %max3A_363 = arith.maximumf %max3A_326, %get3A_362 : vector<16xf32>
      %slice3A_364 = vector.extract_strided_slice %get3A_253 {offsets = [3], sizes = [1], strides = [1]} : vector<16xi32> to vector<1xi32>
      %squeeze3A_365 = vector.extract %slice3A_364[0] : i32 from vector<1xi32>
      %multiple_of3A_366 = tpu.assume_multiple %squeeze3A_365, 8 : i32
      %get3A_367 = arith.constant 3 : i32
      %get3A_368 = arith.constant 0 : i32
      %get3A_369 = tpu.memref_slice %arg9[%multiple_of3A_246, %get3A_368] : memref<104x128xf32, #tpu.memory_space<vmem>> -> memref<8x128xf32, #tpu.memory_space<vmem>>
      %get3A_370 = arith.index_cast %get3A_367 : i32 to index
      %get3A_371 = arith.index_cast %multiple_of3A_366 : i32 to index
      %get3A_372 = tpu.vector_load %get3A_369[%get3A_370, %get3A_371] {strides = array<i32>} : memref<8x128xf32, #tpu.memory_space<vmem>>, vector<16xf32>,
      %max3A_373 = arith.maximumf %max3A_336, %get3A_372 : vector<16xf32>
      %add3A_374 = arith.constant 16 : i32
      %add3A_375 = arith.addi %multiple_of3A_366, %add3A_374 : i32
      %get3A_376 = arith.constant 3 : i32
      %get3A_377 = arith.constant 0 : i32
      %get3A_378 = tpu.memref_slice %arg9[%multiple_of3A_246, %get3A_377] : memref<104x128xf32, #tpu.memory_space<vmem>> -> memref<8x128xf32, #tpu.memory_space<vmem>>
      %get3A_379 = arith.index_cast %get3A_376 : i32 to index
      %get3A_380 = arith.index_cast %add3A_375 : i32 to index
      %get3A_381 = tpu.vector_load %get3A_378[%get3A_379, %get3A_380] {strides = array<i32>} : memref<8x128xf32, #tpu.memory_space<vmem>>, vector<16xf32>,
      %max3A_382 = arith.maximumf %max3A_345, %get3A_381 : vector<16xf32>
      %add3A_383 = arith.constant 32 : i32
      %add3A_384 = arith.addi %multiple_of3A_366, %add3A_383 : i32
      %get3A_385 = arith.constant 3 : i32
      %get3A_386 = arith.constant 0 : i32
      %get3A_387 = tpu.memref_slice %arg9[%multiple_of3A_246, %get3A_386] : memref<104x128xf32, #tpu.memory_space<vmem>> -> memref<8x128xf32, #tpu.memory_space<vmem>>
      %get3A_388 = arith.index_cast %get3A_385 : i32 to index
      %get3A_389 = arith.index_cast %add3A_384 : i32 to index
      %get3A_390 = tpu.vector_load %get3A_387[%get3A_388, %get3A_389] {strides = array<i32>} : memref<8x128xf32, #tpu.memory_space<vmem>>, vector<16xf32>,
      %max3A_391 = arith.maximumf %max3A_354, %get3A_390 : vector<16xf32>
      %add3A_392 = arith.constant 48 : i32
      %add3A_393 = arith.addi %multiple_of3A_366, %add3A_392 : i32
      %get3A_394 = arith.constant 3 : i32
      %get3A_395 = arith.constant 0 : i32
      %get3A_396 = tpu.memref_slice %arg9[%multiple_of3A_246, %get3A_395] : memref<104x128xf32, #tpu.memory_space<vmem>> -> memref<8x128xf32, #tpu.memory_space<vmem>>
      %get3A_397 = arith.index_cast %get3A_394 : i32 to index
      %get3A_398 = arith.index_cast %add3A_393 : i32 to index
      %get3A_399 = tpu.vector_load %get3A_396[%get3A_397, %get3A_398] {strides = array<i32>} : memref<8x128xf32, #tpu.memory_space<vmem>>, vector<16xf32>,
      %max3A_400 = arith.maximumf %max3A_363, %get3A_399 : vector<16xf32>
      %slice3A_401 = vector.extract_strided_slice %get3A_253 {offsets = [4], sizes = [1], strides = [1]} : vector<16xi32> to vector<1xi32>
      %squeeze3A_402 = vector.extract %slice3A_401[0] : i32 from vector<1xi32>
      %multiple_of3A_403 = tpu.assume_multiple %squeeze3A_402, 8 : i32
      %get3A_404 = arith.constant 4 : i32
      %get3A_405 = arith.constant 0 : i32
      %get3A_406 = tpu.memref_slice %arg9[%multiple_of3A_246, %get3A_405] : memref<104x128xf32, #tpu.memory_space<vmem>> -> memref<8x128xf32, #tpu.memory_space<vmem>>
      %get3A_407 = arith.index_cast %get3A_404 : i32 to index
      %get3A_408 = arith.index_cast %multiple_of3A_403 : i32 to index
      %get3A_409 = tpu.vector_load %get3A_406[%get3A_407, %get3A_408] {strides = array<i32>} : memref<8x128xf32, #tpu.memory_space<vmem>>, vector<16xf32>,
      %max3A_410 = arith.maximumf %max3A_373, %get3A_409 : vector<16xf32>
      %add3A_411 = arith.constant 16 : i32
      %add3A_412 = arith.addi %multiple_of3A_403, %add3A_411 : i32
      %get3A_413 = arith.constant 4 : i32
      %get3A_414 = arith.constant 0 : i32
      %get3A_415 = tpu.memref_slice %arg9[%multiple_of3A_246, %get3A_414] : memref<104x128xf32, #tpu.memory_space<vmem>> -> memref<8x128xf32, #tpu.memory_space<vmem>>
      %get3A_416 = arith.index_cast %get3A_413 : i32 to index
      %get3A_417 = arith.index_cast %add3A_412 : i32 to index
      %get3A_418 = tpu.vector_load %get3A_415[%get3A_416, %get3A_417] {strides = array<i32>} : memref<8x128xf32, #tpu.memory_space<vmem>>, vector<16xf32>,
      %max3A_419 = arith.maximumf %max3A_382, %get3A_418 : vector<16xf32>
      %add3A_420 = arith.constant 32 : i32
      %add3A_421 = arith.addi %multiple_of3A_403, %add3A_420 : i32
      %get3A_422 = arith.constant 4 : i32
      %get3A_423 = arith.constant 0 : i32
      %get3A_424 = tpu.memref_slice %arg9[%multiple_of3A_246, %get3A_423] : memref<104x128xf32, #tpu.memory_space<vmem>> -> memref<8x128xf32, #tpu.memory_space<vmem>>
      %get3A_425 = arith.index_cast %get3A_422 : i32 to index
      %get3A_426 = arith.index_cast %add3A_421 : i32 to index
      %get3A_427 = tpu.vector_load %get3A_424[%get3A_425, %get3A_426] {strides = array<i32>} : memref<8x128xf32, #tpu.memory_space<vmem>>, vector<16xf32>,
      %max3A_428 = arith.maximumf %max3A_391, %get3A_427 : vector<16xf32>
      %add3A_429 = arith.constant 48 : i32
      %add3A_430 = arith.addi %multiple_of3A_403, %add3A_429 : i32
      %get3A_431 = arith.constant 4 : i32
      %get3A_432 = arith.constant 0 : i32
      %get3A_433 = tpu.memref_slice %arg9[%multiple_of3A_246, %get3A_432] : memref<104x128xf32, #tpu.memory_space<vmem>> -> memref<8x128xf32, #tpu.memory_space<vmem>>
      %get3A_434 = arith.index_cast %get3A_431 : i32 to index
      %get3A_435 = arith.index_cast %add3A_430 : i32 to index
      %get3A_436 = tpu.vector_load %get3A_433[%get3A_434, %get3A_435] {strides = array<i32>} : memref<8x128xf32, #tpu.memory_space<vmem>>, vector<16xf32>,
      %max3A_437 = arith.maximumf %max3A_400, %get3A_436 : vector<16xf32>
      %slice3A_438 = vector.extract_strided_slice %get3A_253 {offsets = [5], sizes = [1], strides = [1]} : vector<16xi32> to vector<1xi32>
      %squeeze3A_439 = vector.extract %slice3A_438[0] : i32 from vector<1xi32>
      %multiple_of3A_440 = tpu.assume_multiple %squeeze3A_439, 8 : i32
      %get3A_441 = arith.constant 5 : i32
      %get3A_442 = arith.constant 0 : i32
      %get3A_443 = tpu.memref_slice %arg9[%multiple_of3A_246, %get3A_442] : memref<104x128xf32, #tpu.memory_space<vmem>> -> memref<8x128xf32, #tpu.memory_space<vmem>>
      %get3A_444 = arith.index_cast %get3A_441 : i32 to index
      %get3A_445 = arith.index_cast %multiple_of3A_440 : i32 to index
      %get3A_446 = tpu.vector_load %get3A_443[%get3A_444, %get3A_445] {strides = array<i32>} : memref<8x128xf32, #tpu.memory_space<vmem>>, vector<16xf32>,
      %max3A_447 = arith.maximumf %max3A_410, %get3A_446 : vector<16xf32>
      %add3A_448 = arith.constant 16 : i32
      %add3A_449 = arith.addi %multiple_of3A_440, %add3A_448 : i32
      %get3A_450 = arith.constant 5 : i32
      %get3A_451 = arith.constant 0 : i32
      %get3A_452 = tpu.memref_slice %arg9[%multiple_of3A_246, %get3A_451] : memref<104x128xf32, #tpu.memory_space<vmem>> -> memref<8x128xf32, #tpu.memory_space<vmem>>
      %get3A_453 = arith.index_cast %get3A_450 : i32 to index
      %get3A_454 = arith.index_cast %add3A_449 : i32 to index
      %get3A_455 = tpu.vector_load %get3A_452[%get3A_453, %get3A_454] {strides = array<i32>} : memref<8x128xf32, #tpu.memory_space<vmem>>, vector<16xf32>,
      %max3A_456 = arith.maximumf %max3A_419, %get3A_455 : vector<16xf32>
      %add3A_457 = arith.constant 32 : i32
      %add3A_458 = arith.addi %multiple_of3A_440, %add3A_457 : i32
      %get3A_459 = arith.constant 5 : i32
      %get3A_460 = arith.constant 0 : i32
      %get3A_461 = tpu.memref_slice %arg9[%multiple_of3A_246, %get3A_460] : memref<104x128xf32, #tpu.memory_space<vmem>> -> memref<8x128xf32, #tpu.memory_space<vmem>>
      %get3A_462 = arith.index_cast %get3A_459 : i32 to index
      %get3A_463 = arith.index_cast %add3A_458 : i32 to index
      %get3A_464 = tpu.vector_load %get3A_461[%get3A_462, %get3A_463] {strides = array<i32>} : memref<8x128xf32, #tpu.memory_space<vmem>>, vector<16xf32>,
      %max3A_465 = arith.maximumf %max3A_428, %get3A_464 : vector<16xf32>
      %add3A_466 = arith.constant 48 : i32
      %add3A_467 = arith.addi %multiple_of3A_440, %add3A_466 : i32
      %get3A_468 = arith.constant 5 : i32
      %get3A_469 = arith.constant 0 : i32
      %get3A_470 = tpu.memref_slice %arg9[%multiple_of3A_246, %get3A_469] : memref<104x128xf32, #tpu.memory_space<vmem>> -> memref<8x128xf32, #tpu.memory_space<vmem>>
      %get3A_471 = arith.index_cast %get3A_468 : i32 to index
      %get3A_472 = arith.index_cast %add3A_467 : i32 to index
      %get3A_473 = tpu.vector_load %get3A_470[%get3A_471, %get3A_472] {strides = array<i32>} : memref<8x128xf32, #tpu.memory_space<vmem>>, vector<16xf32>,
      %max3A_474 = arith.maximumf %max3A_437, %get3A_473 : vector<16xf32>
      %slice3A_475 = vector.extract_strided_slice %get3A_253 {offsets = [6], sizes = [1], strides = [1]} : vector<16xi32> to vector<1xi32>
      %squeeze3A_476 = vector.extract %slice3A_475[0] : i32 from vector<1xi32>
      %multiple_of3A_477 = tpu.assume_multiple %squeeze3A_476, 8 : i32
      %get3A_478 = arith.constant 6 : i32
      %get3A_479 = arith.constant 0 : i32
      %get3A_480 = tpu.memref_slice %arg9[%multiple_of3A_246, %get3A_479] : memref<104x128xf32, #tpu.memory_space<vmem>> -> memref<8x128xf32, #tpu.memory_space<vmem>>
      %get3A_481 = arith.index_cast %get3A_478 : i32 to index
      %get3A_482 = arith.index_cast %multiple_of3A_477 : i32 to index
      %get3A_483 = tpu.vector_load %get3A_480[%get3A_481, %get3A_482] {strides = array<i32>} : memref<8x128xf32, #tpu.memory_space<vmem>>, vector<16xf32>,
      %max3A_484 = arith.maximumf %max3A_447, %get3A_483 : vector<16xf32>
      %add3A_485 = arith.constant 16 : i32
      %add3A_486 = arith.addi %multiple_of3A_477, %add3A_485 : i32
      %get3A_487 = arith.constant 6 : i32
      %get3A_488 = arith.constant 0 : i32
      %get3A_489 = tpu.memref_slice %arg9[%multiple_of3A_246, %get3A_488] : memref<104x128xf32, #tpu.memory_space<vmem>> -> memref<8x128xf32, #tpu.memory_space<vmem>>
      %get3A_490 = arith.index_cast %get3A_487 : i32 to index
      %get3A_491 = arith.index_cast %add3A_486 : i32 to index
      %get3A_492 = tpu.vector_load %get3A_489[%get3A_490, %get3A_491] {strides = array<i32>} : memref<8x128xf32, #tpu.memory_space<vmem>>, vector<16xf32>,
      %max3A_493 = arith.maximumf %max3A_456, %get3A_492 : vector<16xf32>
      %add3A_494 = arith.constant 32 : i32
      %add3A_495 = arith.addi %multiple_of3A_477, %add3A_494 : i32
      %get3A_496 = arith.constant 6 : i32
      %get3A_497 = arith.constant 0 : i32
      %get3A_498 = tpu.memref_slice %arg9[%multiple_of3A_246, %get3A_497] : memref<104x128xf32, #tpu.memory_space<vmem>> -> memref<8x128xf32, #tpu.memory_space<vmem>>
      %get3A_499 = arith.index_cast %get3A_496 : i32 to index
      %get3A_500 = arith.index_cast %add3A_495 : i32 to index
      %get3A_501 = tpu.vector_load %get3A_498[%get3A_499, %get3A_500] {strides = array<i32>} : memref<8x128xf32, #tpu.memory_space<vmem>>, vector<16xf32>,
      %max3A_502 = arith.maximumf %max3A_465, %get3A_501 : vector<16xf32>
      %add3A_503 = arith.constant 48 : i32
      %add3A_504 = arith.addi %multiple_of3A_477, %add3A_503 : i32
      %get3A_505 = arith.constant 6 : i32
      %get3A_506 = arith.constant 0 : i32
      %get3A_507 = tpu.memref_slice %arg9[%multiple_of3A_246, %get3A_506] : memref<104x128xf32, #tpu.memory_space<vmem>> -> memref<8x128xf32, #tpu.memory_space<vmem>>
      %get3A_508 = arith.index_cast %get3A_505 : i32 to index
      %get3A_509 = arith.index_cast %add3A_504 : i32 to index
      %get3A_510 = tpu.vector_load %get3A_507[%get3A_508, %get3A_509] {strides = array<i32>} : memref<8x128xf32, #tpu.memory_space<vmem>>, vector<16xf32>,
      %max3A_511 = arith.maximumf %max3A_474, %get3A_510 : vector<16xf32>
      %slice3A_512 = vector.extract_strided_slice %get3A_253 {offsets = [7], sizes = [1], strides = [1]} : vector<16xi32> to vector<1xi32>
      %squeeze3A_513 = vector.extract %slice3A_512[0] : i32 from vector<1xi32>
      %multiple_of3A_514 = tpu.assume_multiple %squeeze3A_513, 8 : i32
      %get3A_515 = arith.constant 7 : i32
      %get3A_516 = arith.constant 0 : i32
      %get3A_517 = tpu.memref_slice %arg9[%multiple_of3A_246, %get3A_516] : memref<104x128xf32, #tpu.memory_space<vmem>> -> memref<8x128xf32, #tpu.memory_space<vmem>>
      %get3A_518 = arith.index_cast %get3A_515 : i32 to index
      %get3A_519 = arith.index_cast %multiple_of3A_514 : i32 to index
      %get3A_520 = tpu.vector_load %get3A_517[%get3A_518, %get3A_519] {strides = array<i32>} : memref<8x128xf32, #tpu.memory_space<vmem>>, vector<16xf32>,
      %max3A_521 = arith.maximumf %max3A_484, %get3A_520 : vector<16xf32>
      %add3A_522 = arith.constant 16 : i32
      %add3A_523 = arith.addi %multiple_of3A_514, %add3A_522 : i32
      %get3A_524 = arith.constant 7 : i32
      %get3A_525 = arith.constant 0 : i32
      %get3A_526 = tpu.memref_slice %arg9[%multiple_of3A_246, %get3A_525] : memref<104x128xf32, #tpu.memory_space<vmem>> -> memref<8x128xf32, #tpu.memory_space<vmem>>
      %get3A_527 = arith.index_cast %get3A_524 : i32 to index
      %get3A_528 = arith.index_cast %add3A_523 : i32 to index
      %get3A_529 = tpu.vector_load %get3A_526[%get3A_527, %get3A_528] {strides = array<i32>} : memref<8x128xf32, #tpu.memory_space<vmem>>, vector<16xf32>,
      %max3A_530 = arith.maximumf %max3A_493, %get3A_529 : vector<16xf32>
      %add3A_531 = arith.constant 32 : i32
      %add3A_532 = arith.addi %multiple_of3A_514, %add3A_531 : i32
      %get3A_533 = arith.constant 7 : i32
      %get3A_534 = arith.constant 0 : i32
      %get3A_535 = tpu.memref_slice %arg9[%multiple_of3A_246, %get3A_534] : memref<104x128xf32, #tpu.memory_space<vmem>> -> memref<8x128xf32, #tpu.memory_space<vmem>>
      %get3A_536 = arith.index_cast %get3A_533 : i32 to index
      %get3A_537 = arith.index_cast %add3A_532 : i32 to index
      %get3A_538 = tpu.vector_load %get3A_535[%get3A_536, %get3A_537] {strides = array<i32>} : memref<8x128xf32, #tpu.memory_space<vmem>>, vector<16xf32>,
      %max3A_539 = arith.maximumf %max3A_502, %get3A_538 : vector<16xf32>
      %add3A_540 = arith.constant 48 : i32
      %add3A_541 = arith.addi %multiple_of3A_514, %add3A_540 : i32
      %get3A_542 = arith.constant 7 : i32
      %get3A_543 = arith.constant 0 : i32
      %get3A_544 = tpu.memref_slice %arg9[%multiple_of3A_246, %get3A_543] : memref<104x128xf32, #tpu.memory_space<vmem>> -> memref<8x128xf32, #tpu.memory_space<vmem>>
      %get3A_545 = arith.index_cast %get3A_542 : i32 to index
      %get3A_546 = arith.index_cast %add3A_541 : i32 to index
      %get3A_547 = tpu.vector_load %get3A_544[%get3A_545, %get3A_546] {strides = array<i32>} : memref<8x128xf32, #tpu.memory_space<vmem>>, vector<16xf32>,
      %max3A_548 = arith.maximumf %max3A_511, %get3A_547 : vector<16xf32>
      scf.yield %max3A_521, %max3A_530, %max3A_539, %max3A_548 : vector<16xf32>, vector<16xf32>, vector<16xf32>, vector<16xf32>
    }
    %scan3A_59 = arith.constant 13 : i32
    %scan3A_60 = arith.constant 0 : i32
    %scan3A_61 = arith.constant 12 : i32
    %scan3A_62 = arith.addi %scan3A_60, %scan3A_61 : i32
    %scan3A_63 = arith.constant 1 : i32
    %scan3A_64:4 = scf.for %scan3A_239 = %scan3A_60 to %scan3A_62 step %scan3A_63 iter_args(%scan3A_240 = %scan3A_58#0, %scan3A_241 = %scan3A_58#1, %scan3A_242 = %scan3A_58#2, %scan3A_243 = %scan3A_58#3) -> (vector<16xf32>, vector<16xf32>, vector<16xf32>, vector<16xf32>)  : i32 {
      %mul3A_244 = arith.constant 8 : i32
      %mul3A_245 = arith.muli %scan3A_239, %mul3A_244 : i32
      %multiple_of3A_246 = tpu.assume_multiple %mul3A_245, 8 : i32
      %mul3A_247 = arith.constant 8 : i32
      %mul3A_248 = arith.muli %scan3A_239, %mul3A_247 : i32
      %add3A_249 = arith.constant 25304 : i32
      %add3A_250 = arith.addi %add3A_249, %mul3A_248 : i32
      %multiple_of3A_251 = tpu.assume_multiple %add3A_250, 8 : i32
      %get3A_252 = arith.index_cast %multiple_of3A_251 : i32 to index
      %get3A_253 = tpu.vector_load %arg8[%get3A_252] {strides = array<i32>} : memref<25600xi32, #tpu.memory_space<vmem>>, vector<16xi32>,
      %slice3A_254 = vector.extract_strided_slice %get3A_253 {offsets = [0], sizes = [1], strides = [1]} : vector<16xi32> to vector<1xi32>
      %squeeze3A_255 = vector.extract %slice3A_254[0] : i32 from vector<1xi32>
      %multiple_of3A_256 = tpu.assume_multiple %squeeze3A_255, 8 : i32
      %get3A_257 = arith.constant 0 : i32
      %get3A_258 = arith.constant 0 : i32
      %get3A_259 = tpu.memref_slice %arg10[%multiple_of3A_246, %get3A_258] : memref<96x128xf32, #tpu.memory_space<vmem>> -> memref<8x128xf32, #tpu.memory_space<vmem>>
      %get3A_260 = arith.index_cast %get3A_257 : i32 to index
      %get3A_261 = arith.index_cast %multiple_of3A_256 : i32 to index
      %get3A_262 = tpu.vector_load %get3A_259[%get3A_260, %get3A_261] {strides = array<i32>} : memref<8x128xf32, #tpu.memory_space<vmem>>, vector<16xf32>,
      %max3A = arith.maximumf %scan3A_240, %get3A_262 : vector<16xf32>
      %add3A_263 = arith.constant 16 : i32
      %add3A_264 = arith.addi %multiple_of3A_256, %add3A_263 : i32
      %get3A_265 = arith.constant 0 : i32
      %get3A_266 = arith.constant 0 : i32
      %get3A_267 = tpu.memref_slice %arg10[%multiple_of3A_246, %get3A_266] : memref<96x128xf32, #tpu.memory_space<vmem>> -> memref<8x128xf32, #tpu.memory_space<vmem>>
      %get3A_268 = arith.index_cast %get3A_265 : i32 to index
      %get3A_269 = arith.index_cast %add3A_264 : i32 to index
      %get3A_270 = tpu.vector_load %get3A_267[%get3A_268, %get3A_269] {strides = array<i32>} : memref<8x128xf32, #tpu.memory_space<vmem>>, vector<16xf32>,
      %max3A_271 = arith.maximumf %scan3A_241, %get3A_270 : vector<16xf32>
      %add3A_272 = arith.constant 32 : i32
      %add3A_273 = arith.addi %multiple_of3A_256, %add3A_272 : i32
      %get3A_274 = arith.constant 0 : i32
      %get3A_275 = arith.constant 0 : i32
      %get3A_276 = tpu.memref_slice %arg10[%multiple_of3A_246, %get3A_275] : memref<96x128xf32, #tpu.memory_space<vmem>> -> memref<8x128xf32, #tpu.memory_space<vmem>>
      %get3A_277 = arith.index_cast %get3A_274 : i32 to index
      %get3A_278 = arith.index_cast %add3A_273 : i32 to index
      %get3A_279 = tpu.vector_load %get3A_276[%get3A_277, %get3A_278] {strides = array<i32>} : memref<8x128xf32, #tpu.memory_space<vmem>>, vector<16xf32>,
      %max3A_280 = arith.maximumf %scan3A_242, %get3A_279 : vector<16xf32>
      %add3A_281 = arith.constant 48 : i32
      %add3A_282 = arith.addi %multiple_of3A_256, %add3A_281 : i32
      %get3A_283 = arith.constant 0 : i32
      %get3A_284 = arith.constant 0 : i32
      %get3A_285 = tpu.memref_slice %arg10[%multiple_of3A_246, %get3A_284] : memref<96x128xf32, #tpu.memory_space<vmem>> -> memref<8x128xf32, #tpu.memory_space<vmem>>
      %get3A_286 = arith.index_cast %get3A_283 : i32 to index
      %get3A_287 = arith.index_cast %add3A_282 : i32 to index
      %get3A_288 = tpu.vector_load %get3A_285[%get3A_286, %get3A_287] {strides = array<i32>} : memref<8x128xf32, #tpu.memory_space<vmem>>, vector<16xf32>,
      %max3A_289 = arith.maximumf %scan3A_243, %get3A_288 : vector<16xf32>
      %slice3A_290 = vector.extract_strided_slice %get3A_253 {offsets = [1], sizes = [1], strides = [1]} : vector<16xi32> to vector<1xi32>
      %squeeze3A_291 = vector.extract %slice3A_290[0] : i32 from vector<1xi32>
      %multiple_of3A_292 = tpu.assume_multiple %squeeze3A_291, 8 : i32
      %get3A_293 = arith.constant 1 : i32
      %get3A_294 = arith.constant 0 : i32
      %get3A_295 = tpu.memref_slice %arg10[%multiple_of3A_246, %get3A_294] : memref<96x128xf32, #tpu.memory_space<vmem>> -> memref<8x128xf32, #tpu.memory_space<vmem>>
      %get3A_296 = arith.index_cast %get3A_293 : i32 to index
      %get3A_297 = arith.index_cast %multiple_of3A_292 : i32 to index
      %get3A_298 = tpu.vector_load %get3A_295[%get3A_296, %get3A_297] {strides = array<i32>} : memref<8x128xf32, #tpu.memory_space<vmem>>, vector<16xf32>,
      %max3A_299 = arith.maximumf %max3A, %get3A_298 : vector<16xf32>
      %add3A_300 = arith.constant 16 : i32
      %add3A_301 = arith.addi %multiple_of3A_292, %add3A_300 : i32
      %get3A_302 = arith.constant 1 : i32
      %get3A_303 = arith.constant 0 : i32
      %get3A_304 = tpu.memref_slice %arg10[%multiple_of3A_246, %get3A_303] : memref<96x128xf32, #tpu.memory_space<vmem>> -> memref<8x128xf32, #tpu.memory_space<vmem>>
      %get3A_305 = arith.index_cast %get3A_302 : i32 to index
      %get3A_306 = arith.index_cast %add3A_301 : i32 to index
      %get3A_307 = tpu.vector_load %get3A_304[%get3A_305, %get3A_306] {strides = array<i32>} : memref<8x128xf32, #tpu.memory_space<vmem>>, vector<16xf32>,
      %max3A_308 = arith.maximumf %max3A_271, %get3A_307 : vector<16xf32>
      %add3A_309 = arith.constant 32 : i32
      %add3A_310 = arith.addi %multiple_of3A_292, %add3A_309 : i32
      %get3A_311 = arith.constant 1 : i32
      %get3A_312 = arith.constant 0 : i32
      %get3A_313 = tpu.memref_slice %arg10[%multiple_of3A_246, %get3A_312] : memref<96x128xf32, #tpu.memory_space<vmem>> -> memref<8x128xf32, #tpu.memory_space<vmem>>
      %get3A_314 = arith.index_cast %get3A_311 : i32 to index
      %get3A_315 = arith.index_cast %add3A_310 : i32 to index
      %get3A_316 = tpu.vector_load %get3A_313[%get3A_314, %get3A_315] {strides = array<i32>} : memref<8x128xf32, #tpu.memory_space<vmem>>, vector<16xf32>,
      %max3A_317 = arith.maximumf %max3A_280, %get3A_316 : vector<16xf32>
      %add3A_318 = arith.constant 48 : i32
      %add3A_319 = arith.addi %multiple_of3A_292, %add3A_318 : i32
      %get3A_320 = arith.constant 1 : i32
      %get3A_321 = arith.constant 0 : i32
      %get3A_322 = tpu.memref_slice %arg10[%multiple_of3A_246, %get3A_321] : memref<96x128xf32, #tpu.memory_space<vmem>> -> memref<8x128xf32, #tpu.memory_space<vmem>>
      %get3A_323 = arith.index_cast %get3A_320 : i32 to index
      %get3A_324 = arith.index_cast %add3A_319 : i32 to index
      %get3A_325 = tpu.vector_load %get3A_322[%get3A_323, %get3A_324] {strides = array<i32>} : memref<8x128xf32, #tpu.memory_space<vmem>>, vector<16xf32>,
      %max3A_326 = arith.maximumf %max3A_289, %get3A_325 : vector<16xf32>
      %slice3A_327 = vector.extract_strided_slice %get3A_253 {offsets = [2], sizes = [1], strides = [1]} : vector<16xi32> to vector<1xi32>
      %squeeze3A_328 = vector.extract %slice3A_327[0] : i32 from vector<1xi32>
      %multiple_of3A_329 = tpu.assume_multiple %squeeze3A_328, 8 : i32
      %get3A_330 = arith.constant 2 : i32
      %get3A_331 = arith.constant 0 : i32
      %get3A_332 = tpu.memref_slice %arg10[%multiple_of3A_246, %get3A_331] : memref<96x128xf32, #tpu.memory_space<vmem>> -> memref<8x128xf32, #tpu.memory_space<vmem>>
      %get3A_333 = arith.index_cast %get3A_330 : i32 to index
      %get3A_334 = arith.index_cast %multiple_of3A_329 : i32 to index
      %get3A_335 = tpu.vector_load %get3A_332[%get3A_333, %get3A_334] {strides = array<i32>} : memref<8x128xf32, #tpu.memory_space<vmem>>, vector<16xf32>,
      %max3A_336 = arith.maximumf %max3A_299, %get3A_335 : vector<16xf32>
      %add3A_337 = arith.constant 16 : i32
      %add3A_338 = arith.addi %multiple_of3A_329, %add3A_337 : i32
      %get3A_339 = arith.constant 2 : i32
      %get3A_340 = arith.constant 0 : i32
      %get3A_341 = tpu.memref_slice %arg10[%multiple_of3A_246, %get3A_340] : memref<96x128xf32, #tpu.memory_space<vmem>> -> memref<8x128xf32, #tpu.memory_space<vmem>>
      %get3A_342 = arith.index_cast %get3A_339 : i32 to index
      %get3A_343 = arith.index_cast %add3A_338 : i32 to index
      %get3A_344 = tpu.vector_load %get3A_341[%get3A_342, %get3A_343] {strides = array<i32>} : memref<8x128xf32, #tpu.memory_space<vmem>>, vector<16xf32>,
      %max3A_345 = arith.maximumf %max3A_308, %get3A_344 : vector<16xf32>
      %add3A_346 = arith.constant 32 : i32
      %add3A_347 = arith.addi %multiple_of3A_329, %add3A_346 : i32
      %get3A_348 = arith.constant 2 : i32
      %get3A_349 = arith.constant 0 : i32
      %get3A_350 = tpu.memref_slice %arg10[%multiple_of3A_246, %get3A_349] : memref<96x128xf32, #tpu.memory_space<vmem>> -> memref<8x128xf32, #tpu.memory_space<vmem>>
      %get3A_351 = arith.index_cast %get3A_348 : i32 to index
      %get3A_352 = arith.index_cast %add3A_347 : i32 to index
      %get3A_353 = tpu.vector_load %get3A_350[%get3A_351, %get3A_352] {strides = array<i32>} : memref<8x128xf32, #tpu.memory_space<vmem>>, vector<16xf32>,
      %max3A_354 = arith.maximumf %max3A_317, %get3A_353 : vector<16xf32>
      %add3A_355 = arith.constant 48 : i32
      %add3A_356 = arith.addi %multiple_of3A_329, %add3A_355 : i32
      %get3A_357 = arith.constant 2 : i32
      %get3A_358 = arith.constant 0 : i32
      %get3A_359 = tpu.memref_slice %arg10[%multiple_of3A_246, %get3A_358] : memref<96x128xf32, #tpu.memory_space<vmem>> -> memref<8x128xf32, #tpu.memory_space<vmem>>
      %get3A_360 = arith.index_cast %get3A_357 : i32 to index
      %get3A_361 = arith.index_cast %add3A_356 : i32 to index
      %get3A_362 = tpu.vector_load %get3A_359[%get3A_360, %get3A_361] {strides = array<i32>} : memref<8x128xf32, #tpu.memory_space<vmem>>, vector<16xf32>,
      %max3A_363 = arith.maximumf %max3A_326, %get3A_362 : vector<16xf32>
      %slice3A_364 = vector.extract_strided_slice %get3A_253 {offsets = [3], sizes = [1], strides = [1]} : vector<16xi32> to vector<1xi32>
      %squeeze3A_365 = vector.extract %slice3A_364[0] : i32 from vector<1xi32>
      %multiple_of3A_366 = tpu.assume_multiple %squeeze3A_365, 8 : i32
      %get3A_367 = arith.constant 3 : i32
      %get3A_368 = arith.constant 0 : i32
      %get3A_369 = tpu.memref_slice %arg10[%multiple_of3A_246, %get3A_368] : memref<96x128xf32, #tpu.memory_space<vmem>> -> memref<8x128xf32, #tpu.memory_space<vmem>>
      %get3A_370 = arith.index_cast %get3A_367 : i32 to index
      %get3A_371 = arith.index_cast %multiple_of3A_366 : i32 to index
      %get3A_372 = tpu.vector_load %get3A_369[%get3A_370, %get3A_371] {strides = array<i32>} : memref<8x128xf32, #tpu.memory_space<vmem>>, vector<16xf32>,
      %max3A_373 = arith.maximumf %max3A_336, %get3A_372 : vector<16xf32>
      %add3A_374 = arith.constant 16 : i32
      %add3A_375 = arith.addi %multiple_of3A_366, %add3A_374 : i32
      %get3A_376 = arith.constant 3 : i32
      %get3A_377 = arith.constant 0 : i32
      %get3A_378 = tpu.memref_slice %arg10[%multiple_of3A_246, %get3A_377] : memref<96x128xf32, #tpu.memory_space<vmem>> -> memref<8x128xf32, #tpu.memory_space<vmem>>
      %get3A_379 = arith.index_cast %get3A_376 : i32 to index
      %get3A_380 = arith.index_cast %add3A_375 : i32 to index
      %get3A_381 = tpu.vector_load %get3A_378[%get3A_379, %get3A_380] {strides = array<i32>} : memref<8x128xf32, #tpu.memory_space<vmem>>, vector<16xf32>,
      %max3A_382 = arith.maximumf %max3A_345, %get3A_381 : vector<16xf32>
      %add3A_383 = arith.constant 32 : i32
      %add3A_384 = arith.addi %multiple_of3A_366, %add3A_383 : i32
      %get3A_385 = arith.constant 3 : i32
      %get3A_386 = arith.constant 0 : i32
      %get3A_387 = tpu.memref_slice %arg10[%multiple_of3A_246, %get3A_386] : memref<96x128xf32, #tpu.memory_space<vmem>> -> memref<8x128xf32, #tpu.memory_space<vmem>>
      %get3A_388 = arith.index_cast %get3A_385 : i32 to index
      %get3A_389 = arith.index_cast %add3A_384 : i32 to index
      %get3A_390 = tpu.vector_load %get3A_387[%get3A_388, %get3A_389] {strides = array<i32>} : memref<8x128xf32, #tpu.memory_space<vmem>>, vector<16xf32>,
      %max3A_391 = arith.maximumf %max3A_354, %get3A_390 : vector<16xf32>
      %add3A_392 = arith.constant 48 : i32
      %add3A_393 = arith.addi %multiple_of3A_366, %add3A_392 : i32
      %get3A_394 = arith.constant 3 : i32
      %get3A_395 = arith.constant 0 : i32
      %get3A_396 = tpu.memref_slice %arg10[%multiple_of3A_246, %get3A_395] : memref<96x128xf32, #tpu.memory_space<vmem>> -> memref<8x128xf32, #tpu.memory_space<vmem>>
      %get3A_397 = arith.index_cast %get3A_394 : i32 to index
      %get3A_398 = arith.index_cast %add3A_393 : i32 to index
      %get3A_399 = tpu.vector_load %get3A_396[%get3A_397, %get3A_398] {strides = array<i32>} : memref<8x128xf32, #tpu.memory_space<vmem>>, vector<16xf32>,
      %max3A_400 = arith.maximumf %max3A_363, %get3A_399 : vector<16xf32>
      %slice3A_401 = vector.extract_strided_slice %get3A_253 {offsets = [4], sizes = [1], strides = [1]} : vector<16xi32> to vector<1xi32>
      %squeeze3A_402 = vector.extract %slice3A_401[0] : i32 from vector<1xi32>
      %multiple_of3A_403 = tpu.assume_multiple %squeeze3A_402, 8 : i32
      %get3A_404 = arith.constant 4 : i32
      %get3A_405 = arith.constant 0 : i32
      %get3A_406 = tpu.memref_slice %arg10[%multiple_of3A_246, %get3A_405] : memref<96x128xf32, #tpu.memory_space<vmem>> -> memref<8x128xf32, #tpu.memory_space<vmem>>
      %get3A_407 = arith.index_cast %get3A_404 : i32 to index
      %get3A_408 = arith.index_cast %multiple_of3A_403 : i32 to index
      %get3A_409 = tpu.vector_load %get3A_406[%get3A_407, %get3A_408] {strides = array<i32>} : memref<8x128xf32, #tpu.memory_space<vmem>>, vector<16xf32>,
      %max3A_410 = arith.maximumf %max3A_373, %get3A_409 : vector<16xf32>
      %add3A_411 = arith.constant 16 : i32
      %add3A_412 = arith.addi %multiple_of3A_403, %add3A_411 : i32
      %get3A_413 = arith.constant 4 : i32
      %get3A_414 = arith.constant 0 : i32
      %get3A_415 = tpu.memref_slice %arg10[%multiple_of3A_246, %get3A_414] : memref<96x128xf32, #tpu.memory_space<vmem>> -> memref<8x128xf32, #tpu.memory_space<vmem>>
      %get3A_416 = arith.index_cast %get3A_413 : i32 to index
      %get3A_417 = arith.index_cast %add3A_412 : i32 to index
      %get3A_418 = tpu.vector_load %get3A_415[%get3A_416, %get3A_417] {strides = array<i32>} : memref<8x128xf32, #tpu.memory_space<vmem>>, vector<16xf32>,
      %max3A_419 = arith.maximumf %max3A_382, %get3A_418 : vector<16xf32>
      %add3A_420 = arith.constant 32 : i32
      %add3A_421 = arith.addi %multiple_of3A_403, %add3A_420 : i32
      %get3A_422 = arith.constant 4 : i32
      %get3A_423 = arith.constant 0 : i32
      %get3A_424 = tpu.memref_slice %arg10[%multiple_of3A_246, %get3A_423] : memref<96x128xf32, #tpu.memory_space<vmem>> -> memref<8x128xf32, #tpu.memory_space<vmem>>
      %get3A_425 = arith.index_cast %get3A_422 : i32 to index
      %get3A_426 = arith.index_cast %add3A_421 : i32 to index
      %get3A_427 = tpu.vector_load %get3A_424[%get3A_425, %get3A_426] {strides = array<i32>} : memref<8x128xf32, #tpu.memory_space<vmem>>, vector<16xf32>,
      %max3A_428 = arith.maximumf %max3A_391, %get3A_427 : vector<16xf32>
      %add3A_429 = arith.constant 48 : i32
      %add3A_430 = arith.addi %multiple_of3A_403, %add3A_429 : i32
      %get3A_431 = arith.constant 4 : i32
      %get3A_432 = arith.constant 0 : i32
      %get3A_433 = tpu.memref_slice %arg10[%multiple_of3A_246, %get3A_432] : memref<96x128xf32, #tpu.memory_space<vmem>> -> memref<8x128xf32, #tpu.memory_space<vmem>>
      %get3A_434 = arith.index_cast %get3A_431 : i32 to index
      %get3A_435 = arith.index_cast %add3A_430 : i32 to index
      %get3A_436 = tpu.vector_load %get3A_433[%get3A_434, %get3A_435] {strides = array<i32>} : memref<8x128xf32, #tpu.memory_space<vmem>>, vector<16xf32>,
      %max3A_437 = arith.maximumf %max3A_400, %get3A_436 : vector<16xf32>
      %slice3A_438 = vector.extract_strided_slice %get3A_253 {offsets = [5], sizes = [1], strides = [1]} : vector<16xi32> to vector<1xi32>
      %squeeze3A_439 = vector.extract %slice3A_438[0] : i32 from vector<1xi32>
      %multiple_of3A_440 = tpu.assume_multiple %squeeze3A_439, 8 : i32
      %get3A_441 = arith.constant 5 : i32
      %get3A_442 = arith.constant 0 : i32
      %get3A_443 = tpu.memref_slice %arg10[%multiple_of3A_246, %get3A_442] : memref<96x128xf32, #tpu.memory_space<vmem>> -> memref<8x128xf32, #tpu.memory_space<vmem>>
      %get3A_444 = arith.index_cast %get3A_441 : i32 to index
      %get3A_445 = arith.index_cast %multiple_of3A_440 : i32 to index
      %get3A_446 = tpu.vector_load %get3A_443[%get3A_444, %get3A_445] {strides = array<i32>} : memref<8x128xf32, #tpu.memory_space<vmem>>, vector<16xf32>,
      %max3A_447 = arith.maximumf %max3A_410, %get3A_446 : vector<16xf32>
      %add3A_448 = arith.constant 16 : i32
      %add3A_449 = arith.addi %multiple_of3A_440, %add3A_448 : i32
      %get3A_450 = arith.constant 5 : i32
      %get3A_451 = arith.constant 0 : i32
      %get3A_452 = tpu.memref_slice %arg10[%multiple_of3A_246, %get3A_451] : memref<96x128xf32, #tpu.memory_space<vmem>> -> memref<8x128xf32, #tpu.memory_space<vmem>>
      %get3A_453 = arith.index_cast %get3A_450 : i32 to index
      %get3A_454 = arith.index_cast %add3A_449 : i32 to index
      %get3A_455 = tpu.vector_load %get3A_452[%get3A_453, %get3A_454] {strides = array<i32>} : memref<8x128xf32, #tpu.memory_space<vmem>>, vector<16xf32>,
      %max3A_456 = arith.maximumf %max3A_419, %get3A_455 : vector<16xf32>
      %add3A_457 = arith.constant 32 : i32
      %add3A_458 = arith.addi %multiple_of3A_440, %add3A_457 : i32
      %get3A_459 = arith.constant 5 : i32
      %get3A_460 = arith.constant 0 : i32
      %get3A_461 = tpu.memref_slice %arg10[%multiple_of3A_246, %get3A_460] : memref<96x128xf32, #tpu.memory_space<vmem>> -> memref<8x128xf32, #tpu.memory_space<vmem>>
      %get3A_462 = arith.index_cast %get3A_459 : i32 to index
      %get3A_463 = arith.index_cast %add3A_458 : i32 to index
      %get3A_464 = tpu.vector_load %get3A_461[%get3A_462, %get3A_463] {strides = array<i32>} : memref<8x128xf32, #tpu.memory_space<vmem>>, vector<16xf32>,
      %max3A_465 = arith.maximumf %max3A_428, %get3A_464 : vector<16xf32>
      %add3A_466 = arith.constant 48 : i32
      %add3A_467 = arith.addi %multiple_of3A_440, %add3A_466 : i32
      %get3A_468 = arith.constant 5 : i32
      %get3A_469 = arith.constant 0 : i32
      %get3A_470 = tpu.memref_slice %arg10[%multiple_of3A_246, %get3A_469] : memref<96x128xf32, #tpu.memory_space<vmem>> -> memref<8x128xf32, #tpu.memory_space<vmem>>
      %get3A_471 = arith.index_cast %get3A_468 : i32 to index
      %get3A_472 = arith.index_cast %add3A_467 : i32 to index
      %get3A_473 = tpu.vector_load %get3A_470[%get3A_471, %get3A_472] {strides = array<i32>} : memref<8x128xf32, #tpu.memory_space<vmem>>, vector<16xf32>,
      %max3A_474 = arith.maximumf %max3A_437, %get3A_473 : vector<16xf32>
      %slice3A_475 = vector.extract_strided_slice %get3A_253 {offsets = [6], sizes = [1], strides = [1]} : vector<16xi32> to vector<1xi32>
      %squeeze3A_476 = vector.extract %slice3A_475[0] : i32 from vector<1xi32>
      %multiple_of3A_477 = tpu.assume_multiple %squeeze3A_476, 8 : i32
      %get3A_478 = arith.constant 6 : i32
      %get3A_479 = arith.constant 0 : i32
      %get3A_480 = tpu.memref_slice %arg10[%multiple_of3A_246, %get3A_479] : memref<96x128xf32, #tpu.memory_space<vmem>> -> memref<8x128xf32, #tpu.memory_space<vmem>>
      %get3A_481 = arith.index_cast %get3A_478 : i32 to index
      %get3A_482 = arith.index_cast %multiple_of3A_477 : i32 to index
      %get3A_483 = tpu.vector_load %get3A_480[%get3A_481, %get3A_482] {strides = array<i32>} : memref<8x128xf32, #tpu.memory_space<vmem>>, vector<16xf32>,
      %max3A_484 = arith.maximumf %max3A_447, %get3A_483 : vector<16xf32>
      %add3A_485 = arith.constant 16 : i32
      %add3A_486 = arith.addi %multiple_of3A_477, %add3A_485 : i32
      %get3A_487 = arith.constant 6 : i32
      %get3A_488 = arith.constant 0 : i32
      %get3A_489 = tpu.memref_slice %arg10[%multiple_of3A_246, %get3A_488] : memref<96x128xf32, #tpu.memory_space<vmem>> -> memref<8x128xf32, #tpu.memory_space<vmem>>
      %get3A_490 = arith.index_cast %get3A_487 : i32 to index
      %get3A_491 = arith.index_cast %add3A_486 : i32 to index
      %get3A_492 = tpu.vector_load %get3A_489[%get3A_490, %get3A_491] {strides = array<i32>} : memref<8x128xf32, #tpu.memory_space<vmem>>, vector<16xf32>,
      %max3A_493 = arith.maximumf %max3A_456, %get3A_492 : vector<16xf32>
      %add3A_494 = arith.constant 32 : i32
      %add3A_495 = arith.addi %multiple_of3A_477, %add3A_494 : i32
      %get3A_496 = arith.constant 6 : i32
      %get3A_497 = arith.constant 0 : i32
      %get3A_498 = tpu.memref_slice %arg10[%multiple_of3A_246, %get3A_497] : memref<96x128xf32, #tpu.memory_space<vmem>> -> memref<8x128xf32, #tpu.memory_space<vmem>>
      %get3A_499 = arith.index_cast %get3A_496 : i32 to index
      %get3A_500 = arith.index_cast %add3A_495 : i32 to index
      %get3A_501 = tpu.vector_load %get3A_498[%get3A_499, %get3A_500] {strides = array<i32>} : memref<8x128xf32, #tpu.memory_space<vmem>>, vector<16xf32>,
      %max3A_502 = arith.maximumf %max3A_465, %get3A_501 : vector<16xf32>
      %add3A_503 = arith.constant 48 : i32
      %add3A_504 = arith.addi %multiple_of3A_477, %add3A_503 : i32
      %get3A_505 = arith.constant 6 : i32
      %get3A_506 = arith.constant 0 : i32
      %get3A_507 = tpu.memref_slice %arg10[%multiple_of3A_246, %get3A_506] : memref<96x128xf32, #tpu.memory_space<vmem>> -> memref<8x128xf32, #tpu.memory_space<vmem>>
      %get3A_508 = arith.index_cast %get3A_505 : i32 to index
      %get3A_509 = arith.index_cast %add3A_504 : i32 to index
      %get3A_510 = tpu.vector_load %get3A_507[%get3A_508, %get3A_509] {strides = array<i32>} : memref<8x128xf32, #tpu.memory_space<vmem>>, vector<16xf32>,
      %max3A_511 = arith.maximumf %max3A_474, %get3A_510 : vector<16xf32>
      %slice3A_512 = vector.extract_strided_slice %get3A_253 {offsets = [7], sizes = [1], strides = [1]} : vector<16xi32> to vector<1xi32>
      %squeeze3A_513 = vector.extract %slice3A_512[0] : i32 from vector<1xi32>
      %multiple_of3A_514 = tpu.assume_multiple %squeeze3A_513, 8 : i32
      %get3A_515 = arith.constant 7 : i32
      %get3A_516 = arith.constant 0 : i32
      %get3A_517 = tpu.memref_slice %arg10[%multiple_of3A_246, %get3A_516] : memref<96x128xf32, #tpu.memory_space<vmem>> -> memref<8x128xf32, #tpu.memory_space<vmem>>
      %get3A_518 = arith.index_cast %get3A_515 : i32 to index
      %get3A_519 = arith.index_cast %multiple_of3A_514 : i32 to index
      %get3A_520 = tpu.vector_load %get3A_517[%get3A_518, %get3A_519] {strides = array<i32>} : memref<8x128xf32, #tpu.memory_space<vmem>>, vector<16xf32>,
      %max3A_521 = arith.maximumf %max3A_484, %get3A_520 : vector<16xf32>
      %add3A_522 = arith.constant 16 : i32
      %add3A_523 = arith.addi %multiple_of3A_514, %add3A_522 : i32
      %get3A_524 = arith.constant 7 : i32
      %get3A_525 = arith.constant 0 : i32
      %get3A_526 = tpu.memref_slice %arg10[%multiple_of3A_246, %get3A_525] : memref<96x128xf32, #tpu.memory_space<vmem>> -> memref<8x128xf32, #tpu.memory_space<vmem>>
      %get3A_527 = arith.index_cast %get3A_524 : i32 to index
      %get3A_528 = arith.index_cast %add3A_523 : i32 to index
      %get3A_529 = tpu.vector_load %get3A_526[%get3A_527, %get3A_528] {strides = array<i32>} : memref<8x128xf32, #tpu.memory_space<vmem>>, vector<16xf32>,
      %max3A_530 = arith.maximumf %max3A_493, %get3A_529 : vector<16xf32>
      %add3A_531 = arith.constant 32 : i32
      %add3A_532 = arith.addi %multiple_of3A_514, %add3A_531 : i32
      %get3A_533 = arith.constant 7 : i32
      %get3A_534 = arith.constant 0 : i32
      %get3A_535 = tpu.memref_slice %arg10[%multiple_of3A_246, %get3A_534] : memref<96x128xf32, #tpu.memory_space<vmem>> -> memref<8x128xf32, #tpu.memory_space<vmem>>
      %get3A_536 = arith.index_cast %get3A_533 : i32 to index
      %get3A_537 = arith.index_cast %add3A_532 : i32 to index
      %get3A_538 = tpu.vector_load %get3A_535[%get3A_536, %get3A_537] {strides = array<i32>} : memref<8x128xf32, #tpu.memory_space<vmem>>, vector<16xf32>,
      %max3A_539 = arith.maximumf %max3A_502, %get3A_538 : vector<16xf32>
      %add3A_540 = arith.constant 48 : i32
      %add3A_541 = arith.addi %multiple_of3A_514, %add3A_540 : i32
      %get3A_542 = arith.constant 7 : i32
      %get3A_543 = arith.constant 0 : i32
      %get3A_544 = tpu.memref_slice %arg10[%multiple_of3A_246, %get3A_543] : memref<96x128xf32, #tpu.memory_space<vmem>> -> memref<8x128xf32, #tpu.memory_space<vmem>>
      %get3A_545 = arith.index_cast %get3A_542 : i32 to index
      %get3A_546 = arith.index_cast %add3A_541 : i32 to index
      %get3A_547 = tpu.vector_load %get3A_544[%get3A_545, %get3A_546] {strides = array<i32>} : memref<8x128xf32, #tpu.memory_space<vmem>>, vector<16xf32>,
      %max3A_548 = arith.maximumf %max3A_511, %get3A_547 : vector<16xf32>
      scf.yield %max3A_521, %max3A_530, %max3A_539, %max3A_548 : vector<16xf32>, vector<16xf32>, vector<16xf32>, vector<16xf32>
    }
    %scan3A_65 = arith.constant 12 : i32
    %bitcast3A = vector.bitcast %scan3A_64#0 : vector<16xf32> to vector<16xi32>
    %add3A_66 = arith.constant 32767 : i32
    %add3A_67 = vector.broadcast %add3A_66 : i32 to vector<16xi32>
    %add3A_68 = arith.addi %bitcast3A, %add3A_67 : vector<16xi32>
    %shift_right_logical3A = arith.constant 16 : i32
    %shift_right_logical3A_69 = vector.broadcast %shift_right_logical3A : i32 to vector<16xi32>
    %shift_right_logical3A_70 = arith.shrui %bitcast3A, %shift_right_logical3A_69 : vector<16xi32>
    %and3A = arith.constant 1 : i32
    %and3A_71 = vector.broadcast %and3A : i32 to vector<16xi32>
    %and3A_72 = arith.andi %shift_right_logical3A_70, %and3A_71 : vector<16xi32>
    %add3A_73 = arith.addi %add3A_68, %and3A_72 : vector<16xi32>
    %and3A_74 = arith.constant -65536 : i32
    %and3A_75 = vector.broadcast %and3A_74 : i32 to vector<16xi32>
    %and3A_76 = arith.andi %add3A_73, %and3A_75 : vector<16xi32>
    %bitcast3A_77 = vector.bitcast %and3A_76 : vector<16xi32> to vector<16xf32>
    %bitcast3A_78 = vector.bitcast %scan3A_64#1 : vector<16xf32> to vector<16xi32>
    %add3A_79 = arith.constant 32767 : i32
    %add3A_80 = vector.broadcast %add3A_79 : i32 to vector<16xi32>
    %add3A_81 = arith.addi %bitcast3A_78, %add3A_80 : vector<16xi32>
    %shift_right_logical3A_82 = arith.constant 16 : i32
    %shift_right_logical3A_83 = vector.broadcast %shift_right_logical3A_82 : i32 to vector<16xi32>
    %shift_right_logical3A_84 = arith.shrui %bitcast3A_78, %shift_right_logical3A_83 : vector<16xi32>
    %and3A_85 = arith.constant 1 : i32
    %and3A_86 = vector.broadcast %and3A_85 : i32 to vector<16xi32>
    %and3A_87 = arith.andi %shift_right_logical3A_84, %and3A_86 : vector<16xi32>
    %add3A_88 = arith.addi %add3A_81, %and3A_87 : vector<16xi32>
    %and3A_89 = arith.constant -65536 : i32
    %and3A_90 = vector.broadcast %and3A_89 : i32 to vector<16xi32>
    %and3A_91 = arith.andi %add3A_88, %and3A_90 : vector<16xi32>
    %bitcast3A_92 = vector.bitcast %and3A_91 : vector<16xi32> to vector<16xf32>
    %bitcast3A_93 = vector.bitcast %scan3A_64#2 : vector<16xf32> to vector<16xi32>
    %add3A_94 = arith.constant 32767 : i32
    %add3A_95 = vector.broadcast %add3A_94 : i32 to vector<16xi32>
    %add3A_96 = arith.addi %bitcast3A_93, %add3A_95 : vector<16xi32>
    %shift_right_logical3A_97 = arith.constant 16 : i32
    %shift_right_logical3A_98 = vector.broadcast %shift_right_logical3A_97 : i32 to vector<16xi32>
    %shift_right_logical3A_99 = arith.shrui %bitcast3A_93, %shift_right_logical3A_98 : vector<16xi32>
    %and3A_100 = arith.constant 1 : i32
    %and3A_101 = vector.broadcast %and3A_100 : i32 to vector<16xi32>
    %and3A_102 = arith.andi %shift_right_logical3A_99, %and3A_101 : vector<16xi32>
    %add3A_103 = arith.addi %add3A_96, %and3A_102 : vector<16xi32>
    %and3A_104 = arith.constant -65536 : i32
    %and3A_105 = vector.broadcast %and3A_104 : i32 to vector<16xi32>
    %and3A_106 = arith.andi %add3A_103, %and3A_105 : vector<16xi32>
    %bitcast3A_107 = vector.bitcast %and3A_106 : vector<16xi32> to vector<16xf32>
    %bitcast3A_108 = vector.bitcast %scan3A_64#3 : vector<16xf32> to vector<16xi32>
    %add3A_109 = arith.constant 32767 : i32
    %add3A_110 = vector.broadcast %add3A_109 : i32 to vector<16xi32>
    %add3A_111 = arith.addi %bitcast3A_108, %add3A_110 : vector<16xi32>
    %shift_right_logical3A_112 = arith.constant 16 : i32
    %shift_right_logical3A_113 = vector.broadcast %shift_right_logical3A_112 : i32 to vector<16xi32>
    %shift_right_logical3A_114 = arith.shrui %bitcast3A_108, %shift_right_logical3A_113 : vector<16xi32>
    %and3A_115 = arith.constant 1 : i32
    %and3A_116 = vector.broadcast %and3A_115 : i32 to vector<16xi32>
    %and3A_117 = arith.andi %shift_right_logical3A_114, %and3A_116 : vector<16xi32>
    %add3A_118 = arith.addi %add3A_111, %and3A_117 : vector<16xi32>
    %and3A_119 = arith.constant -65536 : i32
    %and3A_120 = vector.broadcast %and3A_119 : i32 to vector<16xi32>
    %and3A_121 = arith.andi %add3A_118, %and3A_120 : vector<16xi32>
    %bitcast3A_122 = vector.bitcast %and3A_121 : vector<16xi32> to vector<16xf32>
    %mul3A_123 = arith.mulf %bitcast3A_77, %get3A_3 : vector<16xf32>
    %mul3A_124 = arith.mulf %bitcast3A_92, %get3A_5 : vector<16xf32>
    %add3A_125 = arith.addf %mul3A_123, %mul3A_124 : vector<16xf32>
    %mul3A_126 = arith.mulf %bitcast3A_107, %get3A_7 : vector<16xf32>
    %add3A_127 = arith.addf %add3A_125, %mul3A_126 : vector<16xf32>
    %mul3A_128 = arith.mulf %bitcast3A_122, %get3A_9 : vector<16xf32>
    %add3A_129 = arith.addf %add3A_127, %mul3A_128 : vector<16xf32>
    %reduce_sum3A = arith.constant true
    %reduce_sum3A_130 = vector.broadcast %reduce_sum3A : i1 to vector<16xi1>
    %reduce_sum3A_131 = tpu.scan <sum>, %add3A_129 masked %reduce_sum3A_130 : vector<16xf32>, vector<16xi1> -> vector<16xf32>
    %reduce_sum3A_132 = vector.extract %reduce_sum3A_131[15] : f32 from vector<16xf32>
    %add3A_133 = arith.addf %reduce_sum3A_132, %squeeze3A : f32
    %broadcast_in_dim3A_134 = arith.constant 126 : i32
    %broadcast_in_dim3A_135 = vector.broadcast %broadcast_in_dim3A_134 : i32 to vector<16xi32>
    %broadcast_in_dim3A_136 = vector.broadcast %add3A_133 : f32 to vector<16xf32>
    tpu.vector_store_idx %arg14[%broadcast_in_dim3A_135], %broadcast_in_dim3A_136 masked %eq3A_13 : memref<128xf32, #tpu.memory_space<vmem>>[vector<16xi32>], vector<16xf32>, vector<16xi1>
    %multiple_of3A_137 = arith.constant 25400 : i32
    %multiple_of3A_138 = tpu.assume_multiple %multiple_of3A_137, 8 : i32
    %dma_wait3A_139 = tpu.memref_slice %arg7[%multiple_of3A_138] : memref<25600xi32, #tpu.memory_space<vmem>> -> memref<104xi32, #tpu.memory_space<vmem>>
    %dma_wait3A_140 = arith.constant 0 : i32
    %dma_wait3A_141 = arith.constant 0 : i32
    %dma_wait3A_142 = tpu.memref_slice %arg4[%dma_wait3A_140, %dma_wait3A_141] : memref<500000x128xf32, #tpu.memory_space<hbm>> -> memref<500000x128xf32, #tpu.memory_space<hbm>>
    tpu.wait_indirect_dma semaphore(%arg17 : memref<!tpu.dma_semaphore, #tpu.memory_space<semaphore_mem>>) src(%dma_wait3A_142 : memref<500000x128xf32, #tpu.memory_space<hbm>>) dst(%arg11 : memref<104x128xf32, #tpu.memory_space<vmem>>)
    %multiple_of3A_143 = arith.constant 25504 : i32
    %multiple_of3A_144 = tpu.assume_multiple %multiple_of3A_143, 8 : i32
    %dma_wait3A_145 = tpu.memref_slice %arg7[%multiple_of3A_144] : memref<25600xi32, #tpu.memory_space<vmem>> -> memref<96xi32, #tpu.memory_space<vmem>>
    %dma_wait3A_146 = arith.constant 0 : i32
    %dma_wait3A_147 = arith.constant 0 : i32
    %dma_wait3A_148 = tpu.memref_slice %arg4[%dma_wait3A_146, %dma_wait3A_147] : memref<500000x128xf32, #tpu.memory_space<hbm>> -> memref<500000x128xf32, #tpu.memory_space<hbm>>
    tpu.wait_indirect_dma semaphore(%arg18 : memref<!tpu.dma_semaphore, #tpu.memory_space<semaphore_mem>>) src(%dma_wait3A_148 : memref<500000x128xf32, #tpu.memory_space<hbm>>) dst(%arg12 : memref<96x128xf32, #tpu.memory_space<vmem>>)
    %scan3A_149 = arith.constant 0 : i32
    %scan3A_150 = arith.constant 13 : i32
    %scan3A_151 = arith.addi %scan3A_149, %scan3A_150 : i32
    %scan3A_152 = arith.constant 1 : i32
    %scan3A_153:4 = scf.for %scan3A_239 = %scan3A_149 to %scan3A_151 step %scan3A_152 iter_args(%scan3A_240 = %broadcast_in_dim3A_14, %scan3A_241 = %broadcast_in_dim3A_14, %scan3A_242 = %broadcast_in_dim3A_14, %scan3A_243 = %broadcast_in_dim3A_14) -> (vector<16xf32>, vector<16xf32>, vector<16xf32>, vector<16xf32>)  : i32 {
      %mul3A_244 = arith.constant 8 : i32
      %mul3A_245 = arith.muli %scan3A_239, %mul3A_244 : i32
      %multiple_of3A_246 = tpu.assume_multiple %mul3A_245, 8 : i32
      %mul3A_247 = arith.constant 8 : i32
      %mul3A_248 = arith.muli %scan3A_239, %mul3A_247 : i32
      %add3A_249 = arith.constant 25400 : i32
      %add3A_250 = arith.addi %add3A_249, %mul3A_248 : i32
      %multiple_of3A_251 = tpu.assume_multiple %add3A_250, 8 : i32
      %get3A_252 = arith.index_cast %multiple_of3A_251 : i32 to index
      %get3A_253 = tpu.vector_load %arg8[%get3A_252] {strides = array<i32>} : memref<25600xi32, #tpu.memory_space<vmem>>, vector<16xi32>,
      %slice3A_254 = vector.extract_strided_slice %get3A_253 {offsets = [0], sizes = [1], strides = [1]} : vector<16xi32> to vector<1xi32>
      %squeeze3A_255 = vector.extract %slice3A_254[0] : i32 from vector<1xi32>
      %multiple_of3A_256 = tpu.assume_multiple %squeeze3A_255, 8 : i32
      %get3A_257 = arith.constant 0 : i32
      %get3A_258 = arith.constant 0 : i32
      %get3A_259 = tpu.memref_slice %arg11[%multiple_of3A_246, %get3A_258] : memref<104x128xf32, #tpu.memory_space<vmem>> -> memref<8x128xf32, #tpu.memory_space<vmem>>
      %get3A_260 = arith.index_cast %get3A_257 : i32 to index
      %get3A_261 = arith.index_cast %multiple_of3A_256 : i32 to index
      %get3A_262 = tpu.vector_load %get3A_259[%get3A_260, %get3A_261] {strides = array<i32>} : memref<8x128xf32, #tpu.memory_space<vmem>>, vector<16xf32>,
      %max3A = arith.maximumf %scan3A_240, %get3A_262 : vector<16xf32>
      %add3A_263 = arith.constant 16 : i32
      %add3A_264 = arith.addi %multiple_of3A_256, %add3A_263 : i32
      %get3A_265 = arith.constant 0 : i32
      %get3A_266 = arith.constant 0 : i32
      %get3A_267 = tpu.memref_slice %arg11[%multiple_of3A_246, %get3A_266] : memref<104x128xf32, #tpu.memory_space<vmem>> -> memref<8x128xf32, #tpu.memory_space<vmem>>
      %get3A_268 = arith.index_cast %get3A_265 : i32 to index
      %get3A_269 = arith.index_cast %add3A_264 : i32 to index
      %get3A_270 = tpu.vector_load %get3A_267[%get3A_268, %get3A_269] {strides = array<i32>} : memref<8x128xf32, #tpu.memory_space<vmem>>, vector<16xf32>,
      %max3A_271 = arith.maximumf %scan3A_241, %get3A_270 : vector<16xf32>
      %add3A_272 = arith.constant 32 : i32
      %add3A_273 = arith.addi %multiple_of3A_256, %add3A_272 : i32
      %get3A_274 = arith.constant 0 : i32
      %get3A_275 = arith.constant 0 : i32
      %get3A_276 = tpu.memref_slice %arg11[%multiple_of3A_246, %get3A_275] : memref<104x128xf32, #tpu.memory_space<vmem>> -> memref<8x128xf32, #tpu.memory_space<vmem>>
      %get3A_277 = arith.index_cast %get3A_274 : i32 to index
      %get3A_278 = arith.index_cast %add3A_273 : i32 to index
      %get3A_279 = tpu.vector_load %get3A_276[%get3A_277, %get3A_278] {strides = array<i32>} : memref<8x128xf32, #tpu.memory_space<vmem>>, vector<16xf32>,
      %max3A_280 = arith.maximumf %scan3A_242, %get3A_279 : vector<16xf32>
      %add3A_281 = arith.constant 48 : i32
      %add3A_282 = arith.addi %multiple_of3A_256, %add3A_281 : i32
      %get3A_283 = arith.constant 0 : i32
      %get3A_284 = arith.constant 0 : i32
      %get3A_285 = tpu.memref_slice %arg11[%multiple_of3A_246, %get3A_284] : memref<104x128xf32, #tpu.memory_space<vmem>> -> memref<8x128xf32, #tpu.memory_space<vmem>>
      %get3A_286 = arith.index_cast %get3A_283 : i32 to index
      %get3A_287 = arith.index_cast %add3A_282 : i32 to index
      %get3A_288 = tpu.vector_load %get3A_285[%get3A_286, %get3A_287] {strides = array<i32>} : memref<8x128xf32, #tpu.memory_space<vmem>>, vector<16xf32>,
      %max3A_289 = arith.maximumf %scan3A_243, %get3A_288 : vector<16xf32>
      %slice3A_290 = vector.extract_strided_slice %get3A_253 {offsets = [1], sizes = [1], strides = [1]} : vector<16xi32> to vector<1xi32>
      %squeeze3A_291 = vector.extract %slice3A_290[0] : i32 from vector<1xi32>
      %multiple_of3A_292 = tpu.assume_multiple %squeeze3A_291, 8 : i32
      %get3A_293 = arith.constant 1 : i32
      %get3A_294 = arith.constant 0 : i32
      %get3A_295 = tpu.memref_slice %arg11[%multiple_of3A_246, %get3A_294] : memref<104x128xf32, #tpu.memory_space<vmem>> -> memref<8x128xf32, #tpu.memory_space<vmem>>
      %get3A_296 = arith.index_cast %get3A_293 : i32 to index
      %get3A_297 = arith.index_cast %multiple_of3A_292 : i32 to index
      %get3A_298 = tpu.vector_load %get3A_295[%get3A_296, %get3A_297] {strides = array<i32>} : memref<8x128xf32, #tpu.memory_space<vmem>>, vector<16xf32>,
      %max3A_299 = arith.maximumf %max3A, %get3A_298 : vector<16xf32>
      %add3A_300 = arith.constant 16 : i32
      %add3A_301 = arith.addi %multiple_of3A_292, %add3A_300 : i32
      %get3A_302 = arith.constant 1 : i32
      %get3A_303 = arith.constant 0 : i32
      %get3A_304 = tpu.memref_slice %arg11[%multiple_of3A_246, %get3A_303] : memref<104x128xf32, #tpu.memory_space<vmem>> -> memref<8x128xf32, #tpu.memory_space<vmem>>
      %get3A_305 = arith.index_cast %get3A_302 : i32 to index
      %get3A_306 = arith.index_cast %add3A_301 : i32 to index
      %get3A_307 = tpu.vector_load %get3A_304[%get3A_305, %get3A_306] {strides = array<i32>} : memref<8x128xf32, #tpu.memory_space<vmem>>, vector<16xf32>,
      %max3A_308 = arith.maximumf %max3A_271, %get3A_307 : vector<16xf32>
      %add3A_309 = arith.constant 32 : i32
      %add3A_310 = arith.addi %multiple_of3A_292, %add3A_309 : i32
      %get3A_311 = arith.constant 1 : i32
      %get3A_312 = arith.constant 0 : i32
      %get3A_313 = tpu.memref_slice %arg11[%multiple_of3A_246, %get3A_312] : memref<104x128xf32, #tpu.memory_space<vmem>> -> memref<8x128xf32, #tpu.memory_space<vmem>>
      %get3A_314 = arith.index_cast %get3A_311 : i32 to index
      %get3A_315 = arith.index_cast %add3A_310 : i32 to index
      %get3A_316 = tpu.vector_load %get3A_313[%get3A_314, %get3A_315] {strides = array<i32>} : memref<8x128xf32, #tpu.memory_space<vmem>>, vector<16xf32>,
      %max3A_317 = arith.maximumf %max3A_280, %get3A_316 : vector<16xf32>
      %add3A_318 = arith.constant 48 : i32
      %add3A_319 = arith.addi %multiple_of3A_292, %add3A_318 : i32
      %get3A_320 = arith.constant 1 : i32
      %get3A_321 = arith.constant 0 : i32
      %get3A_322 = tpu.memref_slice %arg11[%multiple_of3A_246, %get3A_321] : memref<104x128xf32, #tpu.memory_space<vmem>> -> memref<8x128xf32, #tpu.memory_space<vmem>>
      %get3A_323 = arith.index_cast %get3A_320 : i32 to index
      %get3A_324 = arith.index_cast %add3A_319 : i32 to index
      %get3A_325 = tpu.vector_load %get3A_322[%get3A_323, %get3A_324] {strides = array<i32>} : memref<8x128xf32, #tpu.memory_space<vmem>>, vector<16xf32>,
      %max3A_326 = arith.maximumf %max3A_289, %get3A_325 : vector<16xf32>
      %slice3A_327 = vector.extract_strided_slice %get3A_253 {offsets = [2], sizes = [1], strides = [1]} : vector<16xi32> to vector<1xi32>
      %squeeze3A_328 = vector.extract %slice3A_327[0] : i32 from vector<1xi32>
      %multiple_of3A_329 = tpu.assume_multiple %squeeze3A_328, 8 : i32
      %get3A_330 = arith.constant 2 : i32
      %get3A_331 = arith.constant 0 : i32
      %get3A_332 = tpu.memref_slice %arg11[%multiple_of3A_246, %get3A_331] : memref<104x128xf32, #tpu.memory_space<vmem>> -> memref<8x128xf32, #tpu.memory_space<vmem>>
      %get3A_333 = arith.index_cast %get3A_330 : i32 to index
      %get3A_334 = arith.index_cast %multiple_of3A_329 : i32 to index
      %get3A_335 = tpu.vector_load %get3A_332[%get3A_333, %get3A_334] {strides = array<i32>} : memref<8x128xf32, #tpu.memory_space<vmem>>, vector<16xf32>,
      %max3A_336 = arith.maximumf %max3A_299, %get3A_335 : vector<16xf32>
      %add3A_337 = arith.constant 16 : i32
      %add3A_338 = arith.addi %multiple_of3A_329, %add3A_337 : i32
      %get3A_339 = arith.constant 2 : i32
      %get3A_340 = arith.constant 0 : i32
      %get3A_341 = tpu.memref_slice %arg11[%multiple_of3A_246, %get3A_340] : memref<104x128xf32, #tpu.memory_space<vmem>> -> memref<8x128xf32, #tpu.memory_space<vmem>>
      %get3A_342 = arith.index_cast %get3A_339 : i32 to index
      %get3A_343 = arith.index_cast %add3A_338 : i32 to index
      %get3A_344 = tpu.vector_load %get3A_341[%get3A_342, %get3A_343] {strides = array<i32>} : memref<8x128xf32, #tpu.memory_space<vmem>>, vector<16xf32>,
      %max3A_345 = arith.maximumf %max3A_308, %get3A_344 : vector<16xf32>
      %add3A_346 = arith.constant 32 : i32
      %add3A_347 = arith.addi %multiple_of3A_329, %add3A_346 : i32
      %get3A_348 = arith.constant 2 : i32
      %get3A_349 = arith.constant 0 : i32
      %get3A_350 = tpu.memref_slice %arg11[%multiple_of3A_246, %get3A_349] : memref<104x128xf32, #tpu.memory_space<vmem>> -> memref<8x128xf32, #tpu.memory_space<vmem>>
      %get3A_351 = arith.index_cast %get3A_348 : i32 to index
      %get3A_352 = arith.index_cast %add3A_347 : i32 to index
      %get3A_353 = tpu.vector_load %get3A_350[%get3A_351, %get3A_352] {strides = array<i32>} : memref<8x128xf32, #tpu.memory_space<vmem>>, vector<16xf32>,
      %max3A_354 = arith.maximumf %max3A_317, %get3A_353 : vector<16xf32>
      %add3A_355 = arith.constant 48 : i32
      %add3A_356 = arith.addi %multiple_of3A_329, %add3A_355 : i32
      %get3A_357 = arith.constant 2 : i32
      %get3A_358 = arith.constant 0 : i32
      %get3A_359 = tpu.memref_slice %arg11[%multiple_of3A_246, %get3A_358] : memref<104x128xf32, #tpu.memory_space<vmem>> -> memref<8x128xf32, #tpu.memory_space<vmem>>
      %get3A_360 = arith.index_cast %get3A_357 : i32 to index
      %get3A_361 = arith.index_cast %add3A_356 : i32 to index
      %get3A_362 = tpu.vector_load %get3A_359[%get3A_360, %get3A_361] {strides = array<i32>} : memref<8x128xf32, #tpu.memory_space<vmem>>, vector<16xf32>,
      %max3A_363 = arith.maximumf %max3A_326, %get3A_362 : vector<16xf32>
      %slice3A_364 = vector.extract_strided_slice %get3A_253 {offsets = [3], sizes = [1], strides = [1]} : vector<16xi32> to vector<1xi32>
      %squeeze3A_365 = vector.extract %slice3A_364[0] : i32 from vector<1xi32>
      %multiple_of3A_366 = tpu.assume_multiple %squeeze3A_365, 8 : i32
      %get3A_367 = arith.constant 3 : i32
      %get3A_368 = arith.constant 0 : i32
      %get3A_369 = tpu.memref_slice %arg11[%multiple_of3A_246, %get3A_368] : memref<104x128xf32, #tpu.memory_space<vmem>> -> memref<8x128xf32, #tpu.memory_space<vmem>>
      %get3A_370 = arith.index_cast %get3A_367 : i32 to index
      %get3A_371 = arith.index_cast %multiple_of3A_366 : i32 to index
      %get3A_372 = tpu.vector_load %get3A_369[%get3A_370, %get3A_371] {strides = array<i32>} : memref<8x128xf32, #tpu.memory_space<vmem>>, vector<16xf32>,
      %max3A_373 = arith.maximumf %max3A_336, %get3A_372 : vector<16xf32>
      %add3A_374 = arith.constant 16 : i32
      %add3A_375 = arith.addi %multiple_of3A_366, %add3A_374 : i32
      %get3A_376 = arith.constant 3 : i32
      %get3A_377 = arith.constant 0 : i32
      %get3A_378 = tpu.memref_slice %arg11[%multiple_of3A_246, %get3A_377] : memref<104x128xf32, #tpu.memory_space<vmem>> -> memref<8x128xf32, #tpu.memory_space<vmem>>
      %get3A_379 = arith.index_cast %get3A_376 : i32 to index
      %get3A_380 = arith.index_cast %add3A_375 : i32 to index
      %get3A_381 = tpu.vector_load %get3A_378[%get3A_379, %get3A_380] {strides = array<i32>} : memref<8x128xf32, #tpu.memory_space<vmem>>, vector<16xf32>,
      %max3A_382 = arith.maximumf %max3A_345, %get3A_381 : vector<16xf32>
      %add3A_383 = arith.constant 32 : i32
      %add3A_384 = arith.addi %multiple_of3A_366, %add3A_383 : i32
      %get3A_385 = arith.constant 3 : i32
      %get3A_386 = arith.constant 0 : i32
      %get3A_387 = tpu.memref_slice %arg11[%multiple_of3A_246, %get3A_386] : memref<104x128xf32, #tpu.memory_space<vmem>> -> memref<8x128xf32, #tpu.memory_space<vmem>>
      %get3A_388 = arith.index_cast %get3A_385 : i32 to index
      %get3A_389 = arith.index_cast %add3A_384 : i32 to index
      %get3A_390 = tpu.vector_load %get3A_387[%get3A_388, %get3A_389] {strides = array<i32>} : memref<8x128xf32, #tpu.memory_space<vmem>>, vector<16xf32>,
      %max3A_391 = arith.maximumf %max3A_354, %get3A_390 : vector<16xf32>
      %add3A_392 = arith.constant 48 : i32
      %add3A_393 = arith.addi %multiple_of3A_366, %add3A_392 : i32
      %get3A_394 = arith.constant 3 : i32
      %get3A_395 = arith.constant 0 : i32
      %get3A_396 = tpu.memref_slice %arg11[%multiple_of3A_246, %get3A_395] : memref<104x128xf32, #tpu.memory_space<vmem>> -> memref<8x128xf32, #tpu.memory_space<vmem>>
      %get3A_397 = arith.index_cast %get3A_394 : i32 to index
      %get3A_398 = arith.index_cast %add3A_393 : i32 to index
      %get3A_399 = tpu.vector_load %get3A_396[%get3A_397, %get3A_398] {strides = array<i32>} : memref<8x128xf32, #tpu.memory_space<vmem>>, vector<16xf32>,
      %max3A_400 = arith.maximumf %max3A_363, %get3A_399 : vector<16xf32>
      %slice3A_401 = vector.extract_strided_slice %get3A_253 {offsets = [4], sizes = [1], strides = [1]} : vector<16xi32> to vector<1xi32>
      %squeeze3A_402 = vector.extract %slice3A_401[0] : i32 from vector<1xi32>
      %multiple_of3A_403 = tpu.assume_multiple %squeeze3A_402, 8 : i32
      %get3A_404 = arith.constant 4 : i32
      %get3A_405 = arith.constant 0 : i32
      %get3A_406 = tpu.memref_slice %arg11[%multiple_of3A_246, %get3A_405] : memref<104x128xf32, #tpu.memory_space<vmem>> -> memref<8x128xf32, #tpu.memory_space<vmem>>
      %get3A_407 = arith.index_cast %get3A_404 : i32 to index
      %get3A_408 = arith.index_cast %multiple_of3A_403 : i32 to index
      %get3A_409 = tpu.vector_load %get3A_406[%get3A_407, %get3A_408] {strides = array<i32>} : memref<8x128xf32, #tpu.memory_space<vmem>>, vector<16xf32>,
      %max3A_410 = arith.maximumf %max3A_373, %get3A_409 : vector<16xf32>
      %add3A_411 = arith.constant 16 : i32
      %add3A_412 = arith.addi %multiple_of3A_403, %add3A_411 : i32
      %get3A_413 = arith.constant 4 : i32
      %get3A_414 = arith.constant 0 : i32
      %get3A_415 = tpu.memref_slice %arg11[%multiple_of3A_246, %get3A_414] : memref<104x128xf32, #tpu.memory_space<vmem>> -> memref<8x128xf32, #tpu.memory_space<vmem>>
      %get3A_416 = arith.index_cast %get3A_413 : i32 to index
      %get3A_417 = arith.index_cast %add3A_412 : i32 to index
      %get3A_418 = tpu.vector_load %get3A_415[%get3A_416, %get3A_417] {strides = array<i32>} : memref<8x128xf32, #tpu.memory_space<vmem>>, vector<16xf32>,
      %max3A_419 = arith.maximumf %max3A_382, %get3A_418 : vector<16xf32>
      %add3A_420 = arith.constant 32 : i32
      %add3A_421 = arith.addi %multiple_of3A_403, %add3A_420 : i32
      %get3A_422 = arith.constant 4 : i32
      %get3A_423 = arith.constant 0 : i32
      %get3A_424 = tpu.memref_slice %arg11[%multiple_of3A_246, %get3A_423] : memref<104x128xf32, #tpu.memory_space<vmem>> -> memref<8x128xf32, #tpu.memory_space<vmem>>
      %get3A_425 = arith.index_cast %get3A_422 : i32 to index
      %get3A_426 = arith.index_cast %add3A_421 : i32 to index
      %get3A_427 = tpu.vector_load %get3A_424[%get3A_425, %get3A_426] {strides = array<i32>} : memref<8x128xf32, #tpu.memory_space<vmem>>, vector<16xf32>,
      %max3A_428 = arith.maximumf %max3A_391, %get3A_427 : vector<16xf32>
      %add3A_429 = arith.constant 48 : i32
      %add3A_430 = arith.addi %multiple_of3A_403, %add3A_429 : i32
      %get3A_431 = arith.constant 4 : i32
      %get3A_432 = arith.constant 0 : i32
      %get3A_433 = tpu.memref_slice %arg11[%multiple_of3A_246, %get3A_432] : memref<104x128xf32, #tpu.memory_space<vmem>> -> memref<8x128xf32, #tpu.memory_space<vmem>>
      %get3A_434 = arith.index_cast %get3A_431 : i32 to index
      %get3A_435 = arith.index_cast %add3A_430 : i32 to index
      %get3A_436 = tpu.vector_load %get3A_433[%get3A_434, %get3A_435] {strides = array<i32>} : memref<8x128xf32, #tpu.memory_space<vmem>>, vector<16xf32>,
      %max3A_437 = arith.maximumf %max3A_400, %get3A_436 : vector<16xf32>
      %slice3A_438 = vector.extract_strided_slice %get3A_253 {offsets = [5], sizes = [1], strides = [1]} : vector<16xi32> to vector<1xi32>
      %squeeze3A_439 = vector.extract %slice3A_438[0] : i32 from vector<1xi32>
      %multiple_of3A_440 = tpu.assume_multiple %squeeze3A_439, 8 : i32
      %get3A_441 = arith.constant 5 : i32
      %get3A_442 = arith.constant 0 : i32
      %get3A_443 = tpu.memref_slice %arg11[%multiple_of3A_246, %get3A_442] : memref<104x128xf32, #tpu.memory_space<vmem>> -> memref<8x128xf32, #tpu.memory_space<vmem>>
      %get3A_444 = arith.index_cast %get3A_441 : i32 to index
      %get3A_445 = arith.index_cast %multiple_of3A_440 : i32 to index
      %get3A_446 = tpu.vector_load %get3A_443[%get3A_444, %get3A_445] {strides = array<i32>} : memref<8x128xf32, #tpu.memory_space<vmem>>, vector<16xf32>,
      %max3A_447 = arith.maximumf %max3A_410, %get3A_446 : vector<16xf32>
      %add3A_448 = arith.constant 16 : i32
      %add3A_449 = arith.addi %multiple_of3A_440, %add3A_448 : i32
      %get3A_450 = arith.constant 5 : i32
      %get3A_451 = arith.constant 0 : i32
      %get3A_452 = tpu.memref_slice %arg11[%multiple_of3A_246, %get3A_451] : memref<104x128xf32, #tpu.memory_space<vmem>> -> memref<8x128xf32, #tpu.memory_space<vmem>>
      %get3A_453 = arith.index_cast %get3A_450 : i32 to index
      %get3A_454 = arith.index_cast %add3A_449 : i32 to index
      %get3A_455 = tpu.vector_load %get3A_452[%get3A_453, %get3A_454] {strides = array<i32>} : memref<8x128xf32, #tpu.memory_space<vmem>>, vector<16xf32>,
      %max3A_456 = arith.maximumf %max3A_419, %get3A_455 : vector<16xf32>
      %add3A_457 = arith.constant 32 : i32
      %add3A_458 = arith.addi %multiple_of3A_440, %add3A_457 : i32
      %get3A_459 = arith.constant 5 : i32
      %get3A_460 = arith.constant 0 : i32
      %get3A_461 = tpu.memref_slice %arg11[%multiple_of3A_246, %get3A_460] : memref<104x128xf32, #tpu.memory_space<vmem>> -> memref<8x128xf32, #tpu.memory_space<vmem>>
      %get3A_462 = arith.index_cast %get3A_459 : i32 to index
      %get3A_463 = arith.index_cast %add3A_458 : i32 to index
      %get3A_464 = tpu.vector_load %get3A_461[%get3A_462, %get3A_463] {strides = array<i32>} : memref<8x128xf32, #tpu.memory_space<vmem>>, vector<16xf32>,
      %max3A_465 = arith.maximumf %max3A_428, %get3A_464 : vector<16xf32>
      %add3A_466 = arith.constant 48 : i32
      %add3A_467 = arith.addi %multiple_of3A_440, %add3A_466 : i32
      %get3A_468 = arith.constant 5 : i32
      %get3A_469 = arith.constant 0 : i32
      %get3A_470 = tpu.memref_slice %arg11[%multiple_of3A_246, %get3A_469] : memref<104x128xf32, #tpu.memory_space<vmem>> -> memref<8x128xf32, #tpu.memory_space<vmem>>
      %get3A_471 = arith.index_cast %get3A_468 : i32 to index
      %get3A_472 = arith.index_cast %add3A_467 : i32 to index
      %get3A_473 = tpu.vector_load %get3A_470[%get3A_471, %get3A_472] {strides = array<i32>} : memref<8x128xf32, #tpu.memory_space<vmem>>, vector<16xf32>,
      %max3A_474 = arith.maximumf %max3A_437, %get3A_473 : vector<16xf32>
      %slice3A_475 = vector.extract_strided_slice %get3A_253 {offsets = [6], sizes = [1], strides = [1]} : vector<16xi32> to vector<1xi32>
      %squeeze3A_476 = vector.extract %slice3A_475[0] : i32 from vector<1xi32>
      %multiple_of3A_477 = tpu.assume_multiple %squeeze3A_476, 8 : i32
      %get3A_478 = arith.constant 6 : i32
      %get3A_479 = arith.constant 0 : i32
      %get3A_480 = tpu.memref_slice %arg11[%multiple_of3A_246, %get3A_479] : memref<104x128xf32, #tpu.memory_space<vmem>> -> memref<8x128xf32, #tpu.memory_space<vmem>>
      %get3A_481 = arith.index_cast %get3A_478 : i32 to index
      %get3A_482 = arith.index_cast %multiple_of3A_477 : i32 to index
      %get3A_483 = tpu.vector_load %get3A_480[%get3A_481, %get3A_482] {strides = array<i32>} : memref<8x128xf32, #tpu.memory_space<vmem>>, vector<16xf32>,
      %max3A_484 = arith.maximumf %max3A_447, %get3A_483 : vector<16xf32>
      %add3A_485 = arith.constant 16 : i32
      %add3A_486 = arith.addi %multiple_of3A_477, %add3A_485 : i32
      %get3A_487 = arith.constant 6 : i32
      %get3A_488 = arith.constant 0 : i32
      %get3A_489 = tpu.memref_slice %arg11[%multiple_of3A_246, %get3A_488] : memref<104x128xf32, #tpu.memory_space<vmem>> -> memref<8x128xf32, #tpu.memory_space<vmem>>
      %get3A_490 = arith.index_cast %get3A_487 : i32 to index
      %get3A_491 = arith.index_cast %add3A_486 : i32 to index
      %get3A_492 = tpu.vector_load %get3A_489[%get3A_490, %get3A_491] {strides = array<i32>} : memref<8x128xf32, #tpu.memory_space<vmem>>, vector<16xf32>,
      %max3A_493 = arith.maximumf %max3A_456, %get3A_492 : vector<16xf32>
      %add3A_494 = arith.constant 32 : i32
      %add3A_495 = arith.addi %multiple_of3A_477, %add3A_494 : i32
      %get3A_496 = arith.constant 6 : i32
      %get3A_497 = arith.constant 0 : i32
      %get3A_498 = tpu.memref_slice %arg11[%multiple_of3A_246, %get3A_497] : memref<104x128xf32, #tpu.memory_space<vmem>> -> memref<8x128xf32, #tpu.memory_space<vmem>>
      %get3A_499 = arith.index_cast %get3A_496 : i32 to index
      %get3A_500 = arith.index_cast %add3A_495 : i32 to index
      %get3A_501 = tpu.vector_load %get3A_498[%get3A_499, %get3A_500] {strides = array<i32>} : memref<8x128xf32, #tpu.memory_space<vmem>>, vector<16xf32>,
      %max3A_502 = arith.maximumf %max3A_465, %get3A_501 : vector<16xf32>
      %add3A_503 = arith.constant 48 : i32
      %add3A_504 = arith.addi %multiple_of3A_477, %add3A_503 : i32
      %get3A_505 = arith.constant 6 : i32
      %get3A_506 = arith.constant 0 : i32
      %get3A_507 = tpu.memref_slice %arg11[%multiple_of3A_246, %get3A_506] : memref<104x128xf32, #tpu.memory_space<vmem>> -> memref<8x128xf32, #tpu.memory_space<vmem>>
      %get3A_508 = arith.index_cast %get3A_505 : i32 to index
      %get3A_509 = arith.index_cast %add3A_504 : i32 to index
      %get3A_510 = tpu.vector_load %get3A_507[%get3A_508, %get3A_509] {strides = array<i32>} : memref<8x128xf32, #tpu.memory_space<vmem>>, vector<16xf32>,
      %max3A_511 = arith.maximumf %max3A_474, %get3A_510 : vector<16xf32>
      %slice3A_512 = vector.extract_strided_slice %get3A_253 {offsets = [7], sizes = [1], strides = [1]} : vector<16xi32> to vector<1xi32>
      %squeeze3A_513 = vector.extract %slice3A_512[0] : i32 from vector<1xi32>
      %multiple_of3A_514 = tpu.assume_multiple %squeeze3A_513, 8 : i32
      %get3A_515 = arith.constant 7 : i32
      %get3A_516 = arith.constant 0 : i32
      %get3A_517 = tpu.memref_slice %arg11[%multiple_of3A_246, %get3A_516] : memref<104x128xf32, #tpu.memory_space<vmem>> -> memref<8x128xf32, #tpu.memory_space<vmem>>
      %get3A_518 = arith.index_cast %get3A_515 : i32 to index
      %get3A_519 = arith.index_cast %multiple_of3A_514 : i32 to index
      %get3A_520 = tpu.vector_load %get3A_517[%get3A_518, %get3A_519] {strides = array<i32>} : memref<8x128xf32, #tpu.memory_space<vmem>>, vector<16xf32>,
      %max3A_521 = arith.maximumf %max3A_484, %get3A_520 : vector<16xf32>
      %add3A_522 = arith.constant 16 : i32
      %add3A_523 = arith.addi %multiple_of3A_514, %add3A_522 : i32
      %get3A_524 = arith.constant 7 : i32
      %get3A_525 = arith.constant 0 : i32
      %get3A_526 = tpu.memref_slice %arg11[%multiple_of3A_246, %get3A_525] : memref<104x128xf32, #tpu.memory_space<vmem>> -> memref<8x128xf32, #tpu.memory_space<vmem>>
      %get3A_527 = arith.index_cast %get3A_524 : i32 to index
      %get3A_528 = arith.index_cast %add3A_523 : i32 to index
      %get3A_529 = tpu.vector_load %get3A_526[%get3A_527, %get3A_528] {strides = array<i32>} : memref<8x128xf32, #tpu.memory_space<vmem>>, vector<16xf32>,
      %max3A_530 = arith.maximumf %max3A_493, %get3A_529 : vector<16xf32>
      %add3A_531 = arith.constant 32 : i32
      %add3A_532 = arith.addi %multiple_of3A_514, %add3A_531 : i32
      %get3A_533 = arith.constant 7 : i32
      %get3A_534 = arith.constant 0 : i32
      %get3A_535 = tpu.memref_slice %arg11[%multiple_of3A_246, %get3A_534] : memref<104x128xf32, #tpu.memory_space<vmem>> -> memref<8x128xf32, #tpu.memory_space<vmem>>
      %get3A_536 = arith.index_cast %get3A_533 : i32 to index
      %get3A_537 = arith.index_cast %add3A_532 : i32 to index
      %get3A_538 = tpu.vector_load %get3A_535[%get3A_536, %get3A_537] {strides = array<i32>} : memref<8x128xf32, #tpu.memory_space<vmem>>, vector<16xf32>,
      %max3A_539 = arith.maximumf %max3A_502, %get3A_538 : vector<16xf32>
      %add3A_540 = arith.constant 48 : i32
      %add3A_541 = arith.addi %multiple_of3A_514, %add3A_540 : i32
      %get3A_542 = arith.constant 7 : i32
      %get3A_543 = arith.constant 0 : i32
      %get3A_544 = tpu.memref_slice %arg11[%multiple_of3A_246, %get3A_543] : memref<104x128xf32, #tpu.memory_space<vmem>> -> memref<8x128xf32, #tpu.memory_space<vmem>>
      %get3A_545 = arith.index_cast %get3A_542 : i32 to index
      %get3A_546 = arith.index_cast %add3A_541 : i32 to index
      %get3A_547 = tpu.vector_load %get3A_544[%get3A_545, %get3A_546] {strides = array<i32>} : memref<8x128xf32, #tpu.memory_space<vmem>>, vector<16xf32>,
      %max3A_548 = arith.maximumf %max3A_511, %get3A_547 : vector<16xf32>
      scf.yield %max3A_521, %max3A_530, %max3A_539, %max3A_548 : vector<16xf32>, vector<16xf32>, vector<16xf32>, vector<16xf32>
    }
    %scan3A_154 = arith.constant 13 : i32
    %scan3A_155 = arith.constant 0 : i32
    %scan3A_156 = arith.constant 12 : i32
    %scan3A_157 = arith.addi %scan3A_155, %scan3A_156 : i32
    %scan3A_158 = arith.constant 1 : i32
    %scan3A_159:4 = scf.for %scan3A_239 = %scan3A_155 to %scan3A_157 step %scan3A_158 iter_args(%scan3A_240 = %scan3A_153#0, %scan3A_241 = %scan3A_153#1, %scan3A_242 = %scan3A_153#2, %scan3A_243 = %scan3A_153#3) -> (vector<16xf32>, vector<16xf32>, vector<16xf32>, vector<16xf32>)  : i32 {
      %mul3A_244 = arith.constant 8 : i32
      %mul3A_245 = arith.muli %scan3A_239, %mul3A_244 : i32
      %multiple_of3A_246 = tpu.assume_multiple %mul3A_245, 8 : i32
      %mul3A_247 = arith.constant 8 : i32
      %mul3A_248 = arith.muli %scan3A_239, %mul3A_247 : i32
      %add3A_249 = arith.constant 25504 : i32
      %add3A_250 = arith.addi %add3A_249, %mul3A_248 : i32
      %multiple_of3A_251 = tpu.assume_multiple %add3A_250, 8 : i32
      %get3A_252 = arith.index_cast %multiple_of3A_251 : i32 to index
      %get3A_253 = tpu.vector_load %arg8[%get3A_252] {strides = array<i32>} : memref<25600xi32, #tpu.memory_space<vmem>>, vector<16xi32>,
      %slice3A_254 = vector.extract_strided_slice %get3A_253 {offsets = [0], sizes = [1], strides = [1]} : vector<16xi32> to vector<1xi32>
      %squeeze3A_255 = vector.extract %slice3A_254[0] : i32 from vector<1xi32>
      %multiple_of3A_256 = tpu.assume_multiple %squeeze3A_255, 8 : i32
      %get3A_257 = arith.constant 0 : i32
      %get3A_258 = arith.constant 0 : i32
      %get3A_259 = tpu.memref_slice %arg12[%multiple_of3A_246, %get3A_258] : memref<96x128xf32, #tpu.memory_space<vmem>> -> memref<8x128xf32, #tpu.memory_space<vmem>>
      %get3A_260 = arith.index_cast %get3A_257 : i32 to index
      %get3A_261 = arith.index_cast %multiple_of3A_256 : i32 to index
      %get3A_262 = tpu.vector_load %get3A_259[%get3A_260, %get3A_261] {strides = array<i32>} : memref<8x128xf32, #tpu.memory_space<vmem>>, vector<16xf32>,
      %max3A = arith.maximumf %scan3A_240, %get3A_262 : vector<16xf32>
      %add3A_263 = arith.constant 16 : i32
      %add3A_264 = arith.addi %multiple_of3A_256, %add3A_263 : i32
      %get3A_265 = arith.constant 0 : i32
      %get3A_266 = arith.constant 0 : i32
      %get3A_267 = tpu.memref_slice %arg12[%multiple_of3A_246, %get3A_266] : memref<96x128xf32, #tpu.memory_space<vmem>> -> memref<8x128xf32, #tpu.memory_space<vmem>>
      %get3A_268 = arith.index_cast %get3A_265 : i32 to index
      %get3A_269 = arith.index_cast %add3A_264 : i32 to index
      %get3A_270 = tpu.vector_load %get3A_267[%get3A_268, %get3A_269] {strides = array<i32>} : memref<8x128xf32, #tpu.memory_space<vmem>>, vector<16xf32>,
      %max3A_271 = arith.maximumf %scan3A_241, %get3A_270 : vector<16xf32>
      %add3A_272 = arith.constant 32 : i32
      %add3A_273 = arith.addi %multiple_of3A_256, %add3A_272 : i32
      %get3A_274 = arith.constant 0 : i32
      %get3A_275 = arith.constant 0 : i32
      %get3A_276 = tpu.memref_slice %arg12[%multiple_of3A_246, %get3A_275] : memref<96x128xf32, #tpu.memory_space<vmem>> -> memref<8x128xf32, #tpu.memory_space<vmem>>
      %get3A_277 = arith.index_cast %get3A_274 : i32 to index
      %get3A_278 = arith.index_cast %add3A_273 : i32 to index
      %get3A_279 = tpu.vector_load %get3A_276[%get3A_277, %get3A_278] {strides = array<i32>} : memref<8x128xf32, #tpu.memory_space<vmem>>, vector<16xf32>,
      %max3A_280 = arith.maximumf %scan3A_242, %get3A_279 : vector<16xf32>
      %add3A_281 = arith.constant 48 : i32
      %add3A_282 = arith.addi %multiple_of3A_256, %add3A_281 : i32
      %get3A_283 = arith.constant 0 : i32
      %get3A_284 = arith.constant 0 : i32
      %get3A_285 = tpu.memref_slice %arg12[%multiple_of3A_246, %get3A_284] : memref<96x128xf32, #tpu.memory_space<vmem>> -> memref<8x128xf32, #tpu.memory_space<vmem>>
      %get3A_286 = arith.index_cast %get3A_283 : i32 to index
      %get3A_287 = arith.index_cast %add3A_282 : i32 to index
      %get3A_288 = tpu.vector_load %get3A_285[%get3A_286, %get3A_287] {strides = array<i32>} : memref<8x128xf32, #tpu.memory_space<vmem>>, vector<16xf32>,
      %max3A_289 = arith.maximumf %scan3A_243, %get3A_288 : vector<16xf32>
      %slice3A_290 = vector.extract_strided_slice %get3A_253 {offsets = [1], sizes = [1], strides = [1]} : vector<16xi32> to vector<1xi32>
      %squeeze3A_291 = vector.extract %slice3A_290[0] : i32 from vector<1xi32>
      %multiple_of3A_292 = tpu.assume_multiple %squeeze3A_291, 8 : i32
      %get3A_293 = arith.constant 1 : i32
      %get3A_294 = arith.constant 0 : i32
      %get3A_295 = tpu.memref_slice %arg12[%multiple_of3A_246, %get3A_294] : memref<96x128xf32, #tpu.memory_space<vmem>> -> memref<8x128xf32, #tpu.memory_space<vmem>>
      %get3A_296 = arith.index_cast %get3A_293 : i32 to index
      %get3A_297 = arith.index_cast %multiple_of3A_292 : i32 to index
      %get3A_298 = tpu.vector_load %get3A_295[%get3A_296, %get3A_297] {strides = array<i32>} : memref<8x128xf32, #tpu.memory_space<vmem>>, vector<16xf32>,
      %max3A_299 = arith.maximumf %max3A, %get3A_298 : vector<16xf32>
      %add3A_300 = arith.constant 16 : i32
      %add3A_301 = arith.addi %multiple_of3A_292, %add3A_300 : i32
      %get3A_302 = arith.constant 1 : i32
      %get3A_303 = arith.constant 0 : i32
      %get3A_304 = tpu.memref_slice %arg12[%multiple_of3A_246, %get3A_303] : memref<96x128xf32, #tpu.memory_space<vmem>> -> memref<8x128xf32, #tpu.memory_space<vmem>>
      %get3A_305 = arith.index_cast %get3A_302 : i32 to index
      %get3A_306 = arith.index_cast %add3A_301 : i32 to index
      %get3A_307 = tpu.vector_load %get3A_304[%get3A_305, %get3A_306] {strides = array<i32>} : memref<8x128xf32, #tpu.memory_space<vmem>>, vector<16xf32>,
      %max3A_308 = arith.maximumf %max3A_271, %get3A_307 : vector<16xf32>
      %add3A_309 = arith.constant 32 : i32
      %add3A_310 = arith.addi %multiple_of3A_292, %add3A_309 : i32
      %get3A_311 = arith.constant 1 : i32
      %get3A_312 = arith.constant 0 : i32
      %get3A_313 = tpu.memref_slice %arg12[%multiple_of3A_246, %get3A_312] : memref<96x128xf32, #tpu.memory_space<vmem>> -> memref<8x128xf32, #tpu.memory_space<vmem>>
      %get3A_314 = arith.index_cast %get3A_311 : i32 to index
      %get3A_315 = arith.index_cast %add3A_310 : i32 to index
      %get3A_316 = tpu.vector_load %get3A_313[%get3A_314, %get3A_315] {strides = array<i32>} : memref<8x128xf32, #tpu.memory_space<vmem>>, vector<16xf32>,
      %max3A_317 = arith.maximumf %max3A_280, %get3A_316 : vector<16xf32>
      %add3A_318 = arith.constant 48 : i32
      %add3A_319 = arith.addi %multiple_of3A_292, %add3A_318 : i32
      %get3A_320 = arith.constant 1 : i32
      %get3A_321 = arith.constant 0 : i32
      %get3A_322 = tpu.memref_slice %arg12[%multiple_of3A_246, %get3A_321] : memref<96x128xf32, #tpu.memory_space<vmem>> -> memref<8x128xf32, #tpu.memory_space<vmem>>
      %get3A_323 = arith.index_cast %get3A_320 : i32 to index
      %get3A_324 = arith.index_cast %add3A_319 : i32 to index
      %get3A_325 = tpu.vector_load %get3A_322[%get3A_323, %get3A_324] {strides = array<i32>} : memref<8x128xf32, #tpu.memory_space<vmem>>, vector<16xf32>,
      %max3A_326 = arith.maximumf %max3A_289, %get3A_325 : vector<16xf32>
      %slice3A_327 = vector.extract_strided_slice %get3A_253 {offsets = [2], sizes = [1], strides = [1]} : vector<16xi32> to vector<1xi32>
      %squeeze3A_328 = vector.extract %slice3A_327[0] : i32 from vector<1xi32>
      %multiple_of3A_329 = tpu.assume_multiple %squeeze3A_328, 8 : i32
      %get3A_330 = arith.constant 2 : i32
      %get3A_331 = arith.constant 0 : i32
      %get3A_332 = tpu.memref_slice %arg12[%multiple_of3A_246, %get3A_331] : memref<96x128xf32, #tpu.memory_space<vmem>> -> memref<8x128xf32, #tpu.memory_space<vmem>>
      %get3A_333 = arith.index_cast %get3A_330 : i32 to index
      %get3A_334 = arith.index_cast %multiple_of3A_329 : i32 to index
      %get3A_335 = tpu.vector_load %get3A_332[%get3A_333, %get3A_334] {strides = array<i32>} : memref<8x128xf32, #tpu.memory_space<vmem>>, vector<16xf32>,
      %max3A_336 = arith.maximumf %max3A_299, %get3A_335 : vector<16xf32>
      %add3A_337 = arith.constant 16 : i32
      %add3A_338 = arith.addi %multiple_of3A_329, %add3A_337 : i32
      %get3A_339 = arith.constant 2 : i32
      %get3A_340 = arith.constant 0 : i32
      %get3A_341 = tpu.memref_slice %arg12[%multiple_of3A_246, %get3A_340] : memref<96x128xf32, #tpu.memory_space<vmem>> -> memref<8x128xf32, #tpu.memory_space<vmem>>
      %get3A_342 = arith.index_cast %get3A_339 : i32 to index
      %get3A_343 = arith.index_cast %add3A_338 : i32 to index
      %get3A_344 = tpu.vector_load %get3A_341[%get3A_342, %get3A_343] {strides = array<i32>} : memref<8x128xf32, #tpu.memory_space<vmem>>, vector<16xf32>,
      %max3A_345 = arith.maximumf %max3A_308, %get3A_344 : vector<16xf32>
      %add3A_346 = arith.constant 32 : i32
      %add3A_347 = arith.addi %multiple_of3A_329, %add3A_346 : i32
      %get3A_348 = arith.constant 2 : i32
      %get3A_349 = arith.constant 0 : i32
      %get3A_350 = tpu.memref_slice %arg12[%multiple_of3A_246, %get3A_349] : memref<96x128xf32, #tpu.memory_space<vmem>> -> memref<8x128xf32, #tpu.memory_space<vmem>>
      %get3A_351 = arith.index_cast %get3A_348 : i32 to index
      %get3A_352 = arith.index_cast %add3A_347 : i32 to index
      %get3A_353 = tpu.vector_load %get3A_350[%get3A_351, %get3A_352] {strides = array<i32>} : memref<8x128xf32, #tpu.memory_space<vmem>>, vector<16xf32>,
      %max3A_354 = arith.maximumf %max3A_317, %get3A_353 : vector<16xf32>
      %add3A_355 = arith.constant 48 : i32
      %add3A_356 = arith.addi %multiple_of3A_329, %add3A_355 : i32
      %get3A_357 = arith.constant 2 : i32
      %get3A_358 = arith.constant 0 : i32
      %get3A_359 = tpu.memref_slice %arg12[%multiple_of3A_246, %get3A_358] : memref<96x128xf32, #tpu.memory_space<vmem>> -> memref<8x128xf32, #tpu.memory_space<vmem>>
      %get3A_360 = arith.index_cast %get3A_357 : i32 to index
      %get3A_361 = arith.index_cast %add3A_356 : i32 to index
      %get3A_362 = tpu.vector_load %get3A_359[%get3A_360, %get3A_361] {strides = array<i32>} : memref<8x128xf32, #tpu.memory_space<vmem>>, vector<16xf32>,
      %max3A_363 = arith.maximumf %max3A_326, %get3A_362 : vector<16xf32>
      %slice3A_364 = vector.extract_strided_slice %get3A_253 {offsets = [3], sizes = [1], strides = [1]} : vector<16xi32> to vector<1xi32>
      %squeeze3A_365 = vector.extract %slice3A_364[0] : i32 from vector<1xi32>
      %multiple_of3A_366 = tpu.assume_multiple %squeeze3A_365, 8 : i32
      %get3A_367 = arith.constant 3 : i32
      %get3A_368 = arith.constant 0 : i32
      %get3A_369 = tpu.memref_slice %arg12[%multiple_of3A_246, %get3A_368] : memref<96x128xf32, #tpu.memory_space<vmem>> -> memref<8x128xf32, #tpu.memory_space<vmem>>
      %get3A_370 = arith.index_cast %get3A_367 : i32 to index
      %get3A_371 = arith.index_cast %multiple_of3A_366 : i32 to index
      %get3A_372 = tpu.vector_load %get3A_369[%get3A_370, %get3A_371] {strides = array<i32>} : memref<8x128xf32, #tpu.memory_space<vmem>>, vector<16xf32>,
      %max3A_373 = arith.maximumf %max3A_336, %get3A_372 : vector<16xf32>
      %add3A_374 = arith.constant 16 : i32
      %add3A_375 = arith.addi %multiple_of3A_366, %add3A_374 : i32
      %get3A_376 = arith.constant 3 : i32
      %get3A_377 = arith.constant 0 : i32
      %get3A_378 = tpu.memref_slice %arg12[%multiple_of3A_246, %get3A_377] : memref<96x128xf32, #tpu.memory_space<vmem>> -> memref<8x128xf32, #tpu.memory_space<vmem>>
      %get3A_379 = arith.index_cast %get3A_376 : i32 to index
      %get3A_380 = arith.index_cast %add3A_375 : i32 to index
      %get3A_381 = tpu.vector_load %get3A_378[%get3A_379, %get3A_380] {strides = array<i32>} : memref<8x128xf32, #tpu.memory_space<vmem>>, vector<16xf32>,
      %max3A_382 = arith.maximumf %max3A_345, %get3A_381 : vector<16xf32>
      %add3A_383 = arith.constant 32 : i32
      %add3A_384 = arith.addi %multiple_of3A_366, %add3A_383 : i32
      %get3A_385 = arith.constant 3 : i32
      %get3A_386 = arith.constant 0 : i32
      %get3A_387 = tpu.memref_slice %arg12[%multiple_of3A_246, %get3A_386] : memref<96x128xf32, #tpu.memory_space<vmem>> -> memref<8x128xf32, #tpu.memory_space<vmem>>
      %get3A_388 = arith.index_cast %get3A_385 : i32 to index
      %get3A_389 = arith.index_cast %add3A_384 : i32 to index
      %get3A_390 = tpu.vector_load %get3A_387[%get3A_388, %get3A_389] {strides = array<i32>} : memref<8x128xf32, #tpu.memory_space<vmem>>, vector<16xf32>,
      %max3A_391 = arith.maximumf %max3A_354, %get3A_390 : vector<16xf32>
      %add3A_392 = arith.constant 48 : i32
      %add3A_393 = arith.addi %multiple_of3A_366, %add3A_392 : i32
      %get3A_394 = arith.constant 3 : i32
      %get3A_395 = arith.constant 0 : i32
      %get3A_396 = tpu.memref_slice %arg12[%multiple_of3A_246, %get3A_395] : memref<96x128xf32, #tpu.memory_space<vmem>> -> memref<8x128xf32, #tpu.memory_space<vmem>>
      %get3A_397 = arith.index_cast %get3A_394 : i32 to index
      %get3A_398 = arith.index_cast %add3A_393 : i32 to index
      %get3A_399 = tpu.vector_load %get3A_396[%get3A_397, %get3A_398] {strides = array<i32>} : memref<8x128xf32, #tpu.memory_space<vmem>>, vector<16xf32>,
      %max3A_400 = arith.maximumf %max3A_363, %get3A_399 : vector<16xf32>
      %slice3A_401 = vector.extract_strided_slice %get3A_253 {offsets = [4], sizes = [1], strides = [1]} : vector<16xi32> to vector<1xi32>
      %squeeze3A_402 = vector.extract %slice3A_401[0] : i32 from vector<1xi32>
      %multiple_of3A_403 = tpu.assume_multiple %squeeze3A_402, 8 : i32
      %get3A_404 = arith.constant 4 : i32
      %get3A_405 = arith.constant 0 : i32
      %get3A_406 = tpu.memref_slice %arg12[%multiple_of3A_246, %get3A_405] : memref<96x128xf32, #tpu.memory_space<vmem>> -> memref<8x128xf32, #tpu.memory_space<vmem>>
      %get3A_407 = arith.index_cast %get3A_404 : i32 to index
      %get3A_408 = arith.index_cast %multiple_of3A_403 : i32 to index
      %get3A_409 = tpu.vector_load %get3A_406[%get3A_407, %get3A_408] {strides = array<i32>} : memref<8x128xf32, #tpu.memory_space<vmem>>, vector<16xf32>,
      %max3A_410 = arith.maximumf %max3A_373, %get3A_409 : vector<16xf32>
      %add3A_411 = arith.constant 16 : i32
      %add3A_412 = arith.addi %multiple_of3A_403, %add3A_411 : i32
      %get3A_413 = arith.constant 4 : i32
      %get3A_414 = arith.constant 0 : i32
      %get3A_415 = tpu.memref_slice %arg12[%multiple_of3A_246, %get3A_414] : memref<96x128xf32, #tpu.memory_space<vmem>> -> memref<8x128xf32, #tpu.memory_space<vmem>>
      %get3A_416 = arith.index_cast %get3A_413 : i32 to index
      %get3A_417 = arith.index_cast %add3A_412 : i32 to index
      %get3A_418 = tpu.vector_load %get3A_415[%get3A_416, %get3A_417] {strides = array<i32>} : memref<8x128xf32, #tpu.memory_space<vmem>>, vector<16xf32>,
      %max3A_419 = arith.maximumf %max3A_382, %get3A_418 : vector<16xf32>
      %add3A_420 = arith.constant 32 : i32
      %add3A_421 = arith.addi %multiple_of3A_403, %add3A_420 : i32
      %get3A_422 = arith.constant 4 : i32
      %get3A_423 = arith.constant 0 : i32
      %get3A_424 = tpu.memref_slice %arg12[%multiple_of3A_246, %get3A_423] : memref<96x128xf32, #tpu.memory_space<vmem>> -> memref<8x128xf32, #tpu.memory_space<vmem>>
      %get3A_425 = arith.index_cast %get3A_422 : i32 to index
      %get3A_426 = arith.index_cast %add3A_421 : i32 to index
      %get3A_427 = tpu.vector_load %get3A_424[%get3A_425, %get3A_426] {strides = array<i32>} : memref<8x128xf32, #tpu.memory_space<vmem>>, vector<16xf32>,
      %max3A_428 = arith.maximumf %max3A_391, %get3A_427 : vector<16xf32>
      %add3A_429 = arith.constant 48 : i32
      %add3A_430 = arith.addi %multiple_of3A_403, %add3A_429 : i32
      %get3A_431 = arith.constant 4 : i32
      %get3A_432 = arith.constant 0 : i32
      %get3A_433 = tpu.memref_slice %arg12[%multiple_of3A_246, %get3A_432] : memref<96x128xf32, #tpu.memory_space<vmem>> -> memref<8x128xf32, #tpu.memory_space<vmem>>
      %get3A_434 = arith.index_cast %get3A_431 : i32 to index
      %get3A_435 = arith.index_cast %add3A_430 : i32 to index
      %get3A_436 = tpu.vector_load %get3A_433[%get3A_434, %get3A_435] {strides = array<i32>} : memref<8x128xf32, #tpu.memory_space<vmem>>, vector<16xf32>,
      %max3A_437 = arith.maximumf %max3A_400, %get3A_436 : vector<16xf32>
      %slice3A_438 = vector.extract_strided_slice %get3A_253 {offsets = [5], sizes = [1], strides = [1]} : vector<16xi32> to vector<1xi32>
      %squeeze3A_439 = vector.extract %slice3A_438[0] : i32 from vector<1xi32>
      %multiple_of3A_440 = tpu.assume_multiple %squeeze3A_439, 8 : i32
      %get3A_441 = arith.constant 5 : i32
      %get3A_442 = arith.constant 0 : i32
      %get3A_443 = tpu.memref_slice %arg12[%multiple_of3A_246, %get3A_442] : memref<96x128xf32, #tpu.memory_space<vmem>> -> memref<8x128xf32, #tpu.memory_space<vmem>>
      %get3A_444 = arith.index_cast %get3A_441 : i32 to index
      %get3A_445 = arith.index_cast %multiple_of3A_440 : i32 to index
      %get3A_446 = tpu.vector_load %get3A_443[%get3A_444, %get3A_445] {strides = array<i32>} : memref<8x128xf32, #tpu.memory_space<vmem>>, vector<16xf32>,
      %max3A_447 = arith.maximumf %max3A_410, %get3A_446 : vector<16xf32>
      %add3A_448 = arith.constant 16 : i32
      %add3A_449 = arith.addi %multiple_of3A_440, %add3A_448 : i32
      %get3A_450 = arith.constant 5 : i32
      %get3A_451 = arith.constant 0 : i32
      %get3A_452 = tpu.memref_slice %arg12[%multiple_of3A_246, %get3A_451] : memref<96x128xf32, #tpu.memory_space<vmem>> -> memref<8x128xf32, #tpu.memory_space<vmem>>
      %get3A_453 = arith.index_cast %get3A_450 : i32 to index
      %get3A_454 = arith.index_cast %add3A_449 : i32 to index
      %get3A_455 = tpu.vector_load %get3A_452[%get3A_453, %get3A_454] {strides = array<i32>} : memref<8x128xf32, #tpu.memory_space<vmem>>, vector<16xf32>,
      %max3A_456 = arith.maximumf %max3A_419, %get3A_455 : vector<16xf32>
      %add3A_457 = arith.constant 32 : i32
      %add3A_458 = arith.addi %multiple_of3A_440, %add3A_457 : i32
      %get3A_459 = arith.constant 5 : i32
      %get3A_460 = arith.constant 0 : i32
      %get3A_461 = tpu.memref_slice %arg12[%multiple_of3A_246, %get3A_460] : memref<96x128xf32, #tpu.memory_space<vmem>> -> memref<8x128xf32, #tpu.memory_space<vmem>>
      %get3A_462 = arith.index_cast %get3A_459 : i32 to index
      %get3A_463 = arith.index_cast %add3A_458 : i32 to index
      %get3A_464 = tpu.vector_load %get3A_461[%get3A_462, %get3A_463] {strides = array<i32>} : memref<8x128xf32, #tpu.memory_space<vmem>>, vector<16xf32>,
      %max3A_465 = arith.maximumf %max3A_428, %get3A_464 : vector<16xf32>
      %add3A_466 = arith.constant 48 : i32
      %add3A_467 = arith.addi %multiple_of3A_440, %add3A_466 : i32
      %get3A_468 = arith.constant 5 : i32
      %get3A_469 = arith.constant 0 : i32
      %get3A_470 = tpu.memref_slice %arg12[%multiple_of3A_246, %get3A_469] : memref<96x128xf32, #tpu.memory_space<vmem>> -> memref<8x128xf32, #tpu.memory_space<vmem>>
      %get3A_471 = arith.index_cast %get3A_468 : i32 to index
      %get3A_472 = arith.index_cast %add3A_467 : i32 to index
      %get3A_473 = tpu.vector_load %get3A_470[%get3A_471, %get3A_472] {strides = array<i32>} : memref<8x128xf32, #tpu.memory_space<vmem>>, vector<16xf32>,
      %max3A_474 = arith.maximumf %max3A_437, %get3A_473 : vector<16xf32>
      %slice3A_475 = vector.extract_strided_slice %get3A_253 {offsets = [6], sizes = [1], strides = [1]} : vector<16xi32> to vector<1xi32>
      %squeeze3A_476 = vector.extract %slice3A_475[0] : i32 from vector<1xi32>
      %multiple_of3A_477 = tpu.assume_multiple %squeeze3A_476, 8 : i32
      %get3A_478 = arith.constant 6 : i32
      %get3A_479 = arith.constant 0 : i32
      %get3A_480 = tpu.memref_slice %arg12[%multiple_of3A_246, %get3A_479] : memref<96x128xf32, #tpu.memory_space<vmem>> -> memref<8x128xf32, #tpu.memory_space<vmem>>
      %get3A_481 = arith.index_cast %get3A_478 : i32 to index
      %get3A_482 = arith.index_cast %multiple_of3A_477 : i32 to index
      %get3A_483 = tpu.vector_load %get3A_480[%get3A_481, %get3A_482] {strides = array<i32>} : memref<8x128xf32, #tpu.memory_space<vmem>>, vector<16xf32>,
      %max3A_484 = arith.maximumf %max3A_447, %get3A_483 : vector<16xf32>
      %add3A_485 = arith.constant 16 : i32
      %add3A_486 = arith.addi %multiple_of3A_477, %add3A_485 : i32
      %get3A_487 = arith.constant 6 : i32
      %get3A_488 = arith.constant 0 : i32
      %get3A_489 = tpu.memref_slice %arg12[%multiple_of3A_246, %get3A_488] : memref<96x128xf32, #tpu.memory_space<vmem>> -> memref<8x128xf32, #tpu.memory_space<vmem>>
      %get3A_490 = arith.index_cast %get3A_487 : i32 to index
      %get3A_491 = arith.index_cast %add3A_486 : i32 to index
      %get3A_492 = tpu.vector_load %get3A_489[%get3A_490, %get3A_491] {strides = array<i32>} : memref<8x128xf32, #tpu.memory_space<vmem>>, vector<16xf32>,
      %max3A_493 = arith.maximumf %max3A_456, %get3A_492 : vector<16xf32>
      %add3A_494 = arith.constant 32 : i32
      %add3A_495 = arith.addi %multiple_of3A_477, %add3A_494 : i32
      %get3A_496 = arith.constant 6 : i32
      %get3A_497 = arith.constant 0 : i32
      %get3A_498 = tpu.memref_slice %arg12[%multiple_of3A_246, %get3A_497] : memref<96x128xf32, #tpu.memory_space<vmem>> -> memref<8x128xf32, #tpu.memory_space<vmem>>
      %get3A_499 = arith.index_cast %get3A_496 : i32 to index
      %get3A_500 = arith.index_cast %add3A_495 : i32 to index
      %get3A_501 = tpu.vector_load %get3A_498[%get3A_499, %get3A_500] {strides = array<i32>} : memref<8x128xf32, #tpu.memory_space<vmem>>, vector<16xf32>,
      %max3A_502 = arith.maximumf %max3A_465, %get3A_501 : vector<16xf32>
      %add3A_503 = arith.constant 48 : i32
      %add3A_504 = arith.addi %multiple_of3A_477, %add3A_503 : i32
      %get3A_505 = arith.constant 6 : i32
      %get3A_506 = arith.constant 0 : i32
      %get3A_507 = tpu.memref_slice %arg12[%multiple_of3A_246, %get3A_506] : memref<96x128xf32, #tpu.memory_space<vmem>> -> memref<8x128xf32, #tpu.memory_space<vmem>>
      %get3A_508 = arith.index_cast %get3A_505 : i32 to index
      %get3A_509 = arith.index_cast %add3A_504 : i32 to index
      %get3A_510 = tpu.vector_load %get3A_507[%get3A_508, %get3A_509] {strides = array<i32>} : memref<8x128xf32, #tpu.memory_space<vmem>>, vector<16xf32>,
      %max3A_511 = arith.maximumf %max3A_474, %get3A_510 : vector<16xf32>
      %slice3A_512 = vector.extract_strided_slice %get3A_253 {offsets = [7], sizes = [1], strides = [1]} : vector<16xi32> to vector<1xi32>
      %squeeze3A_513 = vector.extract %slice3A_512[0] : i32 from vector<1xi32>
      %multiple_of3A_514 = tpu.assume_multiple %squeeze3A_513, 8 : i32
      %get3A_515 = arith.constant 7 : i32
      %get3A_516 = arith.constant 0 : i32
      %get3A_517 = tpu.memref_slice %arg12[%multiple_of3A_246, %get3A_516] : memref<96x128xf32, #tpu.memory_space<vmem>> -> memref<8x128xf32, #tpu.memory_space<vmem>>
      %get3A_518 = arith.index_cast %get3A_515 : i32 to index
      %get3A_519 = arith.index_cast %multiple_of3A_514 : i32 to index
      %get3A_520 = tpu.vector_load %get3A_517[%get3A_518, %get3A_519] {strides = array<i32>} : memref<8x128xf32, #tpu.memory_space<vmem>>, vector<16xf32>,
      %max3A_521 = arith.maximumf %max3A_484, %get3A_520 : vector<16xf32>
      %add3A_522 = arith.constant 16 : i32
      %add3A_523 = arith.addi %multiple_of3A_514, %add3A_522 : i32
      %get3A_524 = arith.constant 7 : i32
      %get3A_525 = arith.constant 0 : i32
      %get3A_526 = tpu.memref_slice %arg12[%multiple_of3A_246, %get3A_525] : memref<96x128xf32, #tpu.memory_space<vmem>> -> memref<8x128xf32, #tpu.memory_space<vmem>>
      %get3A_527 = arith.index_cast %get3A_524 : i32 to index
      %get3A_528 = arith.index_cast %add3A_523 : i32 to index
      %get3A_529 = tpu.vector_load %get3A_526[%get3A_527, %get3A_528] {strides = array<i32>} : memref<8x128xf32, #tpu.memory_space<vmem>>, vector<16xf32>,
      %max3A_530 = arith.maximumf %max3A_493, %get3A_529 : vector<16xf32>
      %add3A_531 = arith.constant 32 : i32
      %add3A_532 = arith.addi %multiple_of3A_514, %add3A_531 : i32
      %get3A_533 = arith.constant 7 : i32
      %get3A_534 = arith.constant 0 : i32
      %get3A_535 = tpu.memref_slice %arg12[%multiple_of3A_246, %get3A_534] : memref<96x128xf32, #tpu.memory_space<vmem>> -> memref<8x128xf32, #tpu.memory_space<vmem>>
      %get3A_536 = arith.index_cast %get3A_533 : i32 to index
      %get3A_537 = arith.index_cast %add3A_532 : i32 to index
      %get3A_538 = tpu.vector_load %get3A_535[%get3A_536, %get3A_537] {strides = array<i32>} : memref<8x128xf32, #tpu.memory_space<vmem>>, vector<16xf32>,
      %max3A_539 = arith.maximumf %max3A_502, %get3A_538 : vector<16xf32>
      %add3A_540 = arith.constant 48 : i32
      %add3A_541 = arith.addi %multiple_of3A_514, %add3A_540 : i32
      %get3A_542 = arith.constant 7 : i32
      %get3A_543 = arith.constant 0 : i32
      %get3A_544 = tpu.memref_slice %arg12[%multiple_of3A_246, %get3A_543] : memref<96x128xf32, #tpu.memory_space<vmem>> -> memref<8x128xf32, #tpu.memory_space<vmem>>
      %get3A_545 = arith.index_cast %get3A_542 : i32 to index
      %get3A_546 = arith.index_cast %add3A_541 : i32 to index
      %get3A_547 = tpu.vector_load %get3A_544[%get3A_545, %get3A_546] {strides = array<i32>} : memref<8x128xf32, #tpu.memory_space<vmem>>, vector<16xf32>,
      %max3A_548 = arith.maximumf %max3A_511, %get3A_547 : vector<16xf32>
      scf.yield %max3A_521, %max3A_530, %max3A_539, %max3A_548 : vector<16xf32>, vector<16xf32>, vector<16xf32>, vector<16xf32>
    }
    %scan3A_160 = arith.constant 12 : i32
    %bitcast3A_161 = vector.bitcast %scan3A_159#0 : vector<16xf32> to vector<16xi32>
    %add3A_162 = arith.constant 32767 : i32
    %add3A_163 = vector.broadcast %add3A_162 : i32 to vector<16xi32>
    %add3A_164 = arith.addi %bitcast3A_161, %add3A_163 : vector<16xi32>
    %shift_right_logical3A_165 = arith.constant 16 : i32
    %shift_right_logical3A_166 = vector.broadcast %shift_right_logical3A_165 : i32 to vector<16xi32>
    %shift_right_logical3A_167 = arith.shrui %bitcast3A_161, %shift_right_logical3A_166 : vector<16xi32>
    %and3A_168 = arith.constant 1 : i32
    %and3A_169 = vector.broadcast %and3A_168 : i32 to vector<16xi32>
    %and3A_170 = arith.andi %shift_right_logical3A_167, %and3A_169 : vector<16xi32>
    %add3A_171 = arith.addi %add3A_164, %and3A_170 : vector<16xi32>
    %and3A_172 = arith.constant -65536 : i32
    %and3A_173 = vector.broadcast %and3A_172 : i32 to vector<16xi32>
    %and3A_174 = arith.andi %add3A_171, %and3A_173 : vector<16xi32>
    %bitcast3A_175 = vector.bitcast %and3A_174 : vector<16xi32> to vector<16xf32>
    %bitcast3A_176 = vector.bitcast %scan3A_159#1 : vector<16xf32> to vector<16xi32>
    %add3A_177 = arith.constant 32767 : i32
    %add3A_178 = vector.broadcast %add3A_177 : i32 to vector<16xi32>
    %add3A_179 = arith.addi %bitcast3A_176, %add3A_178 : vector<16xi32>
    %shift_right_logical3A_180 = arith.constant 16 : i32
    %shift_right_logical3A_181 = vector.broadcast %shift_right_logical3A_180 : i32 to vector<16xi32>
    %shift_right_logical3A_182 = arith.shrui %bitcast3A_176, %shift_right_logical3A_181 : vector<16xi32>
    %and3A_183 = arith.constant 1 : i32
    %and3A_184 = vector.broadcast %and3A_183 : i32 to vector<16xi32>
    %and3A_185 = arith.andi %shift_right_logical3A_182, %and3A_184 : vector<16xi32>
    %add3A_186 = arith.addi %add3A_179, %and3A_185 : vector<16xi32>
    %and3A_187 = arith.constant -65536 : i32
    %and3A_188 = vector.broadcast %and3A_187 : i32 to vector<16xi32>
    %and3A_189 = arith.andi %add3A_186, %and3A_188 : vector<16xi32>
    %bitcast3A_190 = vector.bitcast %and3A_189 : vector<16xi32> to vector<16xf32>
    %bitcast3A_191 = vector.bitcast %scan3A_159#2 : vector<16xf32> to vector<16xi32>
    %add3A_192 = arith.constant 32767 : i32
    %add3A_193 = vector.broadcast %add3A_192 : i32 to vector<16xi32>
    %add3A_194 = arith.addi %bitcast3A_191, %add3A_193 : vector<16xi32>
    %shift_right_logical3A_195 = arith.constant 16 : i32
    %shift_right_logical3A_196 = vector.broadcast %shift_right_logical3A_195 : i32 to vector<16xi32>
    %shift_right_logical3A_197 = arith.shrui %bitcast3A_191, %shift_right_logical3A_196 : vector<16xi32>
    %and3A_198 = arith.constant 1 : i32
    %and3A_199 = vector.broadcast %and3A_198 : i32 to vector<16xi32>
    %and3A_200 = arith.andi %shift_right_logical3A_197, %and3A_199 : vector<16xi32>
    %add3A_201 = arith.addi %add3A_194, %and3A_200 : vector<16xi32>
    %and3A_202 = arith.constant -65536 : i32
    %and3A_203 = vector.broadcast %and3A_202 : i32 to vector<16xi32>
    %and3A_204 = arith.andi %add3A_201, %and3A_203 : vector<16xi32>
    %bitcast3A_205 = vector.bitcast %and3A_204 : vector<16xi32> to vector<16xf32>
    %bitcast3A_206 = vector.bitcast %scan3A_159#3 : vector<16xf32> to vector<16xi32>
    %add3A_207 = arith.constant 32767 : i32
    %add3A_208 = vector.broadcast %add3A_207 : i32 to vector<16xi32>
    %add3A_209 = arith.addi %bitcast3A_206, %add3A_208 : vector<16xi32>
    %shift_right_logical3A_210 = arith.constant 16 : i32
    %shift_right_logical3A_211 = vector.broadcast %shift_right_logical3A_210 : i32 to vector<16xi32>
    %shift_right_logical3A_212 = arith.shrui %bitcast3A_206, %shift_right_logical3A_211 : vector<16xi32>
    %and3A_213 = arith.constant 1 : i32
    %and3A_214 = vector.broadcast %and3A_213 : i32 to vector<16xi32>
    %and3A_215 = arith.andi %shift_right_logical3A_212, %and3A_214 : vector<16xi32>
    %add3A_216 = arith.addi %add3A_209, %and3A_215 : vector<16xi32>
    %and3A_217 = arith.constant -65536 : i32
    %and3A_218 = vector.broadcast %and3A_217 : i32 to vector<16xi32>
    %and3A_219 = arith.andi %add3A_216, %and3A_218 : vector<16xi32>
    %bitcast3A_220 = vector.bitcast %and3A_219 : vector<16xi32> to vector<16xf32>
    %mul3A_221 = arith.mulf %bitcast3A_175, %get3A_3 : vector<16xf32>
    %mul3A_222 = arith.mulf %bitcast3A_190, %get3A_5 : vector<16xf32>
    %add3A_223 = arith.addf %mul3A_221, %mul3A_222 : vector<16xf32>
    %mul3A_224 = arith.mulf %bitcast3A_205, %get3A_7 : vector<16xf32>
    %add3A_225 = arith.addf %add3A_223, %mul3A_224 : vector<16xf32>
    %mul3A_226 = arith.mulf %bitcast3A_220, %get3A_9 : vector<16xf32>
    %add3A_227 = arith.addf %add3A_225, %mul3A_226 : vector<16xf32>
    %reduce_sum3A_228 = arith.constant true
    %reduce_sum3A_229 = vector.broadcast %reduce_sum3A_228 : i1 to vector<16xi1>
    %reduce_sum3A_230 = tpu.scan <sum>, %add3A_227 masked %reduce_sum3A_229 : vector<16xf32>, vector<16xi1> -> vector<16xf32>
    %reduce_sum3A_231 = vector.extract %reduce_sum3A_230[15] : f32 from vector<16xf32>
    %add3A_232 = arith.addf %reduce_sum3A_231, %squeeze3A : f32
    %broadcast_in_dim3A_233 = arith.constant 127 : i32
    %broadcast_in_dim3A_234 = vector.broadcast %broadcast_in_dim3A_233 : i32 to vector<16xi32>
    %broadcast_in_dim3A_235 = vector.broadcast %add3A_232 : f32 to vector<16xf32>
    tpu.vector_store_idx %arg14[%broadcast_in_dim3A_234], %broadcast_in_dim3A_235 masked %eq3A_13 : memref<128xf32, #tpu.memory_space<vmem>>[vector<16xi32>], vector<16xf32>, vector<16xi1>
    %mul3A_236 = arith.constant 128 : i32
    %mul3A_237 = arith.muli %add3A, %mul3A_236 : i32
    %multiple_of3A_238 = tpu.assume_multiple %mul3A_237, 8 : i32
    "tpu.region"() ({
      %run_scoped3A = tpu.sem_alloc : memref<!tpu.dma_semaphore, #tpu.memory_space<semaphore_mem>>
      %dma_start3A_239 = tpu.memref_slice %arg6[%multiple_of3A_238] : memref<4096xf32, #tpu.memory_space<hbm>> -> memref<128xf32, #tpu.memory_space<hbm>>
      %dma_start3A_240 = tpu.memref_slice %arg6[%multiple_of3A_238] : memref<4096xf32, #tpu.memory_space<hbm>> -> memref<128xf32, #tpu.memory_space<hbm>>
      tpu.enqueue_dma source(%arg14 : memref<128xf32, #tpu.memory_space<vmem>>) target(%dma_start3A_240 : memref<128xf32, #tpu.memory_space<hbm>>) target_semaphore(%run_scoped3A : memref<!tpu.dma_semaphore, #tpu.memory_space<semaphore_mem>>)
      %dma_wait3A_241 = tpu.memref_slice %arg6[%multiple_of3A_238] : memref<4096xf32, #tpu.memory_space<hbm>> -> memref<128xf32, #tpu.memory_space<hbm>>
      %dma_wait3A_242 = tpu.memref_slice %arg6[%multiple_of3A_238] : memref<4096xf32, #tpu.memory_space<hbm>> -> memref<128xf32, #tpu.memory_space<hbm>>
      tpu.wait_dma2 semaphore(%run_scoped3A : memref<!tpu.dma_semaphore, #tpu.memory_space<semaphore_mem>>) src(%arg14 : memref<128xf32, #tpu.memory_space<vmem>>) dst(%dma_wait3A_242 : memref<128xf32, #tpu.memory_space<hbm>>)
      tpu.yield
    }) : () -> ()
    return
  }
}

</mosaic_0001>

<sc_bundles>
// kernel: _sc_call.3.cloned.1.call-start
scs
__scs_entry_jumppad:
0x0: {  	(pc) =	sbr.rel $0x88, $3  }
0x1: {  	(tag) =	ssettag $0x0;
	lr =	simm.s32 $0x1  }
0x2: {  	[smem:$0x3F9D] =	sst lr;
	_ =	strace $0xD0000000  }
0x3: {  	_ = 	snop  }
0x4: {  	_ = 	snop  }
0x5: {  	_ = 	snop  }
0x6: {  	_ = 	snop  }
0x7: {  	_ = 	snop  }
__scs_overlays_trampoline_lowered:
0x8: {  	[smem:$0x3FAC] =	sst s0  }
0x9: {  	[smem:$0x3FAD] =	sst s1  }
0xa: {  	[smem:$0x3FAE] =	sst s2  }
0xb: {  	[smem:$0x3FAF] =	sst s3  }
0xc: {  	[smem:$0x3FB0] =	sst s4  }
0xd: {  	[smem:$0x3FB1] =	sst s5  }
0xe: {  	[smem:$0x3FB2] =	sst s6  }
0xf: {  	[smem:$0x3FB3] =	sst s7  }
0x10: {  	[smem:$0x3FB4] =	sst s8  }
0x11: {  	[smem:$0x3FB5] =	sst s9;
	s0 =	simm.s32 @!p0 $0x0  }
0x12: {  	s1 =	sld [smem:$0x3F9B];
	s0 =	simm.s32 @p0 $0x1  }
0x13: {  	[smem:$0x3FB6] =	sst s0;
	s0 =	simm.s32 @!p1 $0x0  }
0x14: {  	s2 =	sld [smem:$0x3F9A];
	s0 =	simm.s32 @p1 $0x1  }
0x15: {  	[smem:$0x3FB7] =	sst s0;
	s0 =	simm.s32 @!p2 $0x0  }
0x16: {  	s3 =	sld [smem:$0x3FDB];
	s0 =	simm.s32 @p2 $0x1  }
0x17: {  	s4 =	simm.s32 $0x1BF5;
	[smem:$0x3FB9] =	sst s0  }
0x18: {  	s0 =	sld [smem:$0x3F9C];
	_ =	swait.ge [sflag:s4], $0x0  }
0x19: {  	s7 =	sld [smem:$0x3F9D]  }
0x1a: {  	s8 =	sadd.s32 $0xFFFFE003, lr  }
0x1b: {  	s9 =	sadd.s32 $0xFFFFFEF7, lr;
	s5 =	simm.s32 $0xFFFFFFFF;
	p2 =	slt.u32 s8, $0xFFFFF086  }
0x1c: {  	p1 =	slt.u32 s9, $0xF7A;
	s5 =	simm.s32 @!p2 $0x0  }
0x1d: {  	s5 =	simm.s32 @p1 $0x1;
	p0 =	seq.s32 s7, s2  }
0x1e: {  	s7 =	smul.u32 @!p0 $0xF7A, s2;
	p2 =	seq.s32 @!p0 s5, $0x0  }
0x1f: {  	s9 =	smul.u32 $0xF7A, s1;
	s8 =	simm.s32 @!p0 $0x1BF5;
	p2 =	por !p2, p0  }
0x20: {  	[sflag:s8] =	ssyncset.s32 @!p0 $0xFFFFF086;
	s6 =	sadd.s32 @!p0 s3, s7;
	s7 =	simm.s32 @!p0 $0x108  }
0x21: {  	s3 =	sadd.s32 s3, s9;
	s6 =	sadd.s32 @!p0 $0x88, s6;
	s7 =	simm.s32 @p2 $0x1082  }
0x22: {  	[simem:s7], [sflag:s8] =	dma.local @!p0 [hbm:s6], $0xF7A  }
0x23: {  	s9 =	sor.u32 $0xD0000000, s2;
	s6 =	simm.s32 $0x108;
	_ =	swait.ge @!p0 [sflag:s8], $0x0  }
0x24: {  	s3 =	sadd.s32 $0x88, s3;
	s6 =	simm.s32 @!p1 $0x1082;
	[sflag:s4] =	ssyncset.s32 $0xFFFFF086  }
0x25: {  	[simem:s6], [sflag:s4] =	dma.local [hbm:s3], $0xF7A  }
0x26: {  	[smem:$0x3F9D] =	sst s1;
	(tag) =	ssettag s2;
	_ =	strace s9  }
0x27: {  	s1 =	sld [smem:$0x3FAD]  }
0x28: {  	s2 =	sld [smem:$0x3FAE]  }
0x29: {  	s4 =	sld [smem:$0x3FB0]  }
0x2a: {  	p0 =	seq.s32 s5, $0x0;
	s5 =	sld [smem:$0x3FB1]  }
0x2b: {  	s6 =	sld [smem:$0x3FB2]  }
0x2c: {  	s7 =	sld [smem:$0x3FB3]  }
0x2d: {  	s3 =	simm.s32 $0x108;
	s8 =	sld [smem:$0x3FB4]  }
0x2e: {  	s3 =	simm.s32 @!p0 $0x1082;
	s9 =	sld [smem:$0x3FB5]  }
0x2f: {  	lr =	sadd.s32 s0, s3;
	s0 =	sld [smem:$0x3FAC]  }
0x30: {  	s3 =	sld [smem:$0x3FAF]  }
0x31: {  	[smem:$0x3FB8] =	sst s10  }
0x32: {  	s10 =	sld [smem:$0x3FB6];
	_ =	sdelay $0x3  }
0x33: {  	p0 =	seq.s32 s10, $0x1;
	s10 =	sld [smem:$0x3FB8];
	_ =	sdelay $0x3  }
0x34: {  	[smem:$0x3FB8] =	sst s10  }
0x35: {  	s10 =	sld [smem:$0x3FB7];
	_ =	sdelay $0x3  }
0x36: {  	p1 =	seq.s32 s10, $0x1;
	s10 =	sld [smem:$0x3FB8];
	_ =	sdelay $0x3  }
0x37: {  	[smem:$0x3FB8] =	sst s10  }
0x38: {  	s10 =	sld [smem:$0x3FB9]  }
0x39: {  	_ = 	snop;
	(pc) =	sbr.ind lr, $3  }
0x3a: {  	_ = 	snop  }
0x3b: {  	_ = 	snop  }
0x3c: {  	p2 =	seq.s32 s10, $0x1;
	s10 =	sld [smem:$0x3FB8]  }
0x3d: {  	_ =	shalt  }
0x3e: {  	_ =	shalt  }
0x3f: {  	_ =	shalt  }
0x40: {  	_ =	shalt  }
0x41: {  	_ =	shalt  }
0x42: {  	_ =	shalt  }
0x43: {  	_ =	shalt  }
0x44: {  	_ =	shalt  }
0x45: {  	_ =	shalt  }
0x46: {  	_ =	shalt  }
0x47: {  	_ =	shalt  }
0x48: {  	_ =	shalt  }
0x49: {  	_ =	shalt  }
0x4a: {  	_ =	shalt  }
0x4b: {  	_ =	shalt  }
0x4c: {  	_ =	shalt  }
0x4d: {  	_ =	shalt  }
0x4e: {  	_ =	shalt  }
0x4f: {  	_ =	shalt  }
0x50: {  	_ =	shalt  }
0x51: {  	_ =	shalt  }
0x52: {  	_ =	shalt  }
0x53: {  	_ =	shalt  }
0x54: {  	_ =	shalt  }
0x55: {  	_ =	shalt  }
0x56: {  	_ =	shalt  }
0x57: {  	_ =	shalt  }
0x58: {  	_ =	shalt  }
0x59: {  	_ =	shalt  }
0x5a: {  	_ =	shalt  }
0x5b: {  	_ =	shalt  }
0x5c: {  	_ =	shalt  }
0x5d: {  	_ =	shalt  }
0x5e: {  	_ =	shalt  }
0x5f: {  	_ =	shalt  }
0x60: {  	_ =	shalt  }
0x61: {  	_ =	shalt  }
0x62: {  	_ =	shalt  }
0x63: {  	_ =	shalt  }
0x64: {  	_ =	shalt  }
0x65: {  	_ =	shalt  }
0x66: {  	_ =	shalt  }
0x67: {  	_ =	shalt  }
0x68: {  	_ =	shalt  }
0x69: {  	_ =	shalt  }
0x6a: {  	_ =	shalt  }
0x6b: {  	_ =	shalt  }
0x6c: {  	_ =	shalt  }
0x6d: {  	_ =	shalt  }
0x6e: {  	_ =	shalt  }
0x6f: {  	_ =	shalt  }
0x70: {  	_ =	shalt  }
0x71: {  	_ =	shalt  }
0x72: {  	_ =	shalt  }
0x73: {  	_ =	shalt  }
0x74: {  	_ =	shalt  }
0x75: {  	_ =	shalt  }
0x76: {  	_ =	shalt  }
0x77: {  	_ =	shalt  }
0x78: {  	_ =	shalt  }
0x79: {  	_ =	shalt  }
0x7a: {  	_ =	shalt  }
0x7b: {  	_ =	shalt  }
0x7c: {  	_ =	shalt  }
0x7d: {  	_ =	shalt  }
0x7e: {  	_ =	shalt  }
0x7f: {  	_ =	shalt  }
0x80: {  	_ =	shalt  }
0x81: {  	_ =	shalt  }
0x82: {  	_ =	shalt  }
0x83: {  	_ =	shalt  }
0x84: {  	_ =	shalt  }
0x85: {  	_ =	shalt  }
0x86: {  	_ =	shalt  }
0x87: {  	_ =	shalt  }
.Lfunc_end0:
.L_simem_size_0:
called_computation_lowered:
.L_overlay_start_0:
0x88: {  	s2 =	sld [smem:$0x3FD9]  }
0x89: {  	s3 =	sld [smem:$0x3FFE];
	_ =	sdelay $0x1  }
0x8a: {  	s1 =	srdreg.scid  }
0x8b: {  	s0 =	sand.u32 $0x1, s1  }
0x8c: {  	s18 =	sshll.u32 s0, $0xA;
	s2 =	sadd.s32 s3, s2  }
0x8d: {  	s2 =	sadd.s32 s2, s18  }
0x8e: {  	[smem:$0x3FC4] =	sst s2  }
0x8f: {  	_ = 	snop  }
0x90: {  	s2 =	sld [smem:$0x3FC9]  }
0x91: {  	s19 =	sld [smem:$0x3FC8]  }
0x92: {  	s4 =	sld [smem:$0x3FC7]  }
0x93: {  	s5 =	sld [smem:$0x3FC6]  }
0x94: {  	s6 =	sld [smem:$0x3FD0];
	(tm) =	ssettm $0x1  }
0x95: {  	s7 =	sld [smem:$0x3FFB];
	_ =	sdelay $0x3  }
0x96: {  	_ =	strace s7  }
0x97: {  	s7 =	sld [smem:$0x3FFC];
	_ =	sdelay $0x3  }
0x98: {  	_ =	strace s7  }
0x99: {  	s7 =	sld [smem:$0x3FFD];
	_ =	sdelay $0x3  }
0x9a: {  	_ =	strace s7  }
0x9b: {  	_ =	strace $0x8FFFFFFF  }
0x9c: {  	s20 =	sld [smem:$0x3FDB];
	_ =	sdelay $0x1  }
0x9d: {  	s8 =	simm.s32 $_scs_section_size  }
0x9e: {  	s9 =	simm.s32 $_size__tile_overlayer_lowered;
	s10 =	simm.s32 $_tile_overlayer_lowered  }
0x9f: {  	s23 =	simm.s32 $0x1BFF;
	s22 =	sshll.u32 s10, $0x1;
	s7 =	sadd.s32 s8, s20  }
0xa0: {  	s11 =	simm.s32 $0x0;
	s21 =	sshll.u32 s9, $0x1;
	s9 =	sadd.s32 s22, s7  }
0xa1: {  	[timem:s11], [sflag:s23] =	dma.local [hbm:s9], s21  }
0xa2: {  	_ =	swait.ge [sflag:s23], s21  }
0xa3: {  	s8 =	ssub.s32 $0x0, s21;
	[sflag:s23] =	ssyncset.done $0x0  }
0xa4: {  	[sflag:s23] =	ssyncadd.s32 s8;
	_ =	sdelay $0x1  }
0xa5: {  	s24 =	simm.s32 $0x1B8B  }
0xa6: {  	_ =	swait.ge [sflag:s24], $0x1  }
0xa7: {  	[sflag:s24] =	ssyncset.done $0x0  }
0xa8: {  	s25 =	simm.s32 $0x1B8E;
	[sflag:s24] =	ssyncadd.s32 $0xFFFFFFFF  }
0xa9: {  	s26 =	simm.s32 $execute0_lowered;
	[smem:$0x3FD2] =	sst s25  }
0xaa: {  	s8 =	sshll.u32 s26, $0x1;
	_ =	strace $0x80000046;
	[dreg:$0x1] =	wrdreg $0xFFFFFFFF  }
0xab: {  	s28 =	simm.s32 $_size_execute0_lowered;
	s7 =	sadd.s32 s7, s8;
	[dreg:$0x0] =	wrdreg $0x0  }
0xac: {  	s8 =	sshll.u32 s28, $0x1;
	[dreg:$0x2] =	wrdreg s7  }
0xad: {  	[dreg:$0x3] =	wrdreg s8  }
0xae: {  	[dreg:$0x4] =	wrdreg $0xC0  }
0xaf: {  	_ =	task [dreg:s11], $0x5FFFF  }
0xb0: {  	[dreg:$0x1] =	wrdreg $0xFFFFFFFF  }
0xb1: {  	[dreg:$0x0] =	wrdreg $0x60  }
0xb2: {  	[dreg:$0x2] =	wrdreg s2  }
0xb3: {  	[dreg:$0x3] =	wrdreg s19  }
0xb4: {  	[dreg:$0x4] =	wrdreg s4  }
0xb5: {  	[dreg:$0x5] =	wrdreg s5  }
0xb6: {  	[dreg:$0x6] =	wrdreg s6  }
0xb7: {  	[dreg:$0x7] =	wrdreg $0x9  }
0xb8: {  	_ =	task.clear_ibuf [dreg:s11], $0x8FFFF;
	_ =	strace $0x90000046  }
0xb9: {  	s29 =	simm.s32 $0x9;
	_ =	strace $0x80000048  }
0xba: {  	_ =	swait.ge [sflag:s29], $0x1  }
0xbb: {  	[sflag:s29] =	ssyncadd.s32 $0xFFFFFFFF  }
0xbc: {  	_ =	strace $0x90000048  }
0xbd: {  	_ =	sfence  }
0xbe: {  	s30 =	sld [smem:$0x0];
	_ =	sdelay $0x2  }
0xbf: {  	s31 =	sshll.u32 s1, $0xD;
	s1 =	sshrl.u32 s1, $0x2  }
0xc0: {  	s3 =	sand.u32 $0x4000, s31;
	s1 =	sadd.s32 s1, s30  }
0xc1: {  	s0 =	sor.u32 s3, s0;
	s1 =	sshll.u32 s1, $0x11  }
0xc2: {  	s0 =	sor.u32 s1, s0  }
0xc3: {  	s0 =	sadd.s32 $0x8F2B, s0  }
0xc4: {  	[sflag:s0] =	ssyncadd.remote.s32 $0x1  }
0xc5: {  	_ =	sfence.sel $0xFFFF  }
0xc6: {  	[dreg:$0x0] =	wrdreg $0xFFFFFFFF;
	(pc) =	sbr.abs _section_cstart, $3  }
0xc7: {  	[dreg:$0x1] =	wrdreg $0xFFFFFFFF  }
0xc8: {  	_ =	task.clear_ibuf [dreg:s11], $0x2FFFF;
	_ =	strace $0x9FFFFFFF  }
0xc9: {  	(tm) =	ssettm $0x7FFFFFFF  }
tec
execute0_lowered:
.L_overlay_start_1:
0x0: {  	(tag) =	ssettag $0x1  }
0x1: {  	s3 =	srdreg.scid;
	s4 =	stileid.u32  }
0x2: {  	s0 =	rddreg [dreg:$0x0];
	s3 =	sand.u32 $0x1, s3;
	s4 =	sshll.u32 s4, $0x1  }
0x3: {  	s1 =	rddreg [dreg:$0x1];
	s5 =	ssub.s32 $0x2, s3;
	s3 =	sor.u32 s3, s4  }
0x4: {  	s2 =	rddreg [dreg:$0x4];
	s7 =	simm.s32 $0x0;
	s6 =	smul.u32 $0xC80, s3  }
0x5: {  	[smem:$0x7FF] =	sst s7  }
0x6: {  	_ =	strace $0x80000047;
	s28 =	sshrl.u32 s5, $0x1;
	s0 =	sadd.s32 s0, s6  }
0x7: {  	s4 =	ssub.s32 s5, s28;
	s29 =	sadd.s32 s1, s6;
	[dreg:$0x6] =	wrdreg s0  }
0x8: {  	s30 =	sshll.u32 s3, $0x4;
	s31 =	smax.u32 s4, $0x1;
	[dreg:$0x7] =	wrdreg s29  }
0x9: {  	s0 =	sadd.s32 s2, s30;
	[dreg:$0x9] =	wrdreg s31  }
0xa: {  	v0 =	vimm.s32 $0x7E;
	v1 =	vimm.s32 $0x7F;
	s1 =	simm.s32 $0x5;
	s2 =	simm.s32 $0x0;
	[dreg:$0x8] =	wrdreg s0  }
.LBB2_1:
0xb: {  	[dreg:$0xa] =	wrdreg s2  }
0xc: {  	s0 =	rddreg [dreg:$0x6]  }
0xd: {  	[tilespmem:s7], [sflag:$0x5] =	stream.linear.gather [hbm4b:s0+s7], $0x6400, $0x38;
	[tilespmem:$0x19100] =	vst v63  }
0xe: {  	_ =	swait.ge [sflag:s1], $0x6400  }
0xf: {  	[sflag:s1] =	ssyncset.done $0x0  }
0x10: {  	s5 =	simm.s32 $0x6400;
	s16 =	rddreg [dreg:$0x7];
	[sflag:s1] =	ssyncadd.s32 $0xFFFF9C00  }
0x11: {  	[tilespmem:s5], [sflag:$0x5] =	stream.linear.gather [hbm4b:s16+s7], $0x6400, $0x38;
	[tilespmem:$0x19100] =	vst v63  }
0x12: {  	_ =	swait.ge [sflag:s1], $0x6400  }
0x13: {  	[sflag:s1] =	ssyncset.done $0x0  }
0x14: {  	[sflag:s1] =	ssyncadd.s32 $0xFFFF9C00  }
0x15: {  	s18 =	simm.s32 $0x19000;
	s17 =	rddreg [dreg:$0x3]  }
0x16: {  	[tilespmem:s18], [sflag:$0x5] =	stream.linear.gather [hbm4b:s17+s7], $0x80, $0x38;
	[tilespmem:$0x19100] =	vst v63  }
0x17: {  	_ =	swait.ge [sflag:s1], $0x80  }
0x18: {  	[sflag:s1] =	ssyncset.done $0x0  }
0x19: {  	[sflag:s1] =	ssyncadd.s32 $0xFFFFFF80  }
0x1a: {  	v2 =	vld [tilespmem:$0x19040];
	_ =	sdelay $0x4  }
0x1b: {  	(v2sf) =	vpush v2, $0x0;
	_ =	sdelay $0x4  }
0x1c: {  	v4 =	vld [tilespmem:$0x19000]  }
0x1d: {  	v5 =	vld [tilespmem:$0x19010]  }
0x1e: {  	s20 =	simm.s32 $0x68;
	s21 =	simm.s32 $0xC800;
	v3 =	vld [tilespmem:$0x19020];
	s19 =	rddreg [dreg:$0x2]  }
0x1f: {  	v2 =	vld [tilespmem:$0x19030];
	[tilespmem:s21], [sflag:$0x1] =	stream.indirect.gather [hbm4b:s19+s20], $0x80, s7, s20, $0xb8  }
0x20: {  	s22 =	simm.s32 $0x60;
	s3 =	simm.s32 $0xFC00  }
0x21: {  	[tilespmem:s3], [sflag:$0x2] =	stream.indirect.gather [hbm4b:s19+s22], $0x80, s20, s22, $0xb8;
	[tilespmem:$0x19100] =	vst v63  }
0x22: {  	s23 =	simm.s32 $0xC8;
	s4 =	simm.s32 $0x12C00  }
0x23: {  	[tilespmem:s4], [sflag:$0x3] =	stream.indirect.gather [hbm4b:s19+s20], $0x80, s23, s20, $0xb8;
	[tilespmem:$0x19100] =	vst v63  }
0x24: {  	s24 =	simm.s32 $0x130;
	s25 =	simm.s32 $0x16000;
	s28 =	simm.s32 $0x6468  }
0x25: {  	[tilespmem:s25], [sflag:$0x4] =	stream.indirect.gather [hbm4b:s19+s22], $0x80, s24, s22, $0xb8;
	[tilespmem:$0x19100] =	vst v63  }
0x26: {  	s29 =	simm.s32 $0x64C8;
	[dreg:$0xd] =	wrdreg s28;
	s26 =	spop (v2sf)  }
0x27: {  	s30 =	simm.s32 $0x6530;
	s31 =	simm.s32 $0x0;
	[dreg:$0xb] =	wrdreg s26  }
.LBB2_2:
0x28: {  	s0 =	simm.s32 $0x1  }
0x29: {  	_ =	swait.ge [sflag:s0], $0x3400  }
0x2a: {  	[sflag:s0] =	ssyncset.done $0x0  }
0x2b: {  	s19 =	simm.s32 $0x2;
	[sflag:s0] =	ssyncadd.s32 $0xFFFFCC00  }
0x2c: {  	_ =	swait.ge [sflag:s19], $0x3000  }
0x2d: {  	[sflag:s19] =	ssyncset.done $0x0  }
0x2e: {  	[sflag:s19] =	ssyncadd.s32 $0xFFFFD000  }
0x2f: {  	v6 =	vld [tilespmem:s5+$0x0];
	_ =	sdelay $0x4  }
0x30: {  	v6 =	vshll.u32 v6, $0x2  }
0x31: {  	(v2sf) =	vpush v6, $0x7  }
0x32: {  	(v2sf) =	vpush v6, $0x6  }
0x33: {  	(v2sf) =	vpush v6, $0x0  }
0x34: {  	(v2sf) =	vpush v6, $0x5  }
0x35: {  	(v2sf) =	vpush v6, $0x2  }
0x36: {  	(v2sf) =	vpush v6, $0x4;
	_ =	sdelay $0x1  }
0x37: {  	(v2sf) =	vpush v6, $0x1  }
0x38: {  	(v2sf) =	vpush v6, $0x3;
	_ =	sdelay $0x4  }
0x39: {  	s20 =	smul.u32 $0x640, s31  }
0x3a: {  	s6 =	simm.s32 $0x1000  }
0x3b: {  	s7 =	sadd.s32 $0x8, s5;
	[dreg:$0xe] =	wrdreg s20;
	s3 =	spop (v2sf)  }
0x3c: {  	s1 =	simm.s32 $0x0;
	[dreg:$0xc] =	wrdreg s5;
	s10 =	spop (v2sf)  }
0x3d: {  	s21 =	sadd.s32 $0x40, s3;
	s2 =	sadd.s32 $0x40, s10;
	s11 =	spop (v2sf)  }
0x3e: {  	s9 =	sadd.s32 $0x80, s10;
	s4 =	sand.u32 $0xFFFFFFE0, s21;
	s5 =	spop (v2sf)  }
0x3f: {  	s15 =	sand.u32 $0xFFFFFFE0, s2;
	s22 =	sshra.s32 s11, $0x2;
	s24 =	spop (v2sf)  }
0x40: {  	s8 =	sadd.s32 $0xC0, s5;
	s18 =	sadd.s32 $0x0, s22;
	s17 =	spop (v2sf)  }
0x41: {  	s12 =	sadd.s32 $0x80, s24;
	s26 =	sadd.s32 $0x40, s24;
	s16 =	sadd.s32 $0x40, s17  }
0x42: {  	s14 =	spop (v2sf);
	s19 =	sadd.s32 $0xC0, s17;
	s12 =	sand.u32 $0xFFFFFFE0, s12  }
0x43: {  	s11 =	sshra.s32 s14, $0x2;
	s22 =	spop (v2sf);
	s23 =	sadd.s32 $0xC0, s14  }
0x44: {  	s21 =	sadd.s32 $0x40, s14;
	s2 =	sshra.s32 s12, $0x2;
	s14 =	sadd.s32 $0x80, s14  }
0x45: {  	s16 =	sand.u32 $0xFFFFFFE0, s16;
	s25 =	sadd.s32 $0x80, s22;
	s13 =	sand.u32 $0xFFFFFFE0, s23  }
0x46: {  	v11 =	vld [tilespmem:s18+$0xC810];
	s20 =	sadd.s32 $0xC0, s22;
	s23 =	sand.u32 $0xFFFFFFE0, s26;
	s28 =	sand.u32 $0xFFFFFFE0, s21  }
0x47: {  	v9 =	vld [tilespmem:s18+$0xC820];
	s26 =	sshra.s32 s22, $0x2;
	s12 =	sand.u32 $0xFFFFFFE0, s14;
	s21 =	sshra.s32 s28, $0x2  }
0x48: {  	v10 =	vimm.f32 $-Inf;
	v8 =	vld [tilespmem:s18+$0xC800];
	s23 =	sshra.s32 s23, $0x2;
	s14 =	sand.u32 $0xFFFFFFF8, s26;
	s21 =	sadd.s32 $0x0, s21  }
0x49: {  	v13 =	vimm.f32 $-Inf;
	v12 =	vimm.f32 $-Inf;
	v7 =	vimm.f32 $-Inf;
	v6 =	vld [tilespmem:s18+$0xC830];
	s18 =	sadd.s32 $0x0, s23;
	s23 =	sadd.s32 $0x40, s22;
	s22 =	sand.u32 $0xFFFFFFE0, s25  }
.LBB2_3:
0x4a: {  	s25 =	sshra.s32 s12, $0x2  }
0x4b: {  	s2 =	sadd.s32 s1, s2;
	s26 =	sadd.s32 $0x80, s17;
	s12 =	smov.u32 s6  }
0x4c: {  	s0 =	sadd.s32 $0xC0, s24;
	s19 =	sand.u32 $0xFFFFFFE0, s19;
	s26 =	sand.u32 $0xFFFFFFE0, s26  }
0x4d: {  	s23 =	sand.u32 $0xFFFFFFE0, s23;
	s20 =	sand.u32 $0xFFFFFFE0, s20;
	s28 =	sadd.s32 $0x40, s5;
	v14 =	vld [tilespmem:s7+$0x0]  }
0x4e: {  	v15 =	vld [tilespmem:s21+$0xC880];
	s21 =	sadd.s32 s1, s25;
	s25 =	sand.u32 $0xFFFFFFE0, s28;
	s28 =	sadd.s32 $0x80, s5  }
0x4f: {  	s22 =	sshra.s32 s22, $0x2;
	s25 =	sshra.s32 s25, $0x2;
	s28 =	sand.u32 $0xFFFFFFE0, s28  }
0x50: {  	v16 =	vld [tilespmem:s2+$0xC900];
	s2 =	sshra.s32 s26, $0x2;
	s26 =	sshra.s32 s28, $0x2;
	s28 =	sadd.s32 $0x80, s3  }
0x51: {  	s0 =	sand.u32 $0xFFFFFFE0, s0;
	v17 =	vld [tilespmem:s21+$0xC880];
	s21 =	sadd.s32 s1, s26;
	s26 =	sand.u32 $0xFFFFFFE0, s28  }
0x52: {  	v10 =	vmax.f32 v10, v11;
	s11 =	sand.u32 $0xFFFFFFF8, s11;
	s23 =	sshra.s32 s23, $0x2;
	v11 =	vld [tilespmem:s21+$0xCA80];
	s21 =	sshra.s32 s26, $0x2  }
0x53: {  	s13 =	sshra.s32 s13, $0x2;
	s11 =	sadd.s32 s1, s11;
	v10 =	vmax.f32 v10, v15;
	v15 =	vld [tilespmem:s18+$0xC900];
	s18 =	sadd.s32 s1, s21  }
0x54: {  	s13 =	sadd.s32 s1, s13;
	s0 =	sshra.s32 s0, $0x2;
	s2 =	sadd.s32 s1, s2;
	v18 =	vshll.u32 v14, $0x2;
	v14 =	vld [tilespmem:s18+$0xCB80]  }
0x55: {  	s21 =	sshra.s32 s24, $0x2;
	s18 =	sadd.s32 s1, s0;
	s0 =	sshra.s32 s19, $0x2;
	(v2sf) =	vpush v18, $0x7;
	v19 =	vld [tilespmem:s11+$0xC880]  }
0x56: {  	s16 =	sshra.s32 s16, $0x2;
	s19 =	sshra.s32 s20, $0x2;
	s0 =	sadd.s32 s1, s0;
	(v2sf) =	vpush v18, $0x6;
	v20 =	vld [tilespmem:s2+$0xCA00]  }
0x57: {  	v9 =	vmax.f32 v13, v9;
	s11 =	sadd.s32 s1, s14;
	s2 =	sadd.s32 s1, s16;
	(v2sf) =	vpush v18, $0x0;
	v13 =	vld [tilespmem:s13+$0xC880];
	s13 =	sadd.s32 s1, s19  }
0x58: {  	s14 =	sadd.s32 s1, s23;
	v9 =	vmax.f32 v9, v17;
	s16 =	sadd.s32 s1, s22;
	(v2sf) =	vpush v18, $0x5;
	v17 =	vld [tilespmem:s2+$0xCA00];
	s2 =	sadd.s32 s1, s25  }
0x59: {  	v8 =	vmax.f32 v12, v8;
	s15 =	sshra.s32 s15, $0x2;
	s9 =	sand.u32 $0xFFFFFFE0, s9;
	(v2sf) =	vpush v18, $0x2;
	v12 =	vld [tilespmem:s14+$0xC980];
	s14 =	sshra.s32 s17, $0x2  }
0x5a: {  	s9 =	sshra.s32 s9, $0x2;
	(v2sf) =	vpush v18, $0x4;
	s14 =	sand.u32 $0xFFFFFFF8, s14;
	v21 =	vld [tilespmem:s0+$0xCA00];
	s0 =	sadd.s32 s1, s15  }
0x5b: {  	s4 =	sshra.s32 s4, $0x2;
	v8 =	vmax.f32 v8, v19;
	(v2sf) =	vpush v18, $0x1;
	v19 =	vld [tilespmem:s16+$0xC980];
	s15 =	sadd.s32 s1, s14;
	s14 =	sadd.s32 s1, s9  }
0x5c: {  	s8 =	sand.u32 $0xFFFFFFE0, s8;
	s9 =	sand.u32 $0xFFFFFFF8, s21;
	(v2sf) =	vpush v18, $0x3;
	v18 =	vld [tilespmem:s0+$0xCB00];
	s0 =	sadd.s32 s1, s4  }
0x5d: {  	s8 =	sshra.s32 s8, $0x2;
	s5 =	sshra.s32 s5, $0x2;
	v10 =	vmax.f32 v10, v15;
	s4 =	sadd.s32 s1, s9;
	v15 =	vld [tilespmem:s0+$0xCB80]  }
0x5e: {  	s0 =	sand.u32 $0xFFFFFFF8, s5;
	s5 =	sadd.s32 $0xC0, s10;
	v22 =	vld [tilespmem:s4+$0xC900];
	v10 =	vmax.f32 v10, v12;
	s4 =	sadd.s32 s1, s8  }
0x5f: {  	v9 =	vmax.f32 v9, v16;
	s0 =	sadd.s32 s1, s0;
	s5 =	sand.u32 $0xFFFFFFE0, s5;
	v10 =	vmax.f32 v10, v17;
	v12 =	vld [tilespmem:s2+$0xCA80];
	s2 =	sshra.s32 s10, $0x2  }
0x60: {  	p0 =	sne.s32 s6, $0xC000;
	v9 =	vmax.f32 v9, v19;
	v16 =	vld [tilespmem:s0+$0xCA80];
	s0 =	sand.u32 $0xFFFFFFF8, s2;
	s2 =	sshra.s32 s5, $0x2  }
0x61: {  	s6 =	sadd.s32 $0x1000, s6;
	v9 =	vmax.f32 v9, v20;
	v17 =	vld [tilespmem:s4+$0xCA80];
	s0 =	sadd.s32 s1, s0;
	s2 =	sadd.s32 s1, s2  }
0x62: {  	v19 =	vmax.f32 v9, v11;
	v20 =	vld [tilespmem:s0+$0xCB00];
	s0 =	sand.u32 $0xFFFFFFE0, s3;
	s3 =	sadd.s32 $0xC0, s3  }
0x63: {  	v6 =	vmax.f32 v7, v6;
	s7 =	sadd.s32 $0x8, s7;
	v7 =	vld [tilespmem:s2+$0xCB00];
	s0 =	sshra.s32 s0, $0x2;
	s2 =	sand.u32 $0xFFFFFFE0, s3  }
0x64: {  	v6 =	vmax.f32 v6, v13;
	s3 =	spop (v2sf);
	v9 =	vld [tilespmem:s18+$0xC900];
	v10 =	vmax.f32 v10, v12;
	s0 =	sadd.s32 s1, s0;
	s2 =	sshra.s32 s2, $0x2  }
0x65: {  	s10 =	spop (v2sf)  }
0x66: {  	v12 =	vld [tilespmem:s15+$0xCA00];
	v10 =	vmax.f32 v10, v18;
	s2 =	sadd.s32 s1, s2;
	s1 =	sshra.s32 s12, $0x2;
	s4 =	sadd.s32 $0x40, s10  }
0x67: {  	v8 =	vmax.f32 v8, v22;
	s9 =	sadd.s32 $0x80, s10;
	s12 =	spop (v2sf);
	v13 =	vld [tilespmem:s13+$0xC980];
	v10 =	vmax.f32 v10, v15;
	s15 =	sand.u32 $0xFFFFFFE0, s4  }
0x68: {  	s4 =	sadd.s32 $0x40, s3;
	s5 =	spop (v2sf);
	v15 =	vld [tilespmem:s11+$0xC980];
	s11 =	sshra.s32 s12, $0x2  }
0x69: {  	s8 =	sadd.s32 $0xC0, s5;
	s4 =	sand.u32 $0xFFFFFFE0, s4;
	s24 =	spop (v2sf);
	v18 =	vld [tilespmem:s14+$0xCB00]  }
0x6a: {  	s12 =	sadd.s32 $0x80, s24;
	s17 =	spop (v2sf);
	v6 =	vmax.f32 v6, v9;
	v22 =	vld [tilespmem:s2+$0xCB80];
	s2 =	sadd.s32 s1, s11  }
0x6b: {  	s18 =	sadd.s32 $0x40, s24;
	s16 =	sadd.s32 $0x40, s17;
	s14 =	spop (v2sf);
	v23 =	vld [tilespmem:s0+$0xCB80]  }
0x6c: {  	s19 =	sadd.s32 $0xC0, s17;
	v11 =	vld [tilespmem:s2+$0xC810];
	s11 =	sshra.s32 s14, $0x2;
	s0 =	spop (v2sf);
	v6 =	vmax.f32 v6, v13  }
0x6d: {  	s12 =	sand.u32 $0xFFFFFFE0, s12;
	s13 =	sadd.s32 $0xC0, s14;
	v9 =	vld [tilespmem:s2+$0xC820];
	s22 =	sadd.s32 $0x80, s0;
	v13 =	vmax.f32 v8, v15;
	v6 =	vmax.f32 v6, v21  }
0x6e: {  	s18 =	sand.u32 $0xFFFFFFE0, s18;
	s13 =	sand.u32 $0xFFFFFFE0, s13;
	s20 =	sadd.s32 $0xC0, s0;
	v8 =	vld [tilespmem:s2+$0xC800];
	v12 =	vmax.f32 v13, v12;
	v13 =	vmax.f32 v6, v17;
	v15 =	vmax.f32 v19, v18  }
.Ltmp0:
0x6f: {  	s21 =	sadd.s32 $0x40, s14;
	v6 =	vld [tilespmem:s2+$0xC830];
	s2 =	sshra.s32 s12, $0x2;
	v12 =	vmax.f32 v12, v16;
	v7 =	vmax.f32 v13, v7;
	v13 =	vmax.f32 v15, v14;
	(pc) =	sbr.rel @p0 .LBB2_3-.Ltmp0, $4  }
0x70: {  	s14 =	sadd.s32 $0x80, s14;
	s23 =	sshra.s32 s0, $0x2;
	s12 =	sand.u32 $0xFFFFFFE0, s21;
	v12 =	vmax.f32 v12, v20;
	v7 =	vmax.f32 v7, v22  }
0x71: {  	s18 =	sshra.s32 s18, $0x2;
	s21 =	sshra.s32 s12, $0x2;
	s12 =	sand.u32 $0xFFFFFFE0, s14;
	v12 =	vmax.f32 v12, v23  }
0x72: {  	s16 =	sand.u32 $0xFFFFFFE0, s16;
	s14 =	sand.u32 $0xFFFFFFF8, s23;
	s21 =	sadd.s32 s1, s21  }
0x73: {  	s18 =	sadd.s32 s1, s18;
	s22 =	sand.u32 $0xFFFFFFE0, s22;
	s23 =	sadd.s32 $0x40, s0  }
0x74: {  	s0 =	sshra.s32 s12, $0x2;
	s2 =	sadd.s32 s1, s2  }
0x75: {  	s6 =	sadd.s32 $0x80, s17;
	s7 =	sadd.s32 $0xC0, s24;
	s12 =	sand.u32 $0xFFFFFFE0, s19  }
0x76: {  	s19 =	sand.u32 $0xFFFFFFE0, s23;
	s20 =	sand.u32 $0xFFFFFFE0, s20;
	s25 =	sadd.s32 $0x40, s5  }
0x77: {  	s22 =	sshra.s32 s22, $0x2;
	s28 =	rddreg [dreg:$0xd];
	s26 =	sadd.s32 $0x80, s3  }
0x78: {  	s11 =	sand.u32 $0xFFFFFFF8, s11;
	s13 =	sshra.s32 s13, $0x2;
	s16 =	sshra.s32 s16, $0x2;
	v14 =	vld [tilespmem:s28+$0x0]  }
0x79: {  	s9 =	sand.u32 $0xFFFFFFE0, s9;
	s8 =	sand.u32 $0xFFFFFFE0, s8;
	s6 =	sand.u32 $0xFFFFFFE0, s6  }
0x7a: {  	s0 =	sadd.s32 s1, s0;
	s23 =	sand.u32 $0xFFFFFFE0, s25;
	s25 =	sadd.s32 $0x80, s5  }
0x7b: {  	s7 =	sand.u32 $0xFFFFFFE0, s7;
	s26 =	sand.u32 $0xFFFFFFE0, s26;
	v16 =	vld [tilespmem:s2+$0xC900];
	s2 =	sshra.s32 s19, $0x2  }
0x7c: {  	v20 =	vld [tilespmem:s18+$0xC900];
	s13 =	sadd.s32 s1, s13;
	s18 =	sshra.s32 s12, $0x2;
	s20 =	sshra.s32 s20, $0x2  }
0x7d: {  	v15 =	vld [tilespmem:s21+$0xC880];
	s9 =	sshra.s32 s9, $0x2;
	s8 =	sshra.s32 s8, $0x2;
	s23 =	sshra.s32 s23, $0x2;
	v18 =	vshll.u32 v14, $0x2  }
0x7e: {  	s25 =	sand.u32 $0xFFFFFFE0, s25;
	s6 =	sshra.s32 s6, $0x2;
	s26 =	sshra.s32 s26, $0x2;
	v17 =	vld [tilespmem:s0+$0xC880];
	(v2sf) =	vpush v18, $0x7  }
0x7f: {  	s0 =	sadd.s32 s1, s11;
	s7 =	sshra.s32 s7, $0x2;
	s18 =	sadd.s32 s1, s18;
	v23 =	vld [tilespmem:s13+$0xC880];
	(v2sf) =	vpush v18, $0x6  }
0x80: {  	s11 =	sadd.s32 s1, s14;
	s2 =	sadd.s32 s1, s2;
	s25 =	sshra.s32 s25, $0x2;
	v21 =	vld [tilespmem:s0+$0xC880];
	(v2sf) =	vpush v18, $0x0  }
0x81: {  	v61 =	vld [tilespmem:s18+$0xCA00];
	s18 =	sadd.s32 $0xC0, s3;
	s21 =	sadd.s32 s1, s25;
	s25 =	sadd.s32 s1, s26;
	(v2sf) =	vpush v18, $0x5  }
0x82: {  	v25 =	vld [tilespmem:s2+$0xC980];
	s26 =	sadd.s32 s1, s6;
	s6 =	sadd.s32 s1, s7;
	s7 =	sadd.s32 s1, s20;
	(v2sf) =	vpush v18, $0x2  }
0x83: {  	s20 =	sshra.s32 s4, $0x2;
	v19 =	vld [tilespmem:s21+$0xCA80];
	s21 =	sshra.s32 s24, $0x2;
	s24 =	sadd.s32 s1, s16;
	(v2sf) =	vpush v18, $0x4  }
0x84: {  	v22 =	vld [tilespmem:s26+$0xCA00];
	s16 =	sadd.s32 s1, s23;
	s26 =	sshra.s32 s17, $0x2;
	s17 =	sshra.s32 s15, $0x2  }
0x85: {  	s2 =	sadd.s32 s1, s20;
	s23 =	sadd.s32 s1, s8;
	v14 =	vld [tilespmem:s25+$0xCB80];
	s25 =	sadd.s32 s1, s22;
	(v2sf) =	vpush v18, $0x1  }
0x86: {  	v8 =	vmax.f32 v12, v8;
	v12 =	vld [tilespmem:s11+$0xC980];
	s12 =	sand.u32 $0xFFFFFFF8, s26;
	s19 =	sadd.s32 s1, s17;
	s21 =	sand.u32 $0xFFFFFFF8, s21;
	(v2sf) =	vpush v18, $0x3  }
0x87: {  	v24 =	vld [tilespmem:s24+$0xCA00];
	s22 =	sshra.s32 s5, $0x2;
	s24 =	sadd.s32 $0xC0, s10;
	s17 =	sand.u32 $0xFFFFFFE0, s3  }
0x88: {  	v35 =	vld [tilespmem:s6+$0xC900];
	s3 =	sand.u32 $0xFFFFFFE0, s18;
	s13 =	sadd.s32 s1, s12;
	s12 =	sadd.s32 s1, s9  }
0x89: {  	v26 =	vld [tilespmem:s25+$0xC980];
	s4 =	sadd.s32 s1, s21;
	s5 =	sand.u32 $0xFFFFFFF8, s22;
	s25 =	sshra.s32 s10, $0x2  }
0x8a: {  	v10 =	vmax.f32 v10, v11;
	v11 =	vld [tilespmem:s7+$0xC980];
	s10 =	sand.u32 $0xFFFFFFE0, s24;
	s3 =	sshra.s32 s3, $0x2;
	s26 =	sadd.s32 s1, s5  }
0x8b: {  	v28 =	vld [tilespmem:s2+$0xCB80];
	s14 =	sand.u32 $0xFFFFFFF8, s25;
	s15 =	sshra.s32 s10, $0x2;
	s5 =	sshra.s32 s17, $0x2  }
0x8c: {  	v30 =	vld [tilespmem:s16+$0xCA80];
	s20 =	sadd.s32 s1, s3;
	s17 =	sadd.s32 $0x8, s28;
	s8 =	sadd.s32 s1, s14  }
0x8d: {  	v27 =	vld [tilespmem:s19+$0xCB00];
	s19 =	sadd.s32 s1, s15;
	s16 =	sadd.s32 s1, s5;
	s3 =	spop (v2sf)  }
0x8e: {  	v32 =	vld [tilespmem:s23+$0xCA80];
	s15 =	simm.s32 $0x1000;
	s1 =	simm.s32 $0x0;
	s10 =	spop (v2sf)  }
0x8f: {  	v29 =	vld [tilespmem:s4+$0xC900];
	s24 =	sadd.s32 $0x40, s3;
	s22 =	sadd.s32 $0x40, s10;
	s23 =	spop (v2sf)  }
0x90: {  	v33 =	vld [tilespmem:s8+$0xCB00];
	s5 =	sadd.s32 $0x80, s10;
	s8 =	sand.u32 $0xFFFFFFE0, s24;
	s6 =	spop (v2sf)  }
0x91: {  	v9 =	vmax.f32 v13, v9;
	v6 =	vmax.f32 v7, v6;
	v10 =	vmax.f32 v10, v15;
	v13 =	vld [tilespmem:s13+$0xCA00];
	s9 =	sand.u32 $0xFFFFFFE0, s22;
	s25 =	sshra.s32 s23, $0x2;
	s24 =	spop (v2sf)  }
0x92: {  	v10 =	vmax.f32 v10, v20;
	v9 =	vmax.f32 v9, v17;
	v6 =	vmax.f32 v6, v23;
	v31 =	vld [tilespmem:s26+$0xCA80];
	s7 =	sadd.s32 $0xC0, s6;
	s2 =	sadd.s32 $0x0, s25;
	s4 =	spop (v2sf)  }
0x93: {  	v8 =	vmax.f32 v8, v21;
	v9 =	vmax.f32 v9, v16;
	v10 =	vmax.f32 v10, v25;
	v34 =	vld [tilespmem:s19+$0xCB00];
	s26 =	sadd.s32 $0x80, s24;
	s22 =	sadd.s32 $0x40, s24;
	s19 =	sadd.s32 $0x40, s4  }
0x94: {  	v7 =	vld [tilespmem:s12+$0xCB00];
	v6 =	vmax.f32 v6, v35;
	v10 =	vmax.f32 v10, v24;
	v9 =	vmax.f32 v9, v26;
	s28 =	spop (v2sf);
	s18 =	sadd.s32 $0xC0, s4;
	s13 =	sand.u32 $0xFFFFFFE0, s26  }
0x95: {  	v15 =	vld [tilespmem:s20+$0xCB80];
	v6 =	vmax.f32 v6, v11;
	v9 =	vmax.f32 v9, v22;
	v8 =	vmax.f32 v8, v29;
	s0 =	sand.u32 $0xFFFFFFE0, s22;
	s14 =	sshra.s32 s28, $0x2;
	s21 =	spop (v2sf)  }
0x96: {  	v63 =	vld [tilespmem:s16+$0xCB80];
	v62 =	vmax.f32 v9, v19;
	v9 =	vmax.f32 v10, v30;
	v8 =	vmax.f32 v8, v12;
	s12 =	sadd.s32 $0xC0, s28;
	s23 =	sadd.s32 $0x40, s28;
	s13 =	sshra.s32 s13, $0x2  }
0x97: {  	v6 =	vmax.f32 v6, v61;
	v9 =	vmax.f32 v9, v27;
	v8 =	vmax.f32 v8, v13;
	v12 =	vld [tilespmem:s2+$0xFC10];
	s20 =	sadd.s32 $0x80, s28;
	s0 =	sshra.s32 s0, $0x2;
	s19 =	sand.u32 $0xFFFFFFE0, s19  }
0x98: {  	v6 =	vmax.f32 v6, v32;
	v10 =	vmax.f32 v9, v28;
	v8 =	vmax.f32 v8, v31;
	v9 =	vld [tilespmem:s2+$0xFC20];
	s25 =	sadd.s32 $0x80, s21;
	s11 =	sand.u32 $0xFFFFFFE0, s12;
	s16 =	sadd.s32 $0xC0, s21  }
0x99: {  	v7 =	vmax.f32 v62, v7;
	v6 =	vmax.f32 v6, v34;
	v11 =	vmax.f32 v8, v33;
	v8 =	vld [tilespmem:s2+$0xFC00];
	s26 =	sand.u32 $0xFFFFFFE0, s23;
	s28 =	sshra.s32 s21, $0x2;
	s23 =	sand.u32 $0xFFFFFFE0, s20  }
0x9a: {  	v13 =	vmax.f32 v7, v14;
	v7 =	vmax.f32 v6, v15;
	v6 =	vld [tilespmem:s2+$0xFC30];
	s20 =	sadd.s32 $0x0, s0;
	s2 =	sadd.s32 $0x40, s21;
	s12 =	sshra.s32 s26, $0x2  }
0x9b: {  	v11 =	vmax.f32 v11, v63;
	s21 =	sand.u32 $0xFFFFFFE0, s25;
	s22 =	sadd.s32 $0x0, s12;
	s12 =	sand.u32 $0xFFFFFFF8, s28  }
.LBB2_5:
0x9c: {  	s0 =	sshra.s32 s23, $0x2  }
0x9d: {  	s23 =	sadd.s32 s1, s13;
	s25 =	sadd.s32 $0x80, s4;
	s13 =	smov.u32 s15  }
0x9e: {  	s26 =	sadd.s32 $0xC0, s24;
	s18 =	sand.u32 $0xFFFFFFE0, s18;
	s25 =	sand.u32 $0xFFFFFFE0, s25  }
0x9f: {  	s2 =	sand.u32 $0xFFFFFFE0, s2;
	s16 =	sand.u32 $0xFFFFFFE0, s16;
	s28 =	sadd.s32 $0x40, s6;
	v14 =	vld [tilespmem:s17+$0x0]  }
0xa0: {  	s0 =	sadd.s32 s1, s0;
	v15 =	vld [tilespmem:s22+$0xFC80];
	s22 =	sand.u32 $0xFFFFFFE0, s28;
	s28 =	sadd.s32 $0x80, s6  }
0xa1: {  	s21 =	sshra.s32 s21, $0x2;
	s22 =	sshra.s32 s22, $0x2;
	s28 =	sand.u32 $0xFFFFFFE0, s28  }
0xa2: {  	v16 =	vld [tilespmem:s23+$0xFD00];
	s23 =	sshra.s32 s25, $0x2;
	s25 =	sshra.s32 s28, $0x2;
	s28 =	sadd.s32 $0x80, s3  }
0xa3: {  	v17 =	vld [tilespmem:s0+$0xFC80];
	s0 =	sand.u32 $0xFFFFFFE0, s26;
	s25 =	sadd.s32 s1, s25;
	s26 =	sand.u32 $0xFFFFFFE0, s28  }
0xa4: {  	v10 =	vmax.f32 v10, v12;
	s14 =	sand.u32 $0xFFFFFFF8, s14;
	s2 =	sshra.s32 s2, $0x2;
	v12 =	vld [tilespmem:s25+$0xFE80];
	s25 =	sshra.s32 s26, $0x2  }
0xa5: {  	s11 =	sshra.s32 s11, $0x2;
	s14 =	sadd.s32 s1, s14;
	v10 =	vmax.f32 v10, v15;
	v15 =	vld [tilespmem:s20+$0xFD00];
	s20 =	sadd.s32 s1, s25  }
0xa6: {  	s11 =	sadd.s32 s1, s11;
	s23 =	sadd.s32 s1, s23;
	v18 =	vshll.u32 v14, $0x2;
	s0 =	sshra.s32 s0, $0x2;
	v14 =	vld [tilespmem:s20+$0xFF80]  }
0xa7: {  	s20 =	sshra.s32 s24, $0x2;
	(v2sf) =	vpush v18, $0x7;
	v19 =	vld [tilespmem:s14+$0xFC80];
	s14 =	sadd.s32 s1, s0;
	s0 =	sshra.s32 s18, $0x2  }
0xa8: {  	s16 =	sshra.s32 s16, $0x2;
	s18 =	sshra.s32 s19, $0x2;
	(v2sf) =	vpush v18, $0x6;
	v20 =	vld [tilespmem:s23+$0xFE00];
	s0 =	sadd.s32 s1, s0  }
0xa9: {  	v9 =	vmax.f32 v13, v9;
	(v2sf) =	vpush v18, $0x0;
	v13 =	vld [tilespmem:s11+$0xFC80];
	s11 =	sadd.s32 s1, s12;
	s12 =	sadd.s32 s1, s16;
	s16 =	sadd.s32 s1, s18  }
0xaa: {  	s2 =	sadd.s32 s1, s2;
	v9 =	vmax.f32 v9, v17;
	s18 =	sadd.s32 s1, s21;
	(v2sf) =	vpush v18, $0x5;
	v17 =	vld [tilespmem:s16+$0xFE00];
	s16 =	sadd.s32 s1, s22  }
0xab: {  	v8 =	vmax.f32 v11, v8;
	s5 =	sand.u32 $0xFFFFFFE0, s5;
	(v2sf) =	vpush v18, $0x2;
	v11 =	vld [tilespmem:s2+$0xFD80];
	s2 =	sshra.s32 s4, $0x2;
	s4 =	sshra.s32 s9, $0x2  }
0xac: {  	(v2sf) =	vpush v18, $0x4;
	s2 =	sand.u32 $0xFFFFFFF8, s2;
	v21 =	vld [tilespmem:s0+$0xFE00];
	s0 =	sadd.s32 s1, s4;
	s4 =	sshra.s32 s5, $0x2  }
0xad: {  	v8 =	vmax.f32 v8, v19;
	s5 =	sshra.s32 s8, $0x2;
	(v2sf) =	vpush v18, $0x1;
	v19 =	vld [tilespmem:s18+$0xFD80];
	s2 =	sadd.s32 s1, s2;
	s4 =	sadd.s32 s1, s4  }
0xae: {  	s7 =	sand.u32 $0xFFFFFFE0, s7;
	s8 =	sand.u32 $0xFFFFFFF8, s20;
	(v2sf) =	vpush v18, $0x3;
	v18 =	vld [tilespmem:s0+$0xFF00];
	s0 =	sadd.s32 s1, s5  }
0xaf: {  	s7 =	sshra.s32 s7, $0x2;
	s6 =	sshra.s32 s6, $0x2;
	v10 =	vmax.f32 v10, v15;
	s5 =	sadd.s32 s1, s8;
	v15 =	vld [tilespmem:s0+$0xFF80]  }
0xb0: {  	s0 =	sand.u32 $0xFFFFFFF8, s6;
	s6 =	sadd.s32 $0xC0, s10;
	v22 =	vld [tilespmem:s5+$0xFD00];
	v10 =	vmax.f32 v10, v11;
	s5 =	sadd.s32 s1, s7  }
0xb1: {  	v9 =	vmax.f32 v9, v16;
	s0 =	sadd.s32 s1, s0;
	s7 =	sshra.s32 s10, $0x2;
	s6 =	sand.u32 $0xFFFFFFE0, s6;
	v10 =	vmax.f32 v10, v17;
	v11 =	vld [tilespmem:s16+$0xFE80]  }
0xb2: {  	p0 =	sne.s32 s15, $0xB000;
	s6 =	sshra.s32 s6, $0x2;
	v9 =	vmax.f32 v9, v19;
	v16 =	vld [tilespmem:s0+$0xFE80];
	s0 =	sand.u32 $0xFFFFFFF8, s7  }
0xb3: {  	s15 =	sadd.s32 $0x1000, s15;
	v9 =	vmax.f32 v9, v20;
	v17 =	vld [tilespmem:s5+$0xFE80];
	s0 =	sadd.s32 s1, s0;
	s5 =	sadd.s32 s1, s6  }
0xb4: {  	v19 =	vmax.f32 v9, v12;
	v20 =	vld [tilespmem:s0+$0xFF00];
	s0 =	sand.u32 $0xFFFFFFE0, s3;
	s3 =	sadd.s32 $0xC0, s3  }
0xb5: {  	v6 =	vmax.f32 v7, v6;
	s17 =	sadd.s32 $0x8, s17;
	v7 =	vld [tilespmem:s5+$0xFF00];
	s0 =	sshra.s32 s0, $0x2;
	s5 =	sand.u32 $0xFFFFFFE0, s3  }
0xb6: {  	v6 =	vmax.f32 v6, v13;
	s3 =	spop (v2sf);
	v9 =	vld [tilespmem:s14+$0xFD00];
	v10 =	vmax.f32 v10, v11;
	s0 =	sadd.s32 s1, s0;
	s5 =	sshra.s32 s5, $0x2  }
0xb7: {  	s10 =	spop (v2sf)  }
0xb8: {  	v11 =	vld [tilespmem:s2+$0xFE00];
	v10 =	vmax.f32 v10, v18;
	s2 =	sadd.s32 s1, s5;
	s1 =	sshra.s32 s13, $0x2;
	s8 =	sadd.s32 $0x40, s3  }
0xb9: {  	v8 =	vmax.f32 v8, v22;
	s6 =	sadd.s32 $0x40, s10;
	s5 =	sadd.s32 $0x80, s10;
	s13 =	spop (v2sf);
	v13 =	vld [tilespmem:s12+$0xFD80];
	v10 =	vmax.f32 v10, v15  }
0xba: {  	s8 =	sand.u32 $0xFFFFFFE0, s8;
	s9 =	sand.u32 $0xFFFFFFE0, s6;
	s6 =	spop (v2sf);
	v15 =	vld [tilespmem:s11+$0xFD80]  }
0xbb: {  	s11 =	sshra.s32 s13, $0x2;
	s7 =	sadd.s32 $0xC0, s6;
	s24 =	spop (v2sf);
	v18 =	vld [tilespmem:s4+$0xFF00]  }
0xbc: {  	s12 =	sadd.s32 $0x80, s24;
	s4 =	spop (v2sf);
	v6 =	vmax.f32 v6, v9;
	v22 =	vld [tilespmem:s2+$0xFF80];
	s2 =	sadd.s32 s1, s11  }
0xbd: {  	s13 =	sadd.s32 $0x40, s24;
	s19 =	sadd.s32 $0x40, s4;
	s20 =	spop (v2sf);
	v23 =	vld [tilespmem:s0+$0xFF80]  }
0xbe: {  	s18 =	sadd.s32 $0xC0, s4;
	v12 =	vld [tilespmem:s2+$0xFC10];
	s14 =	sshra.s32 s20, $0x2;
	s0 =	spop (v2sf);
	v6 =	vmax.f32 v6, v13  }
0xbf: {  	s12 =	sand.u32 $0xFFFFFFE0, s12;
	s11 =	sadd.s32 $0xC0, s20;
	v9 =	vld [tilespmem:s2+$0xFC20];
	s21 =	sadd.s32 $0x80, s0;
	v13 =	vmax.f32 v8, v15;
	v6 =	vmax.f32 v6, v21  }
0xc0: {  	s22 =	sand.u32 $0xFFFFFFE0, s13;
	s11 =	sand.u32 $0xFFFFFFE0, s11;
	s16 =	sadd.s32 $0xC0, s0;
	v8 =	vld [tilespmem:s2+$0xFC00];
	v11 =	vmax.f32 v13, v11;
	v13 =	vmax.f32 v6, v17;
	v15 =	vmax.f32 v19, v18  }
.Ltmp1:
0xc1: {  	s13 =	sshra.s32 s12, $0x2;
	v6 =	vld [tilespmem:s2+$0xFC30];
	s2 =	sadd.s32 $0x40, s20;
	v11 =	vmax.f32 v11, v16;
	v7 =	vmax.f32 v13, v7;
	v13 =	vmax.f32 v15, v14;
	(pc) =	sbr.rel @p0 .LBB2_5-.Ltmp1, $4  }
0xc2: {  	s12 =	sadd.s32 $0x80, s20;
	s20 =	sshra.s32 s0, $0x2;
	s2 =	sand.u32 $0xFFFFFFE0, s2;
	v11 =	vmax.f32 v11, v20;
	v7 =	vmax.f32 v7, v22  }
0xc3: {  	s25 =	sshra.s32 s22, $0x2;
	s23 =	sand.u32 $0xFFFFFFE0, s12;
	s2 =	sshra.s32 s2, $0x2;
	v11 =	vmax.f32 v11, v23  }
0xc4: {  	s19 =	sand.u32 $0xFFFFFFE0, s19;
	s12 =	sand.u32 $0xFFFFFFF8, s20;
	s22 =	sadd.s32 s1, s2  }
0xc5: {  	s21 =	sand.u32 $0xFFFFFFE0, s21;
	s20 =	sadd.s32 s1, s25;
	s2 =	sadd.s32 $0x40, s0  }
0xc6: {  	s0 =	sadd.s32 $0x80, s6;
	v14 =	vld [tilespmem:s22+$0xFC80]  }
0xc7: {  	s15 =	sshra.s32 s23, $0x2;
	s13 =	sadd.s32 s1, s13;
	s23 =	sadd.s32 $0x80, s3;
	v18 =	vld [tilespmem:s20+$0xFD00]  }
0xc8: {  	s25 =	sadd.s32 $0x80, s4;
	s14 =	sand.u32 $0xFFFFFFF8, s14;
	s15 =	sadd.s32 s1, s15;
	v15 =	vld [tilespmem:s13+$0xFD00]  }
0xc9: {  	s2 =	sand.u32 $0xFFFFFFE0, s2;
	s19 =	sshra.s32 s19, $0x2;
	s14 =	sadd.s32 s1, s14;
	v16 =	vld [tilespmem:s15+$0xFC80]  }
0xca: {  	s20 =	sand.u32 $0xFFFFFFE0, s18;
	s9 =	sshra.s32 s9, $0x2;
	s22 =	sadd.s32 s1, s19;
	v20 =	vld [tilespmem:s14+$0xFC80]  }
0xcb: {  	s8 =	sshra.s32 s8, $0x2;
	s7 =	sand.u32 $0xFFFFFFE0, s7;
	s9 =	sadd.s32 s1, s9;
	v23 =	vld [tilespmem:s22+$0xFE00]  }
0xcc: {  	s0 =	sand.u32 $0xFFFFFFE0, s0;
	s2 =	sshra.s32 s2, $0x2;
	s8 =	sadd.s32 s1, s8;
	v27 =	vld [tilespmem:s9+$0xFF00]  }
0xcd: {  	s13 =	sand.u32 $0xFFFFFFE0, s23;
	s7 =	sshra.s32 s7, $0x2;
	s2 =	sadd.s32 s1, s2;
	v28 =	vld [tilespmem:s8+$0xFF80]  }
0xce: {  	s28 =	sand.u32 $0xFFFFFFE0, s25;
	s0 =	sshra.s32 s0, $0x2;
	s7 =	sadd.s32 s1, s7;
	v24 =	vld [tilespmem:s2+$0xFD80]  }
0xcf: {  	s15 =	sshra.s32 s11, $0x2;
	s11 =	sshra.s32 s20, $0x2;
	s20 =	sadd.s32 s1, s12;
	v32 =	vld [tilespmem:s7+$0xFE80]  }
0xd0: {  	v9 =	vmax.f32 v13, v9;
	s26 =	sshra.s32 s13, $0x2;
	s13 =	sshra.s32 s28, $0x2;
	s0 =	sadd.s32 s1, s0;
	v13 =	vld [tilespmem:s20+$0xFD80]  }
0xd1: {  	s17 =	sadd.s32 s1, s13;
	v17 =	vld [tilespmem:s0+$0xFE80]  }
0xd2: {  	s18 =	sand.u32 $0xFFFFFFE0, s16;
	s25 =	sshra.s32 s21, $0x2;
	s11 =	sadd.s32 s1, s11;
	v21 =	vld [tilespmem:s17+$0xFE00]  }
0xd3: {  	s5 =	sand.u32 $0xFFFFFFE0, s5;
	s19 =	sshra.s32 s4, $0x2;
	s13 =	sadd.s32 s1, s25;
	v25 =	vld [tilespmem:s11+$0xFE00]  }
0xd4: {  	s23 =	sadd.s32 $0xC0, s24;
	s4 =	sand.u32 $0xFFFFFFF8, s19;
	s0 =	sadd.s32 s1, s26;
	v26 =	vld [tilespmem:s13+$0xFD80]  }
0xd5: {  	v10 =	vmax.f32 v10, v12;
	s28 =	sshra.s32 s24, $0x2;
	s4 =	sadd.s32 s1, s4;
	s26 =	sadd.s32 $0x40, s6;
	v19 =	vld [tilespmem:s0+$0xFF80]  }
0xd6: {  	s11 =	sand.u32 $0xFFFFFFF8, s28;
	s0 =	sadd.s32 s1, s15;
	s2 =	sand.u32 $0xFFFFFFE0, s26;
	v10 =	vmax.f32 v10, v14;
	v14 =	vld [tilespmem:s4+$0xFE00]  }
0xd7: {  	s14 =	sadd.s32 s1, s11;
	s15 =	sshra.s32 s6, $0x2;
	v22 =	vld [tilespmem:s0+$0xFC80];
	s2 =	sshra.s32 s2, $0x2  }
0xd8: {  	s5 =	sshra.s32 s5, $0x2;
	v29 =	vld [tilespmem:s14+$0xFD00];
	s6 =	sand.u32 $0xFFFFFFF8, s15;
	s2 =	sadd.s32 s1, s2  }
0xd9: {  	s22 =	sadd.s32 s1, s5;
	s0 =	sand.u32 $0xFFFFFFE0, s23;
	s6 =	sadd.s32 s1, s6;
	v30 =	vld [tilespmem:s2+$0xFE80]  }
0xda: {  	s24 =	sand.u32 $0xFFFFFFE0, s3;
	s17 =	sshra.s32 s10, $0x2;
	s0 =	sshra.s32 s0, $0x2;
	v9 =	vmax.f32 v9, v16;
	v31 =	vld [tilespmem:s6+$0xFE80]  }
0xdb: {  	s28 =	sshra.s32 s24, $0x2;
	s0 =	sadd.s32 s1, s0;
	s6 =	sshra.s32 s18, $0x2;
	v9 =	vmax.f32 v9, v15;
	v15 =	vld [tilespmem:s22+$0xFF00]  }
0xdc: {  	s23 =	sadd.s32 $0xC0, s10;
	s2 =	sand.u32 $0xFFFFFFF8, s17;
	v12 =	vld [tilespmem:s0+$0xFD00];
	s21 =	sadd.s32 s1, s6  }
0xdd: {  	v8 =	vmax.f32 v11, v8;
	v6 =	vmax.f32 v7, v6;
	s26 =	sadd.s32 $0xC0, s3;
	v10 =	vmax.f32 v10, v18;
	s25 =	sand.u32 $0xFFFFFFE0, s23;
	s2 =	sadd.s32 s1, s2;
	v11 =	vld [tilespmem:s21+$0xFD80]  }
0xde: {  	s5 =	sadd.s32 s1, s28;
	s3 =	sand.u32 $0xFFFFFFE0, s26;
	v8 =	vmax.f32 v8, v20;
	v10 =	vmax.f32 v10, v24;
	s4 =	sshra.s32 s25, $0x2;
	v9 =	vmax.f32 v9, v26;
	v33 =	vld [tilespmem:s2+$0xFF00]  }
0xdf: {  	v10 =	vmax.f32 v10, v23;
	s0 =	sadd.s32 s1, s4;
	s6 =	sshra.s32 s3, $0x2;
	v9 =	vmax.f32 v9, v21;
	v7 =	vmax.f32 v8, v29;
	v8 =	vld [tilespmem:s5+$0xFF80]  }
0xe0: {  	s7 =	sadd.s32 s1, s6;
	v9 =	vmax.f32 v9, v17;
	v6 =	vmax.f32 v6, v22;
	v7 =	vmax.f32 v7, v13;
	v13 =	vld [tilespmem:s0+$0xFF00]  }
0xe1: {  	v10 =	vmax.f32 v10, v30;
	v7 =	vmax.f32 v7, v14;
	v6 =	vmax.f32 v6, v12;
	v12 =	vld [tilespmem:s7+$0xFF80]  }
0xe2: {  	v9 =	vmax.f32 v9, v15;
	v7 =	vmax.f32 v7, v31;
	v6 =	vmax.f32 v6, v11  }
0xe3: {  	v10 =	vmax.f32 v10, v27;
	v7 =	vmax.f32 v7, v33;
	v6 =	vmax.f32 v6, v25  }
0xe4: {  	v10 =	vmax.f32 v10, v28;
	v7 =	vmax.f32 v7, v8;
	v6 =	vmax.f32 v6, v32  }
0xe5: {  	v8 =	vmax.f32 v9, v19;
	v9 =	vshrl.u32 v7, $0x10;
	v6 =	vmax.f32 v6, v13  }
0xe6: {  	v11 =	vshrl.u32 v10, $0x10;
	v9 =	vand.u32 $0x1, v9;
	v6 =	vmax.f32 v6, v12  }
0xe7: {  	v7 =	vadd.s32 v9, v7;
	v9 =	vand.u32 $0x1, v11;
	v11 =	vshrl.u32 v8, $0x10  }
0xe8: {  	v7 =	vadd.s32 $0x7FFF, v7;
	v9 =	vadd.s32 v9, v10;
	v10 =	vand.u32 $0x1, v11  }
0xe9: {  	v7 =	vand.u32 $0xFFFF0000, v7;
	v9 =	vadd.s32 $0x7FFF, v9;
	v8 =	vadd.s32 v10, v8  }
0xea: {  	v10 =	vshrl.u32 v6, $0x10;
	v9 =	vand.u32 $0xFFFF0000, v9;
	v8 =	vadd.s32 $0x7FFF, v8  }
0xeb: {  	v10 =	vand.u32 $0x1, v10;
	v7 =	vmul.f32 v7, v4;
	v9 =	vmul.f32 v9, v5  }
0xec: {  	v8 =	vand.u32 $0xFFFF0000, v8;
	v6 =	vadd.s32 v10, v6  }
0xed: {  	v6 =	vadd.s32 $0x7FFF, v6;
	v8 =	vmul.f32 v8, v3;
	v7 =	vadd.f32 v9, v7  }
0xee: {  	v6 =	vand.u32 $0xFFFF0000, v6  }
0xef: {  	v6 =	vmul.f32 v6, v2;
	v7 =	vadd.f32 v8, v7;
	_ =	sdelay $0x1  }
0xf0: {  	v6 =	vadd.f32 v6, v7;
	_ =	sdelay $0x1  }
0xf1: {  	(xrf2) =	vadd.scan.msk.f32 $0xffff, v6;
	_ =	sdelay $0x9  }
0xf2: {  	v6, _, _ =	vpop (xrf2)  }
0xf3: {  	(v2sf) =	vpush v6, $0xF;
	_ =	sdelay $0xa  }
0xf4: {  	s8 =	sshll.u32 s31, $0x1  }
0xf5: {  	v6 =	vmov s8  }
0xf6: {  	v6 =	vbroadcast v6, $0x0;
	_ =	sdelay $0x1  }
0xf7: {  	s10 =	rddreg [dreg:$0xb];
	s9 =	spop (v2sf)  }
0xf8: {  	s0 =	sadd.f32 s9, s10  }
0xf9: {  	s16 =	simm.s32 $0xC800;
	s11 =	rddreg [dreg:$0xe]  }
0xfa: {  	s12 =	simm.s32 $0x19080;
	s19 =	simm.s32 $0xFC00;
	v7 =	vmov s0;
	s0 =	sshra.s32 s11, $0x2  }
0xfb: {  	s14 =	rddreg [dreg:$0x2];
	s15 =	simm.s32 $0x68;
	[tilespmem:v6+s12+$0x0] =	vst.idx.msk $0x1, v7;
	s13 =	sadd.s32 $0x190, s0  }
0xfc: {  	[tilespmem:s16], [sflag:$0x1] =	stream.indirect.gather [hbm4b:s14+s15], $0x80, s13, s15, $0xb8;
	[tilespmem:$0x19100] =	vst v63  }
0xfd: {  	s20 =	simm.s32 $0x3;
	s18 =	simm.s32 $0x60;
	s17 =	sadd.s32 $0x1F8, s0  }
0xfe: {  	[tilespmem:s19], [sflag:$0x2] =	stream.indirect.gather [hbm4b:s14+s18], $0x80, s17, s18, $0xb8;
	[tilespmem:$0x19100] =	vst v63  }
0xff: {  	_ =	swait.ge [sflag:s20], $0x3400  }
0x100: {  	[sflag:s20] =	ssyncset.done $0x0  }
0x101: {  	s21 =	simm.s32 $0x4;
	[sflag:s20] =	ssyncadd.s32 $0xFFFFCC00  }
0x102: {  	_ =	swait.ge [sflag:s21], $0x3000  }
0x103: {  	[sflag:s21] =	ssyncset.done $0x0  }
0x104: {  	[sflag:s21] =	ssyncadd.s32 $0xFFFFD000  }
0x105: {  	v6 =	vld [tilespmem:s29+$0x0];
	_ =	sdelay $0x4  }
0x106: {  	v6 =	vshll.u32 v6, $0x2  }
0x107: {  	(v2sf) =	vpush v6, $0x5  }
0x108: {  	(v2sf) =	vpush v6, $0x7  }
0x109: {  	(v2sf) =	vpush v6, $0x6  }
0x10a: {  	(v2sf) =	vpush v6, $0x4  }
0x10b: {  	(v2sf) =	vpush v6, $0x1  }
0x10c: {  	(v2sf) =	vpush v6, $0x2;
	_ =	sdelay $0x1  }
0x10d: {  	(v2sf) =	vpush v6, $0x0;
	_ =	sdelay $0x2  }
0x10e: {  	(v2sf) =	vpush v6, $0x3;
	_ =	sdelay $0x3  }
0x10f: {  	s22 =	sshllo.u32 s31, $0x1;
	s3 =	simm.s32 $0x0;
	s7 =	simm.s32 $0x1000  }
0x110: {  	s15 =	sadd.s32 $0x8, s29;
	[dreg:$0xf] =	wrdreg s22;
	s18 =	spop (v2sf)  }
0x111: {  	s5 =	sadd.s32 $0x40, s18;
	s23 =	sadd.s32 $0xC0, s18;
	s10 =	spop (v2sf)  }
0x112: {  	s17 =	sadd.s32 $0x80, s18;
	s12 =	sand.u32 $0xFFFFFFE0, s23;
	s6 =	spop (v2sf)  }
0x113: {  	s21 =	sadd.s32 $0xC0, s10;
	s8 =	sshra.s32 s6, $0x2;
	s4 =	spop (v2sf)  }
0x114: {  	s14 =	sshra.s32 s4, $0x2;
	s24 =	sadd.s32 $0xC0, s4;
	s25 =	spop (v2sf)  }
0x115: {  	s28 =	sshra.s32 s25, $0x2;
	s13 =	sand.u32 $0xFFFFFFE0, s24;
	s22 =	spop (v2sf)  }
0x116: {  	s16 =	sadd.s32 $0x40, s25;
	s26 =	sadd.s32 $0x80, s25;
	s2 =	sadd.s32 $0xC0, s25  }
0x117: {  	s19 =	sadd.s32 $0xC0, s22;
	s23 =	spop (v2sf);
	s20 =	sshra.s32 s22, $0x2  }
0x118: {  	s24 =	sand.u32 $0xFFFFFFF8, s28;
	s28 =	sand.u32 $0xFFFFFFE0, s26;
	s11 =	sshra.s32 s23, $0x2  }
0x119: {  	s26 =	sand.u32 $0xFFFFFFE0, s16;
	s16 =	sadd.s32 $0x80, s22;
	s11 =	sadd.s32 $0x0, s11  }
0x11a: {  	s23 =	sand.u32 $0xFFFFFFE0, s2;
	s25 =	spop (v2sf);
	s9 =	sadd.s32 $0x12C00, s11;
	v12 =	vld [tilespmem:s11+$0x12C00]  }
0x11b: {  	v9 =	vimm.f32 $-Inf;
	s2 =	sadd.s32 $0x0, s24;
	s1 =	sshra.s32 s28, $0x2;
	s28 =	sadd.s32 $0x40, s25;
	v10 =	vld [tilespmem:s9+$0x10]  }
0x11c: {  	v8 =	vimm.f32 $-Inf;
	v7 =	vimm.f32 $-Inf;
	v6 =	vimm.f32 $-Inf;
	s26 =	sshra.s32 s26, $0x2;
	s24 =	sand.u32 $0xFFFFFFE0, s28;
	s11 =	sadd.s32 $0x80, s25;
	v11 =	vld [tilespmem:s9+$0x20]  }
.LBB2_7:
0x11d: {  	s26 =	sadd.s32 s3, s26  }
0x11e: {  	v13 =	vld [tilespmem:s9+$0x30];
	s28 =	sshra.s32 s25, $0x2;
	s25 =	sadd.s32 $0xC0, s25;
	s9 =	smov.u32 s7  }
0x11f: {  	s1 =	sadd.s32 s3, s1;
	v14 =	vld [tilespmem:s2+$0x12C80];
	s2 =	sadd.s32 $0x40, s22;
	s22 =	sand.u32 $0xFFFFFFE0, s25  }
0x120: {  	s23 =	sshra.s32 s23, $0x2;
	v15 =	vld [tilespmem:s15+$0x0];
	s2 =	sand.u32 $0xFFFFFFE0, s2;
	s22 =	sshra.s32 s22, $0x2  }
0x121: {  	s23 =	sadd.s32 s3, s23;
	v16 =	vld [tilespmem:s26+$0x12C80];
	s2 =	sshra.s32 s2, $0x2;
	s22 =	sadd.s32 s3, s22  }
0x122: {  	s18 =	sshra.s32 s18, $0x2;
	s21 =	sand.u32 $0xFFFFFFE0, s21;
	s2 =	sadd.s32 s3, s2;
	v17 =	vld [tilespmem:s22+$0x12D80]  }
0x123: {  	s21 =	sshra.s32 s21, $0x2;
	v18 =	vld [tilespmem:s1+$0x12C80];
	s1 =	sand.u32 $0xFFFFFFE0, s19;
	s19 =	sand.u32 $0xFFFFFFF8, s28  }
0x124: {  	s20 =	sand.u32 $0xFFFFFFF8, s20;
	v19 =	vld [tilespmem:s2+$0x12D00];
	s2 =	sadd.s32 s3, s19;
	s19 =	sadd.s32 s3, s21  }
0x125: {  	s12 =	sshra.s32 s12, $0x2;
	s18 =	sand.u32 $0xFFFFFFF8, s18;
	s1 =	sshra.s32 s1, $0x2;
	v20 =	vld [tilespmem:s23+$0x12C80]  }
0x126: {  	s20 =	sadd.s32 s3, s20;
	s1 =	sadd.s32 s3, s1;
	v21 =	vld [tilespmem:s2+$0x12D80];
	s2 =	sadd.s32 s3, s18  }
0x127: {  	s14 =	sand.u32 $0xFFFFFFF8, s14;
	s13 =	sshra.s32 s13, $0x2;
	s12 =	sadd.s32 s3, s12;
	v6 =	vmax.f32 v6, v12;
	v7 =	vmax.f32 v7, v13;
	v12 =	vld [tilespmem:s20+$0x12D00]  }
0x128: {  	s14 =	sadd.s32 s3, s14;
	s13 =	sadd.s32 s3, s13;
	v6 =	vmax.f32 v6, v14;
	v13 =	vld [tilespmem:s2+$0x12E80];
	s2 =	sadd.s32 $0xC0, s6  }
0x129: {  	v14 =	vshll.u32 v15, $0x2;
	v15 =	vld [tilespmem:s1+$0x12D00];
	s1 =	sand.u32 $0xFFFFFFF8, s8;
	s2 =	sand.u32 $0xFFFFFFE0, s2;
	s8 =	sand.u32 $0xFFFFFFE0, s10  }
0x12a: {  	(v2sf) =	vpush v14, $0x5;
	v22 =	vld [tilespmem:s12+$0x12E80];
	s1 =	sadd.s32 s3, s1;
	s2 =	sshra.s32 s2, $0x2;
	s8 =	sshra.s32 s8, $0x2  }
0x12b: {  	s11 =	sand.u32 $0xFFFFFFE0, s11;
	v9 =	vmax.f32 v9, v11;
	v7 =	vmax.f32 v7, v20;
	s12 =	sand.u32 $0xFFFFFFE0, s16;
	(v2sf) =	vpush v14, $0x7;
	v11 =	vld [tilespmem:s14+$0x12E00];
	s2 =	sadd.s32 s3, s2  }
0x12c: {  	s11 =	sshra.s32 s11, $0x2;
	v8 =	vmax.f32 v8, v10;
	s12 =	sshra.s32 s12, $0x2;
	s14 =	sshra.s32 s24, $0x2;
	(v2sf) =	vpush v14, $0x6;
	v6 =	vmax.f32 v6, v12;
	v10 =	vld [tilespmem:s19+$0x12F80]  }
0x12d: {  	s11 =	sadd.s32 s3, s11;
	v8 =	vmax.f32 v8, v16;
	s14 =	sadd.s32 s3, s14;
	(v2sf) =	vpush v14, $0x4;
	v6 =	vmax.f32 v6, v21;
	v12 =	vld [tilespmem:s1+$0x12F00];
	s1 =	sadd.s32 s3, s8  }
0x12e: {  	v8 =	vmax.f32 v8, v19;
	s8 =	sadd.s32 s3, s12;
	s12 =	sadd.s32 $0x40, s4;
	s4 =	sadd.s32 $0x80, s4;
	(v2sf) =	vpush v14, $0x1;
	v7 =	vmax.f32 v7, v15;
	v15 =	vld [tilespmem:s2+$0x12F00]  }
0x12f: {  	s2 =	sand.u32 $0xFFFFFFE0, s12;
	s4 =	sand.u32 $0xFFFFFFE0, s4;
	s12 =	sand.u32 $0xFFFFFFE0, s17;
	(v2sf) =	vpush v14, $0x2;
	v7 =	vmax.f32 v7, v17;
	v16 =	vld [tilespmem:s13+$0x12E00]  }
0x130: {  	s2 =	sshra.s32 s2, $0x2;
	s4 =	sshra.s32 s4, $0x2;
	s12 =	sshra.s32 s12, $0x2;
	(v2sf) =	vpush v14, $0x0;
	v6 =	vmax.f32 v6, v11;
	v11 =	vld [tilespmem:s1+$0x12F80]  }
0x131: {  	v9 =	vmax.f32 v9, v18;
	s1 =	sadd.s32 s3, s2;
	s2 =	sadd.s32 s3, s4;
	s4 =	sadd.s32 s3, s12;
	v17 =	vld [tilespmem:s8+$0x12D00];
	v6 =	vmax.f32 v6, v13  }
0x132: {  	s5 =	sand.u32 $0xFFFFFFE0, s5;
	s8 =	sadd.s32 $0x40, s6;
	s6 =	sadd.s32 $0x80, s6;
	v13 =	vld [tilespmem:s11+$0x12D80]  }
0x133: {  	s5 =	sshra.s32 s5, $0x2;
	v6 =	vmax.f32 v6, v12;
	s6 =	sand.u32 $0xFFFFFFE0, s6;
	v18 =	vld [tilespmem:s4+$0x12E80];
	s4 =	sand.u32 $0xFFFFFFE0, s8  }
0x134: {  	s5 =	sadd.s32 s3, s5;
	s6 =	sshra.s32 s6, $0x2;
	(v2sf) =	vpush v14, $0x3;
	v12 =	vld [tilespmem:s14+$0x12D80];
	v7 =	vmax.f32 v7, v16;
	s4 =	sshra.s32 s4, $0x2  }
0x135: {  	v14 =	vld [tilespmem:s1+$0x12E00];
	v7 =	vmax.f32 v7, v22;
	s1 =	sadd.s32 s3, s4;
	s4 =	sadd.s32 s3, s6;
	v6 =	vmax.f32 v6, v11;
	s6 =	sadd.s32 $0x40, s10  }
0x136: {  	p0 =	sne.s32 s7, $0xC000;
	v11 =	vld [tilespmem:s4+$0x12F00];
	v7 =	vmax.f32 v7, v15;
	s4 =	sand.u32 $0xFFFFFFE0, s6;
	s6 =	sadd.s32 $0x80, s10  }
0x137: {  	s7 =	sadd.s32 $0x1000, s7;
	v15 =	vld [tilespmem:s5+$0x12E80];
	s4 =	sshra.s32 s4, $0x2;
	s5 =	sand.u32 $0xFFFFFFE0, s6;
	v7 =	vmax.f32 v7, v10  }
0x138: {  	s15 =	sadd.s32 $0x8, s15;
	v10 =	vld [tilespmem:s2+$0x12E00];
	s2 =	sadd.s32 s3, s4;
	s4 =	sshra.s32 s5, $0x2  }
0x139: {  	s18 =	spop (v2sf);
	v8 =	vmax.f32 v8, v12;
	v12 =	vld [tilespmem:s1+$0x12F00];
	s1 =	sadd.s32 s3, s4;
	s3 =	sshra.s32 s9, $0x2  }
0x13a: {  	s5 =	sadd.s32 $0x40, s18;
	s4 =	sadd.s32 $0xC0, s18;
	s10 =	spop (v2sf);
	v8 =	vmax.f32 v8, v14;
	v14 =	vld [tilespmem:s2+$0x12F80]  }
0x13b: {  	v9 =	vmax.f32 v9, v17;
	s17 =	sadd.s32 $0x80, s18;
	s12 =	sand.u32 $0xFFFFFFE0, s4;
	s6 =	spop (v2sf);
	v16 =	vld [tilespmem:s1+$0x12F80]  }
0x13c: {  	v9 =	vmax.f32 v9, v13;
	s21 =	sadd.s32 $0xC0, s10;
	s8 =	sshra.s32 s6, $0x2;
	s4 =	spop (v2sf)  }
0x13d: {  	s2 =	spop (v2sf)  }
0x13e: {  	v8 =	vmax.f32 v8, v15;
	s14 =	sshra.s32 s4, $0x2;
	s1 =	sadd.s32 $0xC0, s4;
	v9 =	vmax.f32 v9, v10;
	s9 =	sshra.s32 s2, $0x2  }
0x13f: {  	s13 =	sand.u32 $0xFFFFFFE0, s1;
	s22 =	spop (v2sf);
	v9 =	vmax.f32 v9, v18;
	v8 =	vmax.f32 v8, v12;
	s1 =	sadd.s32 $0x40, s2  }
0x140: {  	s19 =	sadd.s32 $0xC0, s22;
	s11 =	spop (v2sf);
	v9 =	vmax.f32 v9, v11;
	v8 =	vmax.f32 v8, v14;
	s20 =	sshra.s32 s22, $0x2  }
0x141: {  	s16 =	sadd.s32 $0x80, s22;
	s24 =	sand.u32 $0xFFFFFFF8, s9;
	s11 =	sshra.s32 s11, $0x2;
	v9 =	vmax.f32 v9, v16  }
.Ltmp2:
0x142: {  	s9 =	sadd.s32 $0x80, s2;
	s2 =	sadd.s32 $0xC0, s2;
	(pc) =	sbr.rel @p0 .LBB2_7-.Ltmp2, $4  }
0x143: {  	s26 =	sand.u32 $0xFFFFFFE0, s9;
	s23 =	sand.u32 $0xFFFFFFE0, s2;
	s11 =	sadd.s32 s3, s11  }
0x144: {  	s9 =	sadd.s32 $0x12C00, s11;
	v12 =	vld [tilespmem:s11+$0x12C00];
	s11 =	sand.u32 $0xFFFFFFE0, s1;
	s25 =	spop (v2sf)  }
0x145: {  	s2 =	sadd.s32 s3, s24;
	s1 =	sshra.s32 s26, $0x2;
	v10 =	vld [tilespmem:s9+$0x10];
	s24 =	sadd.s32 $0x40, s25  }
0x146: {  	s26 =	sshra.s32 s11, $0x2;
	s11 =	sadd.s32 $0x80, s25;
	v11 =	vld [tilespmem:s9+$0x20];
	s24 =	sand.u32 $0xFFFFFFE0, s24  }
0x147: {  	s7 =	sadd.s32 s3, s26;
	s15 =	sshra.s32 s25, $0x2  }
0x148: {  	s26 =	sadd.s32 $0xC0, s25;
	s1 =	sadd.s32 s3, s1;
	s22 =	sadd.s32 $0x40, s22  }
0x149: {  	s23 =	sshra.s32 s23, $0x2;
	s18 =	sshra.s32 s18, $0x2;
	s28 =	sand.u32 $0xFFFFFFE0, s21  }
0x14a: {  	s19 =	sand.u32 $0xFFFFFFE0, s19;
	s20 =	sand.u32 $0xFFFFFFF8, s20;
	s21 =	sshra.s32 s12, $0x2  }
0x14b: {  	s14 =	sand.u32 $0xFFFFFFF8, s14;
	s13 =	sshra.s32 s13, $0x2;
	s8 =	sand.u32 $0xFFFFFFF8, s8  }
0x14c: {  	v13 =	vld [tilespmem:s9+$0x30];
	s16 =	sand.u32 $0xFFFFFFE0, s16;
	s11 =	sand.u32 $0xFFFFFFE0, s11;
	s25 =	sand.u32 $0xFFFFFFE0, s26  }
0x14d: {  	v14 =	vld [tilespmem:s30+$0x0];
	s22 =	sand.u32 $0xFFFFFFE0, s22;
	s23 =	sadd.s32 s3, s23;
	s15 =	sand.u32 $0xFFFFFFF8, s15  }
0x14e: {  	v15 =	vld [tilespmem:s2+$0x12C80];
	s9 =	sshra.s32 s28, $0x2;
	s19 =	sshra.s32 s19, $0x2;
	s18 =	sand.u32 $0xFFFFFFF8, s18  }
0x14f: {  	v16 =	vld [tilespmem:s7+$0x12C80];
	s26 =	sadd.s32 s3, s20;
	s20 =	sadd.s32 s3, s21;
	s28 =	sadd.s32 s3, s14  }
0x150: {  	v18 =	vld [tilespmem:s1+$0x12C80];
	s21 =	sadd.s32 $0xC0, s6;
	s13 =	sadd.s32 s3, s13;
	s8 =	sadd.s32 s3, s8  }
0x151: {  	s11 =	sshra.s32 s11, $0x2;
	s16 =	sshra.s32 s16, $0x2;
	s25 =	sshra.s32 s25, $0x2;
	v20 =	vld [tilespmem:s23+$0x12C80]  }
0x152: {  	s22 =	sshra.s32 s22, $0x2;
	s15 =	sadd.s32 s3, s15;
	s2 =	sadd.s32 s3, s9;
	v22 =	vld [tilespmem:s26+$0x12D00];
	v14 =	vshll.u32 v14, $0x2  }
0x153: {  	s9 =	sadd.s32 s3, s19;
	s18 =	sadd.s32 s3, s18;
	s14 =	sand.u32 $0xFFFFFFE0, s21;
	v25 =	vld [tilespmem:s20+$0x12E80];
	(v2sf) =	vpush v14, $0x5  }
0x154: {  	s11 =	sadd.s32 s3, s11;
	s19 =	sadd.s32 $0x80, s4;
	s20 =	sadd.s32 s3, s16;
	v26 =	vld [tilespmem:s28+$0x12E00];
	(v2sf) =	vpush v14, $0x7  }
0x155: {  	s28 =	sand.u32 $0xFFFFFFE0, s17;
	s25 =	sadd.s32 s3, s25;
	s22 =	sadd.s32 s3, s22;
	v21 =	vld [tilespmem:s15+$0x12D80];
	(v2sf) =	vpush v14, $0x6  }
0x156: {  	s14 =	sshra.s32 s14, $0x2;
	v23 =	vld [tilespmem:s18+$0x12E80];
	s18 =	sadd.s32 $0x40, s4;
	s4 =	sand.u32 $0xFFFFFFE0, s19;
	(v2sf) =	vpush v14, $0x4  }
0x157: {  	s7 =	sshra.s32 s28, $0x2;
	v19 =	vld [tilespmem:s22+$0x12D00];
	s22 =	sand.u32 $0xFFFFFFE0, s10;
	s12 =	sadd.s32 s3, s14;
	(v2sf) =	vpush v14, $0x1  }
0x158: {  	v17 =	vld [tilespmem:s25+$0x12D80];
	s25 =	sshra.s32 s24, $0x2;
	s15 =	sand.u32 $0xFFFFFFE0, s18;
	s4 =	sshra.s32 s4, $0x2;
	(v2sf) =	vpush v14, $0x2  }
0x159: {  	v27 =	vld [tilespmem:s2+$0x12F80];
	s2 =	sadd.s32 s3, s7;
	s24 =	sadd.s32 $0x80, s6;
	s23 =	sshra.s32 s22, $0x2  }
0x15a: {  	v28 =	vld [tilespmem:s8+$0x12F00];
	s14 =	sadd.s32 s3, s25;
	s15 =	sshra.s32 s15, $0x2;
	s21 =	sadd.s32 s3, s4;
	(v2sf) =	vpush v14, $0x0  }
0x15b: {  	v30 =	vld [tilespmem:s13+$0x12E00];
	s22 =	sand.u32 $0xFFFFFFE0, s5;
	s25 =	sadd.s32 $0x40, s10;
	s26 =	sadd.s32 s3, s23  }
0x15c: {  	v24 =	vld [tilespmem:s9+$0x12D00];
	s16 =	sadd.s32 s3, s15;
	s23 =	sadd.s32 $0x40, s6;
	s4 =	sshra.s32 s22, $0x2  }
0x15d: {  	v31 =	vld [tilespmem:s20+$0x12D00];
	s6 =	sand.u32 $0xFFFFFFE0, s24;
	s13 =	sand.u32 $0xFFFFFFE0, s25;
	s5 =	sand.u32 $0xFFFFFFE0, s23;
	(v2sf) =	vpush v14, $0x3  }
0x15e: {  	v32 =	vld [tilespmem:s11+$0x12D80];
	s4 =	sadd.s32 s3, s4;
	s6 =	sshra.s32 s6, $0x2;
	s5 =	sshra.s32 s5, $0x2  }
0x15f: {  	s17 =	sadd.s32 s3, s6;
	s6 =	sadd.s32 $0x8, s30;
	v14 =	vld [tilespmem:s26+$0x12F80];
	s26 =	sadd.s32 $0x80, s10  }
0x160: {  	v29 =	vld [tilespmem:s12+$0x12F00];
	s28 =	sadd.s32 s3, s5;
	s5 =	sshra.s32 s13, $0x2;
	s15 =	sand.u32 $0xFFFFFFE0, s26  }
0x161: {  	v33 =	vld [tilespmem:s2+$0x12E80];
	s19 =	sadd.s32 s3, s5;
	s5 =	simm.s32 $0x1000;
	s18 =	sshra.s32 s15, $0x2  }
0x162: {  	v34 =	vld [tilespmem:s14+$0x12D80];
	s20 =	sadd.s32 s3, s18;
	s3 =	simm.s32 $0x0;
	s24 =	spop (v2sf)  }
0x163: {  	v6 =	vmax.f32 v6, v12;
	v9 =	vmax.f32 v9, v11;
	v11 =	vld [tilespmem:s21+$0x12E00];
	s15 =	sadd.s32 $0x40, s24;
	s23 =	sadd.s32 $0xC0, s24;
	s10 =	spop (v2sf)  }
0x164: {  	v6 =	vmax.f32 v6, v15;
	v15 =	vld [tilespmem:s17+$0x12F00];
	s7 =	sadd.s32 $0x80, s24;
	s9 =	sand.u32 $0xFFFFFFE0, s23;
	s17 =	spop (v2sf)  }
0x165: {  	v8 =	vmax.f32 v8, v10;
	v7 =	vmax.f32 v7, v13;
	v10 =	vld [tilespmem:s4+$0x12E80];
	s13 =	sadd.s32 $0xC0, s10;
	s4 =	sshra.s32 s17, $0x2;
	s8 =	spop (v2sf)  }
0x166: {  	v8 =	vmax.f32 v8, v16;
	v12 =	vld [tilespmem:s16+$0x12E00];
	v6 =	vmax.f32 v6, v22;
	v7 =	vmax.f32 v7, v20;
	s12 =	sshra.s32 s8, $0x2;
	s25 =	sadd.s32 $0xC0, s8;
	s18 =	spop (v2sf)  }
0x167: {  	v9 =	vmax.f32 v9, v18;
	v6 =	vmax.f32 v6, v21;
	v7 =	vmax.f32 v7, v24;
	v13 =	vld [tilespmem:s28+$0x12F00];
	s26 =	sshra.s32 s18, $0x2;
	s16 =	sand.u32 $0xFFFFFFE0, s25;
	s22 =	spop (v2sf)  }
0x168: {  	v9 =	vmax.f32 v9, v31;
	v8 =	vmax.f32 v8, v19;
	v6 =	vmax.f32 v6, v26;
	v62 =	vld [tilespmem:s19+$0x12F80];
	s28 =	sadd.s32 $0x40, s18;
	s25 =	sadd.s32 $0x80, s18;
	s18 =	sadd.s32 $0xC0, s18  }
0x169: {  	v7 =	vmax.f32 v7, v17;
	v9 =	vmax.f32 v9, v32;
	v6 =	vmax.f32 v6, v23;
	v63 =	vld [tilespmem:s20+$0x12F80];
	s19 =	sadd.s32 $0xC0, s22;
	s21 =	spop (v2sf);
	s20 =	sshra.s32 s22, $0x2  }
0x16a: {  	v7 =	vmax.f32 v7, v30;
	v6 =	vmax.f32 v6, v28;
	v8 =	vmax.f32 v8, v34;
	s14 =	sadd.s32 $0x80, s22;
	s1 =	sand.u32 $0xFFFFFFF8, s26;
	s23 =	sshra.s32 s21, $0x2  }
0x16b: {  	v7 =	vmax.f32 v7, v25;
	v9 =	vmax.f32 v9, v11;
	v8 =	vmax.f32 v8, v12;
	s26 =	sand.u32 $0xFFFFFFE0, s28;
	s21 =	sand.u32 $0xFFFFFFE0, s25;
	s11 =	sadd.s32 $0x0, s23  }
0x16c: {  	v9 =	vmax.f32 v9, v33;
	v7 =	vmax.f32 v7, v29;
	v8 =	vmax.f32 v8, v10;
	s2 =	spop (v2sf);
	s23 =	sand.u32 $0xFFFFFFE0, s18;
	s18 =	sadd.s32 $0x16000, s11;
	v12 =	vld [tilespmem:s11+$0x16000]  }
0x16d: {  	v7 =	vmax.f32 v7, v27;
	v10 =	vmax.f32 v9, v15;
	v8 =	vmax.f32 v8, v13;
	s1 =	sadd.s32 $0x0, s1;
	s26 =	sshra.s32 s26, $0x2;
	s28 =	sadd.s32 $0x40, s2;
	v9 =	vld [tilespmem:s18+$0x10]  }
0x16e: {  	v8 =	vmax.f32 v8, v62;
	v6 =	vmax.f32 v6, v14;
	v10 =	vmax.f32 v10, v63;
	s25 =	sshra.s32 s21, $0x2;
	s21 =	sadd.s32 $0x80, s2;
	s11 =	sand.u32 $0xFFFFFFE0, s28;
	v11 =	vld [tilespmem:s18+$0x20]  }
.LBB2_9:
0x16f: {  	s26 =	sadd.s32 s3, s26  }
0x170: {  	v13 =	vld [tilespmem:s18+$0x30];
	s28 =	sshra.s32 s2, $0x2;
	s2 =	sadd.s32 $0xC0, s2;
	s18 =	smov.u32 s5  }
0x171: {  	s22 =	sadd.s32 $0x40, s22;
	v14 =	vld [tilespmem:s1+$0x16080];
	s1 =	sadd.s32 s3, s25;
	s2 =	sand.u32 $0xFFFFFFE0, s2  }
0x172: {  	s23 =	sshra.s32 s23, $0x2;
	s22 =	sand.u32 $0xFFFFFFE0, s22;
	v15 =	vld [tilespmem:s6+$0x0];
	s2 =	sshra.s32 s2, $0x2  }
0x173: {  	s23 =	sadd.s32 s3, s23;
	s22 =	sshra.s32 s22, $0x2;
	v16 =	vld [tilespmem:s26+$0x16080];
	s2 =	sadd.s32 s3, s2  }
0x174: {  	s13 =	sand.u32 $0xFFFFFFE0, s13;
	s22 =	sadd.s32 s3, s22;
	v17 =	vld [tilespmem:s2+$0x16180];
	s2 =	sshra.s32 s24, $0x2  }
0x175: {  	s13 =	sshra.s32 s13, $0x2;
	v18 =	vld [tilespmem:s1+$0x16080];
	s1 =	sand.u32 $0xFFFFFFE0, s19;
	s19 =	sand.u32 $0xFFFFFFF8, s28  }
0x176: {  	s20 =	sand.u32 $0xFFFFFFF8, s20;
	s13 =	sadd.s32 s3, s13;
	v19 =	vld [tilespmem:s22+$0x16100];
	s19 =	sadd.s32 s3, s19  }
0x177: {  	s9 =	sshra.s32 s9, $0x2;
	s2 =	sand.u32 $0xFFFFFFF8, s2;
	s1 =	sshra.s32 s1, $0x2;
	v20 =	vld [tilespmem:s23+$0x16080]  }
0x178: {  	s20 =	sadd.s32 s3, s20;
	s2 =	sadd.s32 s3, s2;
	s1 =	sadd.s32 s3, s1;
	v21 =	vld [tilespmem:s19+$0x16180]  }
0x179: {  	s12 =	sand.u32 $0xFFFFFFF8, s12;
	s16 =	sshra.s32 s16, $0x2;
	s9 =	sadd.s32 s3, s9;
	v6 =	vmax.f32 v6, v12;
	v7 =	vmax.f32 v7, v13;
	v12 =	vld [tilespmem:s20+$0x16100]  }
0x17a: {  	s12 =	sadd.s32 s3, s12;
	s16 =	sadd.s32 s3, s16;
	v6 =	vmax.f32 v6, v14;
	v13 =	vld [tilespmem:s2+$0x16280];
	s2 =	sadd.s32 $0xC0, s17  }
0x17b: {  	v14 =	vshll.u32 v15, $0x2;
	v15 =	vld [tilespmem:s1+$0x16100];
	s1 =	sand.u32 $0xFFFFFFF8, s4;
	s2 =	sand.u32 $0xFFFFFFE0, s2;
	s4 =	sand.u32 $0xFFFFFFE0, s10  }
0x17c: {  	(v2sf) =	vpush v14, $0x5;
	v22 =	vld [tilespmem:s9+$0x16280];
	s1 =	sadd.s32 s3, s1;
	s2 =	sshra.s32 s2, $0x2;
	s4 =	sshra.s32 s4, $0x2  }
0x17d: {  	v10 =	vmax.f32 v10, v11;
	v7 =	vmax.f32 v7, v20;
	s9 =	sand.u32 $0xFFFFFFE0, s14;
	s14 =	sand.u32 $0xFFFFFFE0, s21;
	(v2sf) =	vpush v14, $0x7;
	v11 =	vld [tilespmem:s12+$0x16200];
	s2 =	sadd.s32 s3, s2  }
0x17e: {  	s11 =	sshra.s32 s11, $0x2;
	v8 =	vmax.f32 v8, v9;
	s9 =	sshra.s32 s9, $0x2;
	s12 =	sshra.s32 s14, $0x2;
	(v2sf) =	vpush v14, $0x6;
	v6 =	vmax.f32 v6, v12;
	v9 =	vld [tilespmem:s13+$0x16380]  }
0x17f: {  	s11 =	sadd.s32 s3, s11;
	v8 =	vmax.f32 v8, v16;
	s12 =	sadd.s32 s3, s12;
	(v2sf) =	vpush v14, $0x4;
	v6 =	vmax.f32 v6, v21;
	v12 =	vld [tilespmem:s1+$0x16300];
	s1 =	sadd.s32 s3, s4  }
0x180: {  	v8 =	vmax.f32 v8, v19;
	s4 =	sadd.s32 s3, s9;
	s9 =	sadd.s32 $0x40, s8;
	s8 =	sadd.s32 $0x80, s8;
	(v2sf) =	vpush v14, $0x1;
	v7 =	vmax.f32 v7, v15;
	v15 =	vld [tilespmem:s2+$0x16300]  }
0x181: {  	s7 =	sand.u32 $0xFFFFFFE0, s7;
	s2 =	sand.u32 $0xFFFFFFE0, s9;
	s8 =	sand.u32 $0xFFFFFFE0, s8;
	(v2sf) =	vpush v14, $0x2;
	v7 =	vmax.f32 v7, v17;
	v16 =	vld [tilespmem:s16+$0x16200]  }
0x182: {  	s7 =	sshra.s32 s7, $0x2;
	s2 =	sshra.s32 s2, $0x2;
	s8 =	sshra.s32 s8, $0x2;
	(v2sf) =	vpush v14, $0x0;
	v6 =	vmax.f32 v6, v11;
	v11 =	vld [tilespmem:s1+$0x16380]  }
0x183: {  	v10 =	vmax.f32 v10, v18;
	s1 =	sadd.s32 s3, s2;
	s2 =	sadd.s32 s3, s8;
	v17 =	vld [tilespmem:s4+$0x16100];
	v6 =	vmax.f32 v6, v13;
	s4 =	sadd.s32 s3, s7  }
0x184: {  	s9 =	sadd.s32 $0x80, s17;
	s8 =	sadd.s32 $0x40, s17;
	s7 =	sand.u32 $0xFFFFFFE0, s15;
	v13 =	vld [tilespmem:s12+$0x16180]  }
0x185: {  	s7 =	sshra.s32 s7, $0x2;
	v6 =	vmax.f32 v6, v12;
	v18 =	vld [tilespmem:s4+$0x16280];
	s4 =	sand.u32 $0xFFFFFFE0, s8;
	s8 =	sand.u32 $0xFFFFFFE0, s9  }
0x186: {  	s7 =	sadd.s32 s3, s7;
	(v2sf) =	vpush v14, $0x3;
	v12 =	vld [tilespmem:s11+$0x16180];
	v7 =	vmax.f32 v7, v16;
	s4 =	sshra.s32 s4, $0x2;
	s8 =	sshra.s32 s8, $0x2  }
0x187: {  	v14 =	vld [tilespmem:s1+$0x16200];
	v7 =	vmax.f32 v7, v22;
	s1 =	sadd.s32 s3, s4;
	s4 =	sadd.s32 s3, s8;
	v6 =	vmax.f32 v6, v11;
	s8 =	sadd.s32 $0x40, s10  }
0x188: {  	p0 =	sne.s32 s5, $0xB000;
	v11 =	vld [tilespmem:s4+$0x16300];
	v7 =	vmax.f32 v7, v15;
	s4 =	sand.u32 $0xFFFFFFE0, s8;
	s8 =	sadd.s32 $0x80, s10  }
0x189: {  	s5 =	sadd.s32 $0x1000, s5;
	v15 =	vld [tilespmem:s7+$0x16280];
	s4 =	sshra.s32 s4, $0x2;
	s7 =	sand.u32 $0xFFFFFFE0, s8;
	v7 =	vmax.f32 v7, v9  }
0x18a: {  	s6 =	sadd.s32 $0x8, s6;
	v9 =	vld [tilespmem:s2+$0x16200];
	s2 =	sadd.s32 s3, s4;
	s4 =	sshra.s32 s7, $0x2  }
0x18b: {  	s24 =	spop (v2sf);
	v8 =	vmax.f32 v8, v12;
	v12 =	vld [tilespmem:s1+$0x16300];
	s1 =	sadd.s32 s3, s4;
	s3 =	sshra.s32 s18, $0x2  }
0x18c: {  	s15 =	sadd.s32 $0x40, s24;
	s4 =	sadd.s32 $0xC0, s24;
	s10 =	spop (v2sf);
	v8 =	vmax.f32 v8, v14;
	v14 =	vld [tilespmem:s2+$0x16380]  }
0x18d: {  	v10 =	vmax.f32 v10, v17;
	s7 =	sadd.s32 $0x80, s24;
	s9 =	sand.u32 $0xFFFFFFE0, s4;
	s17 =	spop (v2sf);
	v16 =	vld [tilespmem:s1+$0x16380]  }
0x18e: {  	v10 =	vmax.f32 v10, v13;
	s13 =	sadd.s32 $0xC0, s10;
	s4 =	sshra.s32 s17, $0x2;
	s8 =	spop (v2sf)  }
0x18f: {  	s2 =	spop (v2sf)  }
0x190: {  	v8 =	vmax.f32 v8, v15;
	s12 =	sshra.s32 s8, $0x2;
	s1 =	sadd.s32 $0xC0, s8;
	v9 =	vmax.f32 v10, v9;
	s11 =	sshra.s32 s2, $0x2  }
0x191: {  	s16 =	sand.u32 $0xFFFFFFE0, s1;
	s22 =	spop (v2sf);
	v9 =	vmax.f32 v9, v18;
	v8 =	vmax.f32 v8, v12;
	s1 =	sadd.s32 $0x40, s2  }
0x192: {  	s21 =	sadd.s32 $0x80, s2;
	s19 =	sadd.s32 $0xC0, s22;
	s14 =	spop (v2sf);
	v9 =	vmax.f32 v9, v11;
	v8 =	vmax.f32 v8, v14  }
0x193: {  	s20 =	sshra.s32 s22, $0x2;
	s18 =	sshra.s32 s14, $0x2;
	s14 =	sadd.s32 $0x80, s22;
	v10 =	vmax.f32 v9, v16  }
.Ltmp3:
0x194: {  	s2 =	sadd.s32 $0xC0, s2;
	s11 =	sand.u32 $0xFFFFFFF8, s11;
	(pc) =	sbr.rel @p0 .LBB2_9-.Ltmp3, $4  }
0x195: {  	s21 =	sand.u32 $0xFFFFFFE0, s21;
	s23 =	sand.u32 $0xFFFFFFE0, s2;
	s25 =	sadd.s32 s3, s18  }
0x196: {  	s26 =	sand.u32 $0xFFFFFFE0, s1;
	s18 =	sadd.s32 $0x16000, s25;
	v12 =	vld [tilespmem:s25+$0x16000];
	s2 =	spop (v2sf)  }
0x197: {  	s1 =	sadd.s32 s3, s11;
	s25 =	sshra.s32 s21, $0x2;
	v9 =	vld [tilespmem:s18+$0x10];
	s11 =	sadd.s32 $0x40, s2  }
0x198: {  	s26 =	sshra.s32 s26, $0x2;
	s21 =	sadd.s32 $0x80, s2;
	v11 =	vld [tilespmem:s18+$0x20];
	s11 =	sand.u32 $0xFFFFFFE0, s11  }
0x199: {  	v13 =	vld [tilespmem:s18+$0x30]  }
0x19a: {  	s5 =	sadd.s32 $0xC0, s2;
	v14 =	vld [tilespmem:s1+$0x16080];
	s28 =	sadd.s32 s3, s26;
	s6 =	sadd.s32 $0x40, s22  }
0x19b: {  	s22 =	sadd.s32 s3, s25;
	s23 =	sshra.s32 s23, $0x2;
	s25 =	sshra.s32 s2, $0x2;
	v15 =	vld [tilespmem:s28+$0x16080]  }
0x19c: {  	s19 =	sand.u32 $0xFFFFFFE0, s19;
	s4 =	sand.u32 $0xFFFFFFF8, s4;
	v17 =	vld [tilespmem:s22+$0x16080];
	s26 =	sadd.s32 s3, s23  }
0x19d: {  	s5 =	sand.u32 $0xFFFFFFE0, s5;
	s2 =	sand.u32 $0xFFFFFFF8, s25;
	s4 =	sadd.s32 s3, s4;
	v19 =	vld [tilespmem:s26+$0x16080]  }
0x19e: {  	s18 =	sand.u32 $0xFFFFFFE0, s6;
	s22 =	sand.u32 $0xFFFFFFF8, s20;
	s2 =	sadd.s32 s3, s2;
	v27 =	vld [tilespmem:s4+$0x16300]  }
0x19f: {  	s28 =	sshra.s32 s24, $0x2;
	s5 =	sshra.s32 s5, $0x2;
	s24 =	sadd.s32 s3, s22;
	v20 =	vld [tilespmem:s2+$0x16180]  }
0x1a0: {  	s7 =	sand.u32 $0xFFFFFFE0, s7;
	s1 =	sshra.s32 s18, $0x2;
	s5 =	sadd.s32 s3, s5;
	v21 =	vld [tilespmem:s24+$0x16100]  }
0x1a1: {  	s18 =	sand.u32 $0xFFFFFFE0, s13;
	s26 =	sand.u32 $0xFFFFFFF8, s12;
	s1 =	sadd.s32 s3, s1;
	v16 =	vld [tilespmem:s5+$0x16180]  }
0x1a2: {  	s25 =	sshra.s32 s9, $0x2;
	s23 =	sshra.s32 s18, $0x2;
	s6 =	sadd.s32 s3, s26;
	v18 =	vld [tilespmem:s1+$0x16100]  }
0x1a3: {  	s9 =	sadd.s32 $0xC0, s17;
	s1 =	sand.u32 $0xFFFFFFF8, s28;
	s2 =	sadd.s32 s3, s23;
	v25 =	vld [tilespmem:s6+$0x16200]  }
0x1a4: {  	s12 =	sand.u32 $0xFFFFFFE0, s10;
	s5 =	sshra.s32 s19, $0x2;
	s1 =	sadd.s32 s3, s1;
	v26 =	vld [tilespmem:s2+$0x16380]  }
0x1a5: {  	s13 =	sshra.s32 s12, $0x2;
	s18 =	sand.u32 $0xFFFFFFE0, s21;
	s5 =	sadd.s32 s3, s5;
	v22 =	vld [tilespmem:s1+$0x16280]  }
0x1a6: {  	s22 =	sadd.s32 $0x40, s8;
	s4 =	sshra.s32 s18, $0x2;
	s2 =	sadd.s32 s3, s13;
	v23 =	vld [tilespmem:s5+$0x16100]  }
0x1a7: {  	s24 =	sand.u32 $0xFFFFFFE0, s22;
	s19 =	sshra.s32 s11, $0x2;
	s4 =	sadd.s32 s3, s4;
	v30 =	vld [tilespmem:s2+$0x16380]  }
0x1a8: {  	s26 =	sshra.s32 s7, $0x2;
	s7 =	sand.u32 $0xFFFFFFE0, s15;
	s21 =	sadd.s32 s3, s19;
	v32 =	vld [tilespmem:s4+$0x16180]  }
0x1a9: {  	s28 =	sshra.s32 s16, $0x2;
	s16 =	sand.u32 $0xFFFFFFE0, s14;
	s1 =	sadd.s32 s3, s25;
	v34 =	vld [tilespmem:s21+$0x16180]  }
0x1aa: {  	s23 =	sadd.s32 $0x80, s8;
	s5 =	sadd.s32 s3, s28;
	v24 =	vld [tilespmem:s1+$0x16280];
	s1 =	sand.u32 $0xFFFFFFE0, s9  }
0x1ab: {  	s8 =	sadd.s32 $0x40, s17;
	v29 =	vld [tilespmem:s5+$0x16200];
	s5 =	sadd.s32 s3, s26;
	s1 =	sshra.s32 s1, $0x2  }
0x1ac: {  	s20 =	sshra.s32 s16, $0x2;
	s25 =	sand.u32 $0xFFFFFFE0, s23;
	v33 =	vld [tilespmem:s5+$0x16280];
	s1 =	sadd.s32 s3, s1  }
0x1ad: {  	s28 =	sadd.s32 $0x80, s17;
	s2 =	sshra.s32 s25, $0x2;
	v28 =	vld [tilespmem:s1+$0x16300];
	s1 =	sadd.s32 s3, s20  }
0x1ae: {  	v6 =	vmax.f32 v6, v12;
	s4 =	sand.u32 $0xFFFFFFE0, s28;
	s2 =	sadd.s32 s3, s2;
	v31 =	vld [tilespmem:s1+$0x16100];
	s1 =	sshra.s32 s24, $0x2  }
0x1af: {  	v6 =	vmax.f32 v6, v14;
	s9 =	sadd.s32 $0x40, s10;
	s4 =	sshra.s32 s4, $0x2;
	v53 =	vld [tilespmem:s2+$0x16200];
	s1 =	sadd.s32 s3, s1  }
0x1b0: {  	v8 =	vmax.f32 v8, v9;
	v7 =	vmax.f32 v7, v13;
	s5 =	sshra.s32 s7, $0x2;
	v6 =	vmax.f32 v6, v21;
	s4 =	sadd.s32 s3, s4;
	v50 =	vld [tilespmem:s1+$0x16200];
	s1 =	sand.u32 $0xFFFFFFE0, s8  }
0x1b1: {  	v10 =	vmax.f32 v10, v11;
	v7 =	vmax.f32 v7, v19;
	s5 =	sadd.s32 s3, s5;
	v6 =	vmax.f32 v6, v20;
	v51 =	vld [tilespmem:s4+$0x16300];
	s4 =	sand.u32 $0xFFFFFFE0, s9;
	s1 =	sshra.s32 s1, $0x2  }
0x1b2: {  	v8 =	vmax.f32 v8, v15;
	s10 =	sadd.s32 $0x80, s10;
	v52 =	vld [tilespmem:s5+$0x16280];
	v6 =	vmax.f32 v6, v25;
	v7 =	vmax.f32 v7, v23;
	s11 =	sshra.s32 s4, $0x2;
	s1 =	sadd.s32 s3, s1  }
0x1b3: {  	v10 =	vmax.f32 v10, v17;
	s12 =	sand.u32 $0xFFFFFFE0, s10;
	v6 =	vmax.f32 v6, v22;
	v7 =	vmax.f32 v7, v16;
	s13 =	sadd.s32 s3, s11;
	v54 =	vld [tilespmem:s1+$0x16300]  }
0x1b4: {  	v8 =	vmax.f32 v8, v18;
	s14 =	sshra.s32 s12, $0x2;
	v6 =	vmax.f32 v6, v27;
	v55 =	vld [tilespmem:s13+$0x16380];
	v7 =	vmax.f32 v7, v29  }
0x1b5: {  	s2 =	sadd.s32 s3, s14;
	v8 =	vmax.f32 v8, v34;
	v6 =	vmax.f32 v6, v30;
	v7 =	vmax.f32 v7, v24  }
0x1b6: {  	v56 =	vld [tilespmem:s2+$0x16380];
	v57 =	vshrl.u32 v6, $0x10;
	v10 =	vmax.f32 v10, v31;
	v8 =	vmax.f32 v8, v50  }
0x1b7: {  	v7 =	vmax.f32 v7, v28;
	v10 =	vmax.f32 v10, v32;
	v8 =	vmax.f32 v8, v52  }
0x1b8: {  	v7 =	vmax.f32 v7, v26;
	v9 =	vmax.f32 v10, v53;
	v8 =	vmax.f32 v8, v54  }
0x1b9: {  	v62 =	vshrl.u32 v7, $0x10;
	v9 =	vmax.f32 v9, v33;
	v8 =	vmax.f32 v8, v55  }
0x1ba: {  	v10 =	vand.u32 $0x1, v57;
	v9 =	vmax.f32 v9, v51;
	v58 =	vshrl.u32 v8, $0x10  }
0x1bb: {  	v6 =	vadd.s32 v10, v6;
	v9 =	vmax.f32 v9, v56;
	v59 =	vand.u32 $0x1, v58  }
0x1bc: {  	v10 =	vand.u32 $0x1, v62;
	v60 =	vshrl.u32 v9, $0x10;
	v8 =	vadd.s32 v59, v8  }
0x1bd: {  	v6 =	vadd.s32 $0x7FFF, v6;
	v61 =	vand.u32 $0x1, v60;
	v8 =	vadd.s32 $0x7FFF, v8  }
0x1be: {  	v6 =	vand.u32 $0xFFFF0000, v6;
	v9 =	vadd.s32 v61, v9;
	v8 =	vand.u32 $0xFFFF0000, v8  }
0x1bf: {  	v6 =	vmul.f32 v6, v4;
	v9 =	vadd.s32 $0x7FFF, v9;
	v8 =	vmul.f32 v8, v5  }
0x1c0: {  	v7 =	vadd.s32 v10, v7;
	v9 =	vand.u32 $0xFFFF0000, v9  }
0x1c1: {  	v7 =	vadd.s32 $0x7FFF, v7;
	v63 =	vmul.f32 v9, v3;
	v6 =	vadd.f32 v8, v6  }
0x1c2: {  	v7 =	vand.u32 $0xFFFF0000, v7  }
0x1c3: {  	v7 =	vmul.f32 v7, v2;
	v6 =	vadd.f32 v63, v6;
	_ =	sdelay $0x1  }
0x1c4: {  	v6 =	vadd.f32 v7, v6;
	_ =	sdelay $0x1  }
0x1c5: {  	(xrf2) =	vadd.scan.msk.f32 $0xffff, v6;
	_ =	sdelay $0x9  }
0x1c6: {  	v6, _, _ =	vpop (xrf2)  }
0x1c7: {  	(v2sf) =	vpush v6, $0xF;
	_ =	sdelay $0xc  }
0x1c8: {  	s15 =	rddreg [dreg:$0xf]  }
0x1c9: {  	s31 =	sadd.s32 $0x1, s31;
	s29 =	sadd.s32 $0x190, s29;
	s30 =	sadd.s32 $0x190, s30;
	v6 =	vmov s15  }
0x1ca: {  	p0 =	sne.s32 s31, $0x3F;
	s17 =	rddreg [dreg:$0xb];
	s16 =	spop (v2sf)  }
0x1cb: {  	s22 =	simm.s32 $0x12C00;
	s18 =	simm.s32 $0x19080;
	s1 =	sadd.f32 s16, s17  }
0x1cc: {  	s19 =	sadd.s32 $0x258, s0;
	s21 =	simm.s32 $0x68;
	s26 =	rddreg [dreg:$0xc]  }
.Ltmp4:
0x1cd: {  	s23 =	sadd.s32 $0x2C0, s0;
	s28 =	rddreg [dreg:$0xd];
	v7 =	vmov s1;
	(pc) =	sbr.rel @p0 .LBB2_2-.Ltmp4, $4  }
0x1ce: {  	s25 =	simm.s32 $0x16000;
	s0 =	sadd.s32 $0x190, s28;
	s20 =	rddreg [dreg:$0x2];
	[tilespmem:v6+s18+$0x0] =	vst.idx.msk $0x1, v7  }
0x1cf: {  	[tilespmem:s22], [sflag:$0x3] =	stream.indirect.gather [hbm4b:s20+s21], $0x80, s19, s21, $0xb8;
	[tilespmem:$0x19100] =	vst v63  }
0x1d0: {  	[dreg:$0xd] =	wrdreg s0;
	s5 =	sadd.s32 $0x190, s26;
	s24 =	simm.s32 $0x60  }
0x1d1: {  	[tilespmem:s25], [sflag:$0x4] =	stream.indirect.gather [hbm4b:s20+s24], $0x80, s23, s24, $0xb8;
	[tilespmem:$0x19100] =	vst v63  }
0x1d2: {  	s0 =	simm.s32 $0x1  }
0x1d3: {  	_ =	swait.ge [sflag:s0], $0x3400  }
0x1d4: {  	[sflag:s0] =	ssyncset.done $0x0  }
0x1d5: {  	s24 =	simm.s32 $0x2;
	[sflag:s0] =	ssyncadd.s32 $0xFFFFCC00  }
0x1d6: {  	_ =	swait.ge [sflag:s24], $0x3000  }
0x1d7: {  	[sflag:s24] =	ssyncset.done $0x0  }
0x1d8: {  	s25 =	simm.s32 $0xC670;
	[sflag:s24] =	ssyncadd.s32 $0xFFFFD000  }
0x1d9: {  	v6 =	vld [tilespmem:s25+$0x0];
	_ =	sdelay $0x4  }
0x1da: {  	v6 =	vshll.u32 v6, $0x2  }
0x1db: {  	(v2sf) =	vpush v6, $0x7  }
0x1dc: {  	(v2sf) =	vpush v6, $0x6  }
0x1dd: {  	(v2sf) =	vpush v6, $0x0  }
0x1de: {  	(v2sf) =	vpush v6, $0x5  }
0x1df: {  	(v2sf) =	vpush v6, $0x2  }
0x1e0: {  	(v2sf) =	vpush v6, $0x4;
	_ =	sdelay $0x1  }
0x1e1: {  	(v2sf) =	vpush v6, $0x1  }
0x1e2: {  	(v2sf) =	vpush v6, $0x3;
	_ =	sdelay $0x6  }
0x1e3: {  	s6 =	simm.s32 $0x1000;
	s1 =	spop (v2sf)  }
0x1e4: {  	s7 =	simm.s32 $0xC678;
	s0 =	simm.s32 $0x0;
	s3 =	spop (v2sf)  }
0x1e5: {  	s26 =	sadd.s32 $0x40, s1;
	s2 =	sadd.s32 $0x40, s3;
	s11 =	spop (v2sf)  }
0x1e6: {  	s9 =	sadd.s32 $0x80, s3;
	s4 =	sand.u32 $0xFFFFFFE0, s26;
	s5 =	spop (v2sf)  }
0x1e7: {  	s10 =	sand.u32 $0xFFFFFFE0, s2;
	s28 =	sshra.s32 s11, $0x2;
	s17 =	spop (v2sf)  }
0x1e8: {  	s8 =	sadd.s32 $0xC0, s5;
	s18 =	sadd.s32 $0x0, s28;
	s15 =	spop (v2sf)  }
0x1e9: {  	s12 =	sadd.s32 $0x80, s17;
	s30 =	sadd.s32 $0x40, s17;
	s16 =	sadd.s32 $0x40, s15  }
0x1ea: {  	s14 =	spop (v2sf);
	s19 =	sadd.s32 $0xC0, s15;
	s12 =	sand.u32 $0xFFFFFFE0, s12  }
0x1eb: {  	s23 =	sand.u32 $0xFFFFFFE0, s30;
	s11 =	sshra.s32 s14, $0x2;
	s22 =	spop (v2sf)  }
0x1ec: {  	s29 =	sadd.s32 $0xC0, s14;
	s21 =	sadd.s32 $0x40, s14;
	s2 =	sshra.s32 s12, $0x2  }
0x1ed: {  	v11 =	vld [tilespmem:s18+$0xC810];
	s14 =	sadd.s32 $0x80, s14;
	s23 =	sshra.s32 s23, $0x2;
	s16 =	sand.u32 $0xFFFFFFE0, s16  }
0x1ee: {  	v9 =	vld [tilespmem:s18+$0xC820];
	s24 =	sadd.s32 $0x80, s22;
	s13 =	sand.u32 $0xFFFFFFE0, s29;
	s20 =	sadd.s32 $0xC0, s22  }
0x1ef: {  	v8 =	vld [tilespmem:s18+$0xC800];
	s31 =	sand.u32 $0xFFFFFFE0, s21;
	s25 =	sshra.s32 s22, $0x2;
	s12 =	sand.u32 $0xFFFFFFE0, s14  }
0x1f0: {  	v10 =	vimm.f32 $-Inf;
	v6 =	vld [tilespmem:s18+$0xC830];
	s18 =	sadd.s32 $0x0, s23;
	s23 =	sadd.s32 $0x40, s22;
	s21 =	sshra.s32 s31, $0x2  }
0x1f1: {  	v13 =	vimm.f32 $-Inf;
	v12 =	vimm.f32 $-Inf;
	v7 =	vimm.f32 $-Inf;
	s14 =	sand.u32 $0xFFFFFFF8, s25;
	s22 =	sand.u32 $0xFFFFFFE0, s24;
	s21 =	sadd.s32 $0x0, s21  }
.LBB2_12:
0x1f2: {  	s24 =	sshra.s32 s12, $0x2  }
0x1f3: {  	s2 =	sadd.s32 s0, s2;
	s25 =	sadd.s32 $0x80, s15;
	s12 =	smov.u32 s6  }
0x1f4: {  	s26 =	sadd.s32 $0xC0, s17;
	s19 =	sand.u32 $0xFFFFFFE0, s19;
	s25 =	sand.u32 $0xFFFFFFE0, s25  }
0x1f5: {  	s23 =	sand.u32 $0xFFFFFFE0, s23;
	s20 =	sand.u32 $0xFFFFFFE0, s20;
	s28 =	sadd.s32 $0x40, s5;
	v14 =	vld [tilespmem:s7+$0x0]  }
0x1f6: {  	v15 =	vld [tilespmem:s21+$0xC880];
	s21 =	sadd.s32 s0, s24;
	s24 =	sand.u32 $0xFFFFFFE0, s28;
	s28 =	sadd.s32 $0x80, s5  }
0x1f7: {  	s22 =	sshra.s32 s22, $0x2;
	s24 =	sshra.s32 s24, $0x2;
	s28 =	sand.u32 $0xFFFFFFE0, s28  }
0x1f8: {  	v16 =	vld [tilespmem:s2+$0xC900];
	s2 =	sshra.s32 s25, $0x2;
	s25 =	sshra.s32 s28, $0x2;
	s28 =	sadd.s32 $0x80, s1  }
0x1f9: {  	v17 =	vld [tilespmem:s21+$0xC880];
	s21 =	sand.u32 $0xFFFFFFE0, s26;
	s25 =	sadd.s32 s0, s25;
	s26 =	sand.u32 $0xFFFFFFE0, s28  }
0x1fa: {  	v10 =	vmax.f32 v10, v11;
	s11 =	sand.u32 $0xFFFFFFF8, s11;
	s23 =	sshra.s32 s23, $0x2;
	v11 =	vld [tilespmem:s25+$0xCA80];
	s25 =	sshra.s32 s26, $0x2  }
0x1fb: {  	s13 =	sshra.s32 s13, $0x2;
	s11 =	sadd.s32 s0, s11;
	v10 =	vmax.f32 v10, v15;
	v15 =	vld [tilespmem:s18+$0xC900];
	s18 =	sadd.s32 s0, s25  }
0x1fc: {  	s13 =	sadd.s32 s0, s13;
	s2 =	sadd.s32 s0, s2;
	v18 =	vshll.u32 v14, $0x2;
	s21 =	sshra.s32 s21, $0x2;
	v14 =	vld [tilespmem:s18+$0xCB80]  }
0x1fd: {  	s18 =	sshra.s32 s17, $0x2;
	s17 =	sadd.s32 s0, s21;
	(v2sf) =	vpush v18, $0x7;
	v19 =	vld [tilespmem:s11+$0xC880];
	s11 =	sshra.s32 s19, $0x2  }
0x1fe: {  	s16 =	sshra.s32 s16, $0x2;
	s19 =	sshra.s32 s20, $0x2;
	(v2sf) =	vpush v18, $0x6;
	v20 =	vld [tilespmem:s2+$0xCA00];
	s2 =	sadd.s32 s0, s11  }
0x1ff: {  	v9 =	vmax.f32 v13, v9;
	s11 =	sadd.s32 s0, s14;
	s14 =	sadd.s32 s0, s16;
	(v2sf) =	vpush v18, $0x0;
	v13 =	vld [tilespmem:s13+$0xC880];
	s13 =	sadd.s32 s0, s19  }
0x200: {  	s20 =	sadd.s32 s0, s24;
	v9 =	vmax.f32 v9, v17;
	s16 =	sadd.s32 s0, s23;
	s19 =	sadd.s32 s0, s22;
	(v2sf) =	vpush v18, $0x5;
	v17 =	vld [tilespmem:s14+$0xCA00]  }
0x201: {  	v8 =	vmax.f32 v12, v8;
	s10 =	sshra.s32 s10, $0x2;
	s9 =	sand.u32 $0xFFFFFFE0, s9;
	s14 =	sshra.s32 s15, $0x2;
	(v2sf) =	vpush v18, $0x2;
	v12 =	vld [tilespmem:s16+$0xC980]  }
0x202: {  	s9 =	sshra.s32 s9, $0x2;
	s14 =	sand.u32 $0xFFFFFFF8, s14;
	(v2sf) =	vpush v18, $0x4;
	v21 =	vld [tilespmem:s2+$0xCA00];
	s2 =	sadd.s32 s0, s10  }
0x203: {  	s4 =	sshra.s32 s4, $0x2;
	v8 =	vmax.f32 v8, v19;
	s10 =	sadd.s32 s0, s14;
	s14 =	sadd.s32 s0, s9;
	(v2sf) =	vpush v18, $0x1;
	v19 =	vld [tilespmem:s19+$0xC980]  }
0x204: {  	s8 =	sand.u32 $0xFFFFFFE0, s8;
	s9 =	sand.u32 $0xFFFFFFF8, s18;
	(v2sf) =	vpush v18, $0x3;
	v18 =	vld [tilespmem:s2+$0xCB00];
	s2 =	sadd.s32 s0, s4  }
0x205: {  	s8 =	sshra.s32 s8, $0x2;
	s5 =	sshra.s32 s5, $0x2;
	v10 =	vmax.f32 v10, v15;
	s4 =	sadd.s32 s0, s9;
	v15 =	vld [tilespmem:s2+$0xCB80]  }
0x206: {  	s2 =	sand.u32 $0xFFFFFFF8, s5;
	s5 =	sadd.s32 $0xC0, s3;
	v22 =	vld [tilespmem:s4+$0xC900];
	v10 =	vmax.f32 v10, v12;
	s4 =	sadd.s32 s0, s8  }
0x207: {  	v9 =	vmax.f32 v9, v16;
	s3 =	sshra.s32 s3, $0x2;
	s2 =	sadd.s32 s0, s2;
	s5 =	sand.u32 $0xFFFFFFE0, s5;
	v10 =	vmax.f32 v10, v17;
	v12 =	vld [tilespmem:s20+$0xCA80]  }
0x208: {  	p0 =	sne.s32 s6, $0xC000;
	v9 =	vmax.f32 v9, v19;
	v16 =	vld [tilespmem:s2+$0xCA80];
	s2 =	sand.u32 $0xFFFFFFF8, s3;
	s3 =	sshra.s32 s5, $0x2  }
0x209: {  	s6 =	sadd.s32 $0x1000, s6;
	v9 =	vmax.f32 v9, v20;
	v17 =	vld [tilespmem:s4+$0xCA80];
	s2 =	sadd.s32 s0, s2;
	s3 =	sadd.s32 s0, s3  }
0x20a: {  	v19 =	vmax.f32 v9, v11;
	v20 =	vld [tilespmem:s2+$0xCB00];
	s2 =	sand.u32 $0xFFFFFFE0, s1;
	s1 =	sadd.s32 $0xC0, s1  }
0x20b: {  	v6 =	vmax.f32 v7, v6;
	s7 =	sadd.s32 $0x8, s7;
	v7 =	vld [tilespmem:s3+$0xCB00];
	s2 =	sshra.s32 s2, $0x2;
	s3 =	sand.u32 $0xFFFFFFE0, s1  }
0x20c: {  	v6 =	vmax.f32 v6, v13;
	s1 =	spop (v2sf);
	v9 =	vld [tilespmem:s17+$0xC900];
	v10 =	vmax.f32 v10, v12;
	s2 =	sadd.s32 s0, s2;
	s4 =	sshra.s32 s3, $0x2  }
0x20d: {  	s3 =	spop (v2sf);
	v12 =	vld [tilespmem:s10+$0xCA00];
	v10 =	vmax.f32 v10, v18;
	s16 =	sadd.s32 s0, s4;
	s0 =	sshra.s32 s12, $0x2  }
0x20e: {  	v8 =	vmax.f32 v8, v22;
	s4 =	sadd.s32 $0x40, s3;
	s9 =	sadd.s32 $0x80, s3;
	s12 =	spop (v2sf);
	v13 =	vld [tilespmem:s13+$0xC980];
	v10 =	vmax.f32 v10, v15  }
0x20f: {  	s10 =	sand.u32 $0xFFFFFFE0, s4;
	s4 =	sadd.s32 $0x40, s1;
	s5 =	spop (v2sf);
	v15 =	vld [tilespmem:s11+$0xC980]  }
0x210: {  	s8 =	sadd.s32 $0xC0, s5;
	s4 =	sand.u32 $0xFFFFFFE0, s4;
	s17 =	spop (v2sf);
	v18 =	vld [tilespmem:s14+$0xCB00]  }
0x211: {  	s11 =	sshra.s32 s12, $0x2;
	s15 =	spop (v2sf)  }
0x212: {  	s14 =	sadd.s32 s0, s11;
	s12 =	sadd.s32 $0x80, s17;
	v6 =	vmax.f32 v6, v9;
	v22 =	vld [tilespmem:s16+$0xCB80];
	s16 =	sadd.s32 $0x40, s15  }
0x213: {  	s18 =	spop (v2sf);
	v23 =	vld [tilespmem:s2+$0xCB80];
	s19 =	sadd.s32 $0xC0, s15;
	s12 =	sand.u32 $0xFFFFFFE0, s12  }
0x214: {  	v11 =	vld [tilespmem:s14+$0xC810];
	s11 =	sshra.s32 s18, $0x2;
	s22 =	spop (v2sf);
	v6 =	vmax.f32 v6, v13;
	s2 =	sadd.s32 $0xC0, s18  }
0x215: {  	v9 =	vld [tilespmem:s14+$0xC820];
	s24 =	sadd.s32 $0x80, s22;
	v13 =	vmax.f32 v8, v15;
	v6 =	vmax.f32 v6, v21;
	s13 =	sand.u32 $0xFFFFFFE0, s2;
	s2 =	sadd.s32 $0x40, s17  }
0x216: {  	s20 =	sadd.s32 $0xC0, s22;
	v8 =	vld [tilespmem:s14+$0xC800];
	v12 =	vmax.f32 v13, v12;
	v13 =	vmax.f32 v6, v17;
	v15 =	vmax.f32 v19, v18;
	s21 =	sand.u32 $0xFFFFFFE0, s2  }
.Ltmp5:
0x217: {  	s2 =	sshra.s32 s12, $0x2;
	v6 =	vld [tilespmem:s14+$0xC830];
	s14 =	sadd.s32 $0x40, s18;
	v12 =	vmax.f32 v12, v16;
	v7 =	vmax.f32 v13, v7;
	v13 =	vmax.f32 v15, v14;
	(pc) =	sbr.rel @p0 .LBB2_12-.Ltmp5, $4  }
0x218: {  	s12 =	sand.u32 $0xFFFFFFE0, s14;
	s14 =	sadd.s32 $0x80, s18;
	s18 =	sshra.s32 s22, $0x2;
	v12 =	vmax.f32 v12, v20;
	v7 =	vmax.f32 v7, v22  }
0x219: {  	s25 =	sshra.s32 s21, $0x2;
	s23 =	sshra.s32 s12, $0x2;
	s12 =	sand.u32 $0xFFFFFFE0, s14;
	v12 =	vmax.f32 v12, v23  }
0x21a: {  	s16 =	sand.u32 $0xFFFFFFE0, s16;
	s14 =	sand.u32 $0xFFFFFFF8, s18;
	s21 =	sadd.s32 s0, s23  }
0x21b: {  	s18 =	sadd.s32 s0, s25;
	s23 =	sadd.s32 $0x40, s22;
	s22 =	sand.u32 $0xFFFFFFE0, s24  }
0x21c: {  	s6 =	sshra.s32 s12, $0x2;
	s7 =	sadd.s32 $0x80, s15  }
0x21d: {  	s2 =	sadd.s32 s0, s2;
	s28 =	sadd.s32 $0xC0, s17;
	s19 =	sand.u32 $0xFFFFFFE0, s19  }
0x21e: {  	s23 =	sand.u32 $0xFFFFFFE0, s23;
	s20 =	sand.u32 $0xFFFFFFE0, s20;
	s24 =	sadd.s32 $0x40, s5  }
0x21f: {  	s25 =	simm.s32 $0xC6D8;
	s29 =	sadd.s32 $0x80, s5;
	s22 =	sshra.s32 s22, $0x2  }
0x220: {  	s26 =	sadd.s32 $0x80, s1;
	s11 =	sand.u32 $0xFFFFFFF8, s11;
	s13 =	sshra.s32 s13, $0x2;
	v14 =	vld [tilespmem:s25+$0x0]  }
0x221: {  	v15 =	vld [tilespmem:s21+$0xC880];
	s21 =	sshra.s32 s17, $0x2;
	s16 =	sshra.s32 s16, $0x2;
	s10 =	sshra.s32 s10, $0x2  }
0x222: {  	s9 =	sand.u32 $0xFFFFFFE0, s9;
	s8 =	sand.u32 $0xFFFFFFE0, s8;
	s7 =	sand.u32 $0xFFFFFFE0, s7  }
0x223: {  	v20 =	vld [tilespmem:s18+$0xC900];
	s6 =	sadd.s32 s0, s6;
	s24 =	sand.u32 $0xFFFFFFE0, s24;
	s25 =	sand.u32 $0xFFFFFFE0, s29  }
0x224: {  	s12 =	sand.u32 $0xFFFFFFE0, s28;
	s31 =	sand.u32 $0xFFFFFFE0, s26;
	v16 =	vld [tilespmem:s2+$0xC900];
	s2 =	sshra.s32 s23, $0x2  }
0x225: {  	s28 =	sadd.s32 s0, s11;
	s13 =	sadd.s32 s0, s13;
	s23 =	sshra.s32 s19, $0x2;
	v17 =	vld [tilespmem:s6+$0xC880];
	v18 =	vshll.u32 v14, $0x2  }
0x226: {  	s11 =	sadd.s32 s0, s14;
	s10 =	sadd.s32 s0, s10;
	s9 =	sshra.s32 s9, $0x2;
	v21 =	vld [tilespmem:s28+$0xC880];
	(v2sf) =	vpush v18, $0x7  }
0x227: {  	s17 =	sand.u32 $0xFFFFFFF8, s21;
	s8 =	sshra.s32 s8, $0x2;
	s21 =	sadd.s32 $0xC0, s3;
	v23 =	vld [tilespmem:s13+$0xC880];
	(v2sf) =	vpush v18, $0x6  }
0x228: {  	s24 =	sshra.s32 s24, $0x2;
	s7 =	sshra.s32 s7, $0x2;
	s25 =	sshra.s32 s25, $0x2;
	v27 =	vld [tilespmem:s10+$0xCB00];
	(v2sf) =	vpush v18, $0x0  }
0x229: {  	v8 =	vmax.f32 v12, v8;
	s26 =	sshra.s32 s31, $0x2;
	s19 =	sadd.s32 s0, s23;
	s28 =	sadd.s32 s0, s16;
	v12 =	vld [tilespmem:s11+$0xC980];
	(v2sf) =	vpush v18, $0x5  }
0x22a: {  	s2 =	sadd.s32 s0, s2;
	s8 =	sadd.s32 s0, s8;
	s10 =	simm.s32 $0x1000;
	v24 =	vld [tilespmem:s28+$0xCA00];
	(v2sf) =	vpush v18, $0x2  }
0x22b: {  	s30 =	sadd.s32 s0, s25;
	s29 =	sadd.s32 s0, s26;
	s31 =	sadd.s32 s0, s7;
	v25 =	vld [tilespmem:s2+$0xC980];
	(v2sf) =	vpush v18, $0x4  }
0x22c: {  	s26 =	sshra.s32 s20, $0x2;
	s20 =	sshra.s32 s5, $0x2;
	s28 =	sadd.s32 $0xC0, s1;
	v19 =	vld [tilespmem:s30+$0xCA80]  }
0x22d: {  	s30 =	sshra.s32 s12, $0x2;
	s7 =	sadd.s32 s0, s26;
	v22 =	vld [tilespmem:s31+$0xCA00];
	s31 =	sshra.s32 s15, $0x2;
	(v2sf) =	vpush v18, $0x1  }
0x22e: {  	v61 =	vld [tilespmem:s19+$0xCA00];
	s15 =	sshra.s32 s4, $0x2;
	s4 =	sadd.s32 s0, s17;
	s5 =	sand.u32 $0xFFFFFFF8, s20;
	(v2sf) =	vpush v18, $0x3  }
0x22f: {  	v32 =	vld [tilespmem:s8+$0xCA80];
	s26 =	sand.u32 $0xFFFFFFE0, s1;
	s1 =	sand.u32 $0xFFFFFFE0, s28;
	s6 =	sadd.s32 s0, s30  }
0x230: {  	s30 =	sadd.s32 s0, s24;
	s12 =	sand.u32 $0xFFFFFFF8, s31;
	s2 =	sadd.s32 s0, s15;
	v29 =	vld [tilespmem:s4+$0xC900]  }
0x231: {  	v10 =	vmax.f32 v10, v11;
	s23 =	sadd.s32 s0, s5;
	s24 =	sand.u32 $0xFFFFFFE0, s21;
	s5 =	sshra.s32 s26, $0x2;
	v11 =	vld [tilespmem:s7+$0xC980]  }
0x232: {  	s1 =	sshra.s32 s1, $0x2;
	s15 =	simm.s32 $0xC6E0;
	v14 =	vld [tilespmem:s29+$0xCB80];
	s29 =	sadd.s32 s0, s22  }
0x233: {  	s13 =	sadd.s32 s0, s12;
	s12 =	sadd.s32 s0, s9;
	s22 =	sshra.s32 s3, $0x2;
	v28 =	vld [tilespmem:s2+$0xCB80]  }
0x234: {  	s25 =	sshra.s32 s24, $0x2;
	v30 =	vld [tilespmem:s30+$0xCA80];
	s30 =	sadd.s32 s0, s5;
	s3 =	sand.u32 $0xFFFFFFF8, s22  }
0x235: {  	s31 =	sadd.s32 s0, s1;
	v26 =	vld [tilespmem:s29+$0xC980];
	s3 =	sadd.s32 s0, s3;
	s1 =	spop (v2sf)  }
0x236: {  	s29 =	sadd.s32 s0, s25;
	s0 =	simm.s32 $0x0;
	v33 =	vld [tilespmem:s3+$0xCB00];
	s3 =	spop (v2sf)  }
0x237: {  	v35 =	vld [tilespmem:s6+$0xC900];
	s18 =	sadd.s32 $0x40, s1;
	s9 =	sadd.s32 $0x40, s3;
	s14 =	spop (v2sf)  }
0x238: {  	v9 =	vmax.f32 v13, v9;
	v6 =	vmax.f32 v7, v6;
	v10 =	vmax.f32 v10, v15;
	v31 =	vld [tilespmem:s23+$0xCA80];
	s5 =	sadd.s32 $0x80, s3;
	s8 =	sand.u32 $0xFFFFFFE0, s18;
	s6 =	spop (v2sf)  }
0x239: {  	v10 =	vmax.f32 v10, v20;
	v9 =	vmax.f32 v9, v17;
	v8 =	vmax.f32 v8, v21;
	v13 =	vld [tilespmem:s13+$0xCA00];
	s9 =	sand.u32 $0xFFFFFFE0, s9;
	s20 =	sshra.s32 s14, $0x2;
	s17 =	spop (v2sf)  }
0x23a: {  	v7 =	vld [tilespmem:s12+$0xCB00];
	v6 =	vmax.f32 v6, v23;
	v9 =	vmax.f32 v9, v16;
	v10 =	vmax.f32 v10, v25;
	s7 =	sadd.s32 $0xC0, s6;
	s2 =	sadd.s32 $0x0, s20;
	s4 =	spop (v2sf)  }
0x23b: {  	v34 =	vld [tilespmem:s29+$0xCB00];
	v10 =	vmax.f32 v10, v24;
	v8 =	vmax.f32 v8, v29;
	v9 =	vmax.f32 v9, v26;
	s21 =	sadd.s32 $0x80, s17;
	s28 =	sadd.s32 $0x40, s17;
	s20 =	sadd.s32 $0x40, s4  }
0x23c: {  	v15 =	vld [tilespmem:s31+$0xCB80];
	v6 =	vmax.f32 v6, v35;
	v8 =	vmax.f32 v8, v12;
	v9 =	vmax.f32 v9, v22;
	s22 =	spop (v2sf);
	s18 =	sadd.s32 $0xC0, s4;
	s26 =	sand.u32 $0xFFFFFFE0, s21  }
0x23d: {  	v63 =	vld [tilespmem:s30+$0xCB80];
	v6 =	vmax.f32 v6, v11;
	v62 =	vmax.f32 v9, v19;
	v9 =	vmax.f32 v10, v30;
	s12 =	sand.u32 $0xFFFFFFE0, s28;
	s14 =	sshra.s32 s22, $0x2;
	s24 =	spop (v2sf)  }
0x23e: {  	v8 =	vmax.f32 v8, v13;
	v6 =	vmax.f32 v6, v61;
	v9 =	vmax.f32 v9, v27;
	v12 =	vld [tilespmem:s2+$0xFC10];
	s23 =	sadd.s32 $0xC0, s22;
	s29 =	sadd.s32 $0x40, s22;
	s13 =	sshra.s32 s26, $0x2  }
0x23f: {  	v8 =	vmax.f32 v8, v31;
	v6 =	vmax.f32 v6, v32;
	v10 =	vmax.f32 v9, v28;
	v9 =	vld [tilespmem:s2+$0xFC20];
	s21 =	sadd.s32 $0x80, s22;
	s31 =	sshra.s32 s12, $0x2;
	s25 =	sadd.s32 $0x80, s24  }
0x240: {  	v11 =	vmax.f32 v8, v33;
	v7 =	vmax.f32 v62, v7;
	v6 =	vmax.f32 v6, v34;
	v8 =	vld [tilespmem:s2+$0xFC00];
	s11 =	sand.u32 $0xFFFFFFE0, s23;
	s16 =	sadd.s32 $0xC0, s24;
	s19 =	sand.u32 $0xFFFFFFE0, s29  }
0x241: {  	v13 =	vmax.f32 v7, v14;
	v7 =	vmax.f32 v6, v15;
	v6 =	vld [tilespmem:s2+$0xFC30];
	s30 =	sshra.s32 s24, $0x2;
	s23 =	sand.u32 $0xFFFFFFE0, s21;
	s2 =	sadd.s32 $0x40, s24  }
0x242: {  	s19 =	sshra.s32 s19, $0x2;
	s12 =	sand.u32 $0xFFFFFFF8, s30;
	s21 =	sand.u32 $0xFFFFFFE0, s25  }
0x243: {  	v11 =	vmax.f32 v11, v63;
	s22 =	sadd.s32 $0x0, s19;
	s19 =	sand.u32 $0xFFFFFFE0, s20;
	s20 =	sadd.s32 $0x0, s31  }
.LBB2_14:
0x244: {  	s23 =	sshra.s32 s23, $0x2  }
0x245: {  	s24 =	sadd.s32 s0, s13;
	s25 =	sadd.s32 $0x80, s4;
	s13 =	smov.u32 s10  }
0x246: {  	s26 =	sadd.s32 $0xC0, s17;
	s18 =	sand.u32 $0xFFFFFFE0, s18;
	s25 =	sand.u32 $0xFFFFFFE0, s25  }
0x247: {  	s2 =	sand.u32 $0xFFFFFFE0, s2;
	s16 =	sand.u32 $0xFFFFFFE0, s16;
	s28 =	sadd.s32 $0x40, s6;
	v14 =	vld [tilespmem:s15+$0x0]  }
0x248: {  	v15 =	vld [tilespmem:s22+$0xFC80];
	s22 =	sadd.s32 s0, s23;
	s23 =	sand.u32 $0xFFFFFFE0, s28;
	s28 =	sadd.s32 $0x80, s6  }
0x249: {  	s21 =	sshra.s32 s21, $0x2;
	s23 =	sshra.s32 s23, $0x2;
	s28 =	sand.u32 $0xFFFFFFE0, s28  }
0x24a: {  	v16 =	vld [tilespmem:s24+$0xFD00];
	s24 =	sshra.s32 s25, $0x2;
	s25 =	sshra.s32 s28, $0x2;
	s28 =	sadd.s32 $0x80, s1  }
0x24b: {  	v17 =	vld [tilespmem:s22+$0xFC80];
	s22 =	sand.u32 $0xFFFFFFE0, s26;
	s25 =	sadd.s32 s0, s25;
	s26 =	sand.u32 $0xFFFFFFE0, s28  }
0x24c: {  	v10 =	vmax.f32 v10, v12;
	s14 =	sand.u32 $0xFFFFFFF8, s14;
	s2 =	sshra.s32 s2, $0x2;
	v12 =	vld [tilespmem:s25+$0xFE80];
	s25 =	sshra.s32 s26, $0x2  }
0x24d: {  	s11 =	sshra.s32 s11, $0x2;
	s14 =	sadd.s32 s0, s14;
	v10 =	vmax.f32 v10, v15;
	v15 =	vld [tilespmem:s20+$0xFD00];
	s20 =	sadd.s32 s0, s25  }
0x24e: {  	s11 =	sadd.s32 s0, s11;
	s24 =	sadd.s32 s0, s24;
	v18 =	vshll.u32 v14, $0x2;
	s22 =	sshra.s32 s22, $0x2;
	v14 =	vld [tilespmem:s20+$0xFF80]  }
0x24f: {  	s17 =	sshra.s32 s17, $0x2;
	s18 =	sshra.s32 s18, $0x2;
	(v2sf) =	vpush v18, $0x7;
	v19 =	vld [tilespmem:s14+$0xFC80];
	s14 =	sadd.s32 s0, s22  }
0x250: {  	s19 =	sshra.s32 s19, $0x2;
	s16 =	sshra.s32 s16, $0x2;
	s18 =	sadd.s32 s0, s18;
	(v2sf) =	vpush v18, $0x6;
	v20 =	vld [tilespmem:s24+$0xFE00]  }
0x251: {  	v9 =	vmax.f32 v13, v9;
	(v2sf) =	vpush v18, $0x0;
	v13 =	vld [tilespmem:s11+$0xFC80];
	s11 =	sadd.s32 s0, s12;
	s12 =	sadd.s32 s0, s16;
	s16 =	sadd.s32 s0, s19  }
0x252: {  	s2 =	sadd.s32 s0, s2;
	v9 =	vmax.f32 v9, v17;
	s19 =	sadd.s32 s0, s21;
	(v2sf) =	vpush v18, $0x5;
	v17 =	vld [tilespmem:s16+$0xFE00];
	s16 =	sadd.s32 s0, s23  }
0x253: {  	v8 =	vmax.f32 v11, v8;
	s5 =	sand.u32 $0xFFFFFFE0, s5;
	(v2sf) =	vpush v18, $0x2;
	v11 =	vld [tilespmem:s2+$0xFD80];
	s2 =	sshra.s32 s4, $0x2;
	s4 =	sshra.s32 s9, $0x2  }
0x254: {  	(v2sf) =	vpush v18, $0x4;
	s2 =	sand.u32 $0xFFFFFFF8, s2;
	v21 =	vld [tilespmem:s18+$0xFE00];
	s9 =	sadd.s32 s0, s4;
	s4 =	sshra.s32 s5, $0x2  }
0x255: {  	v8 =	vmax.f32 v8, v19;
	s5 =	sshra.s32 s8, $0x2;
	(v2sf) =	vpush v18, $0x1;
	v19 =	vld [tilespmem:s19+$0xFD80];
	s2 =	sadd.s32 s0, s2;
	s4 =	sadd.s32 s0, s4  }
0x256: {  	s7 =	sand.u32 $0xFFFFFFE0, s7;
	s8 =	sand.u32 $0xFFFFFFF8, s17;
	s5 =	sadd.s32 s0, s5;
	(v2sf) =	vpush v18, $0x3;
	v18 =	vld [tilespmem:s9+$0xFF00]  }
0x257: {  	s7 =	sshra.s32 s7, $0x2;
	s6 =	sshra.s32 s6, $0x2;
	v10 =	vmax.f32 v10, v15;
	s8 =	sadd.s32 s0, s8;
	v15 =	vld [tilespmem:s5+$0xFF80]  }
0x258: {  	s5 =	sand.u32 $0xFFFFFFF8, s6;
	s6 =	sadd.s32 s0, s7;
	s7 =	sadd.s32 $0xC0, s3;
	v22 =	vld [tilespmem:s8+$0xFD00];
	v10 =	vmax.f32 v10, v11  }
0x259: {  	v9 =	vmax.f32 v9, v16;
	s3 =	sshra.s32 s3, $0x2;
	s5 =	sadd.s32 s0, s5;
	s7 =	sand.u32 $0xFFFFFFE0, s7;
	v10 =	vmax.f32 v10, v17;
	v11 =	vld [tilespmem:s16+$0xFE80]  }
0x25a: {  	p0 =	sne.s32 s10, $0xB000;
	s3 =	sand.u32 $0xFFFFFFF8, s3;
	v9 =	vmax.f32 v9, v19;
	v16 =	vld [tilespmem:s5+$0xFE80];
	s5 =	sshra.s32 s7, $0x2  }
0x25b: {  	s10 =	sadd.s32 $0x1000, s10;
	s3 =	sadd.s32 s0, s3;
	v9 =	vmax.f32 v9, v20;
	v17 =	vld [tilespmem:s6+$0xFE80];
	s5 =	sadd.s32 s0, s5  }
0x25c: {  	v19 =	vmax.f32 v9, v12;
	v20 =	vld [tilespmem:s3+$0xFF00];
	s3 =	sand.u32 $0xFFFFFFE0, s1;
	s1 =	sadd.s32 $0xC0, s1  }
0x25d: {  	v6 =	vmax.f32 v7, v6;
	s15 =	sadd.s32 $0x8, s15;
	v7 =	vld [tilespmem:s5+$0xFF00];
	s3 =	sshra.s32 s3, $0x2;
	s5 =	sand.u32 $0xFFFFFFE0, s1  }
0x25e: {  	v6 =	vmax.f32 v6, v13;
	s1 =	spop (v2sf);
	v9 =	vld [tilespmem:s14+$0xFD00];
	v10 =	vmax.f32 v10, v11;
	s14 =	sadd.s32 s0, s3;
	s5 =	sshra.s32 s5, $0x2  }
0x25f: {  	s3 =	spop (v2sf)  }
0x260: {  	v11 =	vld [tilespmem:s2+$0xFE00];
	v10 =	vmax.f32 v10, v18;
	s2 =	sadd.s32 s0, s5;
	s0 =	sshra.s32 s13, $0x2;
	s8 =	sadd.s32 $0x40, s1  }
0x261: {  	v8 =	vmax.f32 v8, v22;
	s6 =	sadd.s32 $0x40, s3;
	s5 =	sadd.s32 $0x80, s3;
	s13 =	spop (v2sf);
	v13 =	vld [tilespmem:s12+$0xFD80];
	v10 =	vmax.f32 v10, v15  }
0x262: {  	s8 =	sand.u32 $0xFFFFFFE0, s8;
	s9 =	sand.u32 $0xFFFFFFE0, s6;
	s6 =	spop (v2sf);
	v15 =	vld [tilespmem:s11+$0xFD80]  }
0x263: {  	s11 =	sshra.s32 s13, $0x2;
	s7 =	sadd.s32 $0xC0, s6;
	s17 =	spop (v2sf);
	v18 =	vld [tilespmem:s4+$0xFF00]  }
0x264: {  	s12 =	sadd.s32 $0x80, s17;
	s4 =	spop (v2sf);
	v6 =	vmax.f32 v6, v9;
	v22 =	vld [tilespmem:s2+$0xFF80];
	s2 =	sadd.s32 s0, s11  }
0x265: {  	s13 =	sadd.s32 $0x40, s17;
	s19 =	sadd.s32 $0x40, s4;
	s20 =	spop (v2sf);
	v23 =	vld [tilespmem:s14+$0xFF80]  }
0x266: {  	s18 =	sadd.s32 $0xC0, s4;
	v12 =	vld [tilespmem:s2+$0xFC10];
	s14 =	sshra.s32 s20, $0x2;
	s21 =	spop (v2sf);
	v6 =	vmax.f32 v6, v13  }
0x267: {  	s12 =	sand.u32 $0xFFFFFFE0, s12;
	s11 =	sadd.s32 $0xC0, s20;
	v9 =	vld [tilespmem:s2+$0xFC20];
	s24 =	sadd.s32 $0x80, s21;
	v13 =	vmax.f32 v8, v15;
	v6 =	vmax.f32 v6, v21  }
0x268: {  	s22 =	sand.u32 $0xFFFFFFE0, s13;
	s11 =	sand.u32 $0xFFFFFFE0, s11;
	s16 =	sadd.s32 $0xC0, s21;
	v8 =	vld [tilespmem:s2+$0xFC00];
	v11 =	vmax.f32 v13, v11;
	v13 =	vmax.f32 v6, v17;
	v15 =	vmax.f32 v19, v18  }
.Ltmp6:
0x269: {  	s13 =	sshra.s32 s12, $0x2;
	v6 =	vld [tilespmem:s2+$0xFC30];
	s2 =	sadd.s32 $0x40, s20;
	v11 =	vmax.f32 v11, v16;
	v7 =	vmax.f32 v13, v7;
	v13 =	vmax.f32 v15, v14;
	(pc) =	sbr.rel @p0 .LBB2_14-.Ltmp6, $4  }
0x26a: {  	s12 =	sadd.s32 $0x80, s20;
	s20 =	sshra.s32 s21, $0x2;
	s2 =	sand.u32 $0xFFFFFFE0, s2;
	v11 =	vmax.f32 v11, v20;
	v7 =	vmax.f32 v7, v22  }
0x26b: {  	s25 =	sshra.s32 s22, $0x2;
	s23 =	sand.u32 $0xFFFFFFE0, s12;
	s2 =	sshra.s32 s2, $0x2;
	v11 =	vmax.f32 v11, v23  }
0x26c: {  	s19 =	sand.u32 $0xFFFFFFE0, s19;
	s12 =	sand.u32 $0xFFFFFFF8, s20;
	s22 =	sadd.s32 s0, s2  }
0x26d: {  	s20 =	sadd.s32 s0, s25;
	s2 =	sadd.s32 $0x40, s21;
	s21 =	sand.u32 $0xFFFFFFE0, s24  }
0x26e: {  	s10 =	sadd.s32 $0x80, s6;
	v14 =	vld [tilespmem:s22+$0xFC80]  }
0x26f: {  	s15 =	sshra.s32 s23, $0x2;
	s13 =	sadd.s32 s0, s13;
	s31 =	sadd.s32 $0x80, s1;
	v18 =	vld [tilespmem:s20+$0xFD00]  }
0x270: {  	s22 =	sadd.s32 $0x80, s4;
	s14 =	sand.u32 $0xFFFFFFF8, s14;
	s15 =	sadd.s32 s0, s15;
	v15 =	vld [tilespmem:s13+$0xFD00]  }
0x271: {  	s25 =	sshra.s32 s11, $0x2;
	s28 =	sshra.s32 s19, $0x2;
	s14 =	sadd.s32 s0, s14;
	v16 =	vld [tilespmem:s15+$0xFC80]  }
0x272: {  	s2 =	sand.u32 $0xFFFFFFE0, s2;
	s9 =	sshra.s32 s9, $0x2;
	s30 =	sadd.s32 s0, s28;
	v20 =	vld [tilespmem:s14+$0xFC80]  }
0x273: {  	s29 =	sand.u32 $0xFFFFFFE0, s18;
	s8 =	sshra.s32 s8, $0x2;
	s9 =	sadd.s32 s0, s9;
	v23 =	vld [tilespmem:s30+$0xFE00]  }
0x274: {  	s7 =	sand.u32 $0xFFFFFFE0, s7;
	s2 =	sshra.s32 s2, $0x2;
	s8 =	sadd.s32 s0, s8;
	v27 =	vld [tilespmem:s9+$0xFF00]  }
0x275: {  	s10 =	sand.u32 $0xFFFFFFE0, s10;
	s11 =	sshra.s32 s29, $0x2;
	s2 =	sadd.s32 s0, s2;
	v28 =	vld [tilespmem:s8+$0xFF80]  }
0x276: {  	s13 =	sand.u32 $0xFFFFFFE0, s31;
	s7 =	sshra.s32 s7, $0x2;
	s11 =	sadd.s32 s0, s11;
	v24 =	vld [tilespmem:s2+$0xFD80]  }
0x277: {  	s24 =	sand.u32 $0xFFFFFFE0, s22;
	s10 =	sshra.s32 s10, $0x2;
	s7 =	sadd.s32 s0, s7;
	v25 =	vld [tilespmem:s11+$0xFE00]  }
0x278: {  	s23 =	sshra.s32 s13, $0x2;
	s13 =	sshra.s32 s24, $0x2;
	s10 =	sadd.s32 s0, s10;
	v32 =	vld [tilespmem:s7+$0xFE80]  }
0x279: {  	s19 =	sshra.s32 s6, $0x2;
	s14 =	sshra.s32 s21, $0x2;
	s26 =	sadd.s32 s0, s13;
	v17 =	vld [tilespmem:s10+$0xFE80]  }
0x27a: {  	s15 =	sadd.s32 $0x40, s6;
	s6 =	sand.u32 $0xFFFFFFF8, s19;
	s13 =	sadd.s32 s0, s14;
	v21 =	vld [tilespmem:s26+$0xFE00]  }
0x27b: {  	s31 =	sadd.s32 $0xC0, s17;
	s17 =	sshra.s32 s17, $0x2;
	s6 =	sadd.s32 s0, s6;
	v26 =	vld [tilespmem:s13+$0xFD80]  }
0x27c: {  	s21 =	sand.u32 $0xFFFFFFE0, s31;
	s11 =	sand.u32 $0xFFFFFFF8, s17;
	s10 =	sadd.s32 s0, s23;
	v31 =	vld [tilespmem:s6+$0xFE80]  }
0x27d: {  	s24 =	sshra.s32 s4, $0x2;
	s8 =	sshra.s32 s21, $0x2;
	s18 =	sadd.s32 s0, s11;
	v19 =	vld [tilespmem:s10+$0xFF80]  }
0x27e: {  	s4 =	sand.u32 $0xFFFFFFF8, s24;
	s23 =	sadd.s32 s0, s8;
	v29 =	vld [tilespmem:s18+$0xFD00]  }
0x27f: {  	v10 =	vmax.f32 v10, v12;
	s2 =	sand.u32 $0xFFFFFFE0, s15;
	s4 =	sadd.s32 s0, s4;
	v12 =	vld [tilespmem:s23+$0xFD00]  }
0x280: {  	s20 =	sshra.s32 s3, $0x2;
	s2 =	sshra.s32 s2, $0x2;
	s10 =	sadd.s32 s0, s25;
	v10 =	vmax.f32 v10, v14;
	v14 =	vld [tilespmem:s4+$0xFE00]  }
0x281: {  	s5 =	sand.u32 $0xFFFFFFE0, s5;
	s22 =	sand.u32 $0xFFFFFFE0, s16;
	s2 =	sadd.s32 s0, s2;
	v22 =	vld [tilespmem:s10+$0xFC80]  }
0x282: {  	s5 =	sshra.s32 s5, $0x2;
	s6 =	sshra.s32 s22, $0x2;
	s25 =	sadd.s32 s0, s12;
	v30 =	vld [tilespmem:s2+$0xFE80]  }
0x283: {  	v9 =	vmax.f32 v13, v9;
	s28 =	sadd.s32 $0xC0, s3;
	s6 =	sadd.s32 s0, s6;
	s2 =	sand.u32 $0xFFFFFFF8, s20;
	v13 =	vld [tilespmem:s25+$0xFD80]  }
0x284: {  	v8 =	vmax.f32 v11, v8;
	s29 =	sand.u32 $0xFFFFFFE0, s1;
	s3 =	sand.u32 $0xFFFFFFE0, s28;
	v11 =	vld [tilespmem:s6+$0xFD80];
	s2 =	sadd.s32 s0, s2;
	v9 =	vmax.f32 v9, v16  }
0x285: {  	v6 =	vmax.f32 v7, v6;
	s30 =	sadd.s32 $0xC0, s1;
	s31 =	sshra.s32 s29, $0x2;
	s26 =	sadd.s32 s0, s5;
	v10 =	vmax.f32 v10, v18;
	v33 =	vld [tilespmem:s2+$0xFF00];
	v9 =	vmax.f32 v9, v15  }
0x286: {  	s3 =	sshra.s32 s3, $0x2;
	s1 =	sand.u32 $0xFFFFFFE0, s30;
	s4 =	sadd.s32 s0, s31;
	v8 =	vmax.f32 v8, v20;
	v10 =	vmax.f32 v10, v24;
	v15 =	vld [tilespmem:s26+$0xFF00];
	v9 =	vmax.f32 v9, v26  }
0x287: {  	s3 =	sadd.s32 s0, s3;
	s1 =	sshra.s32 s1, $0x2;
	v10 =	vmax.f32 v10, v23;
	v9 =	vmax.f32 v9, v21;
	v7 =	vmax.f32 v8, v29;
	v8 =	vld [tilespmem:s4+$0xFF80]  }
0x288: {  	s5 =	sadd.s32 s0, s1;
	v9 =	vmax.f32 v9, v17;
	v6 =	vmax.f32 v6, v22;
	v7 =	vmax.f32 v7, v13;
	v13 =	vld [tilespmem:s3+$0xFF00]  }
0x289: {  	v10 =	vmax.f32 v10, v30;
	v6 =	vmax.f32 v6, v12;
	v12 =	vld [tilespmem:s5+$0xFF80];
	v7 =	vmax.f32 v7, v14  }
0x28a: {  	v10 =	vmax.f32 v10, v27;
	v6 =	vmax.f32 v6, v11;
	v7 =	vmax.f32 v7, v31  }
0x28b: {  	v10 =	vmax.f32 v10, v28;
	v6 =	vmax.f32 v6, v25;
	v7 =	vmax.f32 v7, v33  }
0x28c: {  	v9 =	vmax.f32 v9, v15;
	v6 =	vmax.f32 v6, v32;
	v7 =	vmax.f32 v7, v8  }
0x28d: {  	v8 =	vmax.f32 v9, v19;
	v6 =	vmax.f32 v6, v13;
	v9 =	vshrl.u32 v7, $0x10  }
0x28e: {  	v11 =	vshrl.u32 v10, $0x10;
	v6 =	vmax.f32 v6, v12;
	v9 =	vand.u32 $0x1, v9  }
0x28f: {  	v7 =	vadd.s32 v9, v7;
	v9 =	vand.u32 $0x1, v11;
	v11 =	vshrl.u32 v8, $0x10  }
0x290: {  	v7 =	vadd.s32 $0x7FFF, v7;
	v9 =	vadd.s32 v9, v10;
	v10 =	vand.u32 $0x1, v11  }
0x291: {  	v7 =	vand.u32 $0xFFFF0000, v7;
	v9 =	vadd.s32 $0x7FFF, v9;
	v8 =	vadd.s32 v10, v8  }
0x292: {  	v10 =	vshrl.u32 v6, $0x10;
	v9 =	vand.u32 $0xFFFF0000, v9;
	v8 =	vadd.s32 $0x7FFF, v8  }
0x293: {  	v10 =	vand.u32 $0x1, v10;
	v7 =	vmul.f32 v7, v4;
	v9 =	vmul.f32 v9, v5  }
0x294: {  	v8 =	vand.u32 $0xFFFF0000, v8;
	v6 =	vadd.s32 v10, v6  }
0x295: {  	v6 =	vadd.s32 $0x7FFF, v6;
	v8 =	vmul.f32 v8, v3;
	v7 =	vadd.f32 v9, v7  }
0x296: {  	v6 =	vand.u32 $0xFFFF0000, v6  }
0x297: {  	v6 =	vmul.f32 v6, v2;
	v7 =	vadd.f32 v8, v7;
	_ =	sdelay $0x1  }
0x298: {  	v6 =	vadd.f32 v6, v7;
	_ =	sdelay $0x1  }
0x299: {  	(xrf2) =	vadd.scan.msk.f32 $0xffff, v6;
	_ =	sdelay $0x9  }
0x29a: {  	v6, _, _ =	vpop (xrf2)  }
0x29b: {  	(v2sf) =	vpush v6, $0xF;
	_ =	sdelay $0xe  }
0x29c: {  	s7 =	rddreg [dreg:$0xb];
	s6 =	spop (v2sf)  }
0x29d: {  	s0 =	sadd.f32 s6, s7;
	_ =	sdelay $0x1  }
0x29e: {  	s8 =	simm.s32 $0x19080;
	v6 =	vmov s0  }
0x29f: {  	s9 =	simm.s32 $0x3;
	[tilespmem:v0+s8+$0x0] =	vst.idx.msk $0x1, v6  }
0x2a0: {  	_ =	swait.ge [sflag:s9], $0x3400  }
0x2a1: {  	[sflag:s9] =	ssyncset.done $0x0  }
0x2a2: {  	s10 =	simm.s32 $0x4;
	[sflag:s9] =	ssyncadd.s32 $0xFFFFCC00  }
0x2a3: {  	_ =	swait.ge [sflag:s10], $0x3000  }
0x2a4: {  	[sflag:s10] =	ssyncset.done $0x0  }
0x2a5: {  	s11 =	simm.s32 $0xC738;
	[sflag:s10] =	ssyncadd.s32 $0xFFFFD000  }
0x2a6: {  	v6 =	vld [tilespmem:s11+$0x0];
	_ =	sdelay $0x4  }
0x2a7: {  	v6 =	vshll.u32 v6, $0x2  }
0x2a8: {  	(v2sf) =	vpush v6, $0x5  }
0x2a9: {  	(v2sf) =	vpush v6, $0x7  }
0x2aa: {  	(v2sf) =	vpush v6, $0x6  }
0x2ab: {  	(v2sf) =	vpush v6, $0x4  }
0x2ac: {  	(v2sf) =	vpush v6, $0x1  }
0x2ad: {  	(v2sf) =	vpush v6, $0x2;
	_ =	sdelay $0x1  }
0x2ae: {  	(v2sf) =	vpush v6, $0x0;
	_ =	sdelay $0x2  }
0x2af: {  	(v2sf) =	vpush v6, $0x3;
	_ =	sdelay $0x3  }
0x2b0: {  	s6 =	simm.s32 $0x1000  }
0x2b1: {  	s0 =	simm.s32 $0x0;
	s8 =	simm.s32 $0xC740;
	s16 =	spop (v2sf)  }
0x2b2: {  	s3 =	sadd.s32 $0x40, s16;
	s12 =	sadd.s32 $0xC0, s16;
	s1 =	spop (v2sf)  }
0x2b3: {  	s7 =	sadd.s32 $0x80, s16;
	s14 =	sand.u32 $0xFFFFFFE0, s12;
	s5 =	spop (v2sf)  }
0x2b4: {  	s18 =	sadd.s32 $0xC0, s1;
	s9 =	sshra.s32 s5, $0x2;
	s4 =	spop (v2sf)  }
0x2b5: {  	s15 =	sshra.s32 s4, $0x2;
	s13 =	sadd.s32 $0xC0, s4;
	s17 =	spop (v2sf)  }
0x2b6: {  	s22 =	sshra.s32 s17, $0x2;
	s13 =	sand.u32 $0xFFFFFFE0, s13;
	s21 =	spop (v2sf)  }
0x2b7: {  	s23 =	sadd.s32 $0x40, s17;
	s29 =	sadd.s32 $0x80, s17;
	s11 =	sadd.s32 $0xC0, s17  }
0x2b8: {  	s19 =	sadd.s32 $0xC0, s21;
	s26 =	spop (v2sf);
	s20 =	sshra.s32 s21, $0x2  }
0x2b9: {  	s10 =	sadd.s32 $0x80, s21;
	s24 =	sand.u32 $0xFFFFFFF8, s22;
	s28 =	sshra.s32 s26, $0x2  }
0x2ba: {  	s25 =	sand.u32 $0xFFFFFFE0, s29;
	s22 =	sand.u32 $0xFFFFFFE0, s11;
	s17 =	sadd.s32 $0x0, s28  }
0x2bb: {  	s30 =	sand.u32 $0xFFFFFFE0, s23;
	s23 =	spop (v2sf);
	s12 =	sadd.s32 $0x12C00, s17;
	v12 =	vld [tilespmem:s17+$0x12C00]  }
0x2bc: {  	v9 =	vimm.f32 $-Inf;
	s2 =	sadd.s32 $0x0, s24;
	s24 =	sshra.s32 s25, $0x2;
	s31 =	sadd.s32 $0x40, s23;
	v10 =	vld [tilespmem:s12+$0x10]  }
0x2bd: {  	v8 =	vimm.f32 $-Inf;
	v7 =	vimm.f32 $-Inf;
	v6 =	vimm.f32 $-Inf;
	s25 =	sshra.s32 s30, $0x2;
	s11 =	sadd.s32 $0x80, s23;
	s17 =	sand.u32 $0xFFFFFFE0, s31;
	v11 =	vld [tilespmem:s12+$0x20]  }
.LBB2_16:
0x2be: {  	s25 =	sadd.s32 s0, s25  }
0x2bf: {  	v13 =	vld [tilespmem:s12+$0x30];
	s26 =	sshra.s32 s23, $0x2;
	s23 =	sadd.s32 $0xC0, s23;
	s12 =	smov.u32 s6  }
0x2c0: {  	s21 =	sadd.s32 $0x40, s21;
	v14 =	vld [tilespmem:s2+$0x12C80];
	s2 =	sadd.s32 s0, s24;
	s23 =	sand.u32 $0xFFFFFFE0, s23  }
0x2c1: {  	s22 =	sshra.s32 s22, $0x2;
	s21 =	sand.u32 $0xFFFFFFE0, s21;
	v15 =	vld [tilespmem:s8+$0x0];
	s23 =	sshra.s32 s23, $0x2  }
0x2c2: {  	s22 =	sadd.s32 s0, s22;
	s21 =	sshra.s32 s21, $0x2;
	v16 =	vld [tilespmem:s25+$0x12C80];
	s23 =	sadd.s32 s0, s23  }
0x2c3: {  	s16 =	sshra.s32 s16, $0x2;
	s18 =	sand.u32 $0xFFFFFFE0, s18;
	s21 =	sadd.s32 s0, s21;
	v17 =	vld [tilespmem:s23+$0x12D80]  }
0x2c4: {  	s18 =	sshra.s32 s18, $0x2;
	v18 =	vld [tilespmem:s2+$0x12C80];
	s2 =	sand.u32 $0xFFFFFFE0, s19;
	s19 =	sand.u32 $0xFFFFFFF8, s26  }
0x2c5: {  	s20 =	sand.u32 $0xFFFFFFF8, s20;
	s18 =	sadd.s32 s0, s18;
	v19 =	vld [tilespmem:s21+$0x12D00];
	s19 =	sadd.s32 s0, s19  }
0x2c6: {  	s14 =	sshra.s32 s14, $0x2;
	s16 =	sand.u32 $0xFFFFFFF8, s16;
	s2 =	sshra.s32 s2, $0x2;
	v20 =	vld [tilespmem:s22+$0x12C80]  }
0x2c7: {  	s20 =	sadd.s32 s0, s20;
	s16 =	sadd.s32 s0, s16;
	s2 =	sadd.s32 s0, s2;
	v21 =	vld [tilespmem:s19+$0x12D80]  }
0x2c8: {  	s15 =	sand.u32 $0xFFFFFFF8, s15;
	s13 =	sshra.s32 s13, $0x2;
	s14 =	sadd.s32 s0, s14;
	v6 =	vmax.f32 v6, v12;
	v7 =	vmax.f32 v7, v13;
	v12 =	vld [tilespmem:s20+$0x12D00]  }
0x2c9: {  	s15 =	sadd.s32 s0, s15;
	s13 =	sadd.s32 s0, s13;
	v6 =	vmax.f32 v6, v14;
	v13 =	vld [tilespmem:s16+$0x12E80];
	s16 =	sadd.s32 $0xC0, s5  }
0x2ca: {  	v14 =	vshll.u32 v15, $0x2;
	v15 =	vld [tilespmem:s2+$0x12D00];
	s2 =	sand.u32 $0xFFFFFFF8, s9;
	s9 =	sand.u32 $0xFFFFFFE0, s16;
	s16 =	sand.u32 $0xFFFFFFE0, s1  }
0x2cb: {  	(v2sf) =	vpush v14, $0x5;
	v22 =	vld [tilespmem:s14+$0x12E80];
	s2 =	sadd.s32 s0, s2;
	s9 =	sshra.s32 s9, $0x2;
	s14 =	sshra.s32 s16, $0x2  }
0x2cc: {  	s10 =	sand.u32 $0xFFFFFFE0, s10;
	s11 =	sand.u32 $0xFFFFFFE0, s11;
	v9 =	vmax.f32 v9, v11;
	v7 =	vmax.f32 v7, v20;
	(v2sf) =	vpush v14, $0x7;
	v11 =	vld [tilespmem:s15+$0x12E00];
	s9 =	sadd.s32 s0, s9  }
0x2cd: {  	s10 =	sshra.s32 s10, $0x2;
	s11 =	sshra.s32 s11, $0x2;
	v8 =	vmax.f32 v8, v10;
	s15 =	sshra.s32 s17, $0x2;
	(v2sf) =	vpush v14, $0x6;
	v6 =	vmax.f32 v6, v12;
	v10 =	vld [tilespmem:s18+$0x12F80]  }
0x2ce: {  	s11 =	sadd.s32 s0, s11;
	v8 =	vmax.f32 v8, v16;
	s15 =	sadd.s32 s0, s15;
	(v2sf) =	vpush v14, $0x4;
	v6 =	vmax.f32 v6, v21;
	v12 =	vld [tilespmem:s2+$0x12F00];
	s2 =	sadd.s32 s0, s14  }
0x2cf: {  	s10 =	sadd.s32 s0, s10;
	v8 =	vmax.f32 v8, v19;
	s14 =	sadd.s32 $0x40, s4;
	s4 =	sadd.s32 $0x80, s4;
	(v2sf) =	vpush v14, $0x1;
	v7 =	vmax.f32 v7, v15;
	v15 =	vld [tilespmem:s9+$0x12F00]  }
0x2d0: {  	s7 =	sand.u32 $0xFFFFFFE0, s7;
	s9 =	sand.u32 $0xFFFFFFE0, s14;
	s4 =	sand.u32 $0xFFFFFFE0, s4;
	(v2sf) =	vpush v14, $0x2;
	v7 =	vmax.f32 v7, v17;
	v16 =	vld [tilespmem:s13+$0x12E00]  }
0x2d1: {  	s7 =	sshra.s32 s7, $0x2;
	s9 =	sshra.s32 s9, $0x2;
	s4 =	sshra.s32 s4, $0x2;
	(v2sf) =	vpush v14, $0x0;
	v6 =	vmax.f32 v6, v11;
	v11 =	vld [tilespmem:s2+$0x12F80]  }
0x2d2: {  	s7 =	sadd.s32 s0, s7;
	v9 =	vmax.f32 v9, v18;
	s2 =	sadd.s32 s0, s9;
	s4 =	sadd.s32 s0, s4;
	v17 =	vld [tilespmem:s10+$0x12D00];
	v6 =	vmax.f32 v6, v13  }
0x2d3: {  	s3 =	sand.u32 $0xFFFFFFE0, s3;
	s9 =	sadd.s32 $0x40, s5;
	s5 =	sadd.s32 $0x80, s5;
	v13 =	vld [tilespmem:s11+$0x12D80]  }
0x2d4: {  	s3 =	sshra.s32 s3, $0x2;
	s5 =	sand.u32 $0xFFFFFFE0, s5;
	v6 =	vmax.f32 v6, v12;
	v18 =	vld [tilespmem:s7+$0x12E80];
	s7 =	sand.u32 $0xFFFFFFE0, s9  }
0x2d5: {  	s3 =	sadd.s32 s0, s3;
	s5 =	sshra.s32 s5, $0x2;
	(v2sf) =	vpush v14, $0x3;
	v12 =	vld [tilespmem:s15+$0x12D80];
	v7 =	vmax.f32 v7, v16;
	s7 =	sshra.s32 s7, $0x2  }
0x2d6: {  	s5 =	sadd.s32 s0, s5;
	v14 =	vld [tilespmem:s2+$0x12E00];
	v7 =	vmax.f32 v7, v22;
	s2 =	sadd.s32 s0, s7;
	v6 =	vmax.f32 v6, v11;
	s7 =	sadd.s32 $0x40, s1  }
0x2d7: {  	p0 =	sne.s32 s6, $0xC000;
	s1 =	sadd.s32 $0x80, s1;
	v11 =	vld [tilespmem:s5+$0x12F00];
	v7 =	vmax.f32 v7, v15;
	s5 =	sand.u32 $0xFFFFFFE0, s7  }
0x2d8: {  	s6 =	sadd.s32 $0x1000, s6;
	s1 =	sand.u32 $0xFFFFFFE0, s1;
	v15 =	vld [tilespmem:s3+$0x12E80];
	s3 =	sshra.s32 s5, $0x2;
	v7 =	vmax.f32 v7, v10  }
0x2d9: {  	s8 =	sadd.s32 $0x8, s8;
	s1 =	sshra.s32 s1, $0x2;
	v10 =	vld [tilespmem:s4+$0x12E00];
	s4 =	sadd.s32 s0, s3  }
0x2da: {  	s16 =	spop (v2sf);
	v8 =	vmax.f32 v8, v12;
	v12 =	vld [tilespmem:s2+$0x12F00];
	s2 =	sadd.s32 s0, s1;
	s0 =	sshra.s32 s12, $0x2  }
0x2db: {  	s3 =	sadd.s32 $0x40, s16;
	s5 =	sadd.s32 $0xC0, s16;
	s1 =	spop (v2sf);
	v8 =	vmax.f32 v8, v14;
	v14 =	vld [tilespmem:s4+$0x12F80]  }
0x2dc: {  	v9 =	vmax.f32 v9, v17;
	s7 =	sadd.s32 $0x80, s16;
	s14 =	sand.u32 $0xFFFFFFE0, s5;
	s5 =	spop (v2sf);
	v16 =	vld [tilespmem:s2+$0x12F80]  }
0x2dd: {  	v9 =	vmax.f32 v9, v13;
	s18 =	sadd.s32 $0xC0, s1;
	s9 =	sshra.s32 s5, $0x2;
	s4 =	spop (v2sf)  }
0x2de: {  	s11 =	spop (v2sf)  }
0x2df: {  	v8 =	vmax.f32 v8, v15;
	s15 =	sshra.s32 s4, $0x2;
	s2 =	sadd.s32 $0xC0, s4;
	v9 =	vmax.f32 v9, v10;
	s12 =	sshra.s32 s11, $0x2  }
0x2e0: {  	s13 =	sand.u32 $0xFFFFFFE0, s2;
	s21 =	spop (v2sf);
	v9 =	vmax.f32 v9, v18;
	v8 =	vmax.f32 v8, v12;
	s2 =	sadd.s32 $0x40, s11  }
0x2e1: {  	s19 =	sadd.s32 $0xC0, s21;
	s10 =	spop (v2sf);
	v9 =	vmax.f32 v9, v11;
	v8 =	vmax.f32 v8, v14;
	s20 =	sshra.s32 s21, $0x2  }
0x2e2: {  	s24 =	sand.u32 $0xFFFFFFF8, s12;
	s17 =	sshra.s32 s10, $0x2;
	s10 =	sadd.s32 $0x80, s21;
	v9 =	vmax.f32 v9, v16  }
.Ltmp7:
0x2e3: {  	s12 =	sadd.s32 $0x80, s11;
	s11 =	sadd.s32 $0xC0, s11;
	(pc) =	sbr.rel @p0 .LBB2_16-.Ltmp7, $4  }
0x2e4: {  	s25 =	sand.u32 $0xFFFFFFE0, s12;
	s22 =	sand.u32 $0xFFFFFFE0, s11;
	s17 =	sadd.s32 s0, s17  }
0x2e5: {  	s11 =	sand.u32 $0xFFFFFFE0, s2;
	s12 =	sadd.s32 $0x12C00, s17;
	v12 =	vld [tilespmem:s17+$0x12C00];
	s23 =	spop (v2sf)  }
0x2e6: {  	s2 =	sadd.s32 s0, s24;
	s24 =	sshra.s32 s25, $0x2;
	v10 =	vld [tilespmem:s12+$0x10];
	s17 =	sadd.s32 $0x40, s23  }
0x2e7: {  	s25 =	sshra.s32 s11, $0x2;
	s11 =	sadd.s32 $0x80, s23;
	v11 =	vld [tilespmem:s12+$0x20];
	s17 =	sand.u32 $0xFFFFFFE0, s17  }
0x2e8: {  	s6 =	sadd.s32 s0, s25;
	s8 =	sshra.s32 s23, $0x2;
	s29 =	sadd.s32 $0xC0, s23  }
0x2e9: {  	s24 =	sadd.s32 s0, s24;
	s21 =	sadd.s32 $0x40, s21;
	s22 =	sshra.s32 s22, $0x2  }
0x2ea: {  	s16 =	sshra.s32 s16, $0x2;
	s18 =	sand.u32 $0xFFFFFFE0, s18;
	s30 =	sand.u32 $0xFFFFFFE0, s19  }
0x2eb: {  	s31 =	simm.s32 $0xC7A0;
	s20 =	sand.u32 $0xFFFFFFF8, s20;
	s19 =	sshra.s32 s14, $0x2  }
0x2ec: {  	s15 =	sand.u32 $0xFFFFFFF8, s15;
	s13 =	sshra.s32 s13, $0x2;
	s26 =	sadd.s32 $0xC0, s5  }
0x2ed: {  	v13 =	vld [tilespmem:s12+$0x30];
	s9 =	sand.u32 $0xFFFFFFF8, s9;
	s28 =	sand.u32 $0xFFFFFFE0, s1;
	s10 =	sand.u32 $0xFFFFFFE0, s10  }
0x2ee: {  	s11 =	sand.u32 $0xFFFFFFE0, s11;
	s17 =	sshra.s32 s17, $0x2;
	s7 =	sand.u32 $0xFFFFFFE0, s7;
	v14 =	vld [tilespmem:s31+$0x0]  }
0x2ef: {  	v15 =	vld [tilespmem:s2+$0x12C80];
	s3 =	sand.u32 $0xFFFFFFE0, s3;
	s23 =	sand.u32 $0xFFFFFFE0, s29;
	s21 =	sand.u32 $0xFFFFFFE0, s21  }
0x2f0: {  	s22 =	sadd.s32 s0, s22;
	s8 =	sand.u32 $0xFFFFFFF8, s8;
	s18 =	sshra.s32 s18, $0x2;
	v16 =	vld [tilespmem:s6+$0x12C80]  }
0x2f1: {  	s12 =	sshra.s32 s30, $0x2;
	s16 =	sand.u32 $0xFFFFFFF8, s16;
	s25 =	sadd.s32 s0, s20;
	v18 =	vld [tilespmem:s24+$0x12C80]  }
0x2f2: {  	s6 =	sadd.s32 s0, s19;
	s15 =	sadd.s32 s0, s15;
	s13 =	sadd.s32 s0, s13;
	v20 =	vld [tilespmem:s22+$0x12C80]  }
0x2f3: {  	s9 =	sadd.s32 s0, s9;
	s29 =	sshra.s32 s28, $0x2;
	s11 =	sshra.s32 s11, $0x2;
	v22 =	vld [tilespmem:s25+$0x12D00];
	v14 =	vshll.u32 v14, $0x2  }
0x2f4: {  	s10 =	sshra.s32 s10, $0x2;
	s31 =	sadd.s32 $0x40, s4;
	s20 =	sshra.s32 s7, $0x2;
	v25 =	vld [tilespmem:s6+$0x12E80];
	(v2sf) =	vpush v14, $0x5  }
0x2f5: {  	s24 =	sadd.s32 $0x80, s5;
	s3 =	sshra.s32 s3, $0x2;
	s23 =	sshra.s32 s23, $0x2;
	v26 =	vld [tilespmem:s15+$0x12E00];
	(v2sf) =	vpush v14, $0x7  }
0x2f6: {  	s21 =	sshra.s32 s21, $0x2;
	s8 =	sadd.s32 s0, s8;
	s2 =	sadd.s32 s0, s18;
	v28 =	vld [tilespmem:s9+$0x12F00];
	(v2sf) =	vpush v14, $0x6  }
0x2f7: {  	s12 =	sadd.s32 s0, s12;
	s16 =	sadd.s32 s0, s16;
	s18 =	sand.u32 $0xFFFFFFE0, s26;
	v30 =	vld [tilespmem:s13+$0x12E00];
	(v2sf) =	vpush v14, $0x4  }
0x2f8: {  	s11 =	sadd.s32 s0, s11;
	s19 =	sand.u32 $0xFFFFFFE0, s31;
	s25 =	sadd.s32 s0, s3;
	v21 =	vld [tilespmem:s8+$0x12D80];
	(v2sf) =	vpush v14, $0x1  }
0x2f9: {  	s6 =	simm.s32 $0xC7A8;
	s23 =	sadd.s32 s0, s23;
	s21 =	sadd.s32 s0, s21;
	v23 =	vld [tilespmem:s16+$0x12E80];
	(v2sf) =	vpush v14, $0x2  }
0x2fa: {  	s18 =	sshra.s32 s18, $0x2;
	s16 =	sadd.s32 s0, s17;
	v24 =	vld [tilespmem:s12+$0x12D00];
	s8 =	sadd.s32 s0, s29  }
0x2fb: {  	s17 =	sadd.s32 $0x80, s4;
	v27 =	vld [tilespmem:s2+$0x12F80];
	s2 =	sadd.s32 s0, s20;
	s29 =	sadd.s32 $0x40, s1;
	(v2sf) =	vpush v14, $0x0  }
0x2fc: {  	v32 =	vld [tilespmem:s11+$0x12D80];
	s30 =	sadd.s32 s0, s18;
	s18 =	sadd.s32 s0, s10;
	s4 =	sand.u32 $0xFFFFFFE0, s17  }
0x2fd: {  	v17 =	vld [tilespmem:s23+$0x12D80];
	s10 =	sshra.s32 s19, $0x2;
	s23 =	sadd.s32 $0x40, s5;
	s5 =	sand.u32 $0xFFFFFFE0, s24  }
0x2fe: {  	v19 =	vld [tilespmem:s21+$0x12D00];
	s15 =	sand.u32 $0xFFFFFFE0, s29;
	s4 =	sshra.s32 s4, $0x2;
	s21 =	sadd.s32 s0, s10;
	(v2sf) =	vpush v14, $0x3  }
0x2ff: {  	v29 =	vld [tilespmem:s30+$0x12F00];
	s28 =	sshra.s32 s5, $0x2;
	s30 =	sadd.s32 $0x80, s1;
	s3 =	sshra.s32 s15, $0x2  }
0x300: {  	v8 =	vmax.f32 v8, v10;
	v10 =	vld [tilespmem:s25+$0x12E80];
	s5 =	simm.s32 $0x1000;
	s22 =	sadd.s32 s0, s4;
	s4 =	sand.u32 $0xFFFFFFE0, s23  }
0x301: {  	v33 =	vld [tilespmem:s2+$0x12E80];
	s1 =	sand.u32 $0xFFFFFFE0, s30;
	s17 =	sadd.s32 s0, s3;
	s26 =	sshra.s32 s4, $0x2  }
0x302: {  	v34 =	vld [tilespmem:s16+$0x12D80];
	s4 =	sadd.s32 s0, s28;
	s1 =	sshra.s32 s1, $0x2;
	s31 =	sadd.s32 s0, s26  }
0x303: {  	v31 =	vld [tilespmem:s18+$0x12D00];
	s18 =	sadd.s32 s0, s1;
	s0 =	simm.s32 $0x0;
	s15 =	spop (v2sf)  }
0x304: {  	v6 =	vmax.f32 v6, v12;
	v12 =	vld [tilespmem:s21+$0x12E00];
	s3 =	sadd.s32 $0x40, s15;
	s20 =	sadd.s32 $0xC0, s15;
	s1 =	spop (v2sf)  }
0x305: {  	v6 =	vmax.f32 v6, v15;
	v15 =	vld [tilespmem:s4+$0x12F00];
	s7 =	sadd.s32 $0x80, s15;
	s9 =	sand.u32 $0xFFFFFFE0, s20;
	s10 =	spop (v2sf)  }
0x306: {  	v9 =	vmax.f32 v9, v11;
	v7 =	vmax.f32 v7, v13;
	v14 =	vld [tilespmem:s8+$0x12F80];
	s13 =	sadd.s32 $0xC0, s1;
	s4 =	sshra.s32 s10, $0x2;
	s8 =	spop (v2sf)  }
0x307: {  	v8 =	vmax.f32 v8, v16;
	v6 =	vmax.f32 v6, v22;
	v11 =	vld [tilespmem:s22+$0x12E00];
	v7 =	vmax.f32 v7, v20;
	s12 =	sshra.s32 s8, $0x2;
	s21 =	sadd.s32 $0xC0, s8;
	s22 =	spop (v2sf)  }
0x308: {  	v9 =	vmax.f32 v9, v18;
	v62 =	vld [tilespmem:s17+$0x12F80];
	v6 =	vmax.f32 v6, v21;
	v7 =	vmax.f32 v7, v24;
	s23 =	sshra.s32 s22, $0x2;
	s16 =	sand.u32 $0xFFFFFFE0, s21;
	s21 =	spop (v2sf)  }
0x309: {  	v8 =	vmax.f32 v8, v19;
	v6 =	vmax.f32 v6, v26;
	v13 =	vld [tilespmem:s31+$0x12F00];
	v7 =	vmax.f32 v7, v17;
	s24 =	sadd.s32 $0x40, s22;
	s28 =	sadd.s32 $0x80, s22;
	s17 =	sadd.s32 $0xC0, s22  }
0x30a: {  	v63 =	vld [tilespmem:s18+$0x12F80];
	v6 =	vmax.f32 v6, v23;
	v9 =	vmax.f32 v9, v31;
	v7 =	vmax.f32 v7, v30;
	s19 =	sadd.s32 $0xC0, s21;
	s25 =	spop (v2sf);
	s20 =	sshra.s32 s21, $0x2  }
0x30b: {  	v8 =	vmax.f32 v8, v34;
	v6 =	vmax.f32 v6, v28;
	v9 =	vmax.f32 v9, v32;
	s14 =	sadd.s32 $0x80, s21;
	s18 =	sand.u32 $0xFFFFFFF8, s23;
	s26 =	sshra.s32 s25, $0x2  }
0x30c: {  	v7 =	vmax.f32 v7, v25;
	v8 =	vmax.f32 v8, v12;
	v9 =	vmax.f32 v9, v11;
	s29 =	sand.u32 $0xFFFFFFE0, s28;
	s22 =	sand.u32 $0xFFFFFFE0, s17;
	s11 =	sadd.s32 $0x0, s26  }
0x30d: {  	v8 =	vmax.f32 v8, v10;
	v7 =	vmax.f32 v7, v29;
	v9 =	vmax.f32 v9, v33;
	s30 =	sand.u32 $0xFFFFFFE0, s24;
	s2 =	spop (v2sf);
	s17 =	sadd.s32 $0x16000, s11;
	v12 =	vld [tilespmem:s11+$0x16000]  }
0x30e: {  	v7 =	vmax.f32 v7, v27;
	v8 =	vmax.f32 v8, v13;
	v10 =	vmax.f32 v9, v15;
	s24 =	sadd.s32 $0x0, s18;
	s23 =	sshra.s32 s29, $0x2;
	s31 =	sadd.s32 $0x40, s2;
	v9 =	vld [tilespmem:s17+$0x10]  }
0x30f: {  	v8 =	vmax.f32 v8, v62;
	v10 =	vmax.f32 v10, v63;
	v6 =	vmax.f32 v6, v14;
	s25 =	sshra.s32 s30, $0x2;
	s18 =	sadd.s32 $0x80, s2;
	s11 =	sand.u32 $0xFFFFFFE0, s31;
	v11 =	vld [tilespmem:s17+$0x20]  }
.LBB2_18:
0x310: {  	s25 =	sadd.s32 s0, s25  }
0x311: {  	v13 =	vld [tilespmem:s17+$0x30];
	s26 =	sshra.s32 s2, $0x2;
	s2 =	sadd.s32 $0xC0, s2;
	s17 =	smov.u32 s5  }
0x312: {  	s23 =	sadd.s32 s0, s23;
	s21 =	sadd.s32 $0x40, s21;
	v14 =	vld [tilespmem:s24+$0x16080];
	s2 =	sand.u32 $0xFFFFFFE0, s2  }
0x313: {  	s22 =	sshra.s32 s22, $0x2;
	s21 =	sand.u32 $0xFFFFFFE0, s21;
	v15 =	vld [tilespmem:s6+$0x0];
	s2 =	sshra.s32 s2, $0x2  }
0x314: {  	s22 =	sadd.s32 s0, s22;
	s21 =	sshra.s32 s21, $0x2;
	v16 =	vld [tilespmem:s25+$0x16080];
	s2 =	sadd.s32 s0, s2  }
0x315: {  	s13 =	sand.u32 $0xFFFFFFE0, s13;
	s21 =	sadd.s32 s0, s21;
	v17 =	vld [tilespmem:s2+$0x16180];
	s2 =	sshra.s32 s15, $0x2  }
0x316: {  	s13 =	sshra.s32 s13, $0x2;
	s15 =	sand.u32 $0xFFFFFFE0, s19;
	s19 =	sand.u32 $0xFFFFFFF8, s26;
	v18 =	vld [tilespmem:s23+$0x16080]  }
0x317: {  	s20 =	sand.u32 $0xFFFFFFF8, s20;
	s13 =	sadd.s32 s0, s13;
	s19 =	sadd.s32 s0, s19;
	v19 =	vld [tilespmem:s21+$0x16100]  }
0x318: {  	s9 =	sshra.s32 s9, $0x2;
	s15 =	sshra.s32 s15, $0x2;
	s2 =	sand.u32 $0xFFFFFFF8, s2;
	v20 =	vld [tilespmem:s22+$0x16080]  }
0x319: {  	s20 =	sadd.s32 s0, s20;
	s15 =	sadd.s32 s0, s15;
	s2 =	sadd.s32 s0, s2;
	v21 =	vld [tilespmem:s19+$0x16180]  }
0x31a: {  	s12 =	sand.u32 $0xFFFFFFF8, s12;
	s16 =	sshra.s32 s16, $0x2;
	s9 =	sadd.s32 s0, s9;
	v6 =	vmax.f32 v6, v12;
	v7 =	vmax.f32 v7, v13;
	v12 =	vld [tilespmem:s20+$0x16100]  }
0x31b: {  	s12 =	sadd.s32 s0, s12;
	s16 =	sadd.s32 s0, s16;
	v6 =	vmax.f32 v6, v14;
	v13 =	vld [tilespmem:s2+$0x16280];
	s2 =	sadd.s32 $0xC0, s10  }
0x31c: {  	s4 =	sand.u32 $0xFFFFFFF8, s4;
	v14 =	vshll.u32 v15, $0x2;
	v15 =	vld [tilespmem:s15+$0x16100];
	s2 =	sand.u32 $0xFFFFFFE0, s2;
	s15 =	sand.u32 $0xFFFFFFE0, s1  }
0x31d: {  	s4 =	sadd.s32 s0, s4;
	(v2sf) =	vpush v14, $0x5;
	v22 =	vld [tilespmem:s9+$0x16280];
	s2 =	sshra.s32 s2, $0x2;
	s9 =	sshra.s32 s15, $0x2  }
0x31e: {  	s14 =	sand.u32 $0xFFFFFFE0, s14;
	v10 =	vmax.f32 v10, v11;
	v7 =	vmax.f32 v7, v20;
	s15 =	sand.u32 $0xFFFFFFE0, s18;
	(v2sf) =	vpush v14, $0x7;
	v11 =	vld [tilespmem:s12+$0x16200];
	s2 =	sadd.s32 s0, s2  }
0x31f: {  	s11 =	sshra.s32 s11, $0x2;
	v8 =	vmax.f32 v8, v9;
	s12 =	sshra.s32 s14, $0x2;
	s14 =	sshra.s32 s15, $0x2;
	(v2sf) =	vpush v14, $0x6;
	v6 =	vmax.f32 v6, v12;
	v9 =	vld [tilespmem:s13+$0x16380]  }
0x320: {  	s11 =	sadd.s32 s0, s11;
	v8 =	vmax.f32 v8, v16;
	s13 =	sadd.s32 s0, s14;
	(v2sf) =	vpush v14, $0x4;
	v6 =	vmax.f32 v6, v21;
	v12 =	vld [tilespmem:s4+$0x16300];
	s4 =	sadd.s32 s0, s9  }
0x321: {  	v8 =	vmax.f32 v8, v19;
	s9 =	sadd.s32 s0, s12;
	s12 =	sadd.s32 $0x40, s8;
	s8 =	sadd.s32 $0x80, s8;
	(v2sf) =	vpush v14, $0x1;
	v7 =	vmax.f32 v7, v15;
	v15 =	vld [tilespmem:s2+$0x16300]  }
0x322: {  	s7 =	sand.u32 $0xFFFFFFE0, s7;
	s2 =	sand.u32 $0xFFFFFFE0, s12;
	s8 =	sand.u32 $0xFFFFFFE0, s8;
	(v2sf) =	vpush v14, $0x2;
	v7 =	vmax.f32 v7, v17;
	v16 =	vld [tilespmem:s16+$0x16200]  }
0x323: {  	s7 =	sshra.s32 s7, $0x2;
	s2 =	sshra.s32 s2, $0x2;
	s8 =	sshra.s32 s8, $0x2;
	(v2sf) =	vpush v14, $0x0;
	v6 =	vmax.f32 v6, v11;
	v11 =	vld [tilespmem:s4+$0x16380]  }
0x324: {  	s7 =	sadd.s32 s0, s7;
	v10 =	vmax.f32 v10, v18;
	s2 =	sadd.s32 s0, s2;
	s4 =	sadd.s32 s0, s8;
	v17 =	vld [tilespmem:s9+$0x16100];
	v6 =	vmax.f32 v6, v13  }
0x325: {  	s3 =	sand.u32 $0xFFFFFFE0, s3;
	s8 =	sadd.s32 $0x40, s10;
	s9 =	sadd.s32 $0x80, s10;
	v13 =	vld [tilespmem:s13+$0x16180]  }
0x326: {  	s3 =	sshra.s32 s3, $0x2;
	v6 =	vmax.f32 v6, v12;
	v18 =	vld [tilespmem:s7+$0x16280];
	s7 =	sand.u32 $0xFFFFFFE0, s8;
	s8 =	sand.u32 $0xFFFFFFE0, s9  }
0x327: {  	s3 =	sadd.s32 s0, s3;
	(v2sf) =	vpush v14, $0x3;
	v12 =	vld [tilespmem:s11+$0x16180];
	v7 =	vmax.f32 v7, v16;
	s7 =	sshra.s32 s7, $0x2;
	s8 =	sshra.s32 s8, $0x2  }
0x328: {  	v14 =	vld [tilespmem:s2+$0x16200];
	v7 =	vmax.f32 v7, v22;
	s2 =	sadd.s32 s0, s7;
	s7 =	sadd.s32 s0, s8;
	v6 =	vmax.f32 v6, v11;
	s8 =	sadd.s32 $0x40, s1  }
0x329: {  	p0 =	sne.s32 s5, $0xB000;
	s1 =	sadd.s32 $0x80, s1;
	v11 =	vld [tilespmem:s7+$0x16300];
	v7 =	vmax.f32 v7, v15;
	s7 =	sand.u32 $0xFFFFFFE0, s8  }
0x32a: {  	s5 =	sadd.s32 $0x1000, s5;
	s1 =	sand.u32 $0xFFFFFFE0, s1;
	v15 =	vld [tilespmem:s3+$0x16280];
	s3 =	sshra.s32 s7, $0x2;
	v7 =	vmax.f32 v7, v9  }
0x32b: {  	s6 =	sadd.s32 $0x8, s6;
	s1 =	sshra.s32 s1, $0x2;
	v9 =	vld [tilespmem:s4+$0x16200];
	s4 =	sadd.s32 s0, s3  }
0x32c: {  	s15 =	spop (v2sf);
	v8 =	vmax.f32 v8, v12;
	v12 =	vld [tilespmem:s2+$0x16300];
	s2 =	sadd.s32 s0, s1;
	s0 =	sshra.s32 s17, $0x2  }
0x32d: {  	s3 =	sadd.s32 $0x40, s15;
	s8 =	sadd.s32 $0xC0, s15;
	s1 =	spop (v2sf);
	v8 =	vmax.f32 v8, v14;
	v14 =	vld [tilespmem:s4+$0x16380]  }
0x32e: {  	v10 =	vmax.f32 v10, v17;
	s7 =	sadd.s32 $0x80, s15;
	s9 =	sand.u32 $0xFFFFFFE0, s8;
	s10 =	spop (v2sf);
	v16 =	vld [tilespmem:s2+$0x16380]  }
0x32f: {  	v10 =	vmax.f32 v10, v13;
	s13 =	sadd.s32 $0xC0, s1;
	s4 =	sshra.s32 s10, $0x2;
	s8 =	spop (v2sf)  }
0x330: {  	s11 =	spop (v2sf)  }
0x331: {  	v8 =	vmax.f32 v8, v15;
	s12 =	sshra.s32 s8, $0x2;
	s2 =	sadd.s32 $0xC0, s8;
	v9 =	vmax.f32 v10, v9;
	s17 =	sshra.s32 s11, $0x2  }
0x332: {  	s16 =	sand.u32 $0xFFFFFFE0, s2;
	s21 =	spop (v2sf);
	v9 =	vmax.f32 v9, v18;
	v8 =	vmax.f32 v8, v12;
	s2 =	sadd.s32 $0x40, s11  }
0x333: {  	s19 =	sadd.s32 $0xC0, s21;
	s14 =	spop (v2sf);
	v9 =	vmax.f32 v9, v11;
	v8 =	vmax.f32 v8, v14;
	s20 =	sshra.s32 s21, $0x2  }
0x334: {  	s23 =	sand.u32 $0xFFFFFFF8, s17;
	s18 =	sshra.s32 s14, $0x2;
	s14 =	sadd.s32 $0x80, s21;
	v10 =	vmax.f32 v9, v16  }
.Ltmp8:
0x335: {  	s17 =	sadd.s32 $0x80, s11;
	s11 =	sadd.s32 $0xC0, s11;
	(pc) =	sbr.rel @p0 .LBB2_18-.Ltmp8, $4  }
0x336: {  	s25 =	sand.u32 $0xFFFFFFE0, s17;
	s22 =	sand.u32 $0xFFFFFFE0, s11;
	s18 =	sadd.s32 s0, s18  }
0x337: {  	s11 =	sand.u32 $0xFFFFFFE0, s2;
	s17 =	sadd.s32 $0x16000, s18;
	v12 =	vld [tilespmem:s18+$0x16000];
	s2 =	spop (v2sf)  }
0x338: {  	s24 =	sadd.s32 s0, s23;
	s23 =	sshra.s32 s25, $0x2;
	v9 =	vld [tilespmem:s17+$0x10];
	s18 =	sadd.s32 $0x40, s2  }
0x339: {  	s25 =	sshra.s32 s11, $0x2;
	v11 =	vld [tilespmem:s17+$0x20];
	s11 =	sand.u32 $0xFFFFFFE0, s18;
	s18 =	sadd.s32 $0x80, s2  }
0x33a: {  	s5 =	sadd.s32 $0xC0, s2;
	v13 =	vld [tilespmem:s17+$0x30]  }
0x33b: {  	v14 =	vld [tilespmem:s24+$0x16080];
	s6 =	sadd.s32 s0, s25;
	s25 =	sadd.s32 $0x40, s21;
	s28 =	sadd.s32 s0, s23  }
0x33c: {  	s29 =	sshra.s32 s22, $0x2;
	s30 =	sshra.s32 s2, $0x2;
	s15 =	sshra.s32 s15, $0x2;
	v15 =	vld [tilespmem:s6+$0x16080]  }
0x33d: {  	s17 =	sand.u32 $0xFFFFFFE0, s19;
	s19 =	sand.u32 $0xFFFFFFF8, s20;
	v17 =	vld [tilespmem:s28+$0x16080];
	s31 =	sadd.s32 s0, s29  }
0x33e: {  	s13 =	sand.u32 $0xFFFFFFE0, s13;
	s23 =	sand.u32 $0xFFFFFFF8, s12;
	s21 =	sadd.s32 s0, s19;
	v19 =	vld [tilespmem:s31+$0x16080]  }
0x33f: {  	s22 =	sshra.s32 s9, $0x2;
	s4 =	sand.u32 $0xFFFFFFF8, s4;
	s9 =	sadd.s32 s0, s23;
	v21 =	vld [tilespmem:s21+$0x16100]  }
0x340: {  	s24 =	sshra.s32 s16, $0x2;
	s11 =	sshra.s32 s11, $0x2;
	s4 =	sadd.s32 s0, s4;
	v25 =	vld [tilespmem:s9+$0x16200]  }
0x341: {  	s3 =	sand.u32 $0xFFFFFFE0, s3;
	s2 =	sand.u32 $0xFFFFFFF8, s30;
	s11 =	sadd.s32 s0, s11;
	v27 =	vld [tilespmem:s4+$0x16300]  }
0x342: {  	s5 =	sand.u32 $0xFFFFFFE0, s5;
	s3 =	sshra.s32 s3, $0x2;
	s2 =	sadd.s32 s0, s2;
	v34 =	vld [tilespmem:s11+$0x16180]  }
0x343: {  	s26 =	sand.u32 $0xFFFFFFE0, s25;
	s5 =	sshra.s32 s5, $0x2;
	s3 =	sadd.s32 s0, s3;
	v20 =	vld [tilespmem:s2+$0x16180]  }
0x344: {  	s7 =	sand.u32 $0xFFFFFFE0, s7;
	s6 =	sshra.s32 s26, $0x2;
	s5 =	sadd.s32 s0, s5;
	v51 =	vld [tilespmem:s3+$0x16280]  }
0x345: {  	s20 =	sshra.s32 s13, $0x2;
	s26 =	sand.u32 $0xFFFFFFE0, s1;
	s6 =	sadd.s32 s0, s6;
	v16 =	vld [tilespmem:s5+$0x16180]  }
0x346: {  	s25 =	sadd.s32 $0xC0, s10;
	s2 =	sadd.s32 s0, s20;
	s29 =	sshra.s32 s26, $0x2;
	v18 =	vld [tilespmem:s6+$0x16100]  }
0x347: {  	s30 =	sand.u32 $0xFFFFFFE0, s14;
	s6 =	sand.u32 $0xFFFFFFF8, s15;
	v26 =	vld [tilespmem:s2+$0x16380];
	s12 =	sadd.s32 s0, s29  }
0x348: {  	s13 =	sadd.s32 $0x40, s8;
	s31 =	sand.u32 $0xFFFFFFE0, s18;
	s6 =	sadd.s32 s0, s6;
	v30 =	vld [tilespmem:s12+$0x16380]  }
0x349: {  	s14 =	sadd.s32 $0x80, s8;
	s4 =	sshra.s32 s31, $0x2;
	v22 =	vld [tilespmem:s6+$0x16280];
	s6 =	sadd.s32 s0, s22  }
0x34a: {  	s5 =	sshra.s32 s17, $0x2;
	s4 =	sadd.s32 s0, s4;
	v24 =	vld [tilespmem:s6+$0x16280];
	s6 =	sand.u32 $0xFFFFFFE0, s25  }
0x34b: {  	s19 =	sadd.s32 $0x40, s10;
	s5 =	sadd.s32 s0, s5;
	v32 =	vld [tilespmem:s4+$0x16180];
	s28 =	sshra.s32 s6, $0x2  }
0x34c: {  	s9 =	sshra.s32 s30, $0x2;
	s16 =	sand.u32 $0xFFFFFFE0, s14;
	v23 =	vld [tilespmem:s5+$0x16100];
	s2 =	sadd.s32 s0, s28  }
0x34d: {  	s20 =	sadd.s32 $0x40, s1;
	s15 =	sand.u32 $0xFFFFFFE0, s13;
	v28 =	vld [tilespmem:s2+$0x16300];
	s2 =	sadd.s32 s0, s9  }
0x34e: {  	v6 =	vmax.f32 v6, v12;
	s21 =	sand.u32 $0xFFFFFFE0, s20;
	s5 =	sadd.s32 s0, s24;
	v31 =	vld [tilespmem:s2+$0x16100];
	s2 =	sshra.s32 s15, $0x2  }
0x34f: {  	s18 =	sadd.s32 $0x80, s10;
	v6 =	vmax.f32 v6, v14;
	s3 =	sshra.s32 s21, $0x2;
	v29 =	vld [tilespmem:s5+$0x16200];
	s2 =	sadd.s32 s0, s2  }
0x350: {  	v8 =	vmax.f32 v8, v9;
	v7 =	vmax.f32 v7, v13;
	s23 =	sadd.s32 s0, s3;
	s5 =	sshra.s32 s16, $0x2;
	v6 =	vmax.f32 v6, v21;
	v49 =	vld [tilespmem:s2+$0x16200];
	s2 =	sand.u32 $0xFFFFFFE0, s19  }
0x351: {  	s17 =	sshra.s32 s7, $0x2;
	v10 =	vmax.f32 v10, v11;
	v7 =	vmax.f32 v7, v19;
	v54 =	vld [tilespmem:s23+$0x16380];
	s5 =	sadd.s32 s0, s5;
	v6 =	vmax.f32 v6, v20;
	s2 =	sshra.s32 s2, $0x2  }
0x352: {  	s4 =	sand.u32 $0xFFFFFFE0, s18;
	s22 =	sadd.s32 $0x80, s1;
	v8 =	vmax.f32 v8, v15;
	v52 =	vld [tilespmem:s5+$0x16200];
	v6 =	vmax.f32 v6, v25;
	v7 =	vmax.f32 v7, v23;
	s2 =	sadd.s32 s0, s2  }
0x353: {  	s4 =	sshra.s32 s4, $0x2;
	v10 =	vmax.f32 v10, v17;
	s1 =	sand.u32 $0xFFFFFFE0, s22;
	s6 =	sadd.s32 s0, s17;
	v6 =	vmax.f32 v6, v22;
	v7 =	vmax.f32 v7, v16;
	v53 =	vld [tilespmem:s2+$0x16300]  }
0x354: {  	s4 =	sadd.s32 s0, s4;
	s1 =	sshra.s32 s1, $0x2;
	v33 =	vld [tilespmem:s6+$0x16280];
	v8 =	vmax.f32 v8, v18;
	v6 =	vmax.f32 v6, v27;
	v7 =	vmax.f32 v7, v29  }
0x355: {  	v50 =	vld [tilespmem:s4+$0x16300];
	s24 =	sadd.s32 s0, s1;
	v8 =	vmax.f32 v8, v34;
	v6 =	vmax.f32 v6, v30;
	v7 =	vmax.f32 v7, v24  }
0x356: {  	v55 =	vld [tilespmem:s24+$0x16380];
	v56 =	vshrl.u32 v6, $0x10;
	v10 =	vmax.f32 v10, v31;
	v8 =	vmax.f32 v8, v49  }
0x357: {  	v7 =	vmax.f32 v7, v28;
	v10 =	vmax.f32 v10, v32;
	v8 =	vmax.f32 v8, v51  }
0x358: {  	v7 =	vmax.f32 v7, v26;
	v9 =	vmax.f32 v10, v52;
	v8 =	vmax.f32 v8, v53  }
0x359: {  	v61 =	vshrl.u32 v7, $0x10;
	v9 =	vmax.f32 v9, v33;
	v8 =	vmax.f32 v8, v54  }
0x35a: {  	v10 =	vand.u32 $0x1, v56;
	v9 =	vmax.f32 v9, v50;
	v57 =	vshrl.u32 v8, $0x10  }
0x35b: {  	v6 =	vadd.s32 v10, v6;
	v9 =	vmax.f32 v9, v55;
	v58 =	vand.u32 $0x1, v57  }
0x35c: {  	v10 =	vand.u32 $0x1, v61;
	v59 =	vshrl.u32 v9, $0x10;
	v8 =	vadd.s32 v58, v8  }
0x35d: {  	v6 =	vadd.s32 $0x7FFF, v6;
	v60 =	vand.u32 $0x1, v59;
	v8 =	vadd.s32 $0x7FFF, v8  }
0x35e: {  	v6 =	vand.u32 $0xFFFF0000, v6;
	v9 =	vadd.s32 v60, v9;
	v8 =	vand.u32 $0xFFFF0000, v8  }
0x35f: {  	v4 =	vmul.f32 v6, v4;
	v9 =	vadd.s32 $0x7FFF, v9;
	v5 =	vmul.f32 v8, v5  }
0x360: {  	v7 =	vadd.s32 v10, v7;
	v62 =	vand.u32 $0xFFFF0000, v9  }
0x361: {  	v7 =	vadd.s32 $0x7FFF, v7;
	v3 =	vmul.f32 v62, v3;
	v4 =	vadd.f32 v5, v4  }
0x362: {  	v63 =	vand.u32 $0xFFFF0000, v7  }
0x363: {  	v2 =	vmul.f32 v63, v2;
	v3 =	vadd.f32 v3, v4;
	_ =	sdelay $0x1  }
0x364: {  	v2 =	vadd.f32 v2, v3;
	_ =	sdelay $0x1  }
0x365: {  	(xrf2) =	vadd.scan.msk.f32 $0xffff, v2;
	_ =	sdelay $0x9  }
0x366: {  	v2, _, _ =	vpop (xrf2)  }
0x367: {  	(v2sf) =	vpush v2, $0xF;
	_ =	sdelay $0xe  }
0x368: {  	s26 =	rddreg [dreg:$0xb];
	s25 =	spop (v2sf)  }
0x369: {  	s0 =	sadd.f32 s25, s26;
	_ =	sdelay $0x1  }
0x36a: {  	s28 =	simm.s32 $0x19080;
	v2 =	vmov s0  }
0x36b: {  	s7 =	simm.s32 $0x0;
	s29 =	rddreg [dreg:$0x8];
	s1 =	simm.s32 $0x5;
	[tilespmem:v1+s28+$0x0] =	vst.idx.msk $0x1, v2  }
0x36c: {  	[hbm4b:s29+s7] =	stream.linear.scatter [tilespmem:s28], [sflag:$0x5], $0x80, $0x38;
	[tilespmem:$0x19100] =	vst v63  }
0x36d: {  	_ =	swait.ge [sflag:s1], $0x80  }
0x36e: {  	s30 =	rddreg [dreg:$0xa]  }
0x36f: {  	s31 =	rddreg [dreg:$0x9];
	s2 =	sadd.s32 $0x1, s30  }
0x370: {  	p0 =	sne.s32 s2, s31  }
.Ltmp9:
0x371: {  	_ = 	snop;
	(pc) =	sbr.rel @p0 .LBB2_1-.Ltmp9, $3  }
0x372: {  	_ =	sdelay $0x1  }
0x373: {  	[sflag:s1] =	ssyncset.done $0x0  }
0x374: {  	[sflag:s1] =	ssyncadd.s32 $0xFFFFFF80  }
0x375: {  	_ =	sfence.sel $0x180000  }
0x376: {  	[bflag:$0x0] =	sbarrier.arrive $0xFFFF  }
0x377: {  	_ =	strace $0x90000047  }
0x378: {  	s0 =	stileid.u32;
	[bflag:$0x2] =	sbarrier.arrive $0xFFFF  }
0x379: {  	p0 =	sne.s32 s0, $0x0;
	s0 =	rddreg [dreg:$0x5]  }
0x37a: {  	s0 =	sadd.s32 @!p0 $0x100000, s0  }
0x37b: {  	[sflag:s0] =	ssyncadd.tile.s32 @!p0 $0x1;
	_ =	shalt  }
.Lfunc_end2:
_tile_overlayer_lowered:
.L_overlay_start_2:
0x37c: {  	(tag) =	ssettag $0x2  }
0x37d: {  	s0 =	rddreg [dreg:$0x0];
	s2 =	stileid.u32  }
0x37e: {  	s1 =	rddreg [dreg:$0x1];
	p0 =	sne.s32 s2, $0x0  }
0x37f: {  	s3 =	rddreg [dreg:$0x2];
	[bflag:$0x3] =	sbarrier.arrive $0xFFFF;
	s2 =	simm.s32 @!p0 $0x1C05  }
0x380: {  	[timem:s3], [sflag:s2] =	dma.local @!p0 [hbm:s0], s1  }
0x381: {  	s0 =	simm.s32 @!p0 $0x5  }
0x382: {  	_ =	swait.ge @!p0 [sflag:s0], s1  }
0x383: {  	s1 =	ssub.s32 @!p0 $0x0, s1;
	[sflag:s0] =	ssyncset.done @!p0 $0x0  }
0x384: {  	[sflag:s0] =	ssyncadd.s32 @!p0 s1  }
0x385: {  	[bflag:$0x3] =	sbarrier.arrive $0xFFFF  }
0x386: {  	_ =	shalt  }

</sc_bundles>
